<compile_context>
chip_gen: v7x
topology: tpu7x:2x2x1
jax: 0.10.2.dev20260603
libtpu: 0.0.44.dev20260713+nightly
codegen_flags: <defaults>
</compile_context>

<pallas_src>
import functools

import jax
import jax.numpy as jnp
from jax import lax
from jax.experimental import pallas as pl
from jax.experimental.pallas import tpu as pltpu
from jax.experimental.pallas import tpu_sc as plsc

_N_ACTOR = 2048
_N_NODE = 16384
_D = 128
_K = 128
_CAP = 160
_CNT_MAX = _CAP - 16
_A_PER_W = _N_ACTOR // 32
_DIST_TH = 0.03
_TH2_MARGIN = (0.03 * 0.03) * (1.0 + 1e-5)
_EPS = 1e-5


def _gn(x, g, b):
    m = jnp.mean(x, axis=-1, keepdims=True)
    v = jnp.mean((x - m) ** 2, axis=-1, keepdims=True)
    return (x - m) / jnp.sqrt(v + _EPS) * g + b



def _nodeproj_body(nodes_ref, wf0_ref, wf1_ref, out_ref):
    n = nodes_ref[...]
    p0 = jnp.dot(n, wf0_ref[...], preferred_element_type=jnp.float32)
    p1 = jnp.dot(n, wf1_ref[...], preferred_element_type=jnp.float32)
    out_ref[...] = jnp.concatenate([p0, p1], axis=1)


def _node_projections(nodes, wf0_t, wf1_t):
    blk = 1024
    grid = _N_NODE // blk
    return pl.pallas_call(
        _nodeproj_body,
        grid=(grid,),
        in_specs=[
            pl.BlockSpec((blk, _D), lambda i: (i, 0)),
            pl.BlockSpec((_D, _D), lambda i: (0, 0)),
            pl.BlockSpec((_D, _D), lambda i: (0, 0)),
        ],
        out_specs=pl.BlockSpec((blk, 2 * _D), lambda i: (i, 0)),
        out_shape=jax.ShapeDtypeStruct((_N_NODE, 2 * _D), jnp.float32),
    )(nodes, wf0_t, wf1_t)



_TH2_BLOCK = (0.03 * 0.03) * (1.0 + 2e-5)
_NG = _N_NODE // 16


def _blockhit_body(acx_ref, acy_ref, ncx_ref, ncy_ref, grp_ref, out_ref):
    dx = acx_ref[...] - ncx_ref[...]
    dy = acy_ref[...] - ncy_ref[...]
    d2 = dx * dx + dy * dy
    hit = (d2 <= _TH2_BLOCK).astype(jnp.float32)
    out_ref[...] = jnp.dot(hit, grp_ref[...], preferred_element_type=jnp.float32)


def _block_hits(acx, acy, ncx, ncy, grp):
    ab, nb = 128, 2048
    return pl.pallas_call(
        _blockhit_body,
        grid=(_N_ACTOR // ab, _N_NODE // nb),
        in_specs=[
            pl.BlockSpec((ab, 1), lambda i, j: (i, 0)),
            pl.BlockSpec((ab, 1), lambda i, j: (i, 0)),
            pl.BlockSpec((1, nb), lambda i, j: (0, j)),
            pl.BlockSpec((1, nb), lambda i, j: (0, j)),
            pl.BlockSpec((nb, nb // 16), lambda i, j: (0, 0)),
        ],
        out_specs=pl.BlockSpec((ab, nb // 16), lambda i, j: (i, j)),
        out_shape=jax.ShapeDtypeStruct((_N_ACTOR, _NG), jnp.float32),
    )(acx.reshape(_N_ACTOR, 1), acy.reshape(_N_ACTOR, 1),
      ncx.reshape(1, _N_NODE), ncy.reshape(1, _N_NODE), grp)



def _sc_body(acx_hbm, acy_hbm, ncx_hbm, ncy_hbm, cfw_hbm, bh_hbm,
             gdx_hbm, gdy_hbm, gcf_hbm,
             ncx_v, ncy_v, acx_v, acy_v, nidx_v, dxc_v, dyc_v,
             nidx_a, dx_a, dy_a, cnt_a, bh0_v, bh1_v, bidx_v,
             rows0_v, rows1_v,
             sem_g, sem_o0, sem_o1, sem_b0, sem_b1):
    num_cores = 2
    wid = lax.axis_index("s") * num_cores + lax.axis_index("c")
    base = wid * _A_PER_W

    pltpu.sync_copy(ncx_hbm, ncx_v)
    pltpu.sync_copy(ncy_hbm, ncy_v)
    pltpu.sync_copy(acx_hbm.at[pl.ds(base, _A_PER_W)],
                    acx_v.at[pl.ds(0, _A_PER_W)])
    pltpu.sync_copy(acy_hbm.at[pl.ds(base, _A_PER_W)],
                    acy_v.at[pl.ds(0, _A_PER_W)])

    zeros_i = jnp.zeros((16,), jnp.int32)
    ones_f = jnp.ones((16,), jnp.float32)
    lane = lax.iota(jnp.int32, 16)

    bh = (bh0_v, bh1_v)
    bsem = (sem_b0, sem_b1)
    pltpu.async_copy(bh_hbm.at[base], bh0_v, sem_b0)

    def per_actor_pair(i, carry):
        for b in range(2):
            j = 2 * i + b
            for t in range(_CAP // 16):
                nidx_v[pl.ds(t * 16, 16)] = zeros_i
                dxc_v[pl.ds(t * 16, 16)] = ones_f
                dyc_v[pl.ds(t * 16, 16)] = ones_f

            pltpu.make_async_copy(bh_hbm.at[base], bh[b], bsem[b]).wait()
            nxt = lax.min(base + j + 1, jnp.int32(_N_ACTOR - 1))
            pltpu.async_copy(bh_hbm.at[nxt], bh[1 - b], bsem[1 - b])

            axv = acx_v[pl.ds(j, 16)][0]
            ayv = acy_v[pl.ds(j, 16)][0]

            def scan_bh(t, cbv):
                for s in range(4):
                    off = t * 64 + s * 16
                    hm = bh[b][pl.ds(off, 16)] > 0.0
                    pos = plsc.cumsum(hm.astype(jnp.int32))
                    dest = jnp.clip(cbv + pos - 1, 0, _NG - 1)
                    plsc.store_scatter(bidx_v, [dest], off + lane, mask=hm)
                    cbv = cbv + plsc.all_reduce_population_count(hm)
                return cbv

            cbv = lax.fori_loop(0, _NG // 64, scan_bh,
                                jnp.zeros((16,), jnp.int32))
            nb = cbv[0]

            def scan_hit(t, cntv):
                bid = bidx_v[pl.ds(t, 16)][0]
                off = bid * 16
                ncx = ncx_v[pl.ds(off, 16)]
                ncy = ncy_v[pl.ds(off, 16)]
                dx = axv - ncx
                dy = ayv - ncy
                d2 = dx * dx + dy * dy
                m = d2 <= _TH2_MARGIN
                pos = plsc.cumsum(m.astype(jnp.int32))
                dest = jnp.clip(cntv + pos - 1, 0, _CAP - 1)
                plsc.store_scatter(nidx_v, [dest], off + lane, mask=m)
                plsc.store_scatter(dxc_v, [dest], dx, mask=m)
                plsc.store_scatter(dyc_v, [dest], dy, mask=m)
                return cntv + plsc.all_reduce_population_count(m)

            cntv = lax.fori_loop(0, nb, scan_hit, jnp.zeros((16,), jnp.int32))
            cnt_a[pl.ds(j * 16, 16)] = cntv

            for t in range(_K // 16):
                nidx_a[j, pl.ds(t * 16, 16)] = nidx_v[pl.ds(t * 16, 16)]
                dx_a[j, pl.ds(t * 16, 16)] = dxc_v[pl.ds(t * 16, 16)]
                dy_a[j, pl.ds(t * 16, 16)] = dyc_v[pl.ds(t * 16, 16)]
        return carry

    lax.fori_loop(0, _A_PER_W // 2, per_actor_pair, jnp.int32(0))
    pltpu.make_async_copy(bh_hbm.at[base], bh0_v, sem_b0).wait()

    pltpu.sync_copy(dx_a, gdx_hbm.at[pl.ds(base, _A_PER_W)])
    pltpu.sync_copy(dy_a, gdy_hbm.at[pl.ds(base, _A_PER_W)])

    rows = (rows0_v, rows1_v)
    osem = (sem_o0, sem_o1)

    def gather_pair(i, carry):
        for b in range(2):
            j = 2 * i + b
            aid = base + j

            @pl.when(i > 0)
            def _():
                pltpu.make_async_copy(
                    rows[b], gcf_hbm.at[pl.ds(0, _K)], osem[b]).wait()

            cnt = cnt_a[pl.ds(j * 16, 16)][0]
            nblk = lax.min((cnt + 15) // 16, jnp.int32(_K // 16))
            for l in range(1, _K // 16 + 1):
                @pl.when(nblk == l)
                def _():
                    pltpu.async_copy(
                        cfw_hbm.at[nidx_a.at[j, pl.ds(0, 16 * l)]],
                        rows[b].at[pl.ds(0, 16 * l)], sem_g).wait()
            pltpu.async_copy(rows[b], gcf_hbm.at[pl.ds(aid * _K, _K)], osem[b])
        return carry

    lax.fori_loop(0, _A_PER_W // 2, gather_pair, jnp.int32(0))
    pltpu.make_async_copy(rows0_v, gcf_hbm.at[pl.ds(0, _K)], sem_o0).wait()
    pltpu.make_async_copy(rows1_v, gcf_hbm.at[pl.ds(0, _K)], sem_o1).wait()


def _sc_gather(acx, acy, ncx, ncy, cfw, bh):
    mesh = plsc.VectorSubcoreMesh(core_axis_name="c", subcore_axis_name="s")
    f32 = jnp.float32
    run = pl.kernel(
        _sc_body,
        out_type=[
            jax.ShapeDtypeStruct((_N_ACTOR, _K), f32),
            jax.ShapeDtypeStruct((_N_ACTOR, _K), f32),
            jax.ShapeDtypeStruct((_N_ACTOR * _K, 2 * _D), f32),
        ],
        mesh=mesh,
        compiler_params=pltpu.CompilerParams(needs_layout_passes=False),
        scratch_types=[
            pltpu.VMEM((_N_NODE,), f32),
            pltpu.VMEM((_N_NODE,), f32),
            pltpu.VMEM((_A_PER_W + 80,), f32),
            pltpu.VMEM((_A_PER_W + 80,), f32),
            pltpu.VMEM((_CAP,), jnp.int32),
            pltpu.VMEM((_CAP,), f32),
            pltpu.VMEM((_CAP,), f32),
            pltpu.VMEM((_A_PER_W, _K), jnp.int32),
            pltpu.VMEM((_A_PER_W, _K), f32),
            pltpu.VMEM((_A_PER_W, _K), f32),
            pltpu.VMEM((_A_PER_W * 16,), jnp.int32),
            pltpu.VMEM((_NG,), f32),
            pltpu.VMEM((_NG,), f32),
            pltpu.VMEM((_NG + 16,), jnp.int32),
            pltpu.VMEM((_K, 2 * _D), f32),
            pltpu.VMEM((_K, 2 * _D), f32),
            pltpu.SemaphoreType.DMA,
            pltpu.SemaphoreType.DMA,
            pltpu.SemaphoreType.DMA,
            pltpu.SemaphoreType.DMA,
            pltpu.SemaphoreType.DMA,
        ],
    )
    return run(acx, acy, ncx, ncy, cfw, bh)



def _layer_body(actors_ref, gdx_ref, gdy_ref, gcf_ref,
                w1x_ref, w1y_ref, db1_ref, dw2t_ref, dg2_ref, db2_ref,
                qwt_ref, qg_ref, qb_ref,
                wdt_ref, wqt_ref, cg1_ref, cb1_ref, cw2t_ref,
                agtt_ref, ng_ref, nb_ref, lint_ref, lg_ref, lb_ref,
                out_ref, *, ba):
    f32 = jnp.float32
    res = actors_ref[...]

    q_all = jax.nn.relu(_gn(jnp.dot(res, qwt_ref[...],
                                    preferred_element_type=f32),
                            qg_ref[...], qb_ref[...]))
    qpre = jnp.dot(q_all, wqt_ref[...], preferred_element_type=f32)

    dx = gdx_ref[...]
    dy = gdy_ref[...]
    dist = jnp.sqrt(dx * dx + dy * dy)
    mask = dist <= _DIST_TH

    d1 = jax.nn.relu(dx * w1x_ref[...] + dy * w1y_ref[...] + db1_ref[...])
    d2 = jax.nn.relu(_gn(jnp.dot(d1, dw2t_ref[...],
                                 preferred_element_type=f32),
                         dg2_ref[...], db2_ref[...]))

    c = jnp.dot(d2, wdt_ref[...], preferred_element_type=f32)
    c = c + gcf_ref[...]
    c = c + jnp.broadcast_to(qpre[:, None, :], (ba, _K, _D)).reshape(ba * _K, _D)
    c = jax.nn.relu(_gn(c, cg1_ref[...], cb1_ref[...]))
    c = jnp.dot(c, cw2t_ref[...], preferred_element_type=f32)
    c = jnp.where(mask, c, 0.0)
    contrib = jnp.sum(c.reshape(ba, _K, _D), axis=1)

    a = jnp.dot(res, agtt_ref[...], preferred_element_type=f32) + contrib
    a = jax.nn.relu(_gn(a, ng_ref[...], nb_ref[...]))
    a = _gn(jnp.dot(a, lint_ref[...], preferred_element_type=f32),
            lg_ref[...], lb_ref[...])
    out_ref[...] = jax.nn.relu(a + res)


def _att_layer(actors, gdx, gdy, gcf, w, lcol):
    ba = 32
    grid = _N_ACTOR // ba
    vec = lambda: pl.BlockSpec((1, _D), lambda i: (0, 0))
    mat = lambda: pl.BlockSpec((_D, _D), lambda i: (0, 0))
    return pl.pallas_call(
        functools.partial(_layer_body, ba=ba),
        grid=(grid,),
        in_specs=[
            pl.BlockSpec((ba, _D), lambda i: (i, 0)),
            pl.BlockSpec((ba * _K, 1), lambda i: (i, 0)),
            pl.BlockSpec((ba * _K, 1), lambda i: (i, 0)),
            pl.BlockSpec((ba * _K, _D), lambda i, c=lcol: (i, c)),
            vec(), vec(), vec(), mat(), vec(), vec(),
            mat(), vec(), vec(),
            mat(), mat(), vec(), vec(), mat(),
            mat(), vec(), vec(), mat(), vec(), vec(),
        ],
        out_specs=pl.BlockSpec((ba, _D), lambda i: (i, 0)),
        out_shape=jax.ShapeDtypeStruct((_N_ACTOR, _D), jnp.float32),
    )(actors, gdx, gdy, gcf, *w)


def _layer_weights(p):
    r = lambda x: x.reshape(1, _D)
    return (
        r(p['dist_w1'][:, 0]), r(p['dist_w1'][:, 1]), r(p['dist_b1']),
        p['dist_w2'].T, r(p['dist_g2']), r(p['dist_b2']),
        p['query_w'].T, r(p['query_g']), r(p['query_b']),
        p['ctx_w1'][:, :_D].T, p['ctx_w1'][:, _D:2 * _D].T,
        r(p['ctx_g1']), r(p['ctx_b1']), p['ctx_w2'].T,
        p['agt_w'].T, r(p['norm_g']), r(p['norm_b']),
        p['lin_w'].T, r(p['lin_g']), r(p['lin_b']),
    )


def kernel(actors, actor_idcs, actor_ctrs, nodes, node_idcs, node_ctrs, params):
    p0, p1 = params['att0'], params['att1']
    wf0_t = p0['ctx_w1'][:, 2 * _D:].T
    wf1_t = p1['ctx_w1'][:, 2 * _D:].T

    cfw = _node_projections(nodes, wf0_t, wf1_t)

    acx = jnp.copy(actor_ctrs[:, 0])
    acy = jnp.copy(actor_ctrs[:, 1])
    ncx = jnp.copy(node_ctrs[:, 0])
    ncy = jnp.copy(node_ctrs[:, 1])

    grp = jnp.kron(jnp.eye(_D, dtype=jnp.float32),
                   jnp.ones((16, 1), jnp.float32))
    bh = _block_hits(acx, acy, ncx, ncy, grp)

    gdx, gdy, gcf = _sc_gather(acx, acy, ncx, ncy, cfw, bh)
    gdx = gdx.reshape(_N_ACTOR * _K, 1)
    gdy = gdy.reshape(_N_ACTOR * _K, 1)

    a = _att_layer(actors, gdx, gdy, gcf, _layer_weights(p0), 0)
    a = _att_layer(a, gdx, gdy, gcf, _layer_weights(p1), 1)
    return a

# --- scband reference (transcript-rebuilt; emitter-appended) ---
"""Pipeline reference for scband-m2-a-60189671686745 (READ-ONLY COPY).

The authoritative reference and input builder live on the scoring server;
editing this copy changes nothing except your own understanding.
"""

import jax, jax.numpy as jnp
import numpy as np

N_ACTOR = 2048
N_NODE = 16384
N_AGT = 128
N_CTX = 128
DIST_TH = 0.03
EPS = 1e-5

def _gn(x, g, b):
    m = jnp.mean(x, axis=-1, keepdims=True)
    v = jnp.mean((x - m) ** 2, axis=-1, keepdims=True)
    return (x - m) / jnp.sqrt(v + EPS) * g + b

def _linear_block(x, w, g, b, act=True):
    out = x @ w.T
    out = _gn(out, g, b)
    if act:
        out = jax.nn.relu(out)
    return out

def _uinit(k, shape, fan_in):
    bound = 1.0 / float(np.sqrt(fan_in))
    return jax.random.uniform(k, shape, jnp.float32, -bound, bound)

def _make_att_params(key):
    ks = jax.random.split(key, 8)
    ones_a = jnp.ones((N_AGT,), jnp.float32)
    zeros_a = jnp.zeros((N_AGT,), jnp.float32)
    ones_c = jnp.ones((N_CTX,), jnp.float32)
    zeros_c = jnp.zeros((N_CTX,), jnp.float32)
    return {
        'dist_w1': _uinit(ks[0], (N_CTX, 2), 2),
        'dist_b1': _uinit(ks[1], (N_CTX,), 2),
        'dist_w2': _uinit(ks[2], (N_CTX, N_CTX), N_CTX),
        'dist_g2': ones_c, 'dist_b2': zeros_c,
        'query_w': _uinit(ks[3], (N_CTX, N_AGT), N_AGT),
        'query_g': ones_c, 'query_b': zeros_c,
        'ctx_w1': _uinit(ks[4], (N_AGT, 3 * N_CTX), 3 * N_CTX),
        'ctx_g1': ones_a, 'ctx_b1': zeros_a,
        'ctx_w2': _uinit(ks[5], (N_AGT, N_AGT), N_AGT),
        'agt_w': _uinit(ks[6], (N_AGT, N_AGT), N_AGT),
        'norm_g': ones_a, 'norm_b': zeros_a,
        'lin_w': _uinit(ks[7], (N_AGT, N_AGT), N_AGT),
        'lin_g': ones_a, 'lin_b': zeros_a,
    }

def _att(p, agts, agt_ctrs, ctx_feats, ctx_ctrs):
    res = agts
    q_all = _linear_block(agts, p['query_w'], p['query_g'], p['query_b'])
    a = agts @ p['agt_w'].T
    chunk = 16
    n = agt_ctrs.shape[0]
    n_ctx_rows = ctx_feats.shape[0]
    def body(i, acc):
        s = i * chunk
        ctrs = jax.lax.dynamic_slice(agt_ctrs, (s, 0), (chunk, agt_ctrs.shape[1]))
        q = jax.lax.dynamic_slice(q_all, (s, 0), (chunk, q_all.shape[1]))
        diff = ctrs[:, None, :] - ctx_ctrs[None, :, :]
        dist = jnp.sqrt(jnp.sum(diff ** 2, axis=2))
        mask = dist <= DIST_TH
        d = jax.nn.relu(diff @ p['dist_w1'].T + p['dist_b1'])
        d = _linear_block(d, p['dist_w2'], p['dist_g2'], p['dist_b2'])
        qb = jnp.broadcast_to(q[:, None, :], (chunk, n_ctx_rows, q.shape[1]))
        cf = jnp.broadcast_to(ctx_feats[None, :, :], (chunk, n_ctx_rows, ctx_feats.shape[1]))
        c = jnp.concatenate([d, qb, cf], axis=2)
        c = _linear_block(c, p['ctx_w1'], p['ctx_g1'], p['ctx_b1'])
        c = c @ p['ctx_w2'].T
        c = jnp.where(mask[:, :, None], c, 0.0)
        return jax.lax.dynamic_update_slice(acc, jnp.sum(c, axis=1), (s, 0))
    contrib = jax.lax.fori_loop(0, n // chunk, body, jnp.zeros_like(a))
    a = a + contrib
    a = _gn(a, p['norm_g'], p['norm_b'])
    a = jax.nn.relu(a)
    a = _linear_block(a, p['lin_w'], p['lin_g'], p['lin_b'], act=False)
    a = a + res
    a = jax.nn.relu(a)
    return a

def setup_inputs(seed: int = 0):
    key = jax.random.key(seed)
    ks = jax.random.split(key, 6)
    return {
        'actors': jax.random.normal(ks[0], (N_ACTOR, N_AGT), jnp.float32),
        'actor_idcs': jnp.arange(N_ACTOR),
        'actor_ctrs': jax.random.uniform(ks[1], (N_ACTOR, 2), jnp.float32),
        'nodes': jax.random.normal(ks[2], (N_NODE, N_CTX), jnp.float32),
        'node_idcs': jnp.arange(N_NODE),
        'node_ctrs': jax.random.uniform(ks[3], (N_NODE, 2), jnp.float32),
        'params': {'att0': _make_att_params(ks[4]), 'att1': _make_att_params(ks[5])},
    }

def reference(actors, actor_idcs, actor_ctrs, nodes, node_idcs, node_ctrs, params):
    a = actors
    for name in ('att0', 'att1'):
        a = _att(params[name], a, actor_ctrs, nodes, node_ctrs)
    return a

if __name__ == "__main__":
    import jax
    _d = setup_inputs()
    print(jax.jit(kernel)(*tuple(_d.values())))

</pallas_src>

<mosaic_0001>
#map = affine_map<(d0, d1) -> (0)>
#map1 = affine_map<(d0, d1) -> (0, 0)>
module attributes {stable_mosaic.version = 14 : i64} {
  func.func @_sc_body(%arg0: i32, %arg1: i32, %arg2: memref<2048xf32, #tpu.memory_space<hbm>>, %arg3: memref<2048xf32, #tpu.memory_space<hbm>>, %arg4: memref<16384xf32, #tpu.memory_space<hbm>>, %arg5: memref<16384xf32, #tpu.memory_space<hbm>>, %arg6: memref<16384x256xf32, #tpu.memory_space<hbm>>, %arg7: memref<2048x1024xf32, #tpu.memory_space<hbm>>, %arg8: memref<2048x128xf32, #tpu.memory_space<hbm>>, %arg9: memref<2048x128xf32, #tpu.memory_space<hbm>>, %arg10: memref<262144x256xf32, #tpu.memory_space<hbm>>, %arg11: memref<16384xf32, #tpu.memory_space<vmem>>, %arg12: memref<16384xf32, #tpu.memory_space<vmem>>, %arg13: memref<144xf32, #tpu.memory_space<vmem>>, %arg14: memref<144xf32, #tpu.memory_space<vmem>>, %arg15: memref<160xi32, #tpu.memory_space<vmem>>, %arg16: memref<160xf32, #tpu.memory_space<vmem>>, %arg17: memref<160xf32, #tpu.memory_space<vmem>>, %arg18: memref<64x128xi32, #tpu.memory_space<vmem>>, %arg19: memref<64x128xf32, #tpu.memory_space<vmem>>, %arg20: memref<64x128xf32, #tpu.memory_space<vmem>>, %arg21: memref<1024xi32, #tpu.memory_space<vmem>>, %arg22: memref<1024xf32, #tpu.memory_space<vmem>>, %arg23: memref<1024xf32, #tpu.memory_space<vmem>>, %arg24: memref<1040xi32, #tpu.memory_space<vmem>>, %arg25: memref<128x256xf32, #tpu.memory_space<vmem>>, %arg26: memref<128x256xf32, #tpu.memory_space<vmem>>, %arg27: memref<!tpu.dma_semaphore, #tpu.memory_space<semaphore_mem>>, %arg28: memref<!tpu.dma_semaphore, #tpu.memory_space<semaphore_mem>>, %arg29: memref<!tpu.dma_semaphore, #tpu.memory_space<semaphore_mem>>, %arg30: memref<!tpu.dma_semaphore, #tpu.memory_space<semaphore_mem>>, %arg31: memref<!tpu.dma_semaphore, #tpu.memory_space<semaphore_mem>>) attributes {dimension_semantics = [#tpu.dimension_semantics<core_parallel>, #tpu.dimension_semantics<subcore_parallel>], iteration_bounds = array<i64: 2, 16>, scalar_prefetch = 0 : i64, scratch_operands = 21 : i64, tpu.core_type = #tpu.core_type<sc_vector_subcore>, window_params = [{transform_indices = #map}, {transform_indices = #map}, {transform_indices = #map}, {transform_indices = #map}, {transform_indices = #map1}, {transform_indices = #map1}, {transform_indices = #map1}, {transform_indices = #map1}, {transform_indices = #map1}]} {
    %mul3A = arith.constant 2 : i32
    %mul3A_0 = arith.muli %arg1, %mul3A : i32
    %add3A = arith.addi %mul3A_0, %arg0 : i32
    %mul3A_1 = arith.constant 64 : i32
    %mul3A_2 = arith.muli %add3A, %mul3A_1 : i32
    "tpu.region"() ({
      %run_scoped3A = tpu.sem_alloc : memref<!tpu.dma_semaphore, #tpu.memory_space<semaphore_mem>>
      tpu.enqueue_dma source(%arg4 : memref<16384xf32, #tpu.memory_space<hbm>>) target(%arg11 : memref<16384xf32, #tpu.memory_space<vmem>>) target_semaphore(%run_scoped3A : memref<!tpu.dma_semaphore, #tpu.memory_space<semaphore_mem>>)
      tpu.wait_dma2 semaphore(%run_scoped3A : memref<!tpu.dma_semaphore, #tpu.memory_space<semaphore_mem>>) src(%arg4 : memref<16384xf32, #tpu.memory_space<hbm>>) dst(%arg11 : memref<16384xf32, #tpu.memory_space<vmem>>)
      tpu.yield
    }) : () -> ()
    "tpu.region"() ({
      %run_scoped3A = tpu.sem_alloc : memref<!tpu.dma_semaphore, #tpu.memory_space<semaphore_mem>>
      tpu.enqueue_dma source(%arg5 : memref<16384xf32, #tpu.memory_space<hbm>>) target(%arg12 : memref<16384xf32, #tpu.memory_space<vmem>>) target_semaphore(%run_scoped3A : memref<!tpu.dma_semaphore, #tpu.memory_space<semaphore_mem>>)
      tpu.wait_dma2 semaphore(%run_scoped3A : memref<!tpu.dma_semaphore, #tpu.memory_space<semaphore_mem>>) src(%arg5 : memref<16384xf32, #tpu.memory_space<hbm>>) dst(%arg12 : memref<16384xf32, #tpu.memory_space<vmem>>)
      tpu.yield
    }) : () -> ()
    "tpu.region"() ({
      %run_scoped3A = tpu.sem_alloc : memref<!tpu.dma_semaphore, #tpu.memory_space<semaphore_mem>>
      %dma_start3A_39 = arith.constant 0 : i32
      %dma_start3A_40 = tpu.memref_slice %arg13[%dma_start3A_39] : memref<144xf32, #tpu.memory_space<vmem>> -> memref<64xf32, #tpu.memory_space<vmem>>
      %dma_start3A_41 = tpu.memref_slice %arg2[%mul3A_2] : memref<2048xf32, #tpu.memory_space<hbm>> -> memref<64xf32, #tpu.memory_space<hbm>>
      %dma_start3A_42 = arith.constant 0 : i32
      %dma_start3A_43 = tpu.memref_slice %arg13[%dma_start3A_42] : memref<144xf32, #tpu.memory_space<vmem>> -> memref<64xf32, #tpu.memory_space<vmem>>
      %dma_start3A_44 = tpu.memref_slice %arg2[%mul3A_2] : memref<2048xf32, #tpu.memory_space<hbm>> -> memref<64xf32, #tpu.memory_space<hbm>>
      tpu.enqueue_dma source(%dma_start3A_44 : memref<64xf32, #tpu.memory_space<hbm>>) target(%dma_start3A_43 : memref<64xf32, #tpu.memory_space<vmem>>) target_semaphore(%run_scoped3A : memref<!tpu.dma_semaphore, #tpu.memory_space<semaphore_mem>>)
      %dma_wait3A_45 = arith.constant 0 : i32
      %dma_wait3A_46 = tpu.memref_slice %arg13[%dma_wait3A_45] : memref<144xf32, #tpu.memory_space<vmem>> -> memref<64xf32, #tpu.memory_space<vmem>>
      %dma_wait3A_47 = tpu.memref_slice %arg2[%mul3A_2] : memref<2048xf32, #tpu.memory_space<hbm>> -> memref<64xf32, #tpu.memory_space<hbm>>
      %dma_wait3A_48 = arith.constant 0 : i32
      %dma_wait3A_49 = tpu.memref_slice %arg13[%dma_wait3A_48] : memref<144xf32, #tpu.memory_space<vmem>> -> memref<64xf32, #tpu.memory_space<vmem>>
      %dma_wait3A_50 = tpu.memref_slice %arg2[%mul3A_2] : memref<2048xf32, #tpu.memory_space<hbm>> -> memref<64xf32, #tpu.memory_space<hbm>>
      tpu.wait_dma2 semaphore(%run_scoped3A : memref<!tpu.dma_semaphore, #tpu.memory_space<semaphore_mem>>) src(%dma_wait3A_50 : memref<64xf32, #tpu.memory_space<hbm>>) dst(%dma_wait3A_49 : memref<64xf32, #tpu.memory_space<vmem>>)
      tpu.yield
    }) : () -> ()
    "tpu.region"() ({
      %run_scoped3A = tpu.sem_alloc : memref<!tpu.dma_semaphore, #tpu.memory_space<semaphore_mem>>
      %dma_start3A_39 = arith.constant 0 : i32
      %dma_start3A_40 = tpu.memref_slice %arg14[%dma_start3A_39] : memref<144xf32, #tpu.memory_space<vmem>> -> memref<64xf32, #tpu.memory_space<vmem>>
      %dma_start3A_41 = tpu.memref_slice %arg3[%mul3A_2] : memref<2048xf32, #tpu.memory_space<hbm>> -> memref<64xf32, #tpu.memory_space<hbm>>
      %dma_start3A_42 = arith.constant 0 : i32
      %dma_start3A_43 = tpu.memref_slice %arg14[%dma_start3A_42] : memref<144xf32, #tpu.memory_space<vmem>> -> memref<64xf32, #tpu.memory_space<vmem>>
      %dma_start3A_44 = tpu.memref_slice %arg3[%mul3A_2] : memref<2048xf32, #tpu.memory_space<hbm>> -> memref<64xf32, #tpu.memory_space<hbm>>
      tpu.enqueue_dma source(%dma_start3A_44 : memref<64xf32, #tpu.memory_space<hbm>>) target(%dma_start3A_43 : memref<64xf32, #tpu.memory_space<vmem>>) target_semaphore(%run_scoped3A : memref<!tpu.dma_semaphore, #tpu.memory_space<semaphore_mem>>)
      %dma_wait3A_45 = arith.constant 0 : i32
      %dma_wait3A_46 = tpu.memref_slice %arg14[%dma_wait3A_45] : memref<144xf32, #tpu.memory_space<vmem>> -> memref<64xf32, #tpu.memory_space<vmem>>
      %dma_wait3A_47 = tpu.memref_slice %arg3[%mul3A_2] : memref<2048xf32, #tpu.memory_space<hbm>> -> memref<64xf32, #tpu.memory_space<hbm>>
      %dma_wait3A_48 = arith.constant 0 : i32
      %dma_wait3A_49 = tpu.memref_slice %arg14[%dma_wait3A_48] : memref<144xf32, #tpu.memory_space<vmem>> -> memref<64xf32, #tpu.memory_space<vmem>>
      %dma_wait3A_50 = tpu.memref_slice %arg3[%mul3A_2] : memref<2048xf32, #tpu.memory_space<hbm>> -> memref<64xf32, #tpu.memory_space<hbm>>
      tpu.wait_dma2 semaphore(%run_scoped3A : memref<!tpu.dma_semaphore, #tpu.memory_space<semaphore_mem>>) src(%dma_wait3A_50 : memref<64xf32, #tpu.memory_space<hbm>>) dst(%dma_wait3A_49 : memref<64xf32, #tpu.memory_space<vmem>>)
      tpu.yield
    }) : () -> ()
    %broadcast_in_dim3A = arith.constant 0 : i32
    %broadcast_in_dim3A_3 = vector.broadcast %broadcast_in_dim3A : i32 to vector<16xi32>
    %broadcast_in_dim3A_4 = arith.constant 1.000000e+00 : f32
    %broadcast_in_dim3A_5 = vector.broadcast %broadcast_in_dim3A_4 : f32 to vector<16xf32>
    %iota3A = tpu.iota {dimensions = array<i32: 0>} : vector<16xi32>
    %dma_start3A = arith.constant 0 : i32
    %dma_start3A_6 = tpu.memref_slice %arg7[%mul3A_2, %dma_start3A] : memref<2048x1024xf32, #tpu.memory_space<hbm>> -> memref<1x1024xf32, #tpu.memory_space<hbm>>
    %dma_start3A_7 = tpu.memref_squeeze %dma_start3A_6 : memref<1x1024xf32, #tpu.memory_space<hbm>> -> memref<1024xf32, #tpu.memory_space<hbm>>
    %dma_start3A_8 = arith.constant 0 : i32
    %dma_start3A_9 = tpu.memref_slice %arg7[%mul3A_2, %dma_start3A_8] : memref<2048x1024xf32, #tpu.memory_space<hbm>> -> memref<1x1024xf32, #tpu.memory_space<hbm>>
    %dma_start3A_10 = tpu.memref_squeeze %dma_start3A_9 : memref<1x1024xf32, #tpu.memory_space<hbm>> -> memref<1024xf32, #tpu.memory_space<hbm>>
    tpu.enqueue_dma source(%dma_start3A_10 : memref<1024xf32, #tpu.memory_space<hbm>>) target(%arg22 : memref<1024xf32, #tpu.memory_space<vmem>>) target_semaphore(%arg30 : memref<!tpu.dma_semaphore, #tpu.memory_space<semaphore_mem>>)
    %scan3A = arith.constant 0 : i32
    %scan3A_11 = arith.constant 0 : i32
    %scan3A_12 = arith.constant 32 : i32
    %scan3A_13 = arith.addi %scan3A_11, %scan3A_12 : i32
    %scan3A_14 = arith.constant 1 : i32
    scf.for %scan3A_39 = %scan3A_11 to %scan3A_13 step %scan3A_14  : i32 {
      %mul3A_40 = arith.constant 2 : i32
      %mul3A_41 = arith.muli %mul3A_40, %scan3A_39 : i32
      %add3A_42 = arith.constant 0 : i32
      %add3A_43 = arith.addi %mul3A_41, %add3A_42 : i32
      %swap3A = arith.constant 0 : index
      %swap3A_44 = tpu.vector_load %arg15[%swap3A] {strides = array<i32>} : memref<160xi32, #tpu.memory_space<vmem>>, vector<16xi32>,
      tpu.vector_store %arg15[%swap3A], %broadcast_in_dim3A_3 {strides = array<i32>} : memref<160xi32, #tpu.memory_space<vmem>>, vector<16xi32>,
      %swap3A_45 = arith.constant 0 : index
      %swap3A_46 = tpu.vector_load %arg16[%swap3A_45] {strides = array<i32>} : memref<160xf32, #tpu.memory_space<vmem>>, vector<16xf32>,
      tpu.vector_store %arg16[%swap3A_45], %broadcast_in_dim3A_5 {strides = array<i32>} : memref<160xf32, #tpu.memory_space<vmem>>, vector<16xf32>,
      %swap3A_47 = arith.constant 0 : index
      %swap3A_48 = tpu.vector_load %arg17[%swap3A_47] {strides = array<i32>} : memref<160xf32, #tpu.memory_space<vmem>>, vector<16xf32>,
      tpu.vector_store %arg17[%swap3A_47], %broadcast_in_dim3A_5 {strides = array<i32>} : memref<160xf32, #tpu.memory_space<vmem>>, vector<16xf32>,
      %swap3A_49 = arith.constant 16 : index
      %swap3A_50 = tpu.vector_load %arg15[%swap3A_49] {strides = array<i32>} : memref<160xi32, #tpu.memory_space<vmem>>, vector<16xi32>,
      tpu.vector_store %arg15[%swap3A_49], %broadcast_in_dim3A_3 {strides = array<i32>} : memref<160xi32, #tpu.memory_space<vmem>>, vector<16xi32>,
      %swap3A_51 = arith.constant 16 : index
      %swap3A_52 = tpu.vector_load %arg16[%swap3A_51] {strides = array<i32>} : memref<160xf32, #tpu.memory_space<vmem>>, vector<16xf32>,
      tpu.vector_store %arg16[%swap3A_51], %broadcast_in_dim3A_5 {strides = array<i32>} : memref<160xf32, #tpu.memory_space<vmem>>, vector<16xf32>,
      %swap3A_53 = arith.constant 16 : index
      %swap3A_54 = tpu.vector_load %arg17[%swap3A_53] {strides = array<i32>} : memref<160xf32, #tpu.memory_space<vmem>>, vector<16xf32>,
      tpu.vector_store %arg17[%swap3A_53], %broadcast_in_dim3A_5 {strides = array<i32>} : memref<160xf32, #tpu.memory_space<vmem>>, vector<16xf32>,
      %swap3A_55 = arith.constant 32 : index
      %swap3A_56 = tpu.vector_load %arg15[%swap3A_55] {strides = array<i32>} : memref<160xi32, #tpu.memory_space<vmem>>, vector<16xi32>,
      tpu.vector_store %arg15[%swap3A_55], %broadcast_in_dim3A_3 {strides = array<i32>} : memref<160xi32, #tpu.memory_space<vmem>>, vector<16xi32>,
      %swap3A_57 = arith.constant 32 : index
      %swap3A_58 = tpu.vector_load %arg16[%swap3A_57] {strides = array<i32>} : memref<160xf32, #tpu.memory_space<vmem>>, vector<16xf32>,
      tpu.vector_store %arg16[%swap3A_57], %broadcast_in_dim3A_5 {strides = array<i32>} : memref<160xf32, #tpu.memory_space<vmem>>, vector<16xf32>,
      %swap3A_59 = arith.constant 32 : index
      %swap3A_60 = tpu.vector_load %arg17[%swap3A_59] {strides = array<i32>} : memref<160xf32, #tpu.memory_space<vmem>>, vector<16xf32>,
      tpu.vector_store %arg17[%swap3A_59], %broadcast_in_dim3A_5 {strides = array<i32>} : memref<160xf32, #tpu.memory_space<vmem>>, vector<16xf32>,
      %swap3A_61 = arith.constant 48 : index
      %swap3A_62 = tpu.vector_load %arg15[%swap3A_61] {strides = array<i32>} : memref<160xi32, #tpu.memory_space<vmem>>, vector<16xi32>,
      tpu.vector_store %arg15[%swap3A_61], %broadcast_in_dim3A_3 {strides = array<i32>} : memref<160xi32, #tpu.memory_space<vmem>>, vector<16xi32>,
      %swap3A_63 = arith.constant 48 : index
      %swap3A_64 = tpu.vector_load %arg16[%swap3A_63] {strides = array<i32>} : memref<160xf32, #tpu.memory_space<vmem>>, vector<16xf32>,
      tpu.vector_store %arg16[%swap3A_63], %broadcast_in_dim3A_5 {strides = array<i32>} : memref<160xf32, #tpu.memory_space<vmem>>, vector<16xf32>,
      %swap3A_65 = arith.constant 48 : index
      %swap3A_66 = tpu.vector_load %arg17[%swap3A_65] {strides = array<i32>} : memref<160xf32, #tpu.memory_space<vmem>>, vector<16xf32>,
      tpu.vector_store %arg17[%swap3A_65], %broadcast_in_dim3A_5 {strides = array<i32>} : memref<160xf32, #tpu.memory_space<vmem>>, vector<16xf32>,
      %swap3A_67 = arith.constant 64 : index
      %swap3A_68 = tpu.vector_load %arg15[%swap3A_67] {strides = array<i32>} : memref<160xi32, #tpu.memory_space<vmem>>, vector<16xi32>,
      tpu.vector_store %arg15[%swap3A_67], %broadcast_in_dim3A_3 {strides = array<i32>} : memref<160xi32, #tpu.memory_space<vmem>>, vector<16xi32>,
      %swap3A_69 = arith.constant 64 : index
      %swap3A_70 = tpu.vector_load %arg16[%swap3A_69] {strides = array<i32>} : memref<160xf32, #tpu.memory_space<vmem>>, vector<16xf32>,
      tpu.vector_store %arg16[%swap3A_69], %broadcast_in_dim3A_5 {strides = array<i32>} : memref<160xf32, #tpu.memory_space<vmem>>, vector<16xf32>,
      %swap3A_71 = arith.constant 64 : index
      %swap3A_72 = tpu.vector_load %arg17[%swap3A_71] {strides = array<i32>} : memref<160xf32, #tpu.memory_space<vmem>>, vector<16xf32>,
      tpu.vector_store %arg17[%swap3A_71], %broadcast_in_dim3A_5 {strides = array<i32>} : memref<160xf32, #tpu.memory_space<vmem>>, vector<16xf32>,
      %swap3A_73 = arith.constant 80 : index
      %swap3A_74 = tpu.vector_load %arg15[%swap3A_73] {strides = array<i32>} : memref<160xi32, #tpu.memory_space<vmem>>, vector<16xi32>,
      tpu.vector_store %arg15[%swap3A_73], %broadcast_in_dim3A_3 {strides = array<i32>} : memref<160xi32, #tpu.memory_space<vmem>>, vector<16xi32>,
      %swap3A_75 = arith.constant 80 : index
      %swap3A_76 = tpu.vector_load %arg16[%swap3A_75] {strides = array<i32>} : memref<160xf32, #tpu.memory_space<vmem>>, vector<16xf32>,
      tpu.vector_store %arg16[%swap3A_75], %broadcast_in_dim3A_5 {strides = array<i32>} : memref<160xf32, #tpu.memory_space<vmem>>, vector<16xf32>,
      %swap3A_77 = arith.constant 80 : index
      %swap3A_78 = tpu.vector_load %arg17[%swap3A_77] {strides = array<i32>} : memref<160xf32, #tpu.memory_space<vmem>>, vector<16xf32>,
      tpu.vector_store %arg17[%swap3A_77], %broadcast_in_dim3A_5 {strides = array<i32>} : memref<160xf32, #tpu.memory_space<vmem>>, vector<16xf32>,
      %swap3A_79 = arith.constant 96 : index
      %swap3A_80 = tpu.vector_load %arg15[%swap3A_79] {strides = array<i32>} : memref<160xi32, #tpu.memory_space<vmem>>, vector<16xi32>,
      tpu.vector_store %arg15[%swap3A_79], %broadcast_in_dim3A_3 {strides = array<i32>} : memref<160xi32, #tpu.memory_space<vmem>>, vector<16xi32>,
      %swap3A_81 = arith.constant 96 : index
      %swap3A_82 = tpu.vector_load %arg16[%swap3A_81] {strides = array<i32>} : memref<160xf32, #tpu.memory_space<vmem>>, vector<16xf32>,
      tpu.vector_store %arg16[%swap3A_81], %broadcast_in_dim3A_5 {strides = array<i32>} : memref<160xf32, #tpu.memory_space<vmem>>, vector<16xf32>,
      %swap3A_83 = arith.constant 96 : index
      %swap3A_84 = tpu.vector_load %arg17[%swap3A_83] {strides = array<i32>} : memref<160xf32, #tpu.memory_space<vmem>>, vector<16xf32>,
      tpu.vector_store %arg17[%swap3A_83], %broadcast_in_dim3A_5 {strides = array<i32>} : memref<160xf32, #tpu.memory_space<vmem>>, vector<16xf32>,
      %swap3A_85 = arith.constant 112 : index
      %swap3A_86 = tpu.vector_load %arg15[%swap3A_85] {strides = array<i32>} : memref<160xi32, #tpu.memory_space<vmem>>, vector<16xi32>,
      tpu.vector_store %arg15[%swap3A_85], %broadcast_in_dim3A_3 {strides = array<i32>} : memref<160xi32, #tpu.memory_space<vmem>>, vector<16xi32>,
      %swap3A_87 = arith.constant 112 : index
      %swap3A_88 = tpu.vector_load %arg16[%swap3A_87] {strides = array<i32>} : memref<160xf32, #tpu.memory_space<vmem>>, vector<16xf32>,
      tpu.vector_store %arg16[%swap3A_87], %broadcast_in_dim3A_5 {strides = array<i32>} : memref<160xf32, #tpu.memory_space<vmem>>, vector<16xf32>,
      %swap3A_89 = arith.constant 112 : index
      %swap3A_90 = tpu.vector_load %arg17[%swap3A_89] {strides = array<i32>} : memref<160xf32, #tpu.memory_space<vmem>>, vector<16xf32>,
      tpu.vector_store %arg17[%swap3A_89], %broadcast_in_dim3A_5 {strides = array<i32>} : memref<160xf32, #tpu.memory_space<vmem>>, vector<16xf32>,
      %swap3A_91 = arith.constant 128 : index
      %swap3A_92 = tpu.vector_load %arg15[%swap3A_91] {strides = array<i32>} : memref<160xi32, #tpu.memory_space<vmem>>, vector<16xi32>,
      tpu.vector_store %arg15[%swap3A_91], %broadcast_in_dim3A_3 {strides = array<i32>} : memref<160xi32, #tpu.memory_space<vmem>>, vector<16xi32>,
      %swap3A_93 = arith.constant 128 : index
      %swap3A_94 = tpu.vector_load %arg16[%swap3A_93] {strides = array<i32>} : memref<160xf32, #tpu.memory_space<vmem>>, vector<16xf32>,
      tpu.vector_store %arg16[%swap3A_93], %broadcast_in_dim3A_5 {strides = array<i32>} : memref<160xf32, #tpu.memory_space<vmem>>, vector<16xf32>,
      %swap3A_95 = arith.constant 128 : index
      %swap3A_96 = tpu.vector_load %arg17[%swap3A_95] {strides = array<i32>} : memref<160xf32, #tpu.memory_space<vmem>>, vector<16xf32>,
      tpu.vector_store %arg17[%swap3A_95], %broadcast_in_dim3A_5 {strides = array<i32>} : memref<160xf32, #tpu.memory_space<vmem>>, vector<16xf32>,
      %swap3A_97 = arith.constant 144 : index
      %swap3A_98 = tpu.vector_load %arg15[%swap3A_97] {strides = array<i32>} : memref<160xi32, #tpu.memory_space<vmem>>, vector<16xi32>,
      tpu.vector_store %arg15[%swap3A_97], %broadcast_in_dim3A_3 {strides = array<i32>} : memref<160xi32, #tpu.memory_space<vmem>>, vector<16xi32>,
      %swap3A_99 = arith.constant 144 : index
      %swap3A_100 = tpu.vector_load %arg16[%swap3A_99] {strides = array<i32>} : memref<160xf32, #tpu.memory_space<vmem>>, vector<16xf32>,
      tpu.vector_store %arg16[%swap3A_99], %broadcast_in_dim3A_5 {strides = array<i32>} : memref<160xf32, #tpu.memory_space<vmem>>, vector<16xf32>,
      %swap3A_101 = arith.constant 144 : index
      %swap3A_102 = tpu.vector_load %arg17[%swap3A_101] {strides = array<i32>} : memref<160xf32, #tpu.memory_space<vmem>>, vector<16xf32>,
      tpu.vector_store %arg17[%swap3A_101], %broadcast_in_dim3A_5 {strides = array<i32>} : memref<160xf32, #tpu.memory_space<vmem>>, vector<16xf32>,
      %dma_wait3A_103 = arith.constant 0 : i32
      %dma_wait3A_104 = tpu.memref_slice %arg7[%mul3A_2, %dma_wait3A_103] : memref<2048x1024xf32, #tpu.memory_space<hbm>> -> memref<1x1024xf32, #tpu.memory_space<hbm>>
      %dma_wait3A_105 = tpu.memref_squeeze %dma_wait3A_104 : memref<1x1024xf32, #tpu.memory_space<hbm>> -> memref<1024xf32, #tpu.memory_space<hbm>>
      %dma_wait3A_106 = arith.constant 0 : i32
      %dma_wait3A_107 = tpu.memref_slice %arg7[%mul3A_2, %dma_wait3A_106] : memref<2048x1024xf32, #tpu.memory_space<hbm>> -> memref<1x1024xf32, #tpu.memory_space<hbm>>
      %dma_wait3A_108 = tpu.memref_squeeze %dma_wait3A_107 : memref<1x1024xf32, #tpu.memory_space<hbm>> -> memref<1024xf32, #tpu.memory_space<hbm>>
      tpu.wait_dma2 semaphore(%arg30 : memref<!tpu.dma_semaphore, #tpu.memory_space<semaphore_mem>>) src(%dma_wait3A_108 : memref<1024xf32, #tpu.memory_space<hbm>>) dst(%arg22 : memref<1024xf32, #tpu.memory_space<vmem>>)
      %add3A_109 = arith.addi %mul3A_2, %add3A_43 : i32
      %add3A_110 = arith.constant 1 : i32
      %add3A_111 = arith.addi %add3A_109, %add3A_110 : i32
      %min3A = arith.constant 2047 : i32
      %min3A_112 = arith.minsi %add3A_111, %min3A : i32
      %dma_start3A_113 = arith.constant 0 : i32
      %dma_start3A_114 = tpu.memref_slice %arg7[%min3A_112, %dma_start3A_113] : memref<2048x1024xf32, #tpu.memory_space<hbm>> -> memref<1x1024xf32, #tpu.memory_space<hbm>>
      %dma_start3A_115 = tpu.memref_squeeze %dma_start3A_114 : memref<1x1024xf32, #tpu.memory_space<hbm>> -> memref<1024xf32, #tpu.memory_space<hbm>>
      %dma_start3A_116 = arith.constant 0 : i32
      %dma_start3A_117 = tpu.memref_slice %arg7[%min3A_112, %dma_start3A_116] : memref<2048x1024xf32, #tpu.memory_space<hbm>> -> memref<1x1024xf32, #tpu.memory_space<hbm>>
      %dma_start3A_118 = tpu.memref_squeeze %dma_start3A_117 : memref<1x1024xf32, #tpu.memory_space<hbm>> -> memref<1024xf32, #tpu.memory_space<hbm>>
      tpu.enqueue_dma source(%dma_start3A_118 : memref<1024xf32, #tpu.memory_space<hbm>>) target(%arg23 : memref<1024xf32, #tpu.memory_space<vmem>>) target_semaphore(%arg31 : memref<!tpu.dma_semaphore, #tpu.memory_space<semaphore_mem>>)
      %get3A = arith.index_cast %add3A_43 : i32 to index
      %get3A_119 = tpu.vector_load %arg13[%get3A] {strides = array<i32>} : memref<144xf32, #tpu.memory_space<vmem>>, vector<16xf32>,
      %slice3A = vector.extract_strided_slice %get3A_119 {offsets = [0], sizes = [1], strides = [1]} : vector<16xf32> to vector<1xf32>
      %squeeze3A = vector.extract %slice3A[0] : f32 from vector<1xf32>
      %get3A_120 = arith.index_cast %add3A_43 : i32 to index
      %get3A_121 = tpu.vector_load %arg14[%get3A_120] {strides = array<i32>} : memref<144xf32, #tpu.memory_space<vmem>>, vector<16xf32>,
      %slice3A_122 = vector.extract_strided_slice %get3A_121 {offsets = [0], sizes = [1], strides = [1]} : vector<16xf32> to vector<1xf32>
      %squeeze3A_123 = vector.extract %slice3A_122[0] : f32 from vector<1xf32>
      %broadcast_in_dim3A_124 = arith.constant 0 : i32
      %broadcast_in_dim3A_125 = vector.broadcast %broadcast_in_dim3A_124 : i32 to vector<16xi32>
      %scan3A_126 = arith.constant 0 : i32
      %scan3A_127 = arith.constant 16 : i32
      %scan3A_128 = arith.addi %scan3A_126, %scan3A_127 : i32
      %scan3A_129 = arith.constant 1 : i32
      %scan3A_130 = scf.for %scan3A_506 = %scan3A_126 to %scan3A_128 step %scan3A_129 iter_args(%scan3A_507 = %broadcast_in_dim3A_125) -> (vector<16xi32>)  : i32 {
        %mul3A_508 = arith.constant 64 : i32
        %mul3A_509 = arith.muli %scan3A_506, %mul3A_508 : i32
        %add3A_510 = arith.constant 0 : i32
        %add3A_511 = arith.addi %mul3A_509, %add3A_510 : i32
        %get3A_512 = arith.index_cast %add3A_511 : i32 to index
        %get3A_513 = tpu.vector_load %arg22[%get3A_512] {strides = array<i32>} : memref<1024xf32, #tpu.memory_space<vmem>>, vector<16xf32>,
        %gt3A = arith.constant 0.000000e+00 : f32
        %gt3A_514 = vector.broadcast %gt3A : f32 to vector<16xf32>
        %gt3A_515 = arith.cmpf ogt, %get3A_513, %gt3A_514 : vector<16xf32>
        %convert_element_type3A = arith.extui %gt3A_515 : vector<16xi1> to vector<16xi32>
        %broadcast_in_dim3A_516 = arith.constant true
        %broadcast_in_dim3A_517 = vector.broadcast %broadcast_in_dim3A_516 : i1 to vector<16xi1>
        %masked_cumsum3A = tpu.scan <sum>, %convert_element_type3A masked %broadcast_in_dim3A_517 : vector<16xi32>, vector<16xi1> -> vector<16xi32>
        %add3A_518 = arith.addi %scan3A_507, %masked_cumsum3A : vector<16xi32>
        %sub3A = arith.constant 1 : i32
        %sub3A_519 = vector.broadcast %sub3A : i32 to vector<16xi32>
        %sub3A_520 = arith.subi %add3A_518, %sub3A_519 : vector<16xi32>
        %jit3A = arith.constant 0 : i32
        %jit3A_521 = arith.constant 1023 : i32
        %max3A = vector.broadcast %jit3A : i32 to vector<16xi32>
        %max3A_522 = arith.maxsi %max3A, %sub3A_520 : vector<16xi32>
        %min3A_523 = vector.broadcast %jit3A_521 : i32 to vector<16xi32>
        %min3A_524 = arith.minsi %min3A_523, %max3A_522 : vector<16xi32>
        %add3A_525 = vector.broadcast %add3A_511 : i32 to vector<16xi32>
        %add3A_526 = arith.addi %add3A_525, %iota3A : vector<16xi32>
        tpu.vector_store_idx %arg24[%min3A_524], %add3A_526 masked %gt3A_515 : memref<1040xi32, #tpu.memory_space<vmem>>[vector<16xi32>], vector<16xi32>, vector<16xi1>
        %all_reduce_population_count3A = tpu.all_reduce %gt3A_515 {dim = 0 : i64, kind = #tpu.reduction_kind<sum>} : vector<16xi1> -> vector<16xi32>
        %add3A_527 = arith.addi %scan3A_507, %all_reduce_population_count3A : vector<16xi32>
        %mul3A_528 = arith.constant 64 : i32
        %mul3A_529 = arith.muli %scan3A_506, %mul3A_528 : i32
        %add3A_530 = arith.constant 16 : i32
        %add3A_531 = arith.addi %mul3A_529, %add3A_530 : i32
        %get3A_532 = arith.index_cast %add3A_531 : i32 to index
        %get3A_533 = tpu.vector_load %arg22[%get3A_532] {strides = array<i32>} : memref<1024xf32, #tpu.memory_space<vmem>>, vector<16xf32>,
        %gt3A_534 = arith.constant 0.000000e+00 : f32
        %gt3A_535 = vector.broadcast %gt3A_534 : f32 to vector<16xf32>
        %gt3A_536 = arith.cmpf ogt, %get3A_533, %gt3A_535 : vector<16xf32>
        %convert_element_type3A_537 = arith.extui %gt3A_536 : vector<16xi1> to vector<16xi32>
        %broadcast_in_dim3A_538 = arith.constant true
        %broadcast_in_dim3A_539 = vector.broadcast %broadcast_in_dim3A_538 : i1 to vector<16xi1>
        %masked_cumsum3A_540 = tpu.scan <sum>, %convert_element_type3A_537 masked %broadcast_in_dim3A_539 : vector<16xi32>, vector<16xi1> -> vector<16xi32>
        %add3A_541 = arith.addi %add3A_527, %masked_cumsum3A_540 : vector<16xi32>
        %sub3A_542 = arith.constant 1 : i32
        %sub3A_543 = vector.broadcast %sub3A_542 : i32 to vector<16xi32>
        %sub3A_544 = arith.subi %add3A_541, %sub3A_543 : vector<16xi32>
        %jit3A_545 = arith.constant 0 : i32
        %jit3A_546 = arith.constant 1023 : i32
        %max3A_547 = vector.broadcast %jit3A_545 : i32 to vector<16xi32>
        %max3A_548 = arith.maxsi %max3A_547, %sub3A_544 : vector<16xi32>
        %min3A_549 = vector.broadcast %jit3A_546 : i32 to vector<16xi32>
        %min3A_550 = arith.minsi %min3A_549, %max3A_548 : vector<16xi32>
        %add3A_551 = vector.broadcast %add3A_531 : i32 to vector<16xi32>
        %add3A_552 = arith.addi %add3A_551, %iota3A : vector<16xi32>
        tpu.vector_store_idx %arg24[%min3A_550], %add3A_552 masked %gt3A_536 : memref<1040xi32, #tpu.memory_space<vmem>>[vector<16xi32>], vector<16xi32>, vector<16xi1>
        %all_reduce_population_count3A_553 = tpu.all_reduce %gt3A_536 {dim = 0 : i64, kind = #tpu.reduction_kind<sum>} : vector<16xi1> -> vector<16xi32>
        %add3A_554 = arith.addi %add3A_527, %all_reduce_population_count3A_553 : vector<16xi32>
        %mul3A_555 = arith.constant 64 : i32
        %mul3A_556 = arith.muli %scan3A_506, %mul3A_555 : i32
        %add3A_557 = arith.constant 32 : i32
        %add3A_558 = arith.addi %mul3A_556, %add3A_557 : i32
        %get3A_559 = arith.index_cast %add3A_558 : i32 to index
        %get3A_560 = tpu.vector_load %arg22[%get3A_559] {strides = array<i32>} : memref<1024xf32, #tpu.memory_space<vmem>>, vector<16xf32>,
        %gt3A_561 = arith.constant 0.000000e+00 : f32
        %gt3A_562 = vector.broadcast %gt3A_561 : f32 to vector<16xf32>
        %gt3A_563 = arith.cmpf ogt, %get3A_560, %gt3A_562 : vector<16xf32>
        %convert_element_type3A_564 = arith.extui %gt3A_563 : vector<16xi1> to vector<16xi32>
        %broadcast_in_dim3A_565 = arith.constant true
        %broadcast_in_dim3A_566 = vector.broadcast %broadcast_in_dim3A_565 : i1 to vector<16xi1>
        %masked_cumsum3A_567 = tpu.scan <sum>, %convert_element_type3A_564 masked %broadcast_in_dim3A_566 : vector<16xi32>, vector<16xi1> -> vector<16xi32>
        %add3A_568 = arith.addi %add3A_554, %masked_cumsum3A_567 : vector<16xi32>
        %sub3A_569 = arith.constant 1 : i32
        %sub3A_570 = vector.broadcast %sub3A_569 : i32 to vector<16xi32>
        %sub3A_571 = arith.subi %add3A_568, %sub3A_570 : vector<16xi32>
        %jit3A_572 = arith.constant 0 : i32
        %jit3A_573 = arith.constant 1023 : i32
        %max3A_574 = vector.broadcast %jit3A_572 : i32 to vector<16xi32>
        %max3A_575 = arith.maxsi %max3A_574, %sub3A_571 : vector<16xi32>
        %min3A_576 = vector.broadcast %jit3A_573 : i32 to vector<16xi32>
        %min3A_577 = arith.minsi %min3A_576, %max3A_575 : vector<16xi32>
        %add3A_578 = vector.broadcast %add3A_558 : i32 to vector<16xi32>
        %add3A_579 = arith.addi %add3A_578, %iota3A : vector<16xi32>
        tpu.vector_store_idx %arg24[%min3A_577], %add3A_579 masked %gt3A_563 : memref<1040xi32, #tpu.memory_space<vmem>>[vector<16xi32>], vector<16xi32>, vector<16xi1>
        %all_reduce_population_count3A_580 = tpu.all_reduce %gt3A_563 {dim = 0 : i64, kind = #tpu.reduction_kind<sum>} : vector<16xi1> -> vector<16xi32>
        %add3A_581 = arith.addi %add3A_554, %all_reduce_population_count3A_580 : vector<16xi32>
        %mul3A_582 = arith.constant 64 : i32
        %mul3A_583 = arith.muli %scan3A_506, %mul3A_582 : i32
        %add3A_584 = arith.constant 48 : i32
        %add3A_585 = arith.addi %mul3A_583, %add3A_584 : i32
        %get3A_586 = arith.index_cast %add3A_585 : i32 to index
        %get3A_587 = tpu.vector_load %arg22[%get3A_586] {strides = array<i32>} : memref<1024xf32, #tpu.memory_space<vmem>>, vector<16xf32>,
        %gt3A_588 = arith.constant 0.000000e+00 : f32
        %gt3A_589 = vector.broadcast %gt3A_588 : f32 to vector<16xf32>
        %gt3A_590 = arith.cmpf ogt, %get3A_587, %gt3A_589 : vector<16xf32>
        %convert_element_type3A_591 = arith.extui %gt3A_590 : vector<16xi1> to vector<16xi32>
        %broadcast_in_dim3A_592 = arith.constant true
        %broadcast_in_dim3A_593 = vector.broadcast %broadcast_in_dim3A_592 : i1 to vector<16xi1>
        %masked_cumsum3A_594 = tpu.scan <sum>, %convert_element_type3A_591 masked %broadcast_in_dim3A_593 : vector<16xi32>, vector<16xi1> -> vector<16xi32>
        %add3A_595 = arith.addi %add3A_581, %masked_cumsum3A_594 : vector<16xi32>
        %sub3A_596 = arith.constant 1 : i32
        %sub3A_597 = vector.broadcast %sub3A_596 : i32 to vector<16xi32>
        %sub3A_598 = arith.subi %add3A_595, %sub3A_597 : vector<16xi32>
        %jit3A_599 = arith.constant 0 : i32
        %jit3A_600 = arith.constant 1023 : i32
        %max3A_601 = vector.broadcast %jit3A_599 : i32 to vector<16xi32>
        %max3A_602 = arith.maxsi %max3A_601, %sub3A_598 : vector<16xi32>
        %min3A_603 = vector.broadcast %jit3A_600 : i32 to vector<16xi32>
        %min3A_604 = arith.minsi %min3A_603, %max3A_602 : vector<16xi32>
        %add3A_605 = vector.broadcast %add3A_585 : i32 to vector<16xi32>
        %add3A_606 = arith.addi %add3A_605, %iota3A : vector<16xi32>
        tpu.vector_store_idx %arg24[%min3A_604], %add3A_606 masked %gt3A_590 : memref<1040xi32, #tpu.memory_space<vmem>>[vector<16xi32>], vector<16xi32>, vector<16xi1>
        %all_reduce_population_count3A_607 = tpu.all_reduce %gt3A_590 {dim = 0 : i64, kind = #tpu.reduction_kind<sum>} : vector<16xi1> -> vector<16xi32>
        %add3A_608 = arith.addi %add3A_581, %all_reduce_population_count3A_607 : vector<16xi32>
        scf.yield %add3A_608 : vector<16xi32>
      }
      %scan3A_131 = arith.constant 16 : i32
      %slice3A_132 = vector.extract_strided_slice %scan3A_130 {offsets = [0], sizes = [1], strides = [1]} : vector<16xi32> to vector<1xi32>
      %squeeze3A_133 = vector.extract %slice3A_132[0] : i32 from vector<1xi32>
      %broadcast_in_dim3A_134 = arith.constant 0 : i32
      %broadcast_in_dim3A_135 = vector.broadcast %broadcast_in_dim3A_134 : i32 to vector<16xi32>
      %while3A = arith.constant 0 : i32
      %while3A_136 = arith.subi %squeeze3A_133, %while3A : i32
      %while3A_137 = arith.addi %while3A, %while3A_136 : i32
      %while3A_138 = arith.constant 1 : i32
      %while3A_139 = arith.divsi %while3A_136, %while3A_138 : i32
      %while3A_140 = arith.muli %while3A_139, %while3A_138 : i32
      %while3A_141 = arith.addi %while3A, %while3A_140 : i32
      %while3A_142 = arith.constant 1 : i32
      %while3A_143 = scf.for %while3A_506 = %while3A to %while3A_141 step %while3A_142 iter_args(%while3A_507 = %broadcast_in_dim3A_135) -> (vector<16xi32>)  : i32 {
        %get3A_508 = arith.index_cast %while3A_506 : i32 to index
        %get3A_509 = tpu.vector_load %arg24[%get3A_508] {strides = array<i32>} : memref<1040xi32, #tpu.memory_space<vmem>>, vector<16xi32>,
        %slice3A_510 = vector.extract_strided_slice %get3A_509 {offsets = [0], sizes = [1], strides = [1]} : vector<16xi32> to vector<1xi32>
        %squeeze3A_511 = vector.extract %slice3A_510[0] : i32 from vector<1xi32>
        %mul3A_512 = arith.constant 16 : i32
        %mul3A_513 = arith.muli %squeeze3A_511, %mul3A_512 : i32
        %get3A_514 = arith.index_cast %mul3A_513 : i32 to index
        %get3A_515 = tpu.vector_load %arg11[%get3A_514] {strides = array<i32>} : memref<16384xf32, #tpu.memory_space<vmem>>, vector<16xf32>,
        %get3A_516 = arith.index_cast %mul3A_513 : i32 to index
        %get3A_517 = tpu.vector_load %arg12[%get3A_516] {strides = array<i32>} : memref<16384xf32, #tpu.memory_space<vmem>>, vector<16xf32>,
        %sub3A = vector.broadcast %squeeze3A : f32 to vector<16xf32>
        %sub3A_518 = arith.subf %sub3A, %get3A_515 : vector<16xf32>
        %sub3A_519 = vector.broadcast %squeeze3A_123 : f32 to vector<16xf32>
        %sub3A_520 = arith.subf %sub3A_519, %get3A_517 : vector<16xf32>
        %mul3A_521 = arith.mulf %sub3A_518, %sub3A_518 : vector<16xf32>
        %mul3A_522 = arith.mulf %sub3A_520, %sub3A_520 : vector<16xf32>
        %add3A_523 = arith.addf %mul3A_521, %mul3A_522 : vector<16xf32>
        %le3A = arith.constant 9.000090e-04 : f32
        %le3A_524 = vector.broadcast %le3A : f32 to vector<16xf32>
        %le3A_525 = arith.cmpf ole, %add3A_523, %le3A_524 : vector<16xf32>
        %convert_element_type3A = arith.extui %le3A_525 : vector<16xi1> to vector<16xi32>
        %broadcast_in_dim3A_526 = arith.constant true
        %broadcast_in_dim3A_527 = vector.broadcast %broadcast_in_dim3A_526 : i1 to vector<16xi1>
        %masked_cumsum3A = tpu.scan <sum>, %convert_element_type3A masked %broadcast_in_dim3A_527 : vector<16xi32>, vector<16xi1> -> vector<16xi32>
        %add3A_528 = arith.addi %while3A_507, %masked_cumsum3A : vector<16xi32>
        %sub3A_529 = arith.constant 1 : i32
        %sub3A_530 = vector.broadcast %sub3A_529 : i32 to vector<16xi32>
        %sub3A_531 = arith.subi %add3A_528, %sub3A_530 : vector<16xi32>
        %jit3A = arith.constant 0 : i32
        %jit3A_532 = arith.constant 159 : i32
        %max3A = vector.broadcast %jit3A : i32 to vector<16xi32>
        %max3A_533 = arith.maxsi %max3A, %sub3A_531 : vector<16xi32>
        %min3A_534 = vector.broadcast %jit3A_532 : i32 to vector<16xi32>
        %min3A_535 = arith.minsi %min3A_534, %max3A_533 : vector<16xi32>
        %add3A_536 = vector.broadcast %mul3A_513 : i32 to vector<16xi32>
        %add3A_537 = arith.addi %add3A_536, %iota3A : vector<16xi32>
        tpu.vector_store_idx %arg15[%min3A_535], %add3A_537 masked %le3A_525 : memref<160xi32, #tpu.memory_space<vmem>>[vector<16xi32>], vector<16xi32>, vector<16xi1>
        tpu.vector_store_idx %arg16[%min3A_535], %sub3A_518 masked %le3A_525 : memref<160xf32, #tpu.memory_space<vmem>>[vector<16xi32>], vector<16xf32>, vector<16xi1>
        tpu.vector_store_idx %arg17[%min3A_535], %sub3A_520 masked %le3A_525 : memref<160xf32, #tpu.memory_space<vmem>>[vector<16xi32>], vector<16xf32>, vector<16xi1>
        %all_reduce_population_count3A = tpu.all_reduce %le3A_525 {dim = 0 : i64, kind = #tpu.reduction_kind<sum>} : vector<16xi1> -> vector<16xi32>
        %add3A_538 = arith.addi %while3A_507, %all_reduce_population_count3A : vector<16xi32>
        scf.yield %add3A_538 : vector<16xi32>
      }
      %while3A_144 = arith.constant 1 : i32
      %while3A_145 = scf.for %while3A_506 = %while3A_141 to %while3A_137 step %while3A_144 iter_args(%while3A_507 = %while3A_143) -> (vector<16xi32>)  : i32 {
        %get3A_508 = arith.index_cast %while3A_506 : i32 to index
        %get3A_509 = tpu.vector_load %arg24[%get3A_508] {strides = array<i32>} : memref<1040xi32, #tpu.memory_space<vmem>>, vector<16xi32>,
        %slice3A_510 = vector.extract_strided_slice %get3A_509 {offsets = [0], sizes = [1], strides = [1]} : vector<16xi32> to vector<1xi32>
        %squeeze3A_511 = vector.extract %slice3A_510[0] : i32 from vector<1xi32>
        %mul3A_512 = arith.constant 16 : i32
        %mul3A_513 = arith.muli %squeeze3A_511, %mul3A_512 : i32
        %get3A_514 = arith.index_cast %mul3A_513 : i32 to index
        %get3A_515 = tpu.vector_load %arg11[%get3A_514] {strides = array<i32>} : memref<16384xf32, #tpu.memory_space<vmem>>, vector<16xf32>,
        %get3A_516 = arith.index_cast %mul3A_513 : i32 to index
        %get3A_517 = tpu.vector_load %arg12[%get3A_516] {strides = array<i32>} : memref<16384xf32, #tpu.memory_space<vmem>>, vector<16xf32>,
        %sub3A = vector.broadcast %squeeze3A : f32 to vector<16xf32>
        %sub3A_518 = arith.subf %sub3A, %get3A_515 : vector<16xf32>
        %sub3A_519 = vector.broadcast %squeeze3A_123 : f32 to vector<16xf32>
        %sub3A_520 = arith.subf %sub3A_519, %get3A_517 : vector<16xf32>
        %mul3A_521 = arith.mulf %sub3A_518, %sub3A_518 : vector<16xf32>
        %mul3A_522 = arith.mulf %sub3A_520, %sub3A_520 : vector<16xf32>
        %add3A_523 = arith.addf %mul3A_521, %mul3A_522 : vector<16xf32>
        %le3A = arith.constant 9.000090e-04 : f32
        %le3A_524 = vector.broadcast %le3A : f32 to vector<16xf32>
        %le3A_525 = arith.cmpf ole, %add3A_523, %le3A_524 : vector<16xf32>
        %convert_element_type3A = arith.extui %le3A_525 : vector<16xi1> to vector<16xi32>
        %broadcast_in_dim3A_526 = arith.constant true
        %broadcast_in_dim3A_527 = vector.broadcast %broadcast_in_dim3A_526 : i1 to vector<16xi1>
        %masked_cumsum3A = tpu.scan <sum>, %convert_element_type3A masked %broadcast_in_dim3A_527 : vector<16xi32>, vector<16xi1> -> vector<16xi32>
        %add3A_528 = arith.addi %while3A_507, %masked_cumsum3A : vector<16xi32>
        %sub3A_529 = arith.constant 1 : i32
        %sub3A_530 = vector.broadcast %sub3A_529 : i32 to vector<16xi32>
        %sub3A_531 = arith.subi %add3A_528, %sub3A_530 : vector<16xi32>
        %jit3A = arith.constant 0 : i32
        %jit3A_532 = arith.constant 159 : i32
        %max3A = vector.broadcast %jit3A : i32 to vector<16xi32>
        %max3A_533 = arith.maxsi %max3A, %sub3A_531 : vector<16xi32>
        %min3A_534 = vector.broadcast %jit3A_532 : i32 to vector<16xi32>
        %min3A_535 = arith.minsi %min3A_534, %max3A_533 : vector<16xi32>
        %add3A_536 = vector.broadcast %mul3A_513 : i32 to vector<16xi32>
        %add3A_537 = arith.addi %add3A_536, %iota3A : vector<16xi32>
        tpu.vector_store_idx %arg15[%min3A_535], %add3A_537 masked %le3A_525 : memref<160xi32, #tpu.memory_space<vmem>>[vector<16xi32>], vector<16xi32>, vector<16xi1>
        tpu.vector_store_idx %arg16[%min3A_535], %sub3A_518 masked %le3A_525 : memref<160xf32, #tpu.memory_space<vmem>>[vector<16xi32>], vector<16xf32>, vector<16xi1>
        tpu.vector_store_idx %arg17[%min3A_535], %sub3A_520 masked %le3A_525 : memref<160xf32, #tpu.memory_space<vmem>>[vector<16xi32>], vector<16xf32>, vector<16xi1>
        %all_reduce_population_count3A = tpu.all_reduce %le3A_525 {dim = 0 : i64, kind = #tpu.reduction_kind<sum>} : vector<16xi1> -> vector<16xi32>
        %add3A_538 = arith.addi %while3A_507, %all_reduce_population_count3A : vector<16xi32>
        scf.yield %add3A_538 : vector<16xi32>
      }
      %mul3A_146 = arith.constant 16 : i32
      %mul3A_147 = arith.muli %add3A_43, %mul3A_146 : i32
      %swap3A_148 = arith.index_cast %mul3A_147 : i32 to index
      %swap3A_149 = tpu.vector_load %arg21[%swap3A_148] {strides = array<i32>} : memref<1024xi32, #tpu.memory_space<vmem>>, vector<16xi32>,
      tpu.vector_store %arg21[%swap3A_148], %while3A_145 {strides = array<i32>} : memref<1024xi32, #tpu.memory_space<vmem>>, vector<16xi32>,
      %get3A_150 = arith.constant 0 : index
      %get3A_151 = tpu.vector_load %arg15[%get3A_150] {strides = array<i32>} : memref<160xi32, #tpu.memory_space<vmem>>, vector<16xi32>,
      %swap3A_152 = arith.index_cast %add3A_43 : i32 to index
      %swap3A_153 = arith.constant 0 : index
      %swap3A_154 = tpu.vector_load %arg18[%swap3A_152, %swap3A_153] {strides = array<i32>} : memref<64x128xi32, #tpu.memory_space<vmem>>, vector<16xi32>,
      tpu.vector_store %arg18[%swap3A_152, %swap3A_153], %get3A_151 {strides = array<i32>} : memref<64x128xi32, #tpu.memory_space<vmem>>, vector<16xi32>,
      %get3A_155 = arith.constant 0 : index
      %get3A_156 = tpu.vector_load %arg16[%get3A_155] {strides = array<i32>} : memref<160xf32, #tpu.memory_space<vmem>>, vector<16xf32>,
      %swap3A_157 = arith.index_cast %add3A_43 : i32 to index
      %swap3A_158 = arith.constant 0 : index
      %swap3A_159 = tpu.vector_load %arg19[%swap3A_157, %swap3A_158] {strides = array<i32>} : memref<64x128xf32, #tpu.memory_space<vmem>>, vector<16xf32>,
      tpu.vector_store %arg19[%swap3A_157, %swap3A_158], %get3A_156 {strides = array<i32>} : memref<64x128xf32, #tpu.memory_space<vmem>>, vector<16xf32>,
      %get3A_160 = arith.constant 0 : index
      %get3A_161 = tpu.vector_load %arg17[%get3A_160] {strides = array<i32>} : memref<160xf32, #tpu.memory_space<vmem>>, vector<16xf32>,
      %swap3A_162 = arith.index_cast %add3A_43 : i32 to index
      %swap3A_163 = arith.constant 0 : index
      %swap3A_164 = tpu.vector_load %arg20[%swap3A_162, %swap3A_163] {strides = array<i32>} : memref<64x128xf32, #tpu.memory_space<vmem>>, vector<16xf32>,
      tpu.vector_store %arg20[%swap3A_162, %swap3A_163], %get3A_161 {strides = array<i32>} : memref<64x128xf32, #tpu.memory_space<vmem>>, vector<16xf32>,
      %get3A_165 = arith.constant 16 : index
      %get3A_166 = tpu.vector_load %arg15[%get3A_165] {strides = array<i32>} : memref<160xi32, #tpu.memory_space<vmem>>, vector<16xi32>,
      %swap3A_167 = arith.index_cast %add3A_43 : i32 to index
      %swap3A_168 = arith.constant 16 : index
      %swap3A_169 = tpu.vector_load %arg18[%swap3A_167, %swap3A_168] {strides = array<i32>} : memref<64x128xi32, #tpu.memory_space<vmem>>, vector<16xi32>,
      tpu.vector_store %arg18[%swap3A_167, %swap3A_168], %get3A_166 {strides = array<i32>} : memref<64x128xi32, #tpu.memory_space<vmem>>, vector<16xi32>,
      %get3A_170 = arith.constant 16 : index
      %get3A_171 = tpu.vector_load %arg16[%get3A_170] {strides = array<i32>} : memref<160xf32, #tpu.memory_space<vmem>>, vector<16xf32>,
      %swap3A_172 = arith.index_cast %add3A_43 : i32 to index
      %swap3A_173 = arith.constant 16 : index
      %swap3A_174 = tpu.vector_load %arg19[%swap3A_172, %swap3A_173] {strides = array<i32>} : memref<64x128xf32, #tpu.memory_space<vmem>>, vector<16xf32>,
      tpu.vector_store %arg19[%swap3A_172, %swap3A_173], %get3A_171 {strides = array<i32>} : memref<64x128xf32, #tpu.memory_space<vmem>>, vector<16xf32>,
      %get3A_175 = arith.constant 16 : index
      %get3A_176 = tpu.vector_load %arg17[%get3A_175] {strides = array<i32>} : memref<160xf32, #tpu.memory_space<vmem>>, vector<16xf32>,
      %swap3A_177 = arith.index_cast %add3A_43 : i32 to index
      %swap3A_178 = arith.constant 16 : index
      %swap3A_179 = tpu.vector_load %arg20[%swap3A_177, %swap3A_178] {strides = array<i32>} : memref<64x128xf32, #tpu.memory_space<vmem>>, vector<16xf32>,
      tpu.vector_store %arg20[%swap3A_177, %swap3A_178], %get3A_176 {strides = array<i32>} : memref<64x128xf32, #tpu.memory_space<vmem>>, vector<16xf32>,
      %get3A_180 = arith.constant 32 : index
      %get3A_181 = tpu.vector_load %arg15[%get3A_180] {strides = array<i32>} : memref<160xi32, #tpu.memory_space<vmem>>, vector<16xi32>,
      %swap3A_182 = arith.index_cast %add3A_43 : i32 to index
      %swap3A_183 = arith.constant 32 : index
      %swap3A_184 = tpu.vector_load %arg18[%swap3A_182, %swap3A_183] {strides = array<i32>} : memref<64x128xi32, #tpu.memory_space<vmem>>, vector<16xi32>,
      tpu.vector_store %arg18[%swap3A_182, %swap3A_183], %get3A_181 {strides = array<i32>} : memref<64x128xi32, #tpu.memory_space<vmem>>, vector<16xi32>,
      %get3A_185 = arith.constant 32 : index
      %get3A_186 = tpu.vector_load %arg16[%get3A_185] {strides = array<i32>} : memref<160xf32, #tpu.memory_space<vmem>>, vector<16xf32>,
      %swap3A_187 = arith.index_cast %add3A_43 : i32 to index
      %swap3A_188 = arith.constant 32 : index
      %swap3A_189 = tpu.vector_load %arg19[%swap3A_187, %swap3A_188] {strides = array<i32>} : memref<64x128xf32, #tpu.memory_space<vmem>>, vector<16xf32>,
      tpu.vector_store %arg19[%swap3A_187, %swap3A_188], %get3A_186 {strides = array<i32>} : memref<64x128xf32, #tpu.memory_space<vmem>>, vector<16xf32>,
      %get3A_190 = arith.constant 32 : index
      %get3A_191 = tpu.vector_load %arg17[%get3A_190] {strides = array<i32>} : memref<160xf32, #tpu.memory_space<vmem>>, vector<16xf32>,
      %swap3A_192 = arith.index_cast %add3A_43 : i32 to index
      %swap3A_193 = arith.constant 32 : index
      %swap3A_194 = tpu.vector_load %arg20[%swap3A_192, %swap3A_193] {strides = array<i32>} : memref<64x128xf32, #tpu.memory_space<vmem>>, vector<16xf32>,
      tpu.vector_store %arg20[%swap3A_192, %swap3A_193], %get3A_191 {strides = array<i32>} : memref<64x128xf32, #tpu.memory_space<vmem>>, vector<16xf32>,
      %get3A_195 = arith.constant 48 : index
      %get3A_196 = tpu.vector_load %arg15[%get3A_195] {strides = array<i32>} : memref<160xi32, #tpu.memory_space<vmem>>, vector<16xi32>,
      %swap3A_197 = arith.index_cast %add3A_43 : i32 to index
      %swap3A_198 = arith.constant 48 : index
      %swap3A_199 = tpu.vector_load %arg18[%swap3A_197, %swap3A_198] {strides = array<i32>} : memref<64x128xi32, #tpu.memory_space<vmem>>, vector<16xi32>,
      tpu.vector_store %arg18[%swap3A_197, %swap3A_198], %get3A_196 {strides = array<i32>} : memref<64x128xi32, #tpu.memory_space<vmem>>, vector<16xi32>,
      %get3A_200 = arith.constant 48 : index
      %get3A_201 = tpu.vector_load %arg16[%get3A_200] {strides = array<i32>} : memref<160xf32, #tpu.memory_space<vmem>>, vector<16xf32>,
      %swap3A_202 = arith.index_cast %add3A_43 : i32 to index
      %swap3A_203 = arith.constant 48 : index
      %swap3A_204 = tpu.vector_load %arg19[%swap3A_202, %swap3A_203] {strides = array<i32>} : memref<64x128xf32, #tpu.memory_space<vmem>>, vector<16xf32>,
      tpu.vector_store %arg19[%swap3A_202, %swap3A_203], %get3A_201 {strides = array<i32>} : memref<64x128xf32, #tpu.memory_space<vmem>>, vector<16xf32>,
      %get3A_205 = arith.constant 48 : index
      %get3A_206 = tpu.vector_load %arg17[%get3A_205] {strides = array<i32>} : memref<160xf32, #tpu.memory_space<vmem>>, vector<16xf32>,
      %swap3A_207 = arith.index_cast %add3A_43 : i32 to index
      %swap3A_208 = arith.constant 48 : index
      %swap3A_209 = tpu.vector_load %arg20[%swap3A_207, %swap3A_208] {strides = array<i32>} : memref<64x128xf32, #tpu.memory_space<vmem>>, vector<16xf32>,
      tpu.vector_store %arg20[%swap3A_207, %swap3A_208], %get3A_206 {strides = array<i32>} : memref<64x128xf32, #tpu.memory_space<vmem>>, vector<16xf32>,
      %get3A_210 = arith.constant 64 : index
      %get3A_211 = tpu.vector_load %arg15[%get3A_210] {strides = array<i32>} : memref<160xi32, #tpu.memory_space<vmem>>, vector<16xi32>,
      %swap3A_212 = arith.index_cast %add3A_43 : i32 to index
      %swap3A_213 = arith.constant 64 : index
      %swap3A_214 = tpu.vector_load %arg18[%swap3A_212, %swap3A_213] {strides = array<i32>} : memref<64x128xi32, #tpu.memory_space<vmem>>, vector<16xi32>,
      tpu.vector_store %arg18[%swap3A_212, %swap3A_213], %get3A_211 {strides = array<i32>} : memref<64x128xi32, #tpu.memory_space<vmem>>, vector<16xi32>,
      %get3A_215 = arith.constant 64 : index
      %get3A_216 = tpu.vector_load %arg16[%get3A_215] {strides = array<i32>} : memref<160xf32, #tpu.memory_space<vmem>>, vector<16xf32>,
      %swap3A_217 = arith.index_cast %add3A_43 : i32 to index
      %swap3A_218 = arith.constant 64 : index
      %swap3A_219 = tpu.vector_load %arg19[%swap3A_217, %swap3A_218] {strides = array<i32>} : memref<64x128xf32, #tpu.memory_space<vmem>>, vector<16xf32>,
      tpu.vector_store %arg19[%swap3A_217, %swap3A_218], %get3A_216 {strides = array<i32>} : memref<64x128xf32, #tpu.memory_space<vmem>>, vector<16xf32>,
      %get3A_220 = arith.constant 64 : index
      %get3A_221 = tpu.vector_load %arg17[%get3A_220] {strides = array<i32>} : memref<160xf32, #tpu.memory_space<vmem>>, vector<16xf32>,
      %swap3A_222 = arith.index_cast %add3A_43 : i32 to index
      %swap3A_223 = arith.constant 64 : index
      %swap3A_224 = tpu.vector_load %arg20[%swap3A_222, %swap3A_223] {strides = array<i32>} : memref<64x128xf32, #tpu.memory_space<vmem>>, vector<16xf32>,
      tpu.vector_store %arg20[%swap3A_222, %swap3A_223], %get3A_221 {strides = array<i32>} : memref<64x128xf32, #tpu.memory_space<vmem>>, vector<16xf32>,
      %get3A_225 = arith.constant 80 : index
      %get3A_226 = tpu.vector_load %arg15[%get3A_225] {strides = array<i32>} : memref<160xi32, #tpu.memory_space<vmem>>, vector<16xi32>,
      %swap3A_227 = arith.index_cast %add3A_43 : i32 to index
      %swap3A_228 = arith.constant 80 : index
      %swap3A_229 = tpu.vector_load %arg18[%swap3A_227, %swap3A_228] {strides = array<i32>} : memref<64x128xi32, #tpu.memory_space<vmem>>, vector<16xi32>,
      tpu.vector_store %arg18[%swap3A_227, %swap3A_228], %get3A_226 {strides = array<i32>} : memref<64x128xi32, #tpu.memory_space<vmem>>, vector<16xi32>,
      %get3A_230 = arith.constant 80 : index
      %get3A_231 = tpu.vector_load %arg16[%get3A_230] {strides = array<i32>} : memref<160xf32, #tpu.memory_space<vmem>>, vector<16xf32>,
      %swap3A_232 = arith.index_cast %add3A_43 : i32 to index
      %swap3A_233 = arith.constant 80 : index
      %swap3A_234 = tpu.vector_load %arg19[%swap3A_232, %swap3A_233] {strides = array<i32>} : memref<64x128xf32, #tpu.memory_space<vmem>>, vector<16xf32>,
      tpu.vector_store %arg19[%swap3A_232, %swap3A_233], %get3A_231 {strides = array<i32>} : memref<64x128xf32, #tpu.memory_space<vmem>>, vector<16xf32>,
      %get3A_235 = arith.constant 80 : index
      %get3A_236 = tpu.vector_load %arg17[%get3A_235] {strides = array<i32>} : memref<160xf32, #tpu.memory_space<vmem>>, vector<16xf32>,
      %swap3A_237 = arith.index_cast %add3A_43 : i32 to index
      %swap3A_238 = arith.constant 80 : index
      %swap3A_239 = tpu.vector_load %arg20[%swap3A_237, %swap3A_238] {strides = array<i32>} : memref<64x128xf32, #tpu.memory_space<vmem>>, vector<16xf32>,
      tpu.vector_store %arg20[%swap3A_237, %swap3A_238], %get3A_236 {strides = array<i32>} : memref<64x128xf32, #tpu.memory_space<vmem>>, vector<16xf32>,
      %get3A_240 = arith.constant 96 : index
      %get3A_241 = tpu.vector_load %arg15[%get3A_240] {strides = array<i32>} : memref<160xi32, #tpu.memory_space<vmem>>, vector<16xi32>,
      %swap3A_242 = arith.index_cast %add3A_43 : i32 to index
      %swap3A_243 = arith.constant 96 : index
      %swap3A_244 = tpu.vector_load %arg18[%swap3A_242, %swap3A_243] {strides = array<i32>} : memref<64x128xi32, #tpu.memory_space<vmem>>, vector<16xi32>,
      tpu.vector_store %arg18[%swap3A_242, %swap3A_243], %get3A_241 {strides = array<i32>} : memref<64x128xi32, #tpu.memory_space<vmem>>, vector<16xi32>,
      %get3A_245 = arith.constant 96 : index
      %get3A_246 = tpu.vector_load %arg16[%get3A_245] {strides = array<i32>} : memref<160xf32, #tpu.memory_space<vmem>>, vector<16xf32>,
      %swap3A_247 = arith.index_cast %add3A_43 : i32 to index
      %swap3A_248 = arith.constant 96 : index
      %swap3A_249 = tpu.vector_load %arg19[%swap3A_247, %swap3A_248] {strides = array<i32>} : memref<64x128xf32, #tpu.memory_space<vmem>>, vector<16xf32>,
      tpu.vector_store %arg19[%swap3A_247, %swap3A_248], %get3A_246 {strides = array<i32>} : memref<64x128xf32, #tpu.memory_space<vmem>>, vector<16xf32>,
      %get3A_250 = arith.constant 96 : index
      %get3A_251 = tpu.vector_load %arg17[%get3A_250] {strides = array<i32>} : memref<160xf32, #tpu.memory_space<vmem>>, vector<16xf32>,
      %swap3A_252 = arith.index_cast %add3A_43 : i32 to index
      %swap3A_253 = arith.constant 96 : index
      %swap3A_254 = tpu.vector_load %arg20[%swap3A_252, %swap3A_253] {strides = array<i32>} : memref<64x128xf32, #tpu.memory_space<vmem>>, vector<16xf32>,
      tpu.vector_store %arg20[%swap3A_252, %swap3A_253], %get3A_251 {strides = array<i32>} : memref<64x128xf32, #tpu.memory_space<vmem>>, vector<16xf32>,
      %get3A_255 = arith.constant 112 : index
      %get3A_256 = tpu.vector_load %arg15[%get3A_255] {strides = array<i32>} : memref<160xi32, #tpu.memory_space<vmem>>, vector<16xi32>,
      %swap3A_257 = arith.index_cast %add3A_43 : i32 to index
      %swap3A_258 = arith.constant 112 : index
      %swap3A_259 = tpu.vector_load %arg18[%swap3A_257, %swap3A_258] {strides = array<i32>} : memref<64x128xi32, #tpu.memory_space<vmem>>, vector<16xi32>,
      tpu.vector_store %arg18[%swap3A_257, %swap3A_258], %get3A_256 {strides = array<i32>} : memref<64x128xi32, #tpu.memory_space<vmem>>, vector<16xi32>,
      %get3A_260 = arith.constant 112 : index
      %get3A_261 = tpu.vector_load %arg16[%get3A_260] {strides = array<i32>} : memref<160xf32, #tpu.memory_space<vmem>>, vector<16xf32>,
      %swap3A_262 = arith.index_cast %add3A_43 : i32 to index
      %swap3A_263 = arith.constant 112 : index
      %swap3A_264 = tpu.vector_load %arg19[%swap3A_262, %swap3A_263] {strides = array<i32>} : memref<64x128xf32, #tpu.memory_space<vmem>>, vector<16xf32>,
      tpu.vector_store %arg19[%swap3A_262, %swap3A_263], %get3A_261 {strides = array<i32>} : memref<64x128xf32, #tpu.memory_space<vmem>>, vector<16xf32>,
      %get3A_265 = arith.constant 112 : index
      %get3A_266 = tpu.vector_load %arg17[%get3A_265] {strides = array<i32>} : memref<160xf32, #tpu.memory_space<vmem>>, vector<16xf32>,
      %swap3A_267 = arith.index_cast %add3A_43 : i32 to index
      %swap3A_268 = arith.constant 112 : index
      %swap3A_269 = tpu.vector_load %arg20[%swap3A_267, %swap3A_268] {strides = array<i32>} : memref<64x128xf32, #tpu.memory_space<vmem>>, vector<16xf32>,
      tpu.vector_store %arg20[%swap3A_267, %swap3A_268], %get3A_266 {strides = array<i32>} : memref<64x128xf32, #tpu.memory_space<vmem>>, vector<16xf32>,
      %mul3A_270 = arith.constant 2 : i32
      %mul3A_271 = arith.muli %mul3A_270, %scan3A_39 : i32
      %add3A_272 = arith.constant 1 : i32
      %add3A_273 = arith.addi %mul3A_271, %add3A_272 : i32
      %swap3A_274 = arith.constant 0 : index
      %swap3A_275 = tpu.vector_load %arg15[%swap3A_274] {strides = array<i32>} : memref<160xi32, #tpu.memory_space<vmem>>, vector<16xi32>,
      tpu.vector_store %arg15[%swap3A_274], %broadcast_in_dim3A_3 {strides = array<i32>} : memref<160xi32, #tpu.memory_space<vmem>>, vector<16xi32>,
      %swap3A_276 = arith.constant 0 : index
      %swap3A_277 = tpu.vector_load %arg16[%swap3A_276] {strides = array<i32>} : memref<160xf32, #tpu.memory_space<vmem>>, vector<16xf32>,
      tpu.vector_store %arg16[%swap3A_276], %broadcast_in_dim3A_5 {strides = array<i32>} : memref<160xf32, #tpu.memory_space<vmem>>, vector<16xf32>,
      %swap3A_278 = arith.constant 0 : index
      %swap3A_279 = tpu.vector_load %arg17[%swap3A_278] {strides = array<i32>} : memref<160xf32, #tpu.memory_space<vmem>>, vector<16xf32>,
      tpu.vector_store %arg17[%swap3A_278], %broadcast_in_dim3A_5 {strides = array<i32>} : memref<160xf32, #tpu.memory_space<vmem>>, vector<16xf32>,
      %swap3A_280 = arith.constant 16 : index
      %swap3A_281 = tpu.vector_load %arg15[%swap3A_280] {strides = array<i32>} : memref<160xi32, #tpu.memory_space<vmem>>, vector<16xi32>,
      tpu.vector_store %arg15[%swap3A_280], %broadcast_in_dim3A_3 {strides = array<i32>} : memref<160xi32, #tpu.memory_space<vmem>>, vector<16xi32>,
      %swap3A_282 = arith.constant 16 : index
      %swap3A_283 = tpu.vector_load %arg16[%swap3A_282] {strides = array<i32>} : memref<160xf32, #tpu.memory_space<vmem>>, vector<16xf32>,
      tpu.vector_store %arg16[%swap3A_282], %broadcast_in_dim3A_5 {strides = array<i32>} : memref<160xf32, #tpu.memory_space<vmem>>, vector<16xf32>,
      %swap3A_284 = arith.constant 16 : index
      %swap3A_285 = tpu.vector_load %arg17[%swap3A_284] {strides = array<i32>} : memref<160xf32, #tpu.memory_space<vmem>>, vector<16xf32>,
      tpu.vector_store %arg17[%swap3A_284], %broadcast_in_dim3A_5 {strides = array<i32>} : memref<160xf32, #tpu.memory_space<vmem>>, vector<16xf32>,
      %swap3A_286 = arith.constant 32 : index
      %swap3A_287 = tpu.vector_load %arg15[%swap3A_286] {strides = array<i32>} : memref<160xi32, #tpu.memory_space<vmem>>, vector<16xi32>,
      tpu.vector_store %arg15[%swap3A_286], %broadcast_in_dim3A_3 {strides = array<i32>} : memref<160xi32, #tpu.memory_space<vmem>>, vector<16xi32>,
      %swap3A_288 = arith.constant 32 : index
      %swap3A_289 = tpu.vector_load %arg16[%swap3A_288] {strides = array<i32>} : memref<160xf32, #tpu.memory_space<vmem>>, vector<16xf32>,
      tpu.vector_store %arg16[%swap3A_288], %broadcast_in_dim3A_5 {strides = array<i32>} : memref<160xf32, #tpu.memory_space<vmem>>, vector<16xf32>,
      %swap3A_290 = arith.constant 32 : index
      %swap3A_291 = tpu.vector_load %arg17[%swap3A_290] {strides = array<i32>} : memref<160xf32, #tpu.memory_space<vmem>>, vector<16xf32>,
      tpu.vector_store %arg17[%swap3A_290], %broadcast_in_dim3A_5 {strides = array<i32>} : memref<160xf32, #tpu.memory_space<vmem>>, vector<16xf32>,
      %swap3A_292 = arith.constant 48 : index
      %swap3A_293 = tpu.vector_load %arg15[%swap3A_292] {strides = array<i32>} : memref<160xi32, #tpu.memory_space<vmem>>, vector<16xi32>,
      tpu.vector_store %arg15[%swap3A_292], %broadcast_in_dim3A_3 {strides = array<i32>} : memref<160xi32, #tpu.memory_space<vmem>>, vector<16xi32>,
      %swap3A_294 = arith.constant 48 : index
      %swap3A_295 = tpu.vector_load %arg16[%swap3A_294] {strides = array<i32>} : memref<160xf32, #tpu.memory_space<vmem>>, vector<16xf32>,
      tpu.vector_store %arg16[%swap3A_294], %broadcast_in_dim3A_5 {strides = array<i32>} : memref<160xf32, #tpu.memory_space<vmem>>, vector<16xf32>,
      %swap3A_296 = arith.constant 48 : index
      %swap3A_297 = tpu.vector_load %arg17[%swap3A_296] {strides = array<i32>} : memref<160xf32, #tpu.memory_space<vmem>>, vector<16xf32>,
      tpu.vector_store %arg17[%swap3A_296], %broadcast_in_dim3A_5 {strides = array<i32>} : memref<160xf32, #tpu.memory_space<vmem>>, vector<16xf32>,
      %swap3A_298 = arith.constant 64 : index
      %swap3A_299 = tpu.vector_load %arg15[%swap3A_298] {strides = array<i32>} : memref<160xi32, #tpu.memory_space<vmem>>, vector<16xi32>,
      tpu.vector_store %arg15[%swap3A_298], %broadcast_in_dim3A_3 {strides = array<i32>} : memref<160xi32, #tpu.memory_space<vmem>>, vector<16xi32>,
      %swap3A_300 = arith.constant 64 : index
      %swap3A_301 = tpu.vector_load %arg16[%swap3A_300] {strides = array<i32>} : memref<160xf32, #tpu.memory_space<vmem>>, vector<16xf32>,
      tpu.vector_store %arg16[%swap3A_300], %broadcast_in_dim3A_5 {strides = array<i32>} : memref<160xf32, #tpu.memory_space<vmem>>, vector<16xf32>,
      %swap3A_302 = arith.constant 64 : index
      %swap3A_303 = tpu.vector_load %arg17[%swap3A_302] {strides = array<i32>} : memref<160xf32, #tpu.memory_space<vmem>>, vector<16xf32>,
      tpu.vector_store %arg17[%swap3A_302], %broadcast_in_dim3A_5 {strides = array<i32>} : memref<160xf32, #tpu.memory_space<vmem>>, vector<16xf32>,
      %swap3A_304 = arith.constant 80 : index
      %swap3A_305 = tpu.vector_load %arg15[%swap3A_304] {strides = array<i32>} : memref<160xi32, #tpu.memory_space<vmem>>, vector<16xi32>,
      tpu.vector_store %arg15[%swap3A_304], %broadcast_in_dim3A_3 {strides = array<i32>} : memref<160xi32, #tpu.memory_space<vmem>>, vector<16xi32>,
      %swap3A_306 = arith.constant 80 : index
      %swap3A_307 = tpu.vector_load %arg16[%swap3A_306] {strides = array<i32>} : memref<160xf32, #tpu.memory_space<vmem>>, vector<16xf32>,
      tpu.vector_store %arg16[%swap3A_306], %broadcast_in_dim3A_5 {strides = array<i32>} : memref<160xf32, #tpu.memory_space<vmem>>, vector<16xf32>,
      %swap3A_308 = arith.constant 80 : index
      %swap3A_309 = tpu.vector_load %arg17[%swap3A_308] {strides = array<i32>} : memref<160xf32, #tpu.memory_space<vmem>>, vector<16xf32>,
      tpu.vector_store %arg17[%swap3A_308], %broadcast_in_dim3A_5 {strides = array<i32>} : memref<160xf32, #tpu.memory_space<vmem>>, vector<16xf32>,
      %swap3A_310 = arith.constant 96 : index
      %swap3A_311 = tpu.vector_load %arg15[%swap3A_310] {strides = array<i32>} : memref<160xi32, #tpu.memory_space<vmem>>, vector<16xi32>,
      tpu.vector_store %arg15[%swap3A_310], %broadcast_in_dim3A_3 {strides = array<i32>} : memref<160xi32, #tpu.memory_space<vmem>>, vector<16xi32>,
      %swap3A_312 = arith.constant 96 : index
      %swap3A_313 = tpu.vector_load %arg16[%swap3A_312] {strides = array<i32>} : memref<160xf32, #tpu.memory_space<vmem>>, vector<16xf32>,
      tpu.vector_store %arg16[%swap3A_312], %broadcast_in_dim3A_5 {strides = array<i32>} : memref<160xf32, #tpu.memory_space<vmem>>, vector<16xf32>,
      %swap3A_314 = arith.constant 96 : index
      %swap3A_315 = tpu.vector_load %arg17[%swap3A_314] {strides = array<i32>} : memref<160xf32, #tpu.memory_space<vmem>>, vector<16xf32>,
      tpu.vector_store %arg17[%swap3A_314], %broadcast_in_dim3A_5 {strides = array<i32>} : memref<160xf32, #tpu.memory_space<vmem>>, vector<16xf32>,
      %swap3A_316 = arith.constant 112 : index
      %swap3A_317 = tpu.vector_load %arg15[%swap3A_316] {strides = array<i32>} : memref<160xi32, #tpu.memory_space<vmem>>, vector<16xi32>,
      tpu.vector_store %arg15[%swap3A_316], %broadcast_in_dim3A_3 {strides = array<i32>} : memref<160xi32, #tpu.memory_space<vmem>>, vector<16xi32>,
      %swap3A_318 = arith.constant 112 : index
      %swap3A_319 = tpu.vector_load %arg16[%swap3A_318] {strides = array<i32>} : memref<160xf32, #tpu.memory_space<vmem>>, vector<16xf32>,
      tpu.vector_store %arg16[%swap3A_318], %broadcast_in_dim3A_5 {strides = array<i32>} : memref<160xf32, #tpu.memory_space<vmem>>, vector<16xf32>,
      %swap3A_320 = arith.constant 112 : index
      %swap3A_321 = tpu.vector_load %arg17[%swap3A_320] {strides = array<i32>} : memref<160xf32, #tpu.memory_space<vmem>>, vector<16xf32>,
      tpu.vector_store %arg17[%swap3A_320], %broadcast_in_dim3A_5 {strides = array<i32>} : memref<160xf32, #tpu.memory_space<vmem>>, vector<16xf32>,
      %swap3A_322 = arith.constant 128 : index
      %swap3A_323 = tpu.vector_load %arg15[%swap3A_322] {strides = array<i32>} : memref<160xi32, #tpu.memory_space<vmem>>, vector<16xi32>,
      tpu.vector_store %arg15[%swap3A_322], %broadcast_in_dim3A_3 {strides = array<i32>} : memref<160xi32, #tpu.memory_space<vmem>>, vector<16xi32>,
      %swap3A_324 = arith.constant 128 : index
      %swap3A_325 = tpu.vector_load %arg16[%swap3A_324] {strides = array<i32>} : memref<160xf32, #tpu.memory_space<vmem>>, vector<16xf32>,
      tpu.vector_store %arg16[%swap3A_324], %broadcast_in_dim3A_5 {strides = array<i32>} : memref<160xf32, #tpu.memory_space<vmem>>, vector<16xf32>,
      %swap3A_326 = arith.constant 128 : index
      %swap3A_327 = tpu.vector_load %arg17[%swap3A_326] {strides = array<i32>} : memref<160xf32, #tpu.memory_space<vmem>>, vector<16xf32>,
      tpu.vector_store %arg17[%swap3A_326], %broadcast_in_dim3A_5 {strides = array<i32>} : memref<160xf32, #tpu.memory_space<vmem>>, vector<16xf32>,
      %swap3A_328 = arith.constant 144 : index
      %swap3A_329 = tpu.vector_load %arg15[%swap3A_328] {strides = array<i32>} : memref<160xi32, #tpu.memory_space<vmem>>, vector<16xi32>,
      tpu.vector_store %arg15[%swap3A_328], %broadcast_in_dim3A_3 {strides = array<i32>} : memref<160xi32, #tpu.memory_space<vmem>>, vector<16xi32>,
      %swap3A_330 = arith.constant 144 : index
      %swap3A_331 = tpu.vector_load %arg16[%swap3A_330] {strides = array<i32>} : memref<160xf32, #tpu.memory_space<vmem>>, vector<16xf32>,
      tpu.vector_store %arg16[%swap3A_330], %broadcast_in_dim3A_5 {strides = array<i32>} : memref<160xf32, #tpu.memory_space<vmem>>, vector<16xf32>,
      %swap3A_332 = arith.constant 144 : index
      %swap3A_333 = tpu.vector_load %arg17[%swap3A_332] {strides = array<i32>} : memref<160xf32, #tpu.memory_space<vmem>>, vector<16xf32>,
      tpu.vector_store %arg17[%swap3A_332], %broadcast_in_dim3A_5 {strides = array<i32>} : memref<160xf32, #tpu.memory_space<vmem>>, vector<16xf32>,
      %dma_wait3A_334 = arith.constant 0 : i32
      %dma_wait3A_335 = tpu.memref_slice %arg7[%mul3A_2, %dma_wait3A_334] : memref<2048x1024xf32, #tpu.memory_space<hbm>> -> memref<1x1024xf32, #tpu.memory_space<hbm>>
      %dma_wait3A_336 = tpu.memref_squeeze %dma_wait3A_335 : memref<1x1024xf32, #tpu.memory_space<hbm>> -> memref<1024xf32, #tpu.memory_space<hbm>>
      %dma_wait3A_337 = arith.constant 0 : i32
      %dma_wait3A_338 = tpu.memref_slice %arg7[%mul3A_2, %dma_wait3A_337] : memref<2048x1024xf32, #tpu.memory_space<hbm>> -> memref<1x1024xf32, #tpu.memory_space<hbm>>
      %dma_wait3A_339 = tpu.memref_squeeze %dma_wait3A_338 : memref<1x1024xf32, #tpu.memory_space<hbm>> -> memref<1024xf32, #tpu.memory_space<hbm>>
      tpu.wait_dma2 semaphore(%arg31 : memref<!tpu.dma_semaphore, #tpu.memory_space<semaphore_mem>>) src(%dma_wait3A_339 : memref<1024xf32, #tpu.memory_space<hbm>>) dst(%arg23 : memref<1024xf32, #tpu.memory_space<vmem>>)
      %add3A_340 = arith.addi %mul3A_2, %add3A_273 : i32
      %add3A_341 = arith.constant 1 : i32
      %add3A_342 = arith.addi %add3A_340, %add3A_341 : i32
      %min3A_343 = arith.constant 2047 : i32
      %min3A_344 = arith.minsi %add3A_342, %min3A_343 : i32
      %dma_start3A_345 = arith.constant 0 : i32
      %dma_start3A_346 = tpu.memref_slice %arg7[%min3A_344, %dma_start3A_345] : memref<2048x1024xf32, #tpu.memory_space<hbm>> -> memref<1x1024xf32, #tpu.memory_space<hbm>>
      %dma_start3A_347 = tpu.memref_squeeze %dma_start3A_346 : memref<1x1024xf32, #tpu.memory_space<hbm>> -> memref<1024xf32, #tpu.memory_space<hbm>>
      %dma_start3A_348 = arith.constant 0 : i32
      %dma_start3A_349 = tpu.memref_slice %arg7[%min3A_344, %dma_start3A_348] : memref<2048x1024xf32, #tpu.memory_space<hbm>> -> memref<1x1024xf32, #tpu.memory_space<hbm>>
      %dma_start3A_350 = tpu.memref_squeeze %dma_start3A_349 : memref<1x1024xf32, #tpu.memory_space<hbm>> -> memref<1024xf32, #tpu.memory_space<hbm>>
      tpu.enqueue_dma source(%dma_start3A_350 : memref<1024xf32, #tpu.memory_space<hbm>>) target(%arg22 : memref<1024xf32, #tpu.memory_space<vmem>>) target_semaphore(%arg30 : memref<!tpu.dma_semaphore, #tpu.memory_space<semaphore_mem>>)
      %get3A_351 = arith.index_cast %add3A_273 : i32 to index
      %get3A_352 = tpu.vector_load %arg13[%get3A_351] {strides = array<i32>} : memref<144xf32, #tpu.memory_space<vmem>>, vector<16xf32>,
      %slice3A_353 = vector.extract_strided_slice %get3A_352 {offsets = [0], sizes = [1], strides = [1]} : vector<16xf32> to vector<1xf32>
      %squeeze3A_354 = vector.extract %slice3A_353[0] : f32 from vector<1xf32>
      %get3A_355 = arith.index_cast %add3A_273 : i32 to index
      %get3A_356 = tpu.vector_load %arg14[%get3A_355] {strides = array<i32>} : memref<144xf32, #tpu.memory_space<vmem>>, vector<16xf32>,
      %slice3A_357 = vector.extract_strided_slice %get3A_356 {offsets = [0], sizes = [1], strides = [1]} : vector<16xf32> to vector<1xf32>
      %squeeze3A_358 = vector.extract %slice3A_357[0] : f32 from vector<1xf32>
      %broadcast_in_dim3A_359 = arith.constant 0 : i32
      %broadcast_in_dim3A_360 = vector.broadcast %broadcast_in_dim3A_359 : i32 to vector<16xi32>
      %scan3A_361 = arith.constant 0 : i32
      %scan3A_362 = arith.constant 16 : i32
      %scan3A_363 = arith.addi %scan3A_361, %scan3A_362 : i32
      %scan3A_364 = arith.constant 1 : i32
      %scan3A_365 = scf.for %scan3A_506 = %scan3A_361 to %scan3A_363 step %scan3A_364 iter_args(%scan3A_507 = %broadcast_in_dim3A_360) -> (vector<16xi32>)  : i32 {
        %mul3A_508 = arith.constant 64 : i32
        %mul3A_509 = arith.muli %scan3A_506, %mul3A_508 : i32
        %add3A_510 = arith.constant 0 : i32
        %add3A_511 = arith.addi %mul3A_509, %add3A_510 : i32
        %get3A_512 = arith.index_cast %add3A_511 : i32 to index
        %get3A_513 = tpu.vector_load %arg23[%get3A_512] {strides = array<i32>} : memref<1024xf32, #tpu.memory_space<vmem>>, vector<16xf32>,
        %gt3A = arith.constant 0.000000e+00 : f32
        %gt3A_514 = vector.broadcast %gt3A : f32 to vector<16xf32>
        %gt3A_515 = arith.cmpf ogt, %get3A_513, %gt3A_514 : vector<16xf32>
        %convert_element_type3A = arith.extui %gt3A_515 : vector<16xi1> to vector<16xi32>
        %broadcast_in_dim3A_516 = arith.constant true
        %broadcast_in_dim3A_517 = vector.broadcast %broadcast_in_dim3A_516 : i1 to vector<16xi1>
        %masked_cumsum3A = tpu.scan <sum>, %convert_element_type3A masked %broadcast_in_dim3A_517 : vector<16xi32>, vector<16xi1> -> vector<16xi32>
        %add3A_518 = arith.addi %scan3A_507, %masked_cumsum3A : vector<16xi32>
        %sub3A = arith.constant 1 : i32
        %sub3A_519 = vector.broadcast %sub3A : i32 to vector<16xi32>
        %sub3A_520 = arith.subi %add3A_518, %sub3A_519 : vector<16xi32>
        %jit3A = arith.constant 0 : i32
        %jit3A_521 = arith.constant 1023 : i32
        %max3A = vector.broadcast %jit3A : i32 to vector<16xi32>
        %max3A_522 = arith.maxsi %max3A, %sub3A_520 : vector<16xi32>
        %min3A_523 = vector.broadcast %jit3A_521 : i32 to vector<16xi32>
        %min3A_524 = arith.minsi %min3A_523, %max3A_522 : vector<16xi32>
        %add3A_525 = vector.broadcast %add3A_511 : i32 to vector<16xi32>
        %add3A_526 = arith.addi %add3A_525, %iota3A : vector<16xi32>
        tpu.vector_store_idx %arg24[%min3A_524], %add3A_526 masked %gt3A_515 : memref<1040xi32, #tpu.memory_space<vmem>>[vector<16xi32>], vector<16xi32>, vector<16xi1>
        %all_reduce_population_count3A = tpu.all_reduce %gt3A_515 {dim = 0 : i64, kind = #tpu.reduction_kind<sum>} : vector<16xi1> -> vector<16xi32>
        %add3A_527 = arith.addi %scan3A_507, %all_reduce_population_count3A : vector<16xi32>
        %mul3A_528 = arith.constant 64 : i32
        %mul3A_529 = arith.muli %scan3A_506, %mul3A_528 : i32
        %add3A_530 = arith.constant 16 : i32
        %add3A_531 = arith.addi %mul3A_529, %add3A_530 : i32
        %get3A_532 = arith.index_cast %add3A_531 : i32 to index
        %get3A_533 = tpu.vector_load %arg23[%get3A_532] {strides = array<i32>} : memref<1024xf32, #tpu.memory_space<vmem>>, vector<16xf32>,
        %gt3A_534 = arith.constant 0.000000e+00 : f32
        %gt3A_535 = vector.broadcast %gt3A_534 : f32 to vector<16xf32>
        %gt3A_536 = arith.cmpf ogt, %get3A_533, %gt3A_535 : vector<16xf32>
        %convert_element_type3A_537 = arith.extui %gt3A_536 : vector<16xi1> to vector<16xi32>
        %broadcast_in_dim3A_538 = arith.constant true
        %broadcast_in_dim3A_539 = vector.broadcast %broadcast_in_dim3A_538 : i1 to vector<16xi1>
        %masked_cumsum3A_540 = tpu.scan <sum>, %convert_element_type3A_537 masked %broadcast_in_dim3A_539 : vector<16xi32>, vector<16xi1> -> vector<16xi32>
        %add3A_541 = arith.addi %add3A_527, %masked_cumsum3A_540 : vector<16xi32>
        %sub3A_542 = arith.constant 1 : i32
        %sub3A_543 = vector.broadcast %sub3A_542 : i32 to vector<16xi32>
        %sub3A_544 = arith.subi %add3A_541, %sub3A_543 : vector<16xi32>
        %jit3A_545 = arith.constant 0 : i32
        %jit3A_546 = arith.constant 1023 : i32
        %max3A_547 = vector.broadcast %jit3A_545 : i32 to vector<16xi32>
        %max3A_548 = arith.maxsi %max3A_547, %sub3A_544 : vector<16xi32>
        %min3A_549 = vector.broadcast %jit3A_546 : i32 to vector<16xi32>
        %min3A_550 = arith.minsi %min3A_549, %max3A_548 : vector<16xi32>
        %add3A_551 = vector.broadcast %add3A_531 : i32 to vector<16xi32>
        %add3A_552 = arith.addi %add3A_551, %iota3A : vector<16xi32>
        tpu.vector_store_idx %arg24[%min3A_550], %add3A_552 masked %gt3A_536 : memref<1040xi32, #tpu.memory_space<vmem>>[vector<16xi32>], vector<16xi32>, vector<16xi1>
        %all_reduce_population_count3A_553 = tpu.all_reduce %gt3A_536 {dim = 0 : i64, kind = #tpu.reduction_kind<sum>} : vector<16xi1> -> vector<16xi32>
        %add3A_554 = arith.addi %add3A_527, %all_reduce_population_count3A_553 : vector<16xi32>
        %mul3A_555 = arith.constant 64 : i32
        %mul3A_556 = arith.muli %scan3A_506, %mul3A_555 : i32
        %add3A_557 = arith.constant 32 : i32
        %add3A_558 = arith.addi %mul3A_556, %add3A_557 : i32
        %get3A_559 = arith.index_cast %add3A_558 : i32 to index
        %get3A_560 = tpu.vector_load %arg23[%get3A_559] {strides = array<i32>} : memref<1024xf32, #tpu.memory_space<vmem>>, vector<16xf32>,
        %gt3A_561 = arith.constant 0.000000e+00 : f32
        %gt3A_562 = vector.broadcast %gt3A_561 : f32 to vector<16xf32>
        %gt3A_563 = arith.cmpf ogt, %get3A_560, %gt3A_562 : vector<16xf32>
        %convert_element_type3A_564 = arith.extui %gt3A_563 : vector<16xi1> to vector<16xi32>
        %broadcast_in_dim3A_565 = arith.constant true
        %broadcast_in_dim3A_566 = vector.broadcast %broadcast_in_dim3A_565 : i1 to vector<16xi1>
        %masked_cumsum3A_567 = tpu.scan <sum>, %convert_element_type3A_564 masked %broadcast_in_dim3A_566 : vector<16xi32>, vector<16xi1> -> vector<16xi32>
        %add3A_568 = arith.addi %add3A_554, %masked_cumsum3A_567 : vector<16xi32>
        %sub3A_569 = arith.constant 1 : i32
        %sub3A_570 = vector.broadcast %sub3A_569 : i32 to vector<16xi32>
        %sub3A_571 = arith.subi %add3A_568, %sub3A_570 : vector<16xi32>
        %jit3A_572 = arith.constant 0 : i32
        %jit3A_573 = arith.constant 1023 : i32
        %max3A_574 = vector.broadcast %jit3A_572 : i32 to vector<16xi32>
        %max3A_575 = arith.maxsi %max3A_574, %sub3A_571 : vector<16xi32>
        %min3A_576 = vector.broadcast %jit3A_573 : i32 to vector<16xi32>
        %min3A_577 = arith.minsi %min3A_576, %max3A_575 : vector<16xi32>
        %add3A_578 = vector.broadcast %add3A_558 : i32 to vector<16xi32>
        %add3A_579 = arith.addi %add3A_578, %iota3A : vector<16xi32>
        tpu.vector_store_idx %arg24[%min3A_577], %add3A_579 masked %gt3A_563 : memref<1040xi32, #tpu.memory_space<vmem>>[vector<16xi32>], vector<16xi32>, vector<16xi1>
        %all_reduce_population_count3A_580 = tpu.all_reduce %gt3A_563 {dim = 0 : i64, kind = #tpu.reduction_kind<sum>} : vector<16xi1> -> vector<16xi32>
        %add3A_581 = arith.addi %add3A_554, %all_reduce_population_count3A_580 : vector<16xi32>
        %mul3A_582 = arith.constant 64 : i32
        %mul3A_583 = arith.muli %scan3A_506, %mul3A_582 : i32
        %add3A_584 = arith.constant 48 : i32
        %add3A_585 = arith.addi %mul3A_583, %add3A_584 : i32
        %get3A_586 = arith.index_cast %add3A_585 : i32 to index
        %get3A_587 = tpu.vector_load %arg23[%get3A_586] {strides = array<i32>} : memref<1024xf32, #tpu.memory_space<vmem>>, vector<16xf32>,
        %gt3A_588 = arith.constant 0.000000e+00 : f32
        %gt3A_589 = vector.broadcast %gt3A_588 : f32 to vector<16xf32>
        %gt3A_590 = arith.cmpf ogt, %get3A_587, %gt3A_589 : vector<16xf32>
        %convert_element_type3A_591 = arith.extui %gt3A_590 : vector<16xi1> to vector<16xi32>
        %broadcast_in_dim3A_592 = arith.constant true
        %broadcast_in_dim3A_593 = vector.broadcast %broadcast_in_dim3A_592 : i1 to vector<16xi1>
        %masked_cumsum3A_594 = tpu.scan <sum>, %convert_element_type3A_591 masked %broadcast_in_dim3A_593 : vector<16xi32>, vector<16xi1> -> vector<16xi32>
        %add3A_595 = arith.addi %add3A_581, %masked_cumsum3A_594 : vector<16xi32>
        %sub3A_596 = arith.constant 1 : i32
        %sub3A_597 = vector.broadcast %sub3A_596 : i32 to vector<16xi32>
        %sub3A_598 = arith.subi %add3A_595, %sub3A_597 : vector<16xi32>
        %jit3A_599 = arith.constant 0 : i32
        %jit3A_600 = arith.constant 1023 : i32
        %max3A_601 = vector.broadcast %jit3A_599 : i32 to vector<16xi32>
        %max3A_602 = arith.maxsi %max3A_601, %sub3A_598 : vector<16xi32>
        %min3A_603 = vector.broadcast %jit3A_600 : i32 to vector<16xi32>
        %min3A_604 = arith.minsi %min3A_603, %max3A_602 : vector<16xi32>
        %add3A_605 = vector.broadcast %add3A_585 : i32 to vector<16xi32>
        %add3A_606 = arith.addi %add3A_605, %iota3A : vector<16xi32>
        tpu.vector_store_idx %arg24[%min3A_604], %add3A_606 masked %gt3A_590 : memref<1040xi32, #tpu.memory_space<vmem>>[vector<16xi32>], vector<16xi32>, vector<16xi1>
        %all_reduce_population_count3A_607 = tpu.all_reduce %gt3A_590 {dim = 0 : i64, kind = #tpu.reduction_kind<sum>} : vector<16xi1> -> vector<16xi32>
        %add3A_608 = arith.addi %add3A_581, %all_reduce_population_count3A_607 : vector<16xi32>
        scf.yield %add3A_608 : vector<16xi32>
      }
      %scan3A_366 = arith.constant 16 : i32
      %slice3A_367 = vector.extract_strided_slice %scan3A_365 {offsets = [0], sizes = [1], strides = [1]} : vector<16xi32> to vector<1xi32>
      %squeeze3A_368 = vector.extract %slice3A_367[0] : i32 from vector<1xi32>
      %broadcast_in_dim3A_369 = arith.constant 0 : i32
      %broadcast_in_dim3A_370 = vector.broadcast %broadcast_in_dim3A_369 : i32 to vector<16xi32>
      %while3A_371 = arith.constant 0 : i32
      %while3A_372 = arith.subi %squeeze3A_368, %while3A_371 : i32
      %while3A_373 = arith.addi %while3A_371, %while3A_372 : i32
      %while3A_374 = arith.constant 1 : i32
      %while3A_375 = arith.divsi %while3A_372, %while3A_374 : i32
      %while3A_376 = arith.muli %while3A_375, %while3A_374 : i32
      %while3A_377 = arith.addi %while3A_371, %while3A_376 : i32
      %while3A_378 = arith.constant 1 : i32
      %while3A_379 = scf.for %while3A_506 = %while3A_371 to %while3A_377 step %while3A_378 iter_args(%while3A_507 = %broadcast_in_dim3A_370) -> (vector<16xi32>)  : i32 {
        %get3A_508 = arith.index_cast %while3A_506 : i32 to index
        %get3A_509 = tpu.vector_load %arg24[%get3A_508] {strides = array<i32>} : memref<1040xi32, #tpu.memory_space<vmem>>, vector<16xi32>,
        %slice3A_510 = vector.extract_strided_slice %get3A_509 {offsets = [0], sizes = [1], strides = [1]} : vector<16xi32> to vector<1xi32>
        %squeeze3A_511 = vector.extract %slice3A_510[0] : i32 from vector<1xi32>
        %mul3A_512 = arith.constant 16 : i32
        %mul3A_513 = arith.muli %squeeze3A_511, %mul3A_512 : i32
        %get3A_514 = arith.index_cast %mul3A_513 : i32 to index
        %get3A_515 = tpu.vector_load %arg11[%get3A_514] {strides = array<i32>} : memref<16384xf32, #tpu.memory_space<vmem>>, vector<16xf32>,
        %get3A_516 = arith.index_cast %mul3A_513 : i32 to index
        %get3A_517 = tpu.vector_load %arg12[%get3A_516] {strides = array<i32>} : memref<16384xf32, #tpu.memory_space<vmem>>, vector<16xf32>,
        %sub3A = vector.broadcast %squeeze3A_354 : f32 to vector<16xf32>
        %sub3A_518 = arith.subf %sub3A, %get3A_515 : vector<16xf32>
        %sub3A_519 = vector.broadcast %squeeze3A_358 : f32 to vector<16xf32>
        %sub3A_520 = arith.subf %sub3A_519, %get3A_517 : vector<16xf32>
        %mul3A_521 = arith.mulf %sub3A_518, %sub3A_518 : vector<16xf32>
        %mul3A_522 = arith.mulf %sub3A_520, %sub3A_520 : vector<16xf32>
        %add3A_523 = arith.addf %mul3A_521, %mul3A_522 : vector<16xf32>
        %le3A = arith.constant 9.000090e-04 : f32
        %le3A_524 = vector.broadcast %le3A : f32 to vector<16xf32>
        %le3A_525 = arith.cmpf ole, %add3A_523, %le3A_524 : vector<16xf32>
        %convert_element_type3A = arith.extui %le3A_525 : vector<16xi1> to vector<16xi32>
        %broadcast_in_dim3A_526 = arith.constant true
        %broadcast_in_dim3A_527 = vector.broadcast %broadcast_in_dim3A_526 : i1 to vector<16xi1>
        %masked_cumsum3A = tpu.scan <sum>, %convert_element_type3A masked %broadcast_in_dim3A_527 : vector<16xi32>, vector<16xi1> -> vector<16xi32>
        %add3A_528 = arith.addi %while3A_507, %masked_cumsum3A : vector<16xi32>
        %sub3A_529 = arith.constant 1 : i32
        %sub3A_530 = vector.broadcast %sub3A_529 : i32 to vector<16xi32>
        %sub3A_531 = arith.subi %add3A_528, %sub3A_530 : vector<16xi32>
        %jit3A = arith.constant 0 : i32
        %jit3A_532 = arith.constant 159 : i32
        %max3A = vector.broadcast %jit3A : i32 to vector<16xi32>
        %max3A_533 = arith.maxsi %max3A, %sub3A_531 : vector<16xi32>
        %min3A_534 = vector.broadcast %jit3A_532 : i32 to vector<16xi32>
        %min3A_535 = arith.minsi %min3A_534, %max3A_533 : vector<16xi32>
        %add3A_536 = vector.broadcast %mul3A_513 : i32 to vector<16xi32>
        %add3A_537 = arith.addi %add3A_536, %iota3A : vector<16xi32>
        tpu.vector_store_idx %arg15[%min3A_535], %add3A_537 masked %le3A_525 : memref<160xi32, #tpu.memory_space<vmem>>[vector<16xi32>], vector<16xi32>, vector<16xi1>
        tpu.vector_store_idx %arg16[%min3A_535], %sub3A_518 masked %le3A_525 : memref<160xf32, #tpu.memory_space<vmem>>[vector<16xi32>], vector<16xf32>, vector<16xi1>
        tpu.vector_store_idx %arg17[%min3A_535], %sub3A_520 masked %le3A_525 : memref<160xf32, #tpu.memory_space<vmem>>[vector<16xi32>], vector<16xf32>, vector<16xi1>
        %all_reduce_population_count3A = tpu.all_reduce %le3A_525 {dim = 0 : i64, kind = #tpu.reduction_kind<sum>} : vector<16xi1> -> vector<16xi32>
        %add3A_538 = arith.addi %while3A_507, %all_reduce_population_count3A : vector<16xi32>
        scf.yield %add3A_538 : vector<16xi32>
      }
      %while3A_380 = arith.constant 1 : i32
      %while3A_381 = scf.for %while3A_506 = %while3A_377 to %while3A_373 step %while3A_380 iter_args(%while3A_507 = %while3A_379) -> (vector<16xi32>)  : i32 {
        %get3A_508 = arith.index_cast %while3A_506 : i32 to index
        %get3A_509 = tpu.vector_load %arg24[%get3A_508] {strides = array<i32>} : memref<1040xi32, #tpu.memory_space<vmem>>, vector<16xi32>,
        %slice3A_510 = vector.extract_strided_slice %get3A_509 {offsets = [0], sizes = [1], strides = [1]} : vector<16xi32> to vector<1xi32>
        %squeeze3A_511 = vector.extract %slice3A_510[0] : i32 from vector<1xi32>
        %mul3A_512 = arith.constant 16 : i32
        %mul3A_513 = arith.muli %squeeze3A_511, %mul3A_512 : i32
        %get3A_514 = arith.index_cast %mul3A_513 : i32 to index
        %get3A_515 = tpu.vector_load %arg11[%get3A_514] {strides = array<i32>} : memref<16384xf32, #tpu.memory_space<vmem>>, vector<16xf32>,
        %get3A_516 = arith.index_cast %mul3A_513 : i32 to index
        %get3A_517 = tpu.vector_load %arg12[%get3A_516] {strides = array<i32>} : memref<16384xf32, #tpu.memory_space<vmem>>, vector<16xf32>,
        %sub3A = vector.broadcast %squeeze3A_354 : f32 to vector<16xf32>
        %sub3A_518 = arith.subf %sub3A, %get3A_515 : vector<16xf32>
        %sub3A_519 = vector.broadcast %squeeze3A_358 : f32 to vector<16xf32>
        %sub3A_520 = arith.subf %sub3A_519, %get3A_517 : vector<16xf32>
        %mul3A_521 = arith.mulf %sub3A_518, %sub3A_518 : vector<16xf32>
        %mul3A_522 = arith.mulf %sub3A_520, %sub3A_520 : vector<16xf32>
        %add3A_523 = arith.addf %mul3A_521, %mul3A_522 : vector<16xf32>
        %le3A = arith.constant 9.000090e-04 : f32
        %le3A_524 = vector.broadcast %le3A : f32 to vector<16xf32>
        %le3A_525 = arith.cmpf ole, %add3A_523, %le3A_524 : vector<16xf32>
        %convert_element_type3A = arith.extui %le3A_525 : vector<16xi1> to vector<16xi32>
        %broadcast_in_dim3A_526 = arith.constant true
        %broadcast_in_dim3A_527 = vector.broadcast %broadcast_in_dim3A_526 : i1 to vector<16xi1>
        %masked_cumsum3A = tpu.scan <sum>, %convert_element_type3A masked %broadcast_in_dim3A_527 : vector<16xi32>, vector<16xi1> -> vector<16xi32>
        %add3A_528 = arith.addi %while3A_507, %masked_cumsum3A : vector<16xi32>
        %sub3A_529 = arith.constant 1 : i32
        %sub3A_530 = vector.broadcast %sub3A_529 : i32 to vector<16xi32>
        %sub3A_531 = arith.subi %add3A_528, %sub3A_530 : vector<16xi32>
        %jit3A = arith.constant 0 : i32
        %jit3A_532 = arith.constant 159 : i32
        %max3A = vector.broadcast %jit3A : i32 to vector<16xi32>
        %max3A_533 = arith.maxsi %max3A, %sub3A_531 : vector<16xi32>
        %min3A_534 = vector.broadcast %jit3A_532 : i32 to vector<16xi32>
        %min3A_535 = arith.minsi %min3A_534, %max3A_533 : vector<16xi32>
        %add3A_536 = vector.broadcast %mul3A_513 : i32 to vector<16xi32>
        %add3A_537 = arith.addi %add3A_536, %iota3A : vector<16xi32>
        tpu.vector_store_idx %arg15[%min3A_535], %add3A_537 masked %le3A_525 : memref<160xi32, #tpu.memory_space<vmem>>[vector<16xi32>], vector<16xi32>, vector<16xi1>
        tpu.vector_store_idx %arg16[%min3A_535], %sub3A_518 masked %le3A_525 : memref<160xf32, #tpu.memory_space<vmem>>[vector<16xi32>], vector<16xf32>, vector<16xi1>
        tpu.vector_store_idx %arg17[%min3A_535], %sub3A_520 masked %le3A_525 : memref<160xf32, #tpu.memory_space<vmem>>[vector<16xi32>], vector<16xf32>, vector<16xi1>
        %all_reduce_population_count3A = tpu.all_reduce %le3A_525 {dim = 0 : i64, kind = #tpu.reduction_kind<sum>} : vector<16xi1> -> vector<16xi32>
        %add3A_538 = arith.addi %while3A_507, %all_reduce_population_count3A : vector<16xi32>
        scf.yield %add3A_538 : vector<16xi32>
      }
      %mul3A_382 = arith.constant 16 : i32
      %mul3A_383 = arith.muli %add3A_273, %mul3A_382 : i32
      %swap3A_384 = arith.index_cast %mul3A_383 : i32 to index
      %swap3A_385 = tpu.vector_load %arg21[%swap3A_384] {strides = array<i32>} : memref<1024xi32, #tpu.memory_space<vmem>>, vector<16xi32>,
      tpu.vector_store %arg21[%swap3A_384], %while3A_381 {strides = array<i32>} : memref<1024xi32, #tpu.memory_space<vmem>>, vector<16xi32>,
      %get3A_386 = arith.constant 0 : index
      %get3A_387 = tpu.vector_load %arg15[%get3A_386] {strides = array<i32>} : memref<160xi32, #tpu.memory_space<vmem>>, vector<16xi32>,
      %swap3A_388 = arith.index_cast %add3A_273 : i32 to index
      %swap3A_389 = arith.constant 0 : index
      %swap3A_390 = tpu.vector_load %arg18[%swap3A_388, %swap3A_389] {strides = array<i32>} : memref<64x128xi32, #tpu.memory_space<vmem>>, vector<16xi32>,
      tpu.vector_store %arg18[%swap3A_388, %swap3A_389], %get3A_387 {strides = array<i32>} : memref<64x128xi32, #tpu.memory_space<vmem>>, vector<16xi32>,
      %get3A_391 = arith.constant 0 : index
      %get3A_392 = tpu.vector_load %arg16[%get3A_391] {strides = array<i32>} : memref<160xf32, #tpu.memory_space<vmem>>, vector<16xf32>,
      %swap3A_393 = arith.index_cast %add3A_273 : i32 to index
      %swap3A_394 = arith.constant 0 : index
      %swap3A_395 = tpu.vector_load %arg19[%swap3A_393, %swap3A_394] {strides = array<i32>} : memref<64x128xf32, #tpu.memory_space<vmem>>, vector<16xf32>,
      tpu.vector_store %arg19[%swap3A_393, %swap3A_394], %get3A_392 {strides = array<i32>} : memref<64x128xf32, #tpu.memory_space<vmem>>, vector<16xf32>,
      %get3A_396 = arith.constant 0 : index
      %get3A_397 = tpu.vector_load %arg17[%get3A_396] {strides = array<i32>} : memref<160xf32, #tpu.memory_space<vmem>>, vector<16xf32>,
      %swap3A_398 = arith.index_cast %add3A_273 : i32 to index
      %swap3A_399 = arith.constant 0 : index
      %swap3A_400 = tpu.vector_load %arg20[%swap3A_398, %swap3A_399] {strides = array<i32>} : memref<64x128xf32, #tpu.memory_space<vmem>>, vector<16xf32>,
      tpu.vector_store %arg20[%swap3A_398, %swap3A_399], %get3A_397 {strides = array<i32>} : memref<64x128xf32, #tpu.memory_space<vmem>>, vector<16xf32>,
      %get3A_401 = arith.constant 16 : index
      %get3A_402 = tpu.vector_load %arg15[%get3A_401] {strides = array<i32>} : memref<160xi32, #tpu.memory_space<vmem>>, vector<16xi32>,
      %swap3A_403 = arith.index_cast %add3A_273 : i32 to index
      %swap3A_404 = arith.constant 16 : index
      %swap3A_405 = tpu.vector_load %arg18[%swap3A_403, %swap3A_404] {strides = array<i32>} : memref<64x128xi32, #tpu.memory_space<vmem>>, vector<16xi32>,
      tpu.vector_store %arg18[%swap3A_403, %swap3A_404], %get3A_402 {strides = array<i32>} : memref<64x128xi32, #tpu.memory_space<vmem>>, vector<16xi32>,
      %get3A_406 = arith.constant 16 : index
      %get3A_407 = tpu.vector_load %arg16[%get3A_406] {strides = array<i32>} : memref<160xf32, #tpu.memory_space<vmem>>, vector<16xf32>,
      %swap3A_408 = arith.index_cast %add3A_273 : i32 to index
      %swap3A_409 = arith.constant 16 : index
      %swap3A_410 = tpu.vector_load %arg19[%swap3A_408, %swap3A_409] {strides = array<i32>} : memref<64x128xf32, #tpu.memory_space<vmem>>, vector<16xf32>,
      tpu.vector_store %arg19[%swap3A_408, %swap3A_409], %get3A_407 {strides = array<i32>} : memref<64x128xf32, #tpu.memory_space<vmem>>, vector<16xf32>,
      %get3A_411 = arith.constant 16 : index
      %get3A_412 = tpu.vector_load %arg17[%get3A_411] {strides = array<i32>} : memref<160xf32, #tpu.memory_space<vmem>>, vector<16xf32>,
      %swap3A_413 = arith.index_cast %add3A_273 : i32 to index
      %swap3A_414 = arith.constant 16 : index
      %swap3A_415 = tpu.vector_load %arg20[%swap3A_413, %swap3A_414] {strides = array<i32>} : memref<64x128xf32, #tpu.memory_space<vmem>>, vector<16xf32>,
      tpu.vector_store %arg20[%swap3A_413, %swap3A_414], %get3A_412 {strides = array<i32>} : memref<64x128xf32, #tpu.memory_space<vmem>>, vector<16xf32>,
      %get3A_416 = arith.constant 32 : index
      %get3A_417 = tpu.vector_load %arg15[%get3A_416] {strides = array<i32>} : memref<160xi32, #tpu.memory_space<vmem>>, vector<16xi32>,
      %swap3A_418 = arith.index_cast %add3A_273 : i32 to index
      %swap3A_419 = arith.constant 32 : index
      %swap3A_420 = tpu.vector_load %arg18[%swap3A_418, %swap3A_419] {strides = array<i32>} : memref<64x128xi32, #tpu.memory_space<vmem>>, vector<16xi32>,
      tpu.vector_store %arg18[%swap3A_418, %swap3A_419], %get3A_417 {strides = array<i32>} : memref<64x128xi32, #tpu.memory_space<vmem>>, vector<16xi32>,
      %get3A_421 = arith.constant 32 : index
      %get3A_422 = tpu.vector_load %arg16[%get3A_421] {strides = array<i32>} : memref<160xf32, #tpu.memory_space<vmem>>, vector<16xf32>,
      %swap3A_423 = arith.index_cast %add3A_273 : i32 to index
      %swap3A_424 = arith.constant 32 : index
      %swap3A_425 = tpu.vector_load %arg19[%swap3A_423, %swap3A_424] {strides = array<i32>} : memref<64x128xf32, #tpu.memory_space<vmem>>, vector<16xf32>,
      tpu.vector_store %arg19[%swap3A_423, %swap3A_424], %get3A_422 {strides = array<i32>} : memref<64x128xf32, #tpu.memory_space<vmem>>, vector<16xf32>,
      %get3A_426 = arith.constant 32 : index
      %get3A_427 = tpu.vector_load %arg17[%get3A_426] {strides = array<i32>} : memref<160xf32, #tpu.memory_space<vmem>>, vector<16xf32>,
      %swap3A_428 = arith.index_cast %add3A_273 : i32 to index
      %swap3A_429 = arith.constant 32 : index
      %swap3A_430 = tpu.vector_load %arg20[%swap3A_428, %swap3A_429] {strides = array<i32>} : memref<64x128xf32, #tpu.memory_space<vmem>>, vector<16xf32>,
      tpu.vector_store %arg20[%swap3A_428, %swap3A_429], %get3A_427 {strides = array<i32>} : memref<64x128xf32, #tpu.memory_space<vmem>>, vector<16xf32>,
      %get3A_431 = arith.constant 48 : index
      %get3A_432 = tpu.vector_load %arg15[%get3A_431] {strides = array<i32>} : memref<160xi32, #tpu.memory_space<vmem>>, vector<16xi32>,
      %swap3A_433 = arith.index_cast %add3A_273 : i32 to index
      %swap3A_434 = arith.constant 48 : index
      %swap3A_435 = tpu.vector_load %arg18[%swap3A_433, %swap3A_434] {strides = array<i32>} : memref<64x128xi32, #tpu.memory_space<vmem>>, vector<16xi32>,
      tpu.vector_store %arg18[%swap3A_433, %swap3A_434], %get3A_432 {strides = array<i32>} : memref<64x128xi32, #tpu.memory_space<vmem>>, vector<16xi32>,
      %get3A_436 = arith.constant 48 : index
      %get3A_437 = tpu.vector_load %arg16[%get3A_436] {strides = array<i32>} : memref<160xf32, #tpu.memory_space<vmem>>, vector<16xf32>,
      %swap3A_438 = arith.index_cast %add3A_273 : i32 to index
      %swap3A_439 = arith.constant 48 : index
      %swap3A_440 = tpu.vector_load %arg19[%swap3A_438, %swap3A_439] {strides = array<i32>} : memref<64x128xf32, #tpu.memory_space<vmem>>, vector<16xf32>,
      tpu.vector_store %arg19[%swap3A_438, %swap3A_439], %get3A_437 {strides = array<i32>} : memref<64x128xf32, #tpu.memory_space<vmem>>, vector<16xf32>,
      %get3A_441 = arith.constant 48 : index
      %get3A_442 = tpu.vector_load %arg17[%get3A_441] {strides = array<i32>} : memref<160xf32, #tpu.memory_space<vmem>>, vector<16xf32>,
      %swap3A_443 = arith.index_cast %add3A_273 : i32 to index
      %swap3A_444 = arith.constant 48 : index
      %swap3A_445 = tpu.vector_load %arg20[%swap3A_443, %swap3A_444] {strides = array<i32>} : memref<64x128xf32, #tpu.memory_space<vmem>>, vector<16xf32>,
      tpu.vector_store %arg20[%swap3A_443, %swap3A_444], %get3A_442 {strides = array<i32>} : memref<64x128xf32, #tpu.memory_space<vmem>>, vector<16xf32>,
      %get3A_446 = arith.constant 64 : index
      %get3A_447 = tpu.vector_load %arg15[%get3A_446] {strides = array<i32>} : memref<160xi32, #tpu.memory_space<vmem>>, vector<16xi32>,
      %swap3A_448 = arith.index_cast %add3A_273 : i32 to index
      %swap3A_449 = arith.constant 64 : index
      %swap3A_450 = tpu.vector_load %arg18[%swap3A_448, %swap3A_449] {strides = array<i32>} : memref<64x128xi32, #tpu.memory_space<vmem>>, vector<16xi32>,
      tpu.vector_store %arg18[%swap3A_448, %swap3A_449], %get3A_447 {strides = array<i32>} : memref<64x128xi32, #tpu.memory_space<vmem>>, vector<16xi32>,
      %get3A_451 = arith.constant 64 : index
      %get3A_452 = tpu.vector_load %arg16[%get3A_451] {strides = array<i32>} : memref<160xf32, #tpu.memory_space<vmem>>, vector<16xf32>,
      %swap3A_453 = arith.index_cast %add3A_273 : i32 to index
      %swap3A_454 = arith.constant 64 : index
      %swap3A_455 = tpu.vector_load %arg19[%swap3A_453, %swap3A_454] {strides = array<i32>} : memref<64x128xf32, #tpu.memory_space<vmem>>, vector<16xf32>,
      tpu.vector_store %arg19[%swap3A_453, %swap3A_454], %get3A_452 {strides = array<i32>} : memref<64x128xf32, #tpu.memory_space<vmem>>, vector<16xf32>,
      %get3A_456 = arith.constant 64 : index
      %get3A_457 = tpu.vector_load %arg17[%get3A_456] {strides = array<i32>} : memref<160xf32, #tpu.memory_space<vmem>>, vector<16xf32>,
      %swap3A_458 = arith.index_cast %add3A_273 : i32 to index
      %swap3A_459 = arith.constant 64 : index
      %swap3A_460 = tpu.vector_load %arg20[%swap3A_458, %swap3A_459] {strides = array<i32>} : memref<64x128xf32, #tpu.memory_space<vmem>>, vector<16xf32>,
      tpu.vector_store %arg20[%swap3A_458, %swap3A_459], %get3A_457 {strides = array<i32>} : memref<64x128xf32, #tpu.memory_space<vmem>>, vector<16xf32>,
      %get3A_461 = arith.constant 80 : index
      %get3A_462 = tpu.vector_load %arg15[%get3A_461] {strides = array<i32>} : memref<160xi32, #tpu.memory_space<vmem>>, vector<16xi32>,
      %swap3A_463 = arith.index_cast %add3A_273 : i32 to index
      %swap3A_464 = arith.constant 80 : index
      %swap3A_465 = tpu.vector_load %arg18[%swap3A_463, %swap3A_464] {strides = array<i32>} : memref<64x128xi32, #tpu.memory_space<vmem>>, vector<16xi32>,
      tpu.vector_store %arg18[%swap3A_463, %swap3A_464], %get3A_462 {strides = array<i32>} : memref<64x128xi32, #tpu.memory_space<vmem>>, vector<16xi32>,
      %get3A_466 = arith.constant 80 : index
      %get3A_467 = tpu.vector_load %arg16[%get3A_466] {strides = array<i32>} : memref<160xf32, #tpu.memory_space<vmem>>, vector<16xf32>,
      %swap3A_468 = arith.index_cast %add3A_273 : i32 to index
      %swap3A_469 = arith.constant 80 : index
      %swap3A_470 = tpu.vector_load %arg19[%swap3A_468, %swap3A_469] {strides = array<i32>} : memref<64x128xf32, #tpu.memory_space<vmem>>, vector<16xf32>,
      tpu.vector_store %arg19[%swap3A_468, %swap3A_469], %get3A_467 {strides = array<i32>} : memref<64x128xf32, #tpu.memory_space<vmem>>, vector<16xf32>,
      %get3A_471 = arith.constant 80 : index
      %get3A_472 = tpu.vector_load %arg17[%get3A_471] {strides = array<i32>} : memref<160xf32, #tpu.memory_space<vmem>>, vector<16xf32>,
      %swap3A_473 = arith.index_cast %add3A_273 : i32 to index
      %swap3A_474 = arith.constant 80 : index
      %swap3A_475 = tpu.vector_load %arg20[%swap3A_473, %swap3A_474] {strides = array<i32>} : memref<64x128xf32, #tpu.memory_space<vmem>>, vector<16xf32>,
      tpu.vector_store %arg20[%swap3A_473, %swap3A_474], %get3A_472 {strides = array<i32>} : memref<64x128xf32, #tpu.memory_space<vmem>>, vector<16xf32>,
      %get3A_476 = arith.constant 96 : index
      %get3A_477 = tpu.vector_load %arg15[%get3A_476] {strides = array<i32>} : memref<160xi32, #tpu.memory_space<vmem>>, vector<16xi32>,
      %swap3A_478 = arith.index_cast %add3A_273 : i32 to index
      %swap3A_479 = arith.constant 96 : index
      %swap3A_480 = tpu.vector_load %arg18[%swap3A_478, %swap3A_479] {strides = array<i32>} : memref<64x128xi32, #tpu.memory_space<vmem>>, vector<16xi32>,
      tpu.vector_store %arg18[%swap3A_478, %swap3A_479], %get3A_477 {strides = array<i32>} : memref<64x128xi32, #tpu.memory_space<vmem>>, vector<16xi32>,
      %get3A_481 = arith.constant 96 : index
      %get3A_482 = tpu.vector_load %arg16[%get3A_481] {strides = array<i32>} : memref<160xf32, #tpu.memory_space<vmem>>, vector<16xf32>,
      %swap3A_483 = arith.index_cast %add3A_273 : i32 to index
      %swap3A_484 = arith.constant 96 : index
      %swap3A_485 = tpu.vector_load %arg19[%swap3A_483, %swap3A_484] {strides = array<i32>} : memref<64x128xf32, #tpu.memory_space<vmem>>, vector<16xf32>,
      tpu.vector_store %arg19[%swap3A_483, %swap3A_484], %get3A_482 {strides = array<i32>} : memref<64x128xf32, #tpu.memory_space<vmem>>, vector<16xf32>,
      %get3A_486 = arith.constant 96 : index
      %get3A_487 = tpu.vector_load %arg17[%get3A_486] {strides = array<i32>} : memref<160xf32, #tpu.memory_space<vmem>>, vector<16xf32>,
      %swap3A_488 = arith.index_cast %add3A_273 : i32 to index
      %swap3A_489 = arith.constant 96 : index
      %swap3A_490 = tpu.vector_load %arg20[%swap3A_488, %swap3A_489] {strides = array<i32>} : memref<64x128xf32, #tpu.memory_space<vmem>>, vector<16xf32>,
      tpu.vector_store %arg20[%swap3A_488, %swap3A_489], %get3A_487 {strides = array<i32>} : memref<64x128xf32, #tpu.memory_space<vmem>>, vector<16xf32>,
      %get3A_491 = arith.constant 112 : index
      %get3A_492 = tpu.vector_load %arg15[%get3A_491] {strides = array<i32>} : memref<160xi32, #tpu.memory_space<vmem>>, vector<16xi32>,
      %swap3A_493 = arith.index_cast %add3A_273 : i32 to index
      %swap3A_494 = arith.constant 112 : index
      %swap3A_495 = tpu.vector_load %arg18[%swap3A_493, %swap3A_494] {strides = array<i32>} : memref<64x128xi32, #tpu.memory_space<vmem>>, vector<16xi32>,
      tpu.vector_store %arg18[%swap3A_493, %swap3A_494], %get3A_492 {strides = array<i32>} : memref<64x128xi32, #tpu.memory_space<vmem>>, vector<16xi32>,
      %get3A_496 = arith.constant 112 : index
      %get3A_497 = tpu.vector_load %arg16[%get3A_496] {strides = array<i32>} : memref<160xf32, #tpu.memory_space<vmem>>, vector<16xf32>,
      %swap3A_498 = arith.index_cast %add3A_273 : i32 to index
      %swap3A_499 = arith.constant 112 : index
      %swap3A_500 = tpu.vector_load %arg19[%swap3A_498, %swap3A_499] {strides = array<i32>} : memref<64x128xf32, #tpu.memory_space<vmem>>, vector<16xf32>,
      tpu.vector_store %arg19[%swap3A_498, %swap3A_499], %get3A_497 {strides = array<i32>} : memref<64x128xf32, #tpu.memory_space<vmem>>, vector<16xf32>,
      %get3A_501 = arith.constant 112 : index
      %get3A_502 = tpu.vector_load %arg17[%get3A_501] {strides = array<i32>} : memref<160xf32, #tpu.memory_space<vmem>>, vector<16xf32>,
      %swap3A_503 = arith.index_cast %add3A_273 : i32 to index
      %swap3A_504 = arith.constant 112 : index
      %swap3A_505 = tpu.vector_load %arg20[%swap3A_503, %swap3A_504] {strides = array<i32>} : memref<64x128xf32, #tpu.memory_space<vmem>>, vector<16xf32>,
      tpu.vector_store %arg20[%swap3A_503, %swap3A_504], %get3A_502 {strides = array<i32>} : memref<64x128xf32, #tpu.memory_space<vmem>>, vector<16xf32>,
    }
    %scan3A_15 = arith.constant 32 : i32
    %dma_wait3A = arith.constant 0 : i32
    %dma_wait3A_16 = tpu.memref_slice %arg7[%mul3A_2, %dma_wait3A] : memref<2048x1024xf32, #tpu.memory_space<hbm>> -> memref<1x1024xf32, #tpu.memory_space<hbm>>
    %dma_wait3A_17 = tpu.memref_squeeze %dma_wait3A_16 : memref<1x1024xf32, #tpu.memory_space<hbm>> -> memref<1024xf32, #tpu.memory_space<hbm>>
    %dma_wait3A_18 = arith.constant 0 : i32
    %dma_wait3A_19 = tpu.memref_slice %arg7[%mul3A_2, %dma_wait3A_18] : memref<2048x1024xf32, #tpu.memory_space<hbm>> -> memref<1x1024xf32, #tpu.memory_space<hbm>>
    %dma_wait3A_20 = tpu.memref_squeeze %dma_wait3A_19 : memref<1x1024xf32, #tpu.memory_space<hbm>> -> memref<1024xf32, #tpu.memory_space<hbm>>
    tpu.wait_dma2 semaphore(%arg30 : memref<!tpu.dma_semaphore, #tpu.memory_space<semaphore_mem>>) src(%dma_wait3A_20 : memref<1024xf32, #tpu.memory_space<hbm>>) dst(%arg22 : memref<1024xf32, #tpu.memory_space<vmem>>)
    "tpu.region"() ({
      %run_scoped3A = tpu.sem_alloc : memref<!tpu.dma_semaphore, #tpu.memory_space<semaphore_mem>>
      %dma_start3A_39 = arith.constant 0 : i32
      %dma_start3A_40 = tpu.memref_slice %arg8[%mul3A_2, %dma_start3A_39] : memref<2048x128xf32, #tpu.memory_space<hbm>> -> memref<64x128xf32, #tpu.memory_space<hbm>>
      %dma_start3A_41 = arith.constant 0 : i32
      %dma_start3A_42 = tpu.memref_slice %arg8[%mul3A_2, %dma_start3A_41] : memref<2048x128xf32, #tpu.memory_space<hbm>> -> memref<64x128xf32, #tpu.memory_space<hbm>>
      tpu.enqueue_dma source(%arg19 : memref<64x128xf32, #tpu.memory_space<vmem>>) target(%dma_start3A_42 : memref<64x128xf32, #tpu.memory_space<hbm>>) target_semaphore(%run_scoped3A : memref<!tpu.dma_semaphore, #tpu.memory_space<semaphore_mem>>)
      %dma_wait3A_43 = arith.constant 0 : i32
      %dma_wait3A_44 = tpu.memref_slice %arg8[%mul3A_2, %dma_wait3A_43] : memref<2048x128xf32, #tpu.memory_space<hbm>> -> memref<64x128xf32, #tpu.memory_space<hbm>>
      %dma_wait3A_45 = arith.constant 0 : i32
      %dma_wait3A_46 = tpu.memref_slice %arg8[%mul3A_2, %dma_wait3A_45] : memref<2048x128xf32, #tpu.memory_space<hbm>> -> memref<64x128xf32, #tpu.memory_space<hbm>>
      tpu.wait_dma2 semaphore(%run_scoped3A : memref<!tpu.dma_semaphore, #tpu.memory_space<semaphore_mem>>) src(%arg19 : memref<64x128xf32, #tpu.memory_space<vmem>>) dst(%dma_wait3A_46 : memref<64x128xf32, #tpu.memory_space<hbm>>)
      tpu.yield
    }) : () -> ()
    "tpu.region"() ({
      %run_scoped3A = tpu.sem_alloc : memref<!tpu.dma_semaphore, #tpu.memory_space<semaphore_mem>>
      %dma_start3A_39 = arith.constant 0 : i32
      %dma_start3A_40 = tpu.memref_slice %arg9[%mul3A_2, %dma_start3A_39] : memref<2048x128xf32, #tpu.memory_space<hbm>> -> memref<64x128xf32, #tpu.memory_space<hbm>>
      %dma_start3A_41 = arith.constant 0 : i32
      %dma_start3A_42 = tpu.memref_slice %arg9[%mul3A_2, %dma_start3A_41] : memref<2048x128xf32, #tpu.memory_space<hbm>> -> memref<64x128xf32, #tpu.memory_space<hbm>>
      tpu.enqueue_dma source(%arg20 : memref<64x128xf32, #tpu.memory_space<vmem>>) target(%dma_start3A_42 : memref<64x128xf32, #tpu.memory_space<hbm>>) target_semaphore(%run_scoped3A : memref<!tpu.dma_semaphore, #tpu.memory_space<semaphore_mem>>)
      %dma_wait3A_43 = arith.constant 0 : i32
      %dma_wait3A_44 = tpu.memref_slice %arg9[%mul3A_2, %dma_wait3A_43] : memref<2048x128xf32, #tpu.memory_space<hbm>> -> memref<64x128xf32, #tpu.memory_space<hbm>>
      %dma_wait3A_45 = arith.constant 0 : i32
      %dma_wait3A_46 = tpu.memref_slice %arg9[%mul3A_2, %dma_wait3A_45] : memref<2048x128xf32, #tpu.memory_space<hbm>> -> memref<64x128xf32, #tpu.memory_space<hbm>>
      tpu.wait_dma2 semaphore(%run_scoped3A : memref<!tpu.dma_semaphore, #tpu.memory_space<semaphore_mem>>) src(%arg20 : memref<64x128xf32, #tpu.memory_space<vmem>>) dst(%dma_wait3A_46 : memref<64x128xf32, #tpu.memory_space<hbm>>)
      tpu.yield
    }) : () -> ()
    %scan3A_21 = arith.constant 0 : i32
    %scan3A_22 = arith.constant 0 : i32
    %scan3A_23 = arith.constant 32 : i32
    %scan3A_24 = arith.addi %scan3A_22, %scan3A_23 : i32
    %scan3A_25 = arith.constant 1 : i32
    scf.for %scan3A_39 = %scan3A_22 to %scan3A_24 step %scan3A_25  : i32 {
      %mul3A_40 = arith.constant 2 : i32
      %mul3A_41 = arith.muli %mul3A_40, %scan3A_39 : i32
      %add3A_42 = arith.constant 0 : i32
      %add3A_43 = arith.addi %mul3A_41, %add3A_42 : i32
      %add3A_44 = arith.addi %mul3A_2, %add3A_43 : i32
      %gt3A = arith.constant 0 : i32
      %gt3A_45 = arith.cmpi sgt, %scan3A_39, %gt3A : i32
      %convert_element_type3A = arith.extui %gt3A_45 : i1 to i32
      %cond3A = arith.constant 0 : i32
      %cond3A_46 = arith.cmpi ne, %convert_element_type3A, %cond3A : i32
      scf.if %cond3A_46 {
        %dma_wait3A_204 = arith.constant 0 : i32
        %dma_wait3A_205 = arith.constant 0 : i32
        %dma_wait3A_206 = tpu.memref_slice %arg10[%dma_wait3A_204, %dma_wait3A_205] : memref<262144x256xf32, #tpu.memory_space<hbm>> -> memref<128x256xf32, #tpu.memory_space<hbm>>
        %dma_wait3A_207 = arith.constant 0 : i32
        %dma_wait3A_208 = arith.constant 0 : i32
        %dma_wait3A_209 = tpu.memref_slice %arg10[%dma_wait3A_207, %dma_wait3A_208] : memref<262144x256xf32, #tpu.memory_space<hbm>> -> memref<128x256xf32, #tpu.memory_space<hbm>>
        tpu.wait_dma2 semaphore(%arg28 : memref<!tpu.dma_semaphore, #tpu.memory_space<semaphore_mem>>) src(%arg25 : memref<128x256xf32, #tpu.memory_space<vmem>>) dst(%dma_wait3A_209 : memref<128x256xf32, #tpu.memory_space<hbm>>)
      } else {
      }
      %mul3A_47 = arith.constant 16 : i32
      %mul3A_48 = arith.muli %add3A_43, %mul3A_47 : i32
      %get3A = arith.index_cast %mul3A_48 : i32 to index
      %get3A_49 = tpu.vector_load %arg21[%get3A] {strides = array<i32>} : memref<1024xi32, #tpu.memory_space<vmem>>, vector<16xi32>,
      %slice3A = vector.extract_strided_slice %get3A_49 {offsets = [0], sizes = [1], strides = [1]} : vector<16xi32> to vector<1xi32>
      %squeeze3A = vector.extract %slice3A[0] : i32 from vector<1xi32>
      %add3A_50 = arith.constant 15 : i32
      %add3A_51 = arith.addi %squeeze3A, %add3A_50 : i32
      %jit3A = arith.constant 16 : i32
      %div3A = arith.divsi %add3A_51, %jit3A : i32
      %sign3A = arith.constant 0 : i32
      %sign3A_52 = arith.cmpi sgt, %add3A_51, %sign3A : i32
      %sign3A_53 = arith.extui %sign3A_52 : i1 to i32
      %sign3A_54 = arith.constant 0 : i32
      %sign3A_55 = arith.cmpi slt, %add3A_51, %sign3A_54 : i32
      %sign3A_56 = arith.extui %sign3A_55 : i1 to i32
      %sign3A_57 = arith.subi %sign3A_53, %sign3A_56 : i32
      %sign3A_58 = arith.constant 0 : i32
      %sign3A_59 = arith.cmpi sgt, %jit3A, %sign3A_58 : i32
      %sign3A_60 = arith.extui %sign3A_59 : i1 to i32
      %sign3A_61 = arith.constant 0 : i32
      %sign3A_62 = arith.cmpi slt, %jit3A, %sign3A_61 : i32
      %sign3A_63 = arith.extui %sign3A_62 : i1 to i32
      %sign3A_64 = arith.subi %sign3A_60, %sign3A_63 : i32
      %ne3A = arith.cmpi ne, %sign3A_57, %sign3A_64 : i32
      %rem3A = arith.remsi %add3A_51, %jit3A : i32
      %ne3A_65 = arith.constant 0 : i32
      %ne3A_66 = arith.cmpi ne, %rem3A, %ne3A_65 : i32
      %and3A = arith.andi %ne3A, %ne3A_66 : i1
      %sub3A = arith.constant 1 : i32
      %sub3A_67 = arith.subi %div3A, %sub3A : i32
      %select_n3A = arith.select %and3A, %sub3A_67, %div3A : i32
      %min3A = arith.constant 8 : i32
      %min3A_68 = arith.minsi %select_n3A, %min3A : i32
      %eq3A = arith.constant 1 : i32
      %eq3A_69 = arith.cmpi eq, %min3A_68, %eq3A : i32
      %convert_element_type3A_70 = arith.extui %eq3A_69 : i1 to i32
      %cond3A_71 = arith.constant 0 : i32
      %cond3A_72 = arith.cmpi ne, %convert_element_type3A_70, %cond3A_71 : i32
      scf.if %cond3A_72 {
        %dma_start3A_204 = arith.constant 0 : i32
        %dma_start3A_205 = arith.constant 0 : i32
        %dma_start3A_206 = tpu.memref_slice %arg25[%dma_start3A_204, %dma_start3A_205] : memref<128x256xf32, #tpu.memory_space<vmem>> -> memref<16x256xf32, #tpu.memory_space<vmem>>
        %dma_start3A_207 = arith.constant 0 : i32
        %dma_start3A_208 = tpu.memref_slice %arg18[%add3A_43, %dma_start3A_207] : memref<64x128xi32, #tpu.memory_space<vmem>> -> memref<1x16xi32, #tpu.memory_space<vmem>>
        %dma_start3A_209 = tpu.memref_squeeze %dma_start3A_208 : memref<1x16xi32, #tpu.memory_space<vmem>> -> memref<16xi32, #tpu.memory_space<vmem>>
        %dma_start3A_210 = arith.constant 0 : i32
        %dma_start3A_211 = arith.constant 0 : i32
        %dma_start3A_212 = tpu.memref_slice %arg6[%dma_start3A_210, %dma_start3A_211] : memref<16384x256xf32, #tpu.memory_space<hbm>> -> memref<16384x256xf32, #tpu.memory_space<hbm>>
        tpu.enqueue_indirect_dma source(%dma_start3A_212 : memref<16384x256xf32, #tpu.memory_space<hbm>>) target(%dma_start3A_206 : memref<16x256xf32, #tpu.memory_space<vmem>>) offsets(%dma_start3A_209 : memref<16xi32, #tpu.memory_space<vmem>>) semaphore(%arg27 : memref<!tpu.dma_semaphore, #tpu.memory_space<semaphore_mem>>)
        %dma_wait3A_213 = arith.constant 0 : i32
        %dma_wait3A_214 = arith.constant 0 : i32
        %dma_wait3A_215 = tpu.memref_slice %arg25[%dma_wait3A_213, %dma_wait3A_214] : memref<128x256xf32, #tpu.memory_space<vmem>> -> memref<16x256xf32, #tpu.memory_space<vmem>>
        %dma_wait3A_216 = arith.constant 0 : i32
        %dma_wait3A_217 = tpu.memref_slice %arg18[%add3A_43, %dma_wait3A_216] : memref<64x128xi32, #tpu.memory_space<vmem>> -> memref<1x16xi32, #tpu.memory_space<vmem>>
        %dma_wait3A_218 = tpu.memref_squeeze %dma_wait3A_217 : memref<1x16xi32, #tpu.memory_space<vmem>> -> memref<16xi32, #tpu.memory_space<vmem>>
        %dma_wait3A_219 = arith.constant 0 : i32
        %dma_wait3A_220 = arith.constant 0 : i32
        %dma_wait3A_221 = tpu.memref_slice %arg6[%dma_wait3A_219, %dma_wait3A_220] : memref<16384x256xf32, #tpu.memory_space<hbm>> -> memref<16384x256xf32, #tpu.memory_space<hbm>>
        tpu.wait_indirect_dma semaphore(%arg27 : memref<!tpu.dma_semaphore, #tpu.memory_space<semaphore_mem>>) src(%dma_wait3A_221 : memref<16384x256xf32, #tpu.memory_space<hbm>>) dst(%dma_wait3A_215 : memref<16x256xf32, #tpu.memory_space<vmem>>)
      } else {
      }
      %eq3A_73 = arith.constant 2 : i32
      %eq3A_74 = arith.cmpi eq, %min3A_68, %eq3A_73 : i32
      %convert_element_type3A_75 = arith.extui %eq3A_74 : i1 to i32
      %cond3A_76 = arith.constant 0 : i32
      %cond3A_77 = arith.cmpi ne, %convert_element_type3A_75, %cond3A_76 : i32
      scf.if %cond3A_77 {
        %dma_start3A_204 = arith.constant 0 : i32
        %dma_start3A_205 = arith.constant 0 : i32
        %dma_start3A_206 = tpu.memref_slice %arg25[%dma_start3A_204, %dma_start3A_205] : memref<128x256xf32, #tpu.memory_space<vmem>> -> memref<32x256xf32, #tpu.memory_space<vmem>>
        %dma_start3A_207 = arith.constant 0 : i32
        %dma_start3A_208 = tpu.memref_slice %arg18[%add3A_43, %dma_start3A_207] : memref<64x128xi32, #tpu.memory_space<vmem>> -> memref<1x32xi32, #tpu.memory_space<vmem>>
        %dma_start3A_209 = tpu.memref_squeeze %dma_start3A_208 : memref<1x32xi32, #tpu.memory_space<vmem>> -> memref<32xi32, #tpu.memory_space<vmem>>
        %dma_start3A_210 = arith.constant 0 : i32
        %dma_start3A_211 = arith.constant 0 : i32
        %dma_start3A_212 = tpu.memref_slice %arg6[%dma_start3A_210, %dma_start3A_211] : memref<16384x256xf32, #tpu.memory_space<hbm>> -> memref<16384x256xf32, #tpu.memory_space<hbm>>
        tpu.enqueue_indirect_dma source(%dma_start3A_212 : memref<16384x256xf32, #tpu.memory_space<hbm>>) target(%dma_start3A_206 : memref<32x256xf32, #tpu.memory_space<vmem>>) offsets(%dma_start3A_209 : memref<32xi32, #tpu.memory_space<vmem>>) semaphore(%arg27 : memref<!tpu.dma_semaphore, #tpu.memory_space<semaphore_mem>>)
        %dma_wait3A_213 = arith.constant 0 : i32
        %dma_wait3A_214 = arith.constant 0 : i32
        %dma_wait3A_215 = tpu.memref_slice %arg25[%dma_wait3A_213, %dma_wait3A_214] : memref<128x256xf32, #tpu.memory_space<vmem>> -> memref<32x256xf32, #tpu.memory_space<vmem>>
        %dma_wait3A_216 = arith.constant 0 : i32
        %dma_wait3A_217 = tpu.memref_slice %arg18[%add3A_43, %dma_wait3A_216] : memref<64x128xi32, #tpu.memory_space<vmem>> -> memref<1x32xi32, #tpu.memory_space<vmem>>
        %dma_wait3A_218 = tpu.memref_squeeze %dma_wait3A_217 : memref<1x32xi32, #tpu.memory_space<vmem>> -> memref<32xi32, #tpu.memory_space<vmem>>
        %dma_wait3A_219 = arith.constant 0 : i32
        %dma_wait3A_220 = arith.constant 0 : i32
        %dma_wait3A_221 = tpu.memref_slice %arg6[%dma_wait3A_219, %dma_wait3A_220] : memref<16384x256xf32, #tpu.memory_space<hbm>> -> memref<16384x256xf32, #tpu.memory_space<hbm>>
        tpu.wait_indirect_dma semaphore(%arg27 : memref<!tpu.dma_semaphore, #tpu.memory_space<semaphore_mem>>) src(%dma_wait3A_221 : memref<16384x256xf32, #tpu.memory_space<hbm>>) dst(%dma_wait3A_215 : memref<32x256xf32, #tpu.memory_space<vmem>>)
      } else {
      }
      %eq3A_78 = arith.constant 3 : i32
      %eq3A_79 = arith.cmpi eq, %min3A_68, %eq3A_78 : i32
      %convert_element_type3A_80 = arith.extui %eq3A_79 : i1 to i32
      %cond3A_81 = arith.constant 0 : i32
      %cond3A_82 = arith.cmpi ne, %convert_element_type3A_80, %cond3A_81 : i32
      scf.if %cond3A_82 {
        %dma_start3A_204 = arith.constant 0 : i32
        %dma_start3A_205 = arith.constant 0 : i32
        %dma_start3A_206 = tpu.memref_slice %arg25[%dma_start3A_204, %dma_start3A_205] : memref<128x256xf32, #tpu.memory_space<vmem>> -> memref<48x256xf32, #tpu.memory_space<vmem>>
        %dma_start3A_207 = arith.constant 0 : i32
        %dma_start3A_208 = tpu.memref_slice %arg18[%add3A_43, %dma_start3A_207] : memref<64x128xi32, #tpu.memory_space<vmem>> -> memref<1x48xi32, #tpu.memory_space<vmem>>
        %dma_start3A_209 = tpu.memref_squeeze %dma_start3A_208 : memref<1x48xi32, #tpu.memory_space<vmem>> -> memref<48xi32, #tpu.memory_space<vmem>>
        %dma_start3A_210 = arith.constant 0 : i32
        %dma_start3A_211 = arith.constant 0 : i32
        %dma_start3A_212 = tpu.memref_slice %arg6[%dma_start3A_210, %dma_start3A_211] : memref<16384x256xf32, #tpu.memory_space<hbm>> -> memref<16384x256xf32, #tpu.memory_space<hbm>>
        tpu.enqueue_indirect_dma source(%dma_start3A_212 : memref<16384x256xf32, #tpu.memory_space<hbm>>) target(%dma_start3A_206 : memref<48x256xf32, #tpu.memory_space<vmem>>) offsets(%dma_start3A_209 : memref<48xi32, #tpu.memory_space<vmem>>) semaphore(%arg27 : memref<!tpu.dma_semaphore, #tpu.memory_space<semaphore_mem>>)
        %dma_wait3A_213 = arith.constant 0 : i32
        %dma_wait3A_214 = arith.constant 0 : i32
        %dma_wait3A_215 = tpu.memref_slice %arg25[%dma_wait3A_213, %dma_wait3A_214] : memref<128x256xf32, #tpu.memory_space<vmem>> -> memref<48x256xf32, #tpu.memory_space<vmem>>
        %dma_wait3A_216 = arith.constant 0 : i32
        %dma_wait3A_217 = tpu.memref_slice %arg18[%add3A_43, %dma_wait3A_216] : memref<64x128xi32, #tpu.memory_space<vmem>> -> memref<1x48xi32, #tpu.memory_space<vmem>>
        %dma_wait3A_218 = tpu.memref_squeeze %dma_wait3A_217 : memref<1x48xi32, #tpu.memory_space<vmem>> -> memref<48xi32, #tpu.memory_space<vmem>>
        %dma_wait3A_219 = arith.constant 0 : i32
        %dma_wait3A_220 = arith.constant 0 : i32
        %dma_wait3A_221 = tpu.memref_slice %arg6[%dma_wait3A_219, %dma_wait3A_220] : memref<16384x256xf32, #tpu.memory_space<hbm>> -> memref<16384x256xf32, #tpu.memory_space<hbm>>
        tpu.wait_indirect_dma semaphore(%arg27 : memref<!tpu.dma_semaphore, #tpu.memory_space<semaphore_mem>>) src(%dma_wait3A_221 : memref<16384x256xf32, #tpu.memory_space<hbm>>) dst(%dma_wait3A_215 : memref<48x256xf32, #tpu.memory_space<vmem>>)
      } else {
      }
      %eq3A_83 = arith.constant 4 : i32
      %eq3A_84 = arith.cmpi eq, %min3A_68, %eq3A_83 : i32
      %convert_element_type3A_85 = arith.extui %eq3A_84 : i1 to i32
      %cond3A_86 = arith.constant 0 : i32
      %cond3A_87 = arith.cmpi ne, %convert_element_type3A_85, %cond3A_86 : i32
      scf.if %cond3A_87 {
        %dma_start3A_204 = arith.constant 0 : i32
        %dma_start3A_205 = arith.constant 0 : i32
        %dma_start3A_206 = tpu.memref_slice %arg25[%dma_start3A_204, %dma_start3A_205] : memref<128x256xf32, #tpu.memory_space<vmem>> -> memref<64x256xf32, #tpu.memory_space<vmem>>
        %dma_start3A_207 = arith.constant 0 : i32
        %dma_start3A_208 = tpu.memref_slice %arg18[%add3A_43, %dma_start3A_207] : memref<64x128xi32, #tpu.memory_space<vmem>> -> memref<1x64xi32, #tpu.memory_space<vmem>>
        %dma_start3A_209 = tpu.memref_squeeze %dma_start3A_208 : memref<1x64xi32, #tpu.memory_space<vmem>> -> memref<64xi32, #tpu.memory_space<vmem>>
        %dma_start3A_210 = arith.constant 0 : i32
        %dma_start3A_211 = arith.constant 0 : i32
        %dma_start3A_212 = tpu.memref_slice %arg6[%dma_start3A_210, %dma_start3A_211] : memref<16384x256xf32, #tpu.memory_space<hbm>> -> memref<16384x256xf32, #tpu.memory_space<hbm>>
        tpu.enqueue_indirect_dma source(%dma_start3A_212 : memref<16384x256xf32, #tpu.memory_space<hbm>>) target(%dma_start3A_206 : memref<64x256xf32, #tpu.memory_space<vmem>>) offsets(%dma_start3A_209 : memref<64xi32, #tpu.memory_space<vmem>>) semaphore(%arg27 : memref<!tpu.dma_semaphore, #tpu.memory_space<semaphore_mem>>)
        %dma_wait3A_213 = arith.constant 0 : i32
        %dma_wait3A_214 = arith.constant 0 : i32
        %dma_wait3A_215 = tpu.memref_slice %arg25[%dma_wait3A_213, %dma_wait3A_214] : memref<128x256xf32, #tpu.memory_space<vmem>> -> memref<64x256xf32, #tpu.memory_space<vmem>>
        %dma_wait3A_216 = arith.constant 0 : i32
        %dma_wait3A_217 = tpu.memref_slice %arg18[%add3A_43, %dma_wait3A_216] : memref<64x128xi32, #tpu.memory_space<vmem>> -> memref<1x64xi32, #tpu.memory_space<vmem>>
        %dma_wait3A_218 = tpu.memref_squeeze %dma_wait3A_217 : memref<1x64xi32, #tpu.memory_space<vmem>> -> memref<64xi32, #tpu.memory_space<vmem>>
        %dma_wait3A_219 = arith.constant 0 : i32
        %dma_wait3A_220 = arith.constant 0 : i32
        %dma_wait3A_221 = tpu.memref_slice %arg6[%dma_wait3A_219, %dma_wait3A_220] : memref<16384x256xf32, #tpu.memory_space<hbm>> -> memref<16384x256xf32, #tpu.memory_space<hbm>>
        tpu.wait_indirect_dma semaphore(%arg27 : memref<!tpu.dma_semaphore, #tpu.memory_space<semaphore_mem>>) src(%dma_wait3A_221 : memref<16384x256xf32, #tpu.memory_space<hbm>>) dst(%dma_wait3A_215 : memref<64x256xf32, #tpu.memory_space<vmem>>)
      } else {
      }
      %eq3A_88 = arith.constant 5 : i32
      %eq3A_89 = arith.cmpi eq, %min3A_68, %eq3A_88 : i32
      %convert_element_type3A_90 = arith.extui %eq3A_89 : i1 to i32
      %cond3A_91 = arith.constant 0 : i32
      %cond3A_92 = arith.cmpi ne, %convert_element_type3A_90, %cond3A_91 : i32
      scf.if %cond3A_92 {
        %dma_start3A_204 = arith.constant 0 : i32
        %dma_start3A_205 = arith.constant 0 : i32
        %dma_start3A_206 = tpu.memref_slice %arg25[%dma_start3A_204, %dma_start3A_205] : memref<128x256xf32, #tpu.memory_space<vmem>> -> memref<80x256xf32, #tpu.memory_space<vmem>>
        %dma_start3A_207 = arith.constant 0 : i32
        %dma_start3A_208 = tpu.memref_slice %arg18[%add3A_43, %dma_start3A_207] : memref<64x128xi32, #tpu.memory_space<vmem>> -> memref<1x80xi32, #tpu.memory_space<vmem>>
        %dma_start3A_209 = tpu.memref_squeeze %dma_start3A_208 : memref<1x80xi32, #tpu.memory_space<vmem>> -> memref<80xi32, #tpu.memory_space<vmem>>
        %dma_start3A_210 = arith.constant 0 : i32
        %dma_start3A_211 = arith.constant 0 : i32
        %dma_start3A_212 = tpu.memref_slice %arg6[%dma_start3A_210, %dma_start3A_211] : memref<16384x256xf32, #tpu.memory_space<hbm>> -> memref<16384x256xf32, #tpu.memory_space<hbm>>
        tpu.enqueue_indirect_dma source(%dma_start3A_212 : memref<16384x256xf32, #tpu.memory_space<hbm>>) target(%dma_start3A_206 : memref<80x256xf32, #tpu.memory_space<vmem>>) offsets(%dma_start3A_209 : memref<80xi32, #tpu.memory_space<vmem>>) semaphore(%arg27 : memref<!tpu.dma_semaphore, #tpu.memory_space<semaphore_mem>>)
        %dma_wait3A_213 = arith.constant 0 : i32
        %dma_wait3A_214 = arith.constant 0 : i32
        %dma_wait3A_215 = tpu.memref_slice %arg25[%dma_wait3A_213, %dma_wait3A_214] : memref<128x256xf32, #tpu.memory_space<vmem>> -> memref<80x256xf32, #tpu.memory_space<vmem>>
        %dma_wait3A_216 = arith.constant 0 : i32
        %dma_wait3A_217 = tpu.memref_slice %arg18[%add3A_43, %dma_wait3A_216] : memref<64x128xi32, #tpu.memory_space<vmem>> -> memref<1x80xi32, #tpu.memory_space<vmem>>
        %dma_wait3A_218 = tpu.memref_squeeze %dma_wait3A_217 : memref<1x80xi32, #tpu.memory_space<vmem>> -> memref<80xi32, #tpu.memory_space<vmem>>
        %dma_wait3A_219 = arith.constant 0 : i32
        %dma_wait3A_220 = arith.constant 0 : i32
        %dma_wait3A_221 = tpu.memref_slice %arg6[%dma_wait3A_219, %dma_wait3A_220] : memref<16384x256xf32, #tpu.memory_space<hbm>> -> memref<16384x256xf32, #tpu.memory_space<hbm>>
        tpu.wait_indirect_dma semaphore(%arg27 : memref<!tpu.dma_semaphore, #tpu.memory_space<semaphore_mem>>) src(%dma_wait3A_221 : memref<16384x256xf32, #tpu.memory_space<hbm>>) dst(%dma_wait3A_215 : memref<80x256xf32, #tpu.memory_space<vmem>>)
      } else {
      }
      %eq3A_93 = arith.constant 6 : i32
      %eq3A_94 = arith.cmpi eq, %min3A_68, %eq3A_93 : i32
      %convert_element_type3A_95 = arith.extui %eq3A_94 : i1 to i32
      %cond3A_96 = arith.constant 0 : i32
      %cond3A_97 = arith.cmpi ne, %convert_element_type3A_95, %cond3A_96 : i32
      scf.if %cond3A_97 {
        %dma_start3A_204 = arith.constant 0 : i32
        %dma_start3A_205 = arith.constant 0 : i32
        %dma_start3A_206 = tpu.memref_slice %arg25[%dma_start3A_204, %dma_start3A_205] : memref<128x256xf32, #tpu.memory_space<vmem>> -> memref<96x256xf32, #tpu.memory_space<vmem>>
        %dma_start3A_207 = arith.constant 0 : i32
        %dma_start3A_208 = tpu.memref_slice %arg18[%add3A_43, %dma_start3A_207] : memref<64x128xi32, #tpu.memory_space<vmem>> -> memref<1x96xi32, #tpu.memory_space<vmem>>
        %dma_start3A_209 = tpu.memref_squeeze %dma_start3A_208 : memref<1x96xi32, #tpu.memory_space<vmem>> -> memref<96xi32, #tpu.memory_space<vmem>>
        %dma_start3A_210 = arith.constant 0 : i32
        %dma_start3A_211 = arith.constant 0 : i32
        %dma_start3A_212 = tpu.memref_slice %arg6[%dma_start3A_210, %dma_start3A_211] : memref<16384x256xf32, #tpu.memory_space<hbm>> -> memref<16384x256xf32, #tpu.memory_space<hbm>>
        tpu.enqueue_indirect_dma source(%dma_start3A_212 : memref<16384x256xf32, #tpu.memory_space<hbm>>) target(%dma_start3A_206 : memref<96x256xf32, #tpu.memory_space<vmem>>) offsets(%dma_start3A_209 : memref<96xi32, #tpu.memory_space<vmem>>) semaphore(%arg27 : memref<!tpu.dma_semaphore, #tpu.memory_space<semaphore_mem>>)
        %dma_wait3A_213 = arith.constant 0 : i32
        %dma_wait3A_214 = arith.constant 0 : i32
        %dma_wait3A_215 = tpu.memref_slice %arg25[%dma_wait3A_213, %dma_wait3A_214] : memref<128x256xf32, #tpu.memory_space<vmem>> -> memref<96x256xf32, #tpu.memory_space<vmem>>
        %dma_wait3A_216 = arith.constant 0 : i32
        %dma_wait3A_217 = tpu.memref_slice %arg18[%add3A_43, %dma_wait3A_216] : memref<64x128xi32, #tpu.memory_space<vmem>> -> memref<1x96xi32, #tpu.memory_space<vmem>>
        %dma_wait3A_218 = tpu.memref_squeeze %dma_wait3A_217 : memref<1x96xi32, #tpu.memory_space<vmem>> -> memref<96xi32, #tpu.memory_space<vmem>>
        %dma_wait3A_219 = arith.constant 0 : i32
        %dma_wait3A_220 = arith.constant 0 : i32
        %dma_wait3A_221 = tpu.memref_slice %arg6[%dma_wait3A_219, %dma_wait3A_220] : memref<16384x256xf32, #tpu.memory_space<hbm>> -> memref<16384x256xf32, #tpu.memory_space<hbm>>
        tpu.wait_indirect_dma semaphore(%arg27 : memref<!tpu.dma_semaphore, #tpu.memory_space<semaphore_mem>>) src(%dma_wait3A_221 : memref<16384x256xf32, #tpu.memory_space<hbm>>) dst(%dma_wait3A_215 : memref<96x256xf32, #tpu.memory_space<vmem>>)
      } else {
      }
      %eq3A_98 = arith.constant 7 : i32
      %eq3A_99 = arith.cmpi eq, %min3A_68, %eq3A_98 : i32
      %convert_element_type3A_100 = arith.extui %eq3A_99 : i1 to i32
      %cond3A_101 = arith.constant 0 : i32
      %cond3A_102 = arith.cmpi ne, %convert_element_type3A_100, %cond3A_101 : i32
      scf.if %cond3A_102 {
        %dma_start3A_204 = arith.constant 0 : i32
        %dma_start3A_205 = arith.constant 0 : i32
        %dma_start3A_206 = tpu.memref_slice %arg25[%dma_start3A_204, %dma_start3A_205] : memref<128x256xf32, #tpu.memory_space<vmem>> -> memref<112x256xf32, #tpu.memory_space<vmem>>
        %dma_start3A_207 = arith.constant 0 : i32
        %dma_start3A_208 = tpu.memref_slice %arg18[%add3A_43, %dma_start3A_207] : memref<64x128xi32, #tpu.memory_space<vmem>> -> memref<1x112xi32, #tpu.memory_space<vmem>>
        %dma_start3A_209 = tpu.memref_squeeze %dma_start3A_208 : memref<1x112xi32, #tpu.memory_space<vmem>> -> memref<112xi32, #tpu.memory_space<vmem>>
        %dma_start3A_210 = arith.constant 0 : i32
        %dma_start3A_211 = arith.constant 0 : i32
        %dma_start3A_212 = tpu.memref_slice %arg6[%dma_start3A_210, %dma_start3A_211] : memref<16384x256xf32, #tpu.memory_space<hbm>> -> memref<16384x256xf32, #tpu.memory_space<hbm>>
        tpu.enqueue_indirect_dma source(%dma_start3A_212 : memref<16384x256xf32, #tpu.memory_space<hbm>>) target(%dma_start3A_206 : memref<112x256xf32, #tpu.memory_space<vmem>>) offsets(%dma_start3A_209 : memref<112xi32, #tpu.memory_space<vmem>>) semaphore(%arg27 : memref<!tpu.dma_semaphore, #tpu.memory_space<semaphore_mem>>)
        %dma_wait3A_213 = arith.constant 0 : i32
        %dma_wait3A_214 = arith.constant 0 : i32
        %dma_wait3A_215 = tpu.memref_slice %arg25[%dma_wait3A_213, %dma_wait3A_214] : memref<128x256xf32, #tpu.memory_space<vmem>> -> memref<112x256xf32, #tpu.memory_space<vmem>>
        %dma_wait3A_216 = arith.constant 0 : i32
        %dma_wait3A_217 = tpu.memref_slice %arg18[%add3A_43, %dma_wait3A_216] : memref<64x128xi32, #tpu.memory_space<vmem>> -> memref<1x112xi32, #tpu.memory_space<vmem>>
        %dma_wait3A_218 = tpu.memref_squeeze %dma_wait3A_217 : memref<1x112xi32, #tpu.memory_space<vmem>> -> memref<112xi32, #tpu.memory_space<vmem>>
        %dma_wait3A_219 = arith.constant 0 : i32
        %dma_wait3A_220 = arith.constant 0 : i32
        %dma_wait3A_221 = tpu.memref_slice %arg6[%dma_wait3A_219, %dma_wait3A_220] : memref<16384x256xf32, #tpu.memory_space<hbm>> -> memref<16384x256xf32, #tpu.memory_space<hbm>>
        tpu.wait_indirect_dma semaphore(%arg27 : memref<!tpu.dma_semaphore, #tpu.memory_space<semaphore_mem>>) src(%dma_wait3A_221 : memref<16384x256xf32, #tpu.memory_space<hbm>>) dst(%dma_wait3A_215 : memref<112x256xf32, #tpu.memory_space<vmem>>)
      } else {
      }
      %eq3A_103 = arith.constant 8 : i32
      %eq3A_104 = arith.cmpi eq, %min3A_68, %eq3A_103 : i32
      %convert_element_type3A_105 = arith.extui %eq3A_104 : i1 to i32
      %cond3A_106 = arith.constant 0 : i32
      %cond3A_107 = arith.cmpi ne, %convert_element_type3A_105, %cond3A_106 : i32
      scf.if %cond3A_107 {
        %dma_start3A_204 = arith.constant 0 : i32
        %dma_start3A_205 = arith.constant 0 : i32
        %dma_start3A_206 = tpu.memref_slice %arg25[%dma_start3A_204, %dma_start3A_205] : memref<128x256xf32, #tpu.memory_space<vmem>> -> memref<128x256xf32, #tpu.memory_space<vmem>>
        %dma_start3A_207 = arith.constant 0 : i32
        %dma_start3A_208 = tpu.memref_slice %arg18[%add3A_43, %dma_start3A_207] : memref<64x128xi32, #tpu.memory_space<vmem>> -> memref<1x128xi32, #tpu.memory_space<vmem>>
        %dma_start3A_209 = tpu.memref_squeeze %dma_start3A_208 : memref<1x128xi32, #tpu.memory_space<vmem>> -> memref<128xi32, #tpu.memory_space<vmem>>
        %dma_start3A_210 = arith.constant 0 : i32
        %dma_start3A_211 = arith.constant 0 : i32
        %dma_start3A_212 = tpu.memref_slice %arg6[%dma_start3A_210, %dma_start3A_211] : memref<16384x256xf32, #tpu.memory_space<hbm>> -> memref<16384x256xf32, #tpu.memory_space<hbm>>
        tpu.enqueue_indirect_dma source(%dma_start3A_212 : memref<16384x256xf32, #tpu.memory_space<hbm>>) target(%dma_start3A_206 : memref<128x256xf32, #tpu.memory_space<vmem>>) offsets(%dma_start3A_209 : memref<128xi32, #tpu.memory_space<vmem>>) semaphore(%arg27 : memref<!tpu.dma_semaphore, #tpu.memory_space<semaphore_mem>>)
        %dma_wait3A_213 = arith.constant 0 : i32
        %dma_wait3A_214 = arith.constant 0 : i32
        %dma_wait3A_215 = tpu.memref_slice %arg25[%dma_wait3A_213, %dma_wait3A_214] : memref<128x256xf32, #tpu.memory_space<vmem>> -> memref<128x256xf32, #tpu.memory_space<vmem>>
        %dma_wait3A_216 = arith.constant 0 : i32
        %dma_wait3A_217 = tpu.memref_slice %arg18[%add3A_43, %dma_wait3A_216] : memref<64x128xi32, #tpu.memory_space<vmem>> -> memref<1x128xi32, #tpu.memory_space<vmem>>
        %dma_wait3A_218 = tpu.memref_squeeze %dma_wait3A_217 : memref<1x128xi32, #tpu.memory_space<vmem>> -> memref<128xi32, #tpu.memory_space<vmem>>
        %dma_wait3A_219 = arith.constant 0 : i32
        %dma_wait3A_220 = arith.constant 0 : i32
        %dma_wait3A_221 = tpu.memref_slice %arg6[%dma_wait3A_219, %dma_wait3A_220] : memref<16384x256xf32, #tpu.memory_space<hbm>> -> memref<16384x256xf32, #tpu.memory_space<hbm>>
        tpu.wait_indirect_dma semaphore(%arg27 : memref<!tpu.dma_semaphore, #tpu.memory_space<semaphore_mem>>) src(%dma_wait3A_221 : memref<16384x256xf32, #tpu.memory_space<hbm>>) dst(%dma_wait3A_215 : memref<128x256xf32, #tpu.memory_space<vmem>>)
      } else {
      }
      %mul3A_108 = arith.constant 128 : i32
      %mul3A_109 = arith.muli %add3A_44, %mul3A_108 : i32
      %dma_start3A_110 = arith.constant 0 : i32
      %dma_start3A_111 = tpu.memref_slice %arg10[%mul3A_109, %dma_start3A_110] : memref<262144x256xf32, #tpu.memory_space<hbm>> -> memref<128x256xf32, #tpu.memory_space<hbm>>
      %dma_start3A_112 = arith.constant 0 : i32
      %dma_start3A_113 = tpu.memref_slice %arg10[%mul3A_109, %dma_start3A_112] : memref<262144x256xf32, #tpu.memory_space<hbm>> -> memref<128x256xf32, #tpu.memory_space<hbm>>
      tpu.enqueue_dma source(%arg25 : memref<128x256xf32, #tpu.memory_space<vmem>>) target(%dma_start3A_113 : memref<128x256xf32, #tpu.memory_space<hbm>>) target_semaphore(%arg28 : memref<!tpu.dma_semaphore, #tpu.memory_space<semaphore_mem>>)
      %mul3A_114 = arith.constant 2 : i32
      %mul3A_115 = arith.muli %mul3A_114, %scan3A_39 : i32
      %add3A_116 = arith.constant 1 : i32
      %add3A_117 = arith.addi %mul3A_115, %add3A_116 : i32
      %add3A_118 = arith.addi %mul3A_2, %add3A_117 : i32
      %gt3A_119 = arith.constant 0 : i32
      %gt3A_120 = arith.cmpi sgt, %scan3A_39, %gt3A_119 : i32
      %convert_element_type3A_121 = arith.extui %gt3A_120 : i1 to i32
      %cond3A_122 = arith.constant 0 : i32
      %cond3A_123 = arith.cmpi ne, %convert_element_type3A_121, %cond3A_122 : i32
      scf.if %cond3A_123 {
        %dma_wait3A_204 = arith.constant 0 : i32
        %dma_wait3A_205 = arith.constant 0 : i32
        %dma_wait3A_206 = tpu.memref_slice %arg10[%dma_wait3A_204, %dma_wait3A_205] : memref<262144x256xf32, #tpu.memory_space<hbm>> -> memref<128x256xf32, #tpu.memory_space<hbm>>
        %dma_wait3A_207 = arith.constant 0 : i32
        %dma_wait3A_208 = arith.constant 0 : i32
        %dma_wait3A_209 = tpu.memref_slice %arg10[%dma_wait3A_207, %dma_wait3A_208] : memref<262144x256xf32, #tpu.memory_space<hbm>> -> memref<128x256xf32, #tpu.memory_space<hbm>>
        tpu.wait_dma2 semaphore(%arg29 : memref<!tpu.dma_semaphore, #tpu.memory_space<semaphore_mem>>) src(%arg26 : memref<128x256xf32, #tpu.memory_space<vmem>>) dst(%dma_wait3A_209 : memref<128x256xf32, #tpu.memory_space<hbm>>)
      } else {
      }
      %mul3A_124 = arith.constant 16 : i32
      %mul3A_125 = arith.muli %add3A_117, %mul3A_124 : i32
      %get3A_126 = arith.index_cast %mul3A_125 : i32 to index
      %get3A_127 = tpu.vector_load %arg21[%get3A_126] {strides = array<i32>} : memref<1024xi32, #tpu.memory_space<vmem>>, vector<16xi32>,
      %slice3A_128 = vector.extract_strided_slice %get3A_127 {offsets = [0], sizes = [1], strides = [1]} : vector<16xi32> to vector<1xi32>
      %squeeze3A_129 = vector.extract %slice3A_128[0] : i32 from vector<1xi32>
      %add3A_130 = arith.constant 15 : i32
      %add3A_131 = arith.addi %squeeze3A_129, %add3A_130 : i32
      %jit3A_132 = arith.constant 16 : i32
      %div3A_133 = arith.divsi %add3A_131, %jit3A_132 : i32
      %sign3A_134 = arith.constant 0 : i32
      %sign3A_135 = arith.cmpi sgt, %add3A_131, %sign3A_134 : i32
      %sign3A_136 = arith.extui %sign3A_135 : i1 to i32
      %sign3A_137 = arith.constant 0 : i32
      %sign3A_138 = arith.cmpi slt, %add3A_131, %sign3A_137 : i32
      %sign3A_139 = arith.extui %sign3A_138 : i1 to i32
      %sign3A_140 = arith.subi %sign3A_136, %sign3A_139 : i32
      %sign3A_141 = arith.constant 0 : i32
      %sign3A_142 = arith.cmpi sgt, %jit3A_132, %sign3A_141 : i32
      %sign3A_143 = arith.extui %sign3A_142 : i1 to i32
      %sign3A_144 = arith.constant 0 : i32
      %sign3A_145 = arith.cmpi slt, %jit3A_132, %sign3A_144 : i32
      %sign3A_146 = arith.extui %sign3A_145 : i1 to i32
      %sign3A_147 = arith.subi %sign3A_143, %sign3A_146 : i32
      %ne3A_148 = arith.cmpi ne, %sign3A_140, %sign3A_147 : i32
      %rem3A_149 = arith.remsi %add3A_131, %jit3A_132 : i32
      %ne3A_150 = arith.constant 0 : i32
      %ne3A_151 = arith.cmpi ne, %rem3A_149, %ne3A_150 : i32
      %and3A_152 = arith.andi %ne3A_148, %ne3A_151 : i1
      %sub3A_153 = arith.constant 1 : i32
      %sub3A_154 = arith.subi %div3A_133, %sub3A_153 : i32
      %select_n3A_155 = arith.select %and3A_152, %sub3A_154, %div3A_133 : i32
      %min3A_156 = arith.constant 8 : i32
      %min3A_157 = arith.minsi %select_n3A_155, %min3A_156 : i32
      %eq3A_158 = arith.constant 1 : i32
      %eq3A_159 = arith.cmpi eq, %min3A_157, %eq3A_158 : i32
      %convert_element_type3A_160 = arith.extui %eq3A_159 : i1 to i32
      %cond3A_161 = arith.constant 0 : i32
      %cond3A_162 = arith.cmpi ne, %convert_element_type3A_160, %cond3A_161 : i32
      scf.if %cond3A_162 {
        %dma_start3A_204 = arith.constant 0 : i32
        %dma_start3A_205 = arith.constant 0 : i32
        %dma_start3A_206 = tpu.memref_slice %arg26[%dma_start3A_204, %dma_start3A_205] : memref<128x256xf32, #tpu.memory_space<vmem>> -> memref<16x256xf32, #tpu.memory_space<vmem>>
        %dma_start3A_207 = arith.constant 0 : i32
        %dma_start3A_208 = tpu.memref_slice %arg18[%add3A_117, %dma_start3A_207] : memref<64x128xi32, #tpu.memory_space<vmem>> -> memref<1x16xi32, #tpu.memory_space<vmem>>
        %dma_start3A_209 = tpu.memref_squeeze %dma_start3A_208 : memref<1x16xi32, #tpu.memory_space<vmem>> -> memref<16xi32, #tpu.memory_space<vmem>>
        %dma_start3A_210 = arith.constant 0 : i32
        %dma_start3A_211 = arith.constant 0 : i32
        %dma_start3A_212 = tpu.memref_slice %arg6[%dma_start3A_210, %dma_start3A_211] : memref<16384x256xf32, #tpu.memory_space<hbm>> -> memref<16384x256xf32, #tpu.memory_space<hbm>>
        tpu.enqueue_indirect_dma source(%dma_start3A_212 : memref<16384x256xf32, #tpu.memory_space<hbm>>) target(%dma_start3A_206 : memref<16x256xf32, #tpu.memory_space<vmem>>) offsets(%dma_start3A_209 : memref<16xi32, #tpu.memory_space<vmem>>) semaphore(%arg27 : memref<!tpu.dma_semaphore, #tpu.memory_space<semaphore_mem>>)
        %dma_wait3A_213 = arith.constant 0 : i32
        %dma_wait3A_214 = arith.constant 0 : i32
        %dma_wait3A_215 = tpu.memref_slice %arg26[%dma_wait3A_213, %dma_wait3A_214] : memref<128x256xf32, #tpu.memory_space<vmem>> -> memref<16x256xf32, #tpu.memory_space<vmem>>
        %dma_wait3A_216 = arith.constant 0 : i32
        %dma_wait3A_217 = tpu.memref_slice %arg18[%add3A_117, %dma_wait3A_216] : memref<64x128xi32, #tpu.memory_space<vmem>> -> memref<1x16xi32, #tpu.memory_space<vmem>>
        %dma_wait3A_218 = tpu.memref_squeeze %dma_wait3A_217 : memref<1x16xi32, #tpu.memory_space<vmem>> -> memref<16xi32, #tpu.memory_space<vmem>>
        %dma_wait3A_219 = arith.constant 0 : i32
        %dma_wait3A_220 = arith.constant 0 : i32
        %dma_wait3A_221 = tpu.memref_slice %arg6[%dma_wait3A_219, %dma_wait3A_220] : memref<16384x256xf32, #tpu.memory_space<hbm>> -> memref<16384x256xf32, #tpu.memory_space<hbm>>
        tpu.wait_indirect_dma semaphore(%arg27 : memref<!tpu.dma_semaphore, #tpu.memory_space<semaphore_mem>>) src(%dma_wait3A_221 : memref<16384x256xf32, #tpu.memory_space<hbm>>) dst(%dma_wait3A_215 : memref<16x256xf32, #tpu.memory_space<vmem>>)
      } else {
      }
      %eq3A_163 = arith.constant 2 : i32
      %eq3A_164 = arith.cmpi eq, %min3A_157, %eq3A_163 : i32
      %convert_element_type3A_165 = arith.extui %eq3A_164 : i1 to i32
      %cond3A_166 = arith.constant 0 : i32
      %cond3A_167 = arith.cmpi ne, %convert_element_type3A_165, %cond3A_166 : i32
      scf.if %cond3A_167 {
        %dma_start3A_204 = arith.constant 0 : i32
        %dma_start3A_205 = arith.constant 0 : i32
        %dma_start3A_206 = tpu.memref_slice %arg26[%dma_start3A_204, %dma_start3A_205] : memref<128x256xf32, #tpu.memory_space<vmem>> -> memref<32x256xf32, #tpu.memory_space<vmem>>
        %dma_start3A_207 = arith.constant 0 : i32
        %dma_start3A_208 = tpu.memref_slice %arg18[%add3A_117, %dma_start3A_207] : memref<64x128xi32, #tpu.memory_space<vmem>> -> memref<1x32xi32, #tpu.memory_space<vmem>>
        %dma_start3A_209 = tpu.memref_squeeze %dma_start3A_208 : memref<1x32xi32, #tpu.memory_space<vmem>> -> memref<32xi32, #tpu.memory_space<vmem>>
        %dma_start3A_210 = arith.constant 0 : i32
        %dma_start3A_211 = arith.constant 0 : i32
        %dma_start3A_212 = tpu.memref_slice %arg6[%dma_start3A_210, %dma_start3A_211] : memref<16384x256xf32, #tpu.memory_space<hbm>> -> memref<16384x256xf32, #tpu.memory_space<hbm>>
        tpu.enqueue_indirect_dma source(%dma_start3A_212 : memref<16384x256xf32, #tpu.memory_space<hbm>>) target(%dma_start3A_206 : memref<32x256xf32, #tpu.memory_space<vmem>>) offsets(%dma_start3A_209 : memref<32xi32, #tpu.memory_space<vmem>>) semaphore(%arg27 : memref<!tpu.dma_semaphore, #tpu.memory_space<semaphore_mem>>)
        %dma_wait3A_213 = arith.constant 0 : i32
        %dma_wait3A_214 = arith.constant 0 : i32
        %dma_wait3A_215 = tpu.memref_slice %arg26[%dma_wait3A_213, %dma_wait3A_214] : memref<128x256xf32, #tpu.memory_space<vmem>> -> memref<32x256xf32, #tpu.memory_space<vmem>>
        %dma_wait3A_216 = arith.constant 0 : i32
        %dma_wait3A_217 = tpu.memref_slice %arg18[%add3A_117, %dma_wait3A_216] : memref<64x128xi32, #tpu.memory_space<vmem>> -> memref<1x32xi32, #tpu.memory_space<vmem>>
        %dma_wait3A_218 = tpu.memref_squeeze %dma_wait3A_217 : memref<1x32xi32, #tpu.memory_space<vmem>> -> memref<32xi32, #tpu.memory_space<vmem>>
        %dma_wait3A_219 = arith.constant 0 : i32
        %dma_wait3A_220 = arith.constant 0 : i32
        %dma_wait3A_221 = tpu.memref_slice %arg6[%dma_wait3A_219, %dma_wait3A_220] : memref<16384x256xf32, #tpu.memory_space<hbm>> -> memref<16384x256xf32, #tpu.memory_space<hbm>>
        tpu.wait_indirect_dma semaphore(%arg27 : memref<!tpu.dma_semaphore, #tpu.memory_space<semaphore_mem>>) src(%dma_wait3A_221 : memref<16384x256xf32, #tpu.memory_space<hbm>>) dst(%dma_wait3A_215 : memref<32x256xf32, #tpu.memory_space<vmem>>)
      } else {
      }
      %eq3A_168 = arith.constant 3 : i32
      %eq3A_169 = arith.cmpi eq, %min3A_157, %eq3A_168 : i32
      %convert_element_type3A_170 = arith.extui %eq3A_169 : i1 to i32
      %cond3A_171 = arith.constant 0 : i32
      %cond3A_172 = arith.cmpi ne, %convert_element_type3A_170, %cond3A_171 : i32
      scf.if %cond3A_172 {
        %dma_start3A_204 = arith.constant 0 : i32
        %dma_start3A_205 = arith.constant 0 : i32
        %dma_start3A_206 = tpu.memref_slice %arg26[%dma_start3A_204, %dma_start3A_205] : memref<128x256xf32, #tpu.memory_space<vmem>> -> memref<48x256xf32, #tpu.memory_space<vmem>>
        %dma_start3A_207 = arith.constant 0 : i32
        %dma_start3A_208 = tpu.memref_slice %arg18[%add3A_117, %dma_start3A_207] : memref<64x128xi32, #tpu.memory_space<vmem>> -> memref<1x48xi32, #tpu.memory_space<vmem>>
        %dma_start3A_209 = tpu.memref_squeeze %dma_start3A_208 : memref<1x48xi32, #tpu.memory_space<vmem>> -> memref<48xi32, #tpu.memory_space<vmem>>
        %dma_start3A_210 = arith.constant 0 : i32
        %dma_start3A_211 = arith.constant 0 : i32
        %dma_start3A_212 = tpu.memref_slice %arg6[%dma_start3A_210, %dma_start3A_211] : memref<16384x256xf32, #tpu.memory_space<hbm>> -> memref<16384x256xf32, #tpu.memory_space<hbm>>
        tpu.enqueue_indirect_dma source(%dma_start3A_212 : memref<16384x256xf32, #tpu.memory_space<hbm>>) target(%dma_start3A_206 : memref<48x256xf32, #tpu.memory_space<vmem>>) offsets(%dma_start3A_209 : memref<48xi32, #tpu.memory_space<vmem>>) semaphore(%arg27 : memref<!tpu.dma_semaphore, #tpu.memory_space<semaphore_mem>>)
        %dma_wait3A_213 = arith.constant 0 : i32
        %dma_wait3A_214 = arith.constant 0 : i32
        %dma_wait3A_215 = tpu.memref_slice %arg26[%dma_wait3A_213, %dma_wait3A_214] : memref<128x256xf32, #tpu.memory_space<vmem>> -> memref<48x256xf32, #tpu.memory_space<vmem>>
        %dma_wait3A_216 = arith.constant 0 : i32
        %dma_wait3A_217 = tpu.memref_slice %arg18[%add3A_117, %dma_wait3A_216] : memref<64x128xi32, #tpu.memory_space<vmem>> -> memref<1x48xi32, #tpu.memory_space<vmem>>
        %dma_wait3A_218 = tpu.memref_squeeze %dma_wait3A_217 : memref<1x48xi32, #tpu.memory_space<vmem>> -> memref<48xi32, #tpu.memory_space<vmem>>
        %dma_wait3A_219 = arith.constant 0 : i32
        %dma_wait3A_220 = arith.constant 0 : i32
        %dma_wait3A_221 = tpu.memref_slice %arg6[%dma_wait3A_219, %dma_wait3A_220] : memref<16384x256xf32, #tpu.memory_space<hbm>> -> memref<16384x256xf32, #tpu.memory_space<hbm>>
        tpu.wait_indirect_dma semaphore(%arg27 : memref<!tpu.dma_semaphore, #tpu.memory_space<semaphore_mem>>) src(%dma_wait3A_221 : memref<16384x256xf32, #tpu.memory_space<hbm>>) dst(%dma_wait3A_215 : memref<48x256xf32, #tpu.memory_space<vmem>>)
      } else {
      }
      %eq3A_173 = arith.constant 4 : i32
      %eq3A_174 = arith.cmpi eq, %min3A_157, %eq3A_173 : i32
      %convert_element_type3A_175 = arith.extui %eq3A_174 : i1 to i32
      %cond3A_176 = arith.constant 0 : i32
      %cond3A_177 = arith.cmpi ne, %convert_element_type3A_175, %cond3A_176 : i32
      scf.if %cond3A_177 {
        %dma_start3A_204 = arith.constant 0 : i32
        %dma_start3A_205 = arith.constant 0 : i32
        %dma_start3A_206 = tpu.memref_slice %arg26[%dma_start3A_204, %dma_start3A_205] : memref<128x256xf32, #tpu.memory_space<vmem>> -> memref<64x256xf32, #tpu.memory_space<vmem>>
        %dma_start3A_207 = arith.constant 0 : i32
        %dma_start3A_208 = tpu.memref_slice %arg18[%add3A_117, %dma_start3A_207] : memref<64x128xi32, #tpu.memory_space<vmem>> -> memref<1x64xi32, #tpu.memory_space<vmem>>
        %dma_start3A_209 = tpu.memref_squeeze %dma_start3A_208 : memref<1x64xi32, #tpu.memory_space<vmem>> -> memref<64xi32, #tpu.memory_space<vmem>>
        %dma_start3A_210 = arith.constant 0 : i32
        %dma_start3A_211 = arith.constant 0 : i32
        %dma_start3A_212 = tpu.memref_slice %arg6[%dma_start3A_210, %dma_start3A_211] : memref<16384x256xf32, #tpu.memory_space<hbm>> -> memref<16384x256xf32, #tpu.memory_space<hbm>>
        tpu.enqueue_indirect_dma source(%dma_start3A_212 : memref<16384x256xf32, #tpu.memory_space<hbm>>) target(%dma_start3A_206 : memref<64x256xf32, #tpu.memory_space<vmem>>) offsets(%dma_start3A_209 : memref<64xi32, #tpu.memory_space<vmem>>) semaphore(%arg27 : memref<!tpu.dma_semaphore, #tpu.memory_space<semaphore_mem>>)
        %dma_wait3A_213 = arith.constant 0 : i32
        %dma_wait3A_214 = arith.constant 0 : i32
        %dma_wait3A_215 = tpu.memref_slice %arg26[%dma_wait3A_213, %dma_wait3A_214] : memref<128x256xf32, #tpu.memory_space<vmem>> -> memref<64x256xf32, #tpu.memory_space<vmem>>
        %dma_wait3A_216 = arith.constant 0 : i32
        %dma_wait3A_217 = tpu.memref_slice %arg18[%add3A_117, %dma_wait3A_216] : memref<64x128xi32, #tpu.memory_space<vmem>> -> memref<1x64xi32, #tpu.memory_space<vmem>>
        %dma_wait3A_218 = tpu.memref_squeeze %dma_wait3A_217 : memref<1x64xi32, #tpu.memory_space<vmem>> -> memref<64xi32, #tpu.memory_space<vmem>>
        %dma_wait3A_219 = arith.constant 0 : i32
        %dma_wait3A_220 = arith.constant 0 : i32
        %dma_wait3A_221 = tpu.memref_slice %arg6[%dma_wait3A_219, %dma_wait3A_220] : memref<16384x256xf32, #tpu.memory_space<hbm>> -> memref<16384x256xf32, #tpu.memory_space<hbm>>
        tpu.wait_indirect_dma semaphore(%arg27 : memref<!tpu.dma_semaphore, #tpu.memory_space<semaphore_mem>>) src(%dma_wait3A_221 : memref<16384x256xf32, #tpu.memory_space<hbm>>) dst(%dma_wait3A_215 : memref<64x256xf32, #tpu.memory_space<vmem>>)
      } else {
      }
      %eq3A_178 = arith.constant 5 : i32
      %eq3A_179 = arith.cmpi eq, %min3A_157, %eq3A_178 : i32
      %convert_element_type3A_180 = arith.extui %eq3A_179 : i1 to i32
      %cond3A_181 = arith.constant 0 : i32
      %cond3A_182 = arith.cmpi ne, %convert_element_type3A_180, %cond3A_181 : i32
      scf.if %cond3A_182 {
        %dma_start3A_204 = arith.constant 0 : i32
        %dma_start3A_205 = arith.constant 0 : i32
        %dma_start3A_206 = tpu.memref_slice %arg26[%dma_start3A_204, %dma_start3A_205] : memref<128x256xf32, #tpu.memory_space<vmem>> -> memref<80x256xf32, #tpu.memory_space<vmem>>
        %dma_start3A_207 = arith.constant 0 : i32
        %dma_start3A_208 = tpu.memref_slice %arg18[%add3A_117, %dma_start3A_207] : memref<64x128xi32, #tpu.memory_space<vmem>> -> memref<1x80xi32, #tpu.memory_space<vmem>>
        %dma_start3A_209 = tpu.memref_squeeze %dma_start3A_208 : memref<1x80xi32, #tpu.memory_space<vmem>> -> memref<80xi32, #tpu.memory_space<vmem>>
        %dma_start3A_210 = arith.constant 0 : i32
        %dma_start3A_211 = arith.constant 0 : i32
        %dma_start3A_212 = tpu.memref_slice %arg6[%dma_start3A_210, %dma_start3A_211] : memref<16384x256xf32, #tpu.memory_space<hbm>> -> memref<16384x256xf32, #tpu.memory_space<hbm>>
        tpu.enqueue_indirect_dma source(%dma_start3A_212 : memref<16384x256xf32, #tpu.memory_space<hbm>>) target(%dma_start3A_206 : memref<80x256xf32, #tpu.memory_space<vmem>>) offsets(%dma_start3A_209 : memref<80xi32, #tpu.memory_space<vmem>>) semaphore(%arg27 : memref<!tpu.dma_semaphore, #tpu.memory_space<semaphore_mem>>)
        %dma_wait3A_213 = arith.constant 0 : i32
        %dma_wait3A_214 = arith.constant 0 : i32
        %dma_wait3A_215 = tpu.memref_slice %arg26[%dma_wait3A_213, %dma_wait3A_214] : memref<128x256xf32, #tpu.memory_space<vmem>> -> memref<80x256xf32, #tpu.memory_space<vmem>>
        %dma_wait3A_216 = arith.constant 0 : i32
        %dma_wait3A_217 = tpu.memref_slice %arg18[%add3A_117, %dma_wait3A_216] : memref<64x128xi32, #tpu.memory_space<vmem>> -> memref<1x80xi32, #tpu.memory_space<vmem>>
        %dma_wait3A_218 = tpu.memref_squeeze %dma_wait3A_217 : memref<1x80xi32, #tpu.memory_space<vmem>> -> memref<80xi32, #tpu.memory_space<vmem>>
        %dma_wait3A_219 = arith.constant 0 : i32
        %dma_wait3A_220 = arith.constant 0 : i32
        %dma_wait3A_221 = tpu.memref_slice %arg6[%dma_wait3A_219, %dma_wait3A_220] : memref<16384x256xf32, #tpu.memory_space<hbm>> -> memref<16384x256xf32, #tpu.memory_space<hbm>>
        tpu.wait_indirect_dma semaphore(%arg27 : memref<!tpu.dma_semaphore, #tpu.memory_space<semaphore_mem>>) src(%dma_wait3A_221 : memref<16384x256xf32, #tpu.memory_space<hbm>>) dst(%dma_wait3A_215 : memref<80x256xf32, #tpu.memory_space<vmem>>)
      } else {
      }
      %eq3A_183 = arith.constant 6 : i32
      %eq3A_184 = arith.cmpi eq, %min3A_157, %eq3A_183 : i32
      %convert_element_type3A_185 = arith.extui %eq3A_184 : i1 to i32
      %cond3A_186 = arith.constant 0 : i32
      %cond3A_187 = arith.cmpi ne, %convert_element_type3A_185, %cond3A_186 : i32
      scf.if %cond3A_187 {
        %dma_start3A_204 = arith.constant 0 : i32
        %dma_start3A_205 = arith.constant 0 : i32
        %dma_start3A_206 = tpu.memref_slice %arg26[%dma_start3A_204, %dma_start3A_205] : memref<128x256xf32, #tpu.memory_space<vmem>> -> memref<96x256xf32, #tpu.memory_space<vmem>>
        %dma_start3A_207 = arith.constant 0 : i32
        %dma_start3A_208 = tpu.memref_slice %arg18[%add3A_117, %dma_start3A_207] : memref<64x128xi32, #tpu.memory_space<vmem>> -> memref<1x96xi32, #tpu.memory_space<vmem>>
        %dma_start3A_209 = tpu.memref_squeeze %dma_start3A_208 : memref<1x96xi32, #tpu.memory_space<vmem>> -> memref<96xi32, #tpu.memory_space<vmem>>
        %dma_start3A_210 = arith.constant 0 : i32
        %dma_start3A_211 = arith.constant 0 : i32
        %dma_start3A_212 = tpu.memref_slice %arg6[%dma_start3A_210, %dma_start3A_211] : memref<16384x256xf32, #tpu.memory_space<hbm>> -> memref<16384x256xf32, #tpu.memory_space<hbm>>
        tpu.enqueue_indirect_dma source(%dma_start3A_212 : memref<16384x256xf32, #tpu.memory_space<hbm>>) target(%dma_start3A_206 : memref<96x256xf32, #tpu.memory_space<vmem>>) offsets(%dma_start3A_209 : memref<96xi32, #tpu.memory_space<vmem>>) semaphore(%arg27 : memref<!tpu.dma_semaphore, #tpu.memory_space<semaphore_mem>>)
        %dma_wait3A_213 = arith.constant 0 : i32
        %dma_wait3A_214 = arith.constant 0 : i32
        %dma_wait3A_215 = tpu.memref_slice %arg26[%dma_wait3A_213, %dma_wait3A_214] : memref<128x256xf32, #tpu.memory_space<vmem>> -> memref<96x256xf32, #tpu.memory_space<vmem>>
        %dma_wait3A_216 = arith.constant 0 : i32
        %dma_wait3A_217 = tpu.memref_slice %arg18[%add3A_117, %dma_wait3A_216] : memref<64x128xi32, #tpu.memory_space<vmem>> -> memref<1x96xi32, #tpu.memory_space<vmem>>
        %dma_wait3A_218 = tpu.memref_squeeze %dma_wait3A_217 : memref<1x96xi32, #tpu.memory_space<vmem>> -> memref<96xi32, #tpu.memory_space<vmem>>
        %dma_wait3A_219 = arith.constant 0 : i32
        %dma_wait3A_220 = arith.constant 0 : i32
        %dma_wait3A_221 = tpu.memref_slice %arg6[%dma_wait3A_219, %dma_wait3A_220] : memref<16384x256xf32, #tpu.memory_space<hbm>> -> memref<16384x256xf32, #tpu.memory_space<hbm>>
        tpu.wait_indirect_dma semaphore(%arg27 : memref<!tpu.dma_semaphore, #tpu.memory_space<semaphore_mem>>) src(%dma_wait3A_221 : memref<16384x256xf32, #tpu.memory_space<hbm>>) dst(%dma_wait3A_215 : memref<96x256xf32, #tpu.memory_space<vmem>>)
      } else {
      }
      %eq3A_188 = arith.constant 7 : i32
      %eq3A_189 = arith.cmpi eq, %min3A_157, %eq3A_188 : i32
      %convert_element_type3A_190 = arith.extui %eq3A_189 : i1 to i32
      %cond3A_191 = arith.constant 0 : i32
      %cond3A_192 = arith.cmpi ne, %convert_element_type3A_190, %cond3A_191 : i32
      scf.if %cond3A_192 {
        %dma_start3A_204 = arith.constant 0 : i32
        %dma_start3A_205 = arith.constant 0 : i32
        %dma_start3A_206 = tpu.memref_slice %arg26[%dma_start3A_204, %dma_start3A_205] : memref<128x256xf32, #tpu.memory_space<vmem>> -> memref<112x256xf32, #tpu.memory_space<vmem>>
        %dma_start3A_207 = arith.constant 0 : i32
        %dma_start3A_208 = tpu.memref_slice %arg18[%add3A_117, %dma_start3A_207] : memref<64x128xi32, #tpu.memory_space<vmem>> -> memref<1x112xi32, #tpu.memory_space<vmem>>
        %dma_start3A_209 = tpu.memref_squeeze %dma_start3A_208 : memref<1x112xi32, #tpu.memory_space<vmem>> -> memref<112xi32, #tpu.memory_space<vmem>>
        %dma_start3A_210 = arith.constant 0 : i32
        %dma_start3A_211 = arith.constant 0 : i32
        %dma_start3A_212 = tpu.memref_slice %arg6[%dma_start3A_210, %dma_start3A_211] : memref<16384x256xf32, #tpu.memory_space<hbm>> -> memref<16384x256xf32, #tpu.memory_space<hbm>>
        tpu.enqueue_indirect_dma source(%dma_start3A_212 : memref<16384x256xf32, #tpu.memory_space<hbm>>) target(%dma_start3A_206 : memref<112x256xf32, #tpu.memory_space<vmem>>) offsets(%dma_start3A_209 : memref<112xi32, #tpu.memory_space<vmem>>) semaphore(%arg27 : memref<!tpu.dma_semaphore, #tpu.memory_space<semaphore_mem>>)
        %dma_wait3A_213 = arith.constant 0 : i32
        %dma_wait3A_214 = arith.constant 0 : i32
        %dma_wait3A_215 = tpu.memref_slice %arg26[%dma_wait3A_213, %dma_wait3A_214] : memref<128x256xf32, #tpu.memory_space<vmem>> -> memref<112x256xf32, #tpu.memory_space<vmem>>
        %dma_wait3A_216 = arith.constant 0 : i32
        %dma_wait3A_217 = tpu.memref_slice %arg18[%add3A_117, %dma_wait3A_216] : memref<64x128xi32, #tpu.memory_space<vmem>> -> memref<1x112xi32, #tpu.memory_space<vmem>>
        %dma_wait3A_218 = tpu.memref_squeeze %dma_wait3A_217 : memref<1x112xi32, #tpu.memory_space<vmem>> -> memref<112xi32, #tpu.memory_space<vmem>>
        %dma_wait3A_219 = arith.constant 0 : i32
        %dma_wait3A_220 = arith.constant 0 : i32
        %dma_wait3A_221 = tpu.memref_slice %arg6[%dma_wait3A_219, %dma_wait3A_220] : memref<16384x256xf32, #tpu.memory_space<hbm>> -> memref<16384x256xf32, #tpu.memory_space<hbm>>
        tpu.wait_indirect_dma semaphore(%arg27 : memref<!tpu.dma_semaphore, #tpu.memory_space<semaphore_mem>>) src(%dma_wait3A_221 : memref<16384x256xf32, #tpu.memory_space<hbm>>) dst(%dma_wait3A_215 : memref<112x256xf32, #tpu.memory_space<vmem>>)
      } else {
      }
      %eq3A_193 = arith.constant 8 : i32
      %eq3A_194 = arith.cmpi eq, %min3A_157, %eq3A_193 : i32
      %convert_element_type3A_195 = arith.extui %eq3A_194 : i1 to i32
      %cond3A_196 = arith.constant 0 : i32
      %cond3A_197 = arith.cmpi ne, %convert_element_type3A_195, %cond3A_196 : i32
      scf.if %cond3A_197 {
        %dma_start3A_204 = arith.constant 0 : i32
        %dma_start3A_205 = arith.constant 0 : i32
        %dma_start3A_206 = tpu.memref_slice %arg26[%dma_start3A_204, %dma_start3A_205] : memref<128x256xf32, #tpu.memory_space<vmem>> -> memref<128x256xf32, #tpu.memory_space<vmem>>
        %dma_start3A_207 = arith.constant 0 : i32
        %dma_start3A_208 = tpu.memref_slice %arg18[%add3A_117, %dma_start3A_207] : memref<64x128xi32, #tpu.memory_space<vmem>> -> memref<1x128xi32, #tpu.memory_space<vmem>>
        %dma_start3A_209 = tpu.memref_squeeze %dma_start3A_208 : memref<1x128xi32, #tpu.memory_space<vmem>> -> memref<128xi32, #tpu.memory_space<vmem>>
        %dma_start3A_210 = arith.constant 0 : i32
        %dma_start3A_211 = arith.constant 0 : i32
        %dma_start3A_212 = tpu.memref_slice %arg6[%dma_start3A_210, %dma_start3A_211] : memref<16384x256xf32, #tpu.memory_space<hbm>> -> memref<16384x256xf32, #tpu.memory_space<hbm>>
        tpu.enqueue_indirect_dma source(%dma_start3A_212 : memref<16384x256xf32, #tpu.memory_space<hbm>>) target(%dma_start3A_206 : memref<128x256xf32, #tpu.memory_space<vmem>>) offsets(%dma_start3A_209 : memref<128xi32, #tpu.memory_space<vmem>>) semaphore(%arg27 : memref<!tpu.dma_semaphore, #tpu.memory_space<semaphore_mem>>)
        %dma_wait3A_213 = arith.constant 0 : i32
        %dma_wait3A_214 = arith.constant 0 : i32
        %dma_wait3A_215 = tpu.memref_slice %arg26[%dma_wait3A_213, %dma_wait3A_214] : memref<128x256xf32, #tpu.memory_space<vmem>> -> memref<128x256xf32, #tpu.memory_space<vmem>>
        %dma_wait3A_216 = arith.constant 0 : i32
        %dma_wait3A_217 = tpu.memref_slice %arg18[%add3A_117, %dma_wait3A_216] : memref<64x128xi32, #tpu.memory_space<vmem>> -> memref<1x128xi32, #tpu.memory_space<vmem>>
        %dma_wait3A_218 = tpu.memref_squeeze %dma_wait3A_217 : memref<1x128xi32, #tpu.memory_space<vmem>> -> memref<128xi32, #tpu.memory_space<vmem>>
        %dma_wait3A_219 = arith.constant 0 : i32
        %dma_wait3A_220 = arith.constant 0 : i32
        %dma_wait3A_221 = tpu.memref_slice %arg6[%dma_wait3A_219, %dma_wait3A_220] : memref<16384x256xf32, #tpu.memory_space<hbm>> -> memref<16384x256xf32, #tpu.memory_space<hbm>>
        tpu.wait_indirect_dma semaphore(%arg27 : memref<!tpu.dma_semaphore, #tpu.memory_space<semaphore_mem>>) src(%dma_wait3A_221 : memref<16384x256xf32, #tpu.memory_space<hbm>>) dst(%dma_wait3A_215 : memref<128x256xf32, #tpu.memory_space<vmem>>)
      } else {
      }
      %mul3A_198 = arith.constant 128 : i32
      %mul3A_199 = arith.muli %add3A_118, %mul3A_198 : i32
      %dma_start3A_200 = arith.constant 0 : i32
      %dma_start3A_201 = tpu.memref_slice %arg10[%mul3A_199, %dma_start3A_200] : memref<262144x256xf32, #tpu.memory_space<hbm>> -> memref<128x256xf32, #tpu.memory_space<hbm>>
      %dma_start3A_202 = arith.constant 0 : i32
      %dma_start3A_203 = tpu.memref_slice %arg10[%mul3A_199, %dma_start3A_202] : memref<262144x256xf32, #tpu.memory_space<hbm>> -> memref<128x256xf32, #tpu.memory_space<hbm>>
      tpu.enqueue_dma source(%arg26 : memref<128x256xf32, #tpu.memory_space<vmem>>) target(%dma_start3A_203 : memref<128x256xf32, #tpu.memory_space<hbm>>) target_semaphore(%arg29 : memref<!tpu.dma_semaphore, #tpu.memory_space<semaphore_mem>>)
    }
    %scan3A_26 = arith.constant 32 : i32
    %dma_wait3A_27 = arith.constant 0 : i32
    %dma_wait3A_28 = arith.constant 0 : i32
    %dma_wait3A_29 = tpu.memref_slice %arg10[%dma_wait3A_27, %dma_wait3A_28] : memref<262144x256xf32, #tpu.memory_space<hbm>> -> memref<128x256xf32, #tpu.memory_space<hbm>>
    %dma_wait3A_30 = arith.constant 0 : i32
    %dma_wait3A_31 = arith.constant 0 : i32
    %dma_wait3A_32 = tpu.memref_slice %arg10[%dma_wait3A_30, %dma_wait3A_31] : memref<262144x256xf32, #tpu.memory_space<hbm>> -> memref<128x256xf32, #tpu.memory_space<hbm>>
    tpu.wait_dma2 semaphore(%arg28 : memref<!tpu.dma_semaphore, #tpu.memory_space<semaphore_mem>>) src(%arg25 : memref<128x256xf32, #tpu.memory_space<vmem>>) dst(%dma_wait3A_32 : memref<128x256xf32, #tpu.memory_space<hbm>>)
    %dma_wait3A_33 = arith.constant 0 : i32
    %dma_wait3A_34 = arith.constant 0 : i32
    %dma_wait3A_35 = tpu.memref_slice %arg10[%dma_wait3A_33, %dma_wait3A_34] : memref<262144x256xf32, #tpu.memory_space<hbm>> -> memref<128x256xf32, #tpu.memory_space<hbm>>
    %dma_wait3A_36 = arith.constant 0 : i32
    %dma_wait3A_37 = arith.constant 0 : i32
    %dma_wait3A_38 = tpu.memref_slice %arg10[%dma_wait3A_36, %dma_wait3A_37] : memref<262144x256xf32, #tpu.memory_space<hbm>> -> memref<128x256xf32, #tpu.memory_space<hbm>>
    tpu.wait_dma2 semaphore(%arg29 : memref<!tpu.dma_semaphore, #tpu.memory_space<semaphore_mem>>) src(%arg26 : memref<128x256xf32, #tpu.memory_space<vmem>>) dst(%dma_wait3A_38 : memref<128x256xf32, #tpu.memory_space<hbm>>)
    return
  }
}

module attributes {stable_mosaic.version = 14 : i64} {
  func.func @_nodeproj_body(%arg0: i32, %arg1: memref<1024x128xf32, #tpu.memory_space<vmem>>, %arg2: memref<128x128xf32, #tpu.memory_space<vmem>>, %arg3: memref<128x128xf32, #tpu.memory_space<vmem>>, %arg4: memref<1024x256xf32, #tpu.memory_space<vmem>>) attributes {dimension_semantics = [#tpu.dimension_semantics<arbitrary>], iteration_bounds = array<i64: 16>, scalar_prefetch = 0 : i64, scratch_operands = 0 : i64, tpu.core_type = #tpu.core_type<tc>, window_params = [{transform_indices = @transform_0, window_bounds = array<i64: 1024, 128>}, {pipeline_mode = #tpu.pipeline_mode<synchronous>, transform_indices = @transform_1, window_bounds = array<i64: 128, 128>}, {pipeline_mode = #tpu.pipeline_mode<synchronous>, transform_indices = @transform_2, window_bounds = array<i64: 128, 128>}, {transform_indices = @transform_3, window_bounds = array<i64: 1024, 256>}]} {
    %get3A = arith.constant 0 : index
    %get3A_0 = arith.constant 0 : index
    %get3A_1 = vector.load %arg1[%get3A, %get3A_0] : memref<1024x128xf32, #tpu.memory_space<vmem>>, vector<1024x128xf32>
    %get3A_2 = arith.constant 0 : index
    %get3A_3 = arith.constant 0 : index
    %get3A_4 = vector.load %arg2[%get3A_2, %get3A_3] : memref<128x128xf32, #tpu.memory_space<vmem>>, vector<128x128xf32>
    %dot_general3A = arith.constant dense<0.000000e+00> : vector<1024x128xf32>
    %dot_general3A_5 = tpu.matmul %get3A_1, %get3A_4, %dot_general3A {dimension_numbers = #tpu.dot_dimension_numbers<[1], [0], [0], [1], [0, 0, 1, 1], [], []>, transpose_lhs_hint = false} : vector<1024x128xf32>, vector<128x128xf32>, vector<1024x128xf32> -> vector<1024x128xf32>
    %get3A_6 = arith.constant 0 : index
    %get3A_7 = arith.constant 0 : index
    %get3A_8 = vector.load %arg3[%get3A_6, %get3A_7] : memref<128x128xf32, #tpu.memory_space<vmem>>, vector<128x128xf32>
    %dot_general3A_9 = arith.constant dense<0.000000e+00> : vector<1024x128xf32>
    %dot_general3A_10 = tpu.matmul %get3A_1, %get3A_8, %dot_general3A_9 {dimension_numbers = #tpu.dot_dimension_numbers<[1], [0], [0], [1], [0, 0, 1, 1], [], []>, transpose_lhs_hint = false} : vector<1024x128xf32>, vector<128x128xf32>, vector<1024x128xf32> -> vector<1024x128xf32>
    %concatenate3A = tpu.concatenate %dot_general3A_5, %dot_general3A_10 in 1 : vector<1024x128xf32>, vector<1024x128xf32> -> vector<1024x256xf32>
    %swap3A = arith.constant 0 : index
    %swap3A_11 = arith.constant 0 : index
    %swap3A_12 = vector.load %arg4[%swap3A, %swap3A_11] : memref<1024x256xf32, #tpu.memory_space<vmem>>, vector<1024x256xf32>
    tpu.vector_store %arg4[%swap3A, %swap3A_11], %concatenate3A {strides = array<i32>} : memref<1024x256xf32, #tpu.memory_space<vmem>>, vector<1024x256xf32>,
    return
  }
  func.func @transform_0(%arg0: i32) -> (i32, i32) {
    %c0_i32 = arith.constant 0 : i32
    %c0_i32_0 = arith.constant 0 : i32
    return %arg0, %c0_i32 : i32, i32
  }
  func.func @transform_1(%arg0: i32) -> (i32, i32) {
    %c0_i32 = arith.constant 0 : i32
    %c0_i32_0 = arith.constant 0 : i32
    %c0_i32_1 = arith.constant 0 : i32
    return %c0_i32, %c0_i32_0 : i32, i32
  }
  func.func @transform_2(%arg0: i32) -> (i32, i32) {
    %c0_i32 = arith.constant 0 : i32
    %c0_i32_0 = arith.constant 0 : i32
    %c0_i32_1 = arith.constant 0 : i32
    return %c0_i32, %c0_i32_0 : i32, i32
  }
  func.func @transform_3(%arg0: i32) -> (i32, i32) {
    %c0_i32 = arith.constant 0 : i32
    %c0_i32_0 = arith.constant 0 : i32
    return %arg0, %c0_i32 : i32, i32
  }
}

module attributes {stable_mosaic.version = 14 : i64} {
  func.func @_blockhit_body(%arg0: i32, %arg1: i32, %arg2: memref<128x1xf32, #tpu.memory_space<vmem>>, %arg3: memref<128x1xf32, #tpu.memory_space<vmem>>, %arg4: memref<1x2048xf32, #tpu.memory_space<vmem>>, %arg5: memref<1x2048xf32, #tpu.memory_space<vmem>>, %arg6: memref<2048x128xf32, #tpu.memory_space<vmem>>, %arg7: memref<128x128xf32, #tpu.memory_space<vmem>>) attributes {dimension_semantics = [#tpu.dimension_semantics<arbitrary>, #tpu.dimension_semantics<arbitrary>], iteration_bounds = array<i64: 16, 8>, scalar_prefetch = 0 : i64, scratch_operands = 0 : i64, tpu.core_type = #tpu.core_type<tc>, window_params = [{transform_indices = @transform_0, window_bounds = array<i64: 128, 1>}, {transform_indices = @transform_1, window_bounds = array<i64: 128, 1>}, {transform_indices = @transform_2, window_bounds = array<i64: 1, 2048>}, {transform_indices = @transform_3, window_bounds = array<i64: 1, 2048>}, {pipeline_mode = #tpu.pipeline_mode<synchronous>, transform_indices = @transform_4, window_bounds = array<i64: 2048, 128>}, {transform_indices = @transform_5, window_bounds = array<i64: 128, 128>}]} {
    %get3A = arith.constant 0 : index
    %get3A_0 = arith.constant 0 : index
    %get3A_1 = vector.load %arg2[%get3A, %get3A_0] : memref<128x1xf32, #tpu.memory_space<vmem>>, vector<128x1xf32>
    %get3A_2 = arith.constant 0 : index
    %get3A_3 = arith.constant 0 : index
    %get3A_4 = vector.load %arg4[%get3A_2, %get3A_3] : memref<1x2048xf32, #tpu.memory_space<vmem>>, vector<1x2048xf32>
    %sub3A = vector.broadcast %get3A_1 : vector<128x1xf32> to vector<128x2048xf32>
    %sub3A_5 = vector.broadcast %get3A_4 : vector<1x2048xf32> to vector<128x2048xf32>
    %sub3A_6 = arith.subf %sub3A, %sub3A_5 : vector<128x2048xf32>
    %get3A_7 = arith.constant 0 : index
    %get3A_8 = arith.constant 0 : index
    %get3A_9 = vector.load %arg3[%get3A_7, %get3A_8] : memref<128x1xf32, #tpu.memory_space<vmem>>, vector<128x1xf32>
    %get3A_10 = arith.constant 0 : index
    %get3A_11 = arith.constant 0 : index
    %get3A_12 = vector.load %arg5[%get3A_10, %get3A_11] : memref<1x2048xf32, #tpu.memory_space<vmem>>, vector<1x2048xf32>
    %sub3A_13 = vector.broadcast %get3A_9 : vector<128x1xf32> to vector<128x2048xf32>
    %sub3A_14 = vector.broadcast %get3A_12 : vector<1x2048xf32> to vector<128x2048xf32>
    %sub3A_15 = arith.subf %sub3A_13, %sub3A_14 : vector<128x2048xf32>
    %mul3A = arith.mulf %sub3A_6, %sub3A_6 : vector<128x2048xf32>
    %mul3A_16 = arith.mulf %sub3A_15, %sub3A_15 : vector<128x2048xf32>
    %add3A = arith.addf %mul3A, %mul3A_16 : vector<128x2048xf32>
    %le3A = arith.constant 9.000180e-04 : f32
    %le3A_17 = vector.broadcast %le3A : f32 to vector<128x2048xf32>
    %le3A_18 = arith.cmpf ole, %add3A, %le3A_17 : vector<128x2048xf32>
    %convert_element_type3A = arith.extui %le3A_18 : vector<128x2048xi1> to vector<128x2048xi32>
    %convert_element_type3A_19 = arith.sitofp %convert_element_type3A : vector<128x2048xi32> to vector<128x2048xf32>
    %get3A_20 = arith.constant 0 : index
    %get3A_21 = arith.constant 0 : index
    %get3A_22 = vector.load %arg6[%get3A_20, %get3A_21] : memref<2048x128xf32, #tpu.memory_space<vmem>>, vector<2048x128xf32>
    %dot_general3A = arith.constant dense<0.000000e+00> : vector<128x128xf32>
    %dot_general3A_23 = tpu.matmul %convert_element_type3A_19, %get3A_22, %dot_general3A {dimension_numbers = #tpu.dot_dimension_numbers<[1], [0], [0], [1], [0, 0, 1, 1], [], []>, transpose_lhs_hint = false} : vector<128x2048xf32>, vector<2048x128xf32>, vector<128x128xf32> -> vector<128x128xf32>
    %swap3A = arith.constant 0 : index
    %swap3A_24 = arith.constant 0 : index
    %swap3A_25 = vector.load %arg7[%swap3A, %swap3A_24] : memref<128x128xf32, #tpu.memory_space<vmem>>, vector<128x128xf32>
    tpu.vector_store %arg7[%swap3A, %swap3A_24], %dot_general3A_23 {strides = array<i32>} : memref<128x128xf32, #tpu.memory_space<vmem>>, vector<128x128xf32>,
    return
  }
  func.func @transform_0(%arg0: i32, %arg1: i32) -> (i32, i32) {
    %c0_i32 = arith.constant 0 : i32
    %c0_i32_0 = arith.constant 0 : i32
    return %arg0, %c0_i32 : i32, i32
  }
  func.func @transform_1(%arg0: i32, %arg1: i32) -> (i32, i32) {
    %c0_i32 = arith.constant 0 : i32
    %c0_i32_0 = arith.constant 0 : i32
    return %arg0, %c0_i32 : i32, i32
  }
  func.func @transform_2(%arg0: i32, %arg1: i32) -> (i32, i32) {
    %c0_i32 = arith.constant 0 : i32
    %c0_i32_0 = arith.constant 0 : i32
    return %c0_i32, %arg1 : i32, i32
  }
  func.func @transform_3(%arg0: i32, %arg1: i32) -> (i32, i32) {
    %c0_i32 = arith.constant 0 : i32
    %c0_i32_0 = arith.constant 0 : i32
    return %c0_i32, %arg1 : i32, i32
  }
  func.func @transform_4(%arg0: i32, %arg1: i32) -> (i32, i32) {
    %c0_i32 = arith.constant 0 : i32
    %c0_i32_0 = arith.constant 0 : i32
    %c0_i32_1 = arith.constant 0 : i32
    return %c0_i32, %c0_i32_0 : i32, i32
  }
  func.func @transform_5(%arg0: i32, %arg1: i32) -> (i32, i32) {
    %c0_i32 = arith.constant 0 : i32
    return %arg0, %arg1 : i32, i32
  }
}

module attributes {stable_mosaic.version = 14 : i64} {
  func.func @_layer_body(%arg0: i32, %arg1: memref<32x128xf32, #tpu.memory_space<vmem>>, %arg2: memref<4096x1xf32, #tpu.memory_space<vmem>>, %arg3: memref<4096x1xf32, #tpu.memory_space<vmem>>, %arg4: memref<4096x128xf32, #tpu.memory_space<vmem>>, %arg5: memref<1x128xf32, #tpu.memory_space<vmem>>, %arg6: memref<1x128xf32, #tpu.memory_space<vmem>>, %arg7: memref<1x128xf32, #tpu.memory_space<vmem>>, %arg8: memref<128x128xf32, #tpu.memory_space<vmem>>, %arg9: memref<1x128xf32, #tpu.memory_space<vmem>>, %arg10: memref<1x128xf32, #tpu.memory_space<vmem>>, %arg11: memref<128x128xf32, #tpu.memory_space<vmem>>, %arg12: memref<1x128xf32, #tpu.memory_space<vmem>>, %arg13: memref<1x128xf32, #tpu.memory_space<vmem>>, %arg14: memref<128x128xf32, #tpu.memory_space<vmem>>, %arg15: memref<128x128xf32, #tpu.memory_space<vmem>>, %arg16: memref<1x128xf32, #tpu.memory_space<vmem>>, %arg17: memref<1x128xf32, #tpu.memory_space<vmem>>, %arg18: memref<128x128xf32, #tpu.memory_space<vmem>>, %arg19: memref<128x128xf32, #tpu.memory_space<vmem>>, %arg20: memref<1x128xf32, #tpu.memory_space<vmem>>, %arg21: memref<1x128xf32, #tpu.memory_space<vmem>>, %arg22: memref<128x128xf32, #tpu.memory_space<vmem>>, %arg23: memref<1x128xf32, #tpu.memory_space<vmem>>, %arg24: memref<1x128xf32, #tpu.memory_space<vmem>>, %arg25: memref<32x128xf32, #tpu.memory_space<vmem>>) attributes {dimension_semantics = [#tpu.dimension_semantics<arbitrary>], iteration_bounds = array<i64: 64>, scalar_prefetch = 0 : i64, scratch_operands = 0 : i64, tpu.core_type = #tpu.core_type<tc>, window_params = [{transform_indices = @transform_0, window_bounds = array<i64: 32, 128>}, {transform_indices = @transform_1, window_bounds = array<i64: 4096, 1>}, {transform_indices = @transform_2, window_bounds = array<i64: 4096, 1>}, {transform_indices = @transform_3, window_bounds = array<i64: 4096, 128>}, {pipeline_mode = #tpu.pipeline_mode<synchronous>, transform_indices = @transform_4, window_bounds = array<i64: 1, 128>}, {pipeline_mode = #tpu.pipeline_mode<synchronous>, transform_indices = @transform_5, window_bounds = array<i64: 1, 128>}, {pipeline_mode = #tpu.pipeline_mode<synchronous>, transform_indices = @transform_6, window_bounds = array<i64: 1, 128>}, {pipeline_mode = #tpu.pipeline_mode<synchronous>, transform_indices = @transform_7, window_bounds = array<i64: 128, 128>}, {pipeline_mode = #tpu.pipeline_mode<synchronous>, transform_indices = @transform_8, window_bounds = array<i64: 1, 128>}, {pipeline_mode = #tpu.pipeline_mode<synchronous>, transform_indices = @transform_9, window_bounds = array<i64: 1, 128>}, {pipeline_mode = #tpu.pipeline_mode<synchronous>, transform_indices = @transform_10, window_bounds = array<i64: 128, 128>}, {pipeline_mode = #tpu.pipeline_mode<synchronous>, transform_indices = @transform_11, window_bounds = array<i64: 1, 128>}, {pipeline_mode = #tpu.pipeline_mode<synchronous>, transform_indices = @transform_12, window_bounds = array<i64: 1, 128>}, {pipeline_mode = #tpu.pipeline_mode<synchronous>, transform_indices = @transform_13, window_bounds = array<i64: 128, 128>}, {pipeline_mode = #tpu.pipeline_mode<synchronous>, transform_indices = @transform_14, window_bounds = array<i64: 128, 128>}, {pipeline_mode = #tpu.pipeline_mode<synchronous>, transform_indices = @transform_15, window_bounds = array<i64: 1, 128>}, {pipeline_mode = #tpu.pipeline_mode<synchronous>, transform_indices = @transform_16, window_bounds = array<i64: 1, 128>}, {pipeline_mode = #tpu.pipeline_mode<synchronous>, transform_indices = @transform_17, window_bounds = array<i64: 128, 128>}, {pipeline_mode = #tpu.pipeline_mode<synchronous>, transform_indices = @transform_18, window_bounds = array<i64: 128, 128>}, {pipeline_mode = #tpu.pipeline_mode<synchronous>, transform_indices = @transform_19, window_bounds = array<i64: 1, 128>}, {pipeline_mode = #tpu.pipeline_mode<synchronous>, transform_indices = @transform_20, window_bounds = array<i64: 1, 128>}, {pipeline_mode = #tpu.pipeline_mode<synchronous>, transform_indices = @transform_21, window_bounds = array<i64: 128, 128>}, {pipeline_mode = #tpu.pipeline_mode<synchronous>, transform_indices = @transform_22, window_bounds = array<i64: 1, 128>}, {pipeline_mode = #tpu.pipeline_mode<synchronous>, transform_indices = @transform_23, window_bounds = array<i64: 1, 128>}, {transform_indices = @transform_24, window_bounds = array<i64: 32, 128>}]} {
    %get3A = arith.constant 0 : index
    %get3A_0 = arith.constant 0 : index
    %get3A_1 = vector.load %arg1[%get3A, %get3A_0] : memref<32x128xf32, #tpu.memory_space<vmem>>, vector<32x128xf32>
    %get3A_2 = arith.constant 0 : index
    %get3A_3 = arith.constant 0 : index
    %get3A_4 = vector.load %arg11[%get3A_2, %get3A_3] : memref<128x128xf32, #tpu.memory_space<vmem>>, vector<128x128xf32>
    %dot_general3A = arith.constant dense<0.000000e+00> : vector<32x128xf32>
    %dot_general3A_5 = tpu.matmul %get3A_1, %get3A_4, %dot_general3A {dimension_numbers = #tpu.dot_dimension_numbers<[1], [0], [0], [1], [0, 0, 1, 1], [], []>, transpose_lhs_hint = false} : vector<32x128xf32>, vector<128x128xf32>, vector<32x128xf32> -> vector<32x128xf32>
    %get3A_6 = arith.constant 0 : index
    %get3A_7 = arith.constant 0 : index
    %get3A_8 = vector.load %arg12[%get3A_6, %get3A_7] : memref<1x128xf32, #tpu.memory_space<vmem>>, vector<1x128xf32>
    %get3A_9 = arith.constant 0 : index
    %get3A_10 = arith.constant 0 : index
    %get3A_11 = vector.load %arg13[%get3A_9, %get3A_10] : memref<1x128xf32, #tpu.memory_space<vmem>>, vector<1x128xf32>
    %reduce_sum3A = arith.constant dense<0.000000e+00> : vector<32xf32>
    %reduce_sum3A_12 = vector.multi_reduction <add>, %dot_general3A_5, %reduce_sum3A [1] : vector<32x128xf32> to vector<32xf32>
    %broadcast_in_dim3A = vector.shape_cast %reduce_sum3A_12 : vector<32xf32> to vector<32x1xf32>
    %div3A = arith.constant 1.280000e+02 : f32
    %div3A_13 = vector.broadcast %div3A : f32 to vector<32x1xf32>
    %div3A_14 = arith.divf %broadcast_in_dim3A, %div3A_13 : vector<32x1xf32>
    %sub3A = vector.broadcast %div3A_14 : vector<32x1xf32> to vector<32x128xf32>
    %sub3A_15 = arith.subf %dot_general3A_5, %sub3A : vector<32x128xf32>
    %integer_pow3A = arith.mulf %sub3A_15, %sub3A_15 : vector<32x128xf32>
    %reduce_sum3A_16 = arith.constant dense<0.000000e+00> : vector<32xf32>
    %reduce_sum3A_17 = vector.multi_reduction <add>, %integer_pow3A, %reduce_sum3A_16 [1] : vector<32x128xf32> to vector<32xf32>
    %broadcast_in_dim3A_18 = vector.shape_cast %reduce_sum3A_17 : vector<32xf32> to vector<32x1xf32>
    %div3A_19 = arith.constant 1.280000e+02 : f32
    %div3A_20 = vector.broadcast %div3A_19 : f32 to vector<32x1xf32>
    %div3A_21 = arith.divf %broadcast_in_dim3A_18, %div3A_20 : vector<32x1xf32>
    %sub3A_22 = vector.broadcast %div3A_14 : vector<32x1xf32> to vector<32x128xf32>
    %sub3A_23 = arith.subf %dot_general3A_5, %sub3A_22 : vector<32x128xf32>
    %add3A = arith.constant 9.99999974E-6 : f32
    %add3A_24 = vector.broadcast %add3A : f32 to vector<32x1xf32>
    %add3A_25 = arith.addf %div3A_21, %add3A_24 : vector<32x1xf32>
    %sqrt3A = math.sqrt %add3A_25 : vector<32x1xf32>
    %div3A_26 = vector.broadcast %sqrt3A : vector<32x1xf32> to vector<32x128xf32>
    %div3A_27 = arith.divf %sub3A_23, %div3A_26 : vector<32x128xf32>
    %mul3A = vector.broadcast %get3A_8 : vector<1x128xf32> to vector<32x128xf32>
    %mul3A_28 = arith.mulf %div3A_27, %mul3A : vector<32x128xf32>
    %add3A_29 = vector.broadcast %get3A_11 : vector<1x128xf32> to vector<32x128xf32>
    %add3A_30 = arith.addf %mul3A_28, %add3A_29 : vector<32x128xf32>
    %max3A = arith.constant 0.000000e+00 : f32
    %max3A_31 = vector.broadcast %max3A : f32 to vector<32x128xf32>
    %max3A_32 = arith.maximumf %add3A_30, %max3A_31 : vector<32x128xf32>
    %get3A_33 = arith.constant 0 : index
    %get3A_34 = arith.constant 0 : index
    %get3A_35 = vector.load %arg15[%get3A_33, %get3A_34] : memref<128x128xf32, #tpu.memory_space<vmem>>, vector<128x128xf32>
    %dot_general3A_36 = arith.constant dense<0.000000e+00> : vector<32x128xf32>
    %dot_general3A_37 = tpu.matmul %max3A_32, %get3A_35, %dot_general3A_36 {dimension_numbers = #tpu.dot_dimension_numbers<[1], [0], [0], [1], [0, 0, 1, 1], [], []>, transpose_lhs_hint = false} : vector<32x128xf32>, vector<128x128xf32>, vector<32x128xf32> -> vector<32x128xf32>
    %get3A_38 = arith.constant 0 : index
    %get3A_39 = arith.constant 0 : index
    %get3A_40 = vector.load %arg2[%get3A_38, %get3A_39] : memref<4096x1xf32, #tpu.memory_space<vmem>>, vector<4096x1xf32>
    %get3A_41 = arith.constant 0 : index
    %get3A_42 = arith.constant 0 : index
    %get3A_43 = vector.load %arg3[%get3A_41, %get3A_42] : memref<4096x1xf32, #tpu.memory_space<vmem>>, vector<4096x1xf32>
    %mul3A_44 = arith.mulf %get3A_40, %get3A_40 : vector<4096x1xf32>
    %mul3A_45 = arith.mulf %get3A_43, %get3A_43 : vector<4096x1xf32>
    %add3A_46 = arith.addf %mul3A_44, %mul3A_45 : vector<4096x1xf32>
    %sqrt3A_47 = math.sqrt %add3A_46 : vector<4096x1xf32>
    %le3A = arith.constant 3.000000e-02 : f32
    %le3A_48 = vector.broadcast %le3A : f32 to vector<4096x1xf32>
    %le3A_49 = arith.cmpf ole, %sqrt3A_47, %le3A_48 : vector<4096x1xf32>
    %get3A_50 = arith.constant 0 : index
    %get3A_51 = arith.constant 0 : index
    %get3A_52 = vector.load %arg5[%get3A_50, %get3A_51] : memref<1x128xf32, #tpu.memory_space<vmem>>, vector<1x128xf32>
    %mul3A_53 = vector.broadcast %get3A_40 : vector<4096x1xf32> to vector<4096x128xf32>
    %mul3A_54 = vector.broadcast %get3A_52 : vector<1x128xf32> to vector<4096x128xf32>
    %mul3A_55 = arith.mulf %mul3A_53, %mul3A_54 : vector<4096x128xf32>
    %get3A_56 = arith.constant 0 : index
    %get3A_57 = arith.constant 0 : index
    %get3A_58 = vector.load %arg6[%get3A_56, %get3A_57] : memref<1x128xf32, #tpu.memory_space<vmem>>, vector<1x128xf32>
    %mul3A_59 = vector.broadcast %get3A_43 : vector<4096x1xf32> to vector<4096x128xf32>
    %mul3A_60 = vector.broadcast %get3A_58 : vector<1x128xf32> to vector<4096x128xf32>
    %mul3A_61 = arith.mulf %mul3A_59, %mul3A_60 : vector<4096x128xf32>
    %add3A_62 = arith.addf %mul3A_55, %mul3A_61 : vector<4096x128xf32>
    %get3A_63 = arith.constant 0 : index
    %get3A_64 = arith.constant 0 : index
    %get3A_65 = vector.load %arg7[%get3A_63, %get3A_64] : memref<1x128xf32, #tpu.memory_space<vmem>>, vector<1x128xf32>
    %add3A_66 = vector.broadcast %get3A_65 : vector<1x128xf32> to vector<4096x128xf32>
    %add3A_67 = arith.addf %add3A_62, %add3A_66 : vector<4096x128xf32>
    %max3A_68 = arith.constant 0.000000e+00 : f32
    %max3A_69 = vector.broadcast %max3A_68 : f32 to vector<4096x128xf32>
    %max3A_70 = arith.maximumf %add3A_67, %max3A_69 : vector<4096x128xf32>
    %get3A_71 = arith.constant 0 : index
    %get3A_72 = arith.constant 0 : index
    %get3A_73 = vector.load %arg8[%get3A_71, %get3A_72] : memref<128x128xf32, #tpu.memory_space<vmem>>, vector<128x128xf32>
    %dot_general3A_74 = arith.constant dense<0.000000e+00> : vector<4096x128xf32>
    %dot_general3A_75 = tpu.matmul %max3A_70, %get3A_73, %dot_general3A_74 {dimension_numbers = #tpu.dot_dimension_numbers<[1], [0], [0], [1], [0, 0, 1, 1], [], []>, transpose_lhs_hint = false} : vector<4096x128xf32>, vector<128x128xf32>, vector<4096x128xf32> -> vector<4096x128xf32>
    %get3A_76 = arith.constant 0 : index
    %get3A_77 = arith.constant 0 : index
    %get3A_78 = vector.load %arg9[%get3A_76, %get3A_77] : memref<1x128xf32, #tpu.memory_space<vmem>>, vector<1x128xf32>
    %get3A_79 = arith.constant 0 : index
    %get3A_80 = arith.constant 0 : index
    %get3A_81 = vector.load %arg10[%get3A_79, %get3A_80] : memref<1x128xf32, #tpu.memory_space<vmem>>, vector<1x128xf32>
    %reduce_sum3A_82 = arith.constant dense<0.000000e+00> : vector<4096xf32>
    %reduce_sum3A_83 = vector.multi_reduction <add>, %dot_general3A_75, %reduce_sum3A_82 [1] : vector<4096x128xf32> to vector<4096xf32>
    %broadcast_in_dim3A_84 = vector.shape_cast %reduce_sum3A_83 : vector<4096xf32> to vector<4096x1xf32>
    %div3A_85 = arith.constant 1.280000e+02 : f32
    %div3A_86 = vector.broadcast %div3A_85 : f32 to vector<4096x1xf32>
    %div3A_87 = arith.divf %broadcast_in_dim3A_84, %div3A_86 : vector<4096x1xf32>
    %sub3A_88 = vector.broadcast %div3A_87 : vector<4096x1xf32> to vector<4096x128xf32>
    %sub3A_89 = arith.subf %dot_general3A_75, %sub3A_88 : vector<4096x128xf32>
    %integer_pow3A_90 = arith.mulf %sub3A_89, %sub3A_89 : vector<4096x128xf32>
    %reduce_sum3A_91 = arith.constant dense<0.000000e+00> : vector<4096xf32>
    %reduce_sum3A_92 = vector.multi_reduction <add>, %integer_pow3A_90, %reduce_sum3A_91 [1] : vector<4096x128xf32> to vector<4096xf32>
    %broadcast_in_dim3A_93 = vector.shape_cast %reduce_sum3A_92 : vector<4096xf32> to vector<4096x1xf32>
    %div3A_94 = arith.constant 1.280000e+02 : f32
    %div3A_95 = vector.broadcast %div3A_94 : f32 to vector<4096x1xf32>
    %div3A_96 = arith.divf %broadcast_in_dim3A_93, %div3A_95 : vector<4096x1xf32>
    %sub3A_97 = vector.broadcast %div3A_87 : vector<4096x1xf32> to vector<4096x128xf32>
    %sub3A_98 = arith.subf %dot_general3A_75, %sub3A_97 : vector<4096x128xf32>
    %add3A_99 = arith.constant 9.99999974E-6 : f32
    %add3A_100 = vector.broadcast %add3A_99 : f32 to vector<4096x1xf32>
    %add3A_101 = arith.addf %div3A_96, %add3A_100 : vector<4096x1xf32>
    %sqrt3A_102 = math.sqrt %add3A_101 : vector<4096x1xf32>
    %div3A_103 = vector.broadcast %sqrt3A_102 : vector<4096x1xf32> to vector<4096x128xf32>
    %div3A_104 = arith.divf %sub3A_98, %div3A_103 : vector<4096x128xf32>
    %mul3A_105 = vector.broadcast %get3A_78 : vector<1x128xf32> to vector<4096x128xf32>
    %mul3A_106 = arith.mulf %div3A_104, %mul3A_105 : vector<4096x128xf32>
    %add3A_107 = vector.broadcast %get3A_81 : vector<1x128xf32> to vector<4096x128xf32>
    %add3A_108 = arith.addf %mul3A_106, %add3A_107 : vector<4096x128xf32>
    %max3A_109 = arith.constant 0.000000e+00 : f32
    %max3A_110 = vector.broadcast %max3A_109 : f32 to vector<4096x128xf32>
    %max3A_111 = arith.maximumf %add3A_108, %max3A_110 : vector<4096x128xf32>
    %get3A_112 = arith.constant 0 : index
    %get3A_113 = arith.constant 0 : index
    %get3A_114 = vector.load %arg14[%get3A_112, %get3A_113] : memref<128x128xf32, #tpu.memory_space<vmem>>, vector<128x128xf32>
    %dot_general3A_115 = arith.constant dense<0.000000e+00> : vector<4096x128xf32>
    %dot_general3A_116 = tpu.matmul %max3A_111, %get3A_114, %dot_general3A_115 {dimension_numbers = #tpu.dot_dimension_numbers<[1], [0], [0], [1], [0, 0, 1, 1], [], []>, transpose_lhs_hint = false} : vector<4096x128xf32>, vector<128x128xf32>, vector<4096x128xf32> -> vector<4096x128xf32>
    %get3A_117 = arith.constant 0 : index
    %get3A_118 = arith.constant 0 : index
    %get3A_119 = vector.load %arg4[%get3A_117, %get3A_118] : memref<4096x128xf32, #tpu.memory_space<vmem>>, vector<4096x128xf32>
    %add3A_120 = arith.addf %dot_general3A_116, %get3A_119 : vector<4096x128xf32>
    %broadcast_in_dim3A_121 = vector.shape_cast %dot_general3A_37 : vector<32x128xf32> to vector<32x1x128xf32>
    %broadcast_in_dim3A_122 = vector.shape_cast %broadcast_in_dim3A_121 : vector<32x1x128xf32> to vector<32x1x128xf32>
    %broadcast_in_dim3A_123 = vector.broadcast %broadcast_in_dim3A_122 : vector<32x1x128xf32> to vector<32x128x128xf32>
    %reshape3A = vector.shape_cast %broadcast_in_dim3A_123 : vector<32x128x128xf32> to vector<4096x128xf32>
    %add3A_124 = arith.addf %add3A_120, %reshape3A : vector<4096x128xf32>
    %get3A_125 = arith.constant 0 : index
    %get3A_126 = arith.constant 0 : index
    %get3A_127 = vector.load %arg16[%get3A_125, %get3A_126] : memref<1x128xf32, #tpu.memory_space<vmem>>, vector<1x128xf32>
    %get3A_128 = arith.constant 0 : index
    %get3A_129 = arith.constant 0 : index
    %get3A_130 = vector.load %arg17[%get3A_128, %get3A_129] : memref<1x128xf32, #tpu.memory_space<vmem>>, vector<1x128xf32>
    %reduce_sum3A_131 = arith.constant dense<0.000000e+00> : vector<4096xf32>
    %reduce_sum3A_132 = vector.multi_reduction <add>, %add3A_124, %reduce_sum3A_131 [1] : vector<4096x128xf32> to vector<4096xf32>
    %broadcast_in_dim3A_133 = vector.shape_cast %reduce_sum3A_132 : vector<4096xf32> to vector<4096x1xf32>
    %div3A_134 = arith.constant 1.280000e+02 : f32
    %div3A_135 = vector.broadcast %div3A_134 : f32 to vector<4096x1xf32>
    %div3A_136 = arith.divf %broadcast_in_dim3A_133, %div3A_135 : vector<4096x1xf32>
    %sub3A_137 = vector.broadcast %div3A_136 : vector<4096x1xf32> to vector<4096x128xf32>
    %sub3A_138 = arith.subf %add3A_124, %sub3A_137 : vector<4096x128xf32>
    %integer_pow3A_139 = arith.mulf %sub3A_138, %sub3A_138 : vector<4096x128xf32>
    %reduce_sum3A_140 = arith.constant dense<0.000000e+00> : vector<4096xf32>
    %reduce_sum3A_141 = vector.multi_reduction <add>, %integer_pow3A_139, %reduce_sum3A_140 [1] : vector<4096x128xf32> to vector<4096xf32>
    %broadcast_in_dim3A_142 = vector.shape_cast %reduce_sum3A_141 : vector<4096xf32> to vector<4096x1xf32>
    %div3A_143 = arith.constant 1.280000e+02 : f32
    %div3A_144 = vector.broadcast %div3A_143 : f32 to vector<4096x1xf32>
    %div3A_145 = arith.divf %broadcast_in_dim3A_142, %div3A_144 : vector<4096x1xf32>
    %sub3A_146 = vector.broadcast %div3A_136 : vector<4096x1xf32> to vector<4096x128xf32>
    %sub3A_147 = arith.subf %add3A_124, %sub3A_146 : vector<4096x128xf32>
    %add3A_148 = arith.constant 9.99999974E-6 : f32
    %add3A_149 = vector.broadcast %add3A_148 : f32 to vector<4096x1xf32>
    %add3A_150 = arith.addf %div3A_145, %add3A_149 : vector<4096x1xf32>
    %sqrt3A_151 = math.sqrt %add3A_150 : vector<4096x1xf32>
    %div3A_152 = vector.broadcast %sqrt3A_151 : vector<4096x1xf32> to vector<4096x128xf32>
    %div3A_153 = arith.divf %sub3A_147, %div3A_152 : vector<4096x128xf32>
    %mul3A_154 = vector.broadcast %get3A_127 : vector<1x128xf32> to vector<4096x128xf32>
    %mul3A_155 = arith.mulf %div3A_153, %mul3A_154 : vector<4096x128xf32>
    %add3A_156 = vector.broadcast %get3A_130 : vector<1x128xf32> to vector<4096x128xf32>
    %add3A_157 = arith.addf %mul3A_155, %add3A_156 : vector<4096x128xf32>
    %max3A_158 = arith.constant 0.000000e+00 : f32
    %max3A_159 = vector.broadcast %max3A_158 : f32 to vector<4096x128xf32>
    %max3A_160 = arith.maximumf %add3A_157, %max3A_159 : vector<4096x128xf32>
    %get3A_161 = arith.constant 0 : index
    %get3A_162 = arith.constant 0 : index
    %get3A_163 = vector.load %arg18[%get3A_161, %get3A_162] : memref<128x128xf32, #tpu.memory_space<vmem>>, vector<128x128xf32>
    %dot_general3A_164 = arith.constant dense<0.000000e+00> : vector<4096x128xf32>
    %dot_general3A_165 = tpu.matmul %max3A_160, %get3A_163, %dot_general3A_164 {dimension_numbers = #tpu.dot_dimension_numbers<[1], [0], [0], [1], [0, 0, 1, 1], [], []>, transpose_lhs_hint = false} : vector<4096x128xf32>, vector<128x128xf32>, vector<4096x128xf32> -> vector<4096x128xf32>
    %jit3A = arith.constant 0.000000e+00 : f32
    %broadcast_in_dim3A_166 = vector.shape_cast %le3A_49 : vector<4096x1xi1> to vector<4096x1xi1>
    %broadcast_in_dim3A_167 = vector.broadcast %broadcast_in_dim3A_166 : vector<4096x1xi1> to vector<4096x128xi1>
    %broadcast_in_dim3A_168 = vector.broadcast %jit3A : f32 to vector<4096x128xf32>
    %select_n3A = arith.select %broadcast_in_dim3A_167, %dot_general3A_165, %broadcast_in_dim3A_168 : vector<4096x128xi1>, vector<4096x128xf32>
    %reshape3A_169 = vector.shape_cast %select_n3A : vector<4096x128xf32> to vector<32x128x128xf32>
    %reduce_sum3A_170 = arith.constant dense<0.000000e+00> : vector<32x128xf32>
    %reduce_sum3A_171 = vector.multi_reduction <add>, %reshape3A_169, %reduce_sum3A_170 [1] : vector<32x128x128xf32> to vector<32x128xf32>
    %get3A_172 = arith.constant 0 : index
    %get3A_173 = arith.constant 0 : index
    %get3A_174 = vector.load %arg19[%get3A_172, %get3A_173] : memref<128x128xf32, #tpu.memory_space<vmem>>, vector<128x128xf32>
    %dot_general3A_175 = arith.constant dense<0.000000e+00> : vector<32x128xf32>
    %dot_general3A_176 = tpu.matmul %get3A_1, %get3A_174, %dot_general3A_175 {dimension_numbers = #tpu.dot_dimension_numbers<[1], [0], [0], [1], [0, 0, 1, 1], [], []>, transpose_lhs_hint = false} : vector<32x128xf32>, vector<128x128xf32>, vector<32x128xf32> -> vector<32x128xf32>
    %add3A_177 = arith.addf %dot_general3A_176, %reduce_sum3A_171 : vector<32x128xf32>
    %get3A_178 = arith.constant 0 : index
    %get3A_179 = arith.constant 0 : index
    %get3A_180 = vector.load %arg20[%get3A_178, %get3A_179] : memref<1x128xf32, #tpu.memory_space<vmem>>, vector<1x128xf32>
    %get3A_181 = arith.constant 0 : index
    %get3A_182 = arith.constant 0 : index
    %get3A_183 = vector.load %arg21[%get3A_181, %get3A_182] : memref<1x128xf32, #tpu.memory_space<vmem>>, vector<1x128xf32>
    %reduce_sum3A_184 = arith.constant dense<0.000000e+00> : vector<32xf32>
    %reduce_sum3A_185 = vector.multi_reduction <add>, %add3A_177, %reduce_sum3A_184 [1] : vector<32x128xf32> to vector<32xf32>
    %broadcast_in_dim3A_186 = vector.shape_cast %reduce_sum3A_185 : vector<32xf32> to vector<32x1xf32>
    %div3A_187 = arith.constant 1.280000e+02 : f32
    %div3A_188 = vector.broadcast %div3A_187 : f32 to vector<32x1xf32>
    %div3A_189 = arith.divf %broadcast_in_dim3A_186, %div3A_188 : vector<32x1xf32>
    %sub3A_190 = vector.broadcast %div3A_189 : vector<32x1xf32> to vector<32x128xf32>
    %sub3A_191 = arith.subf %add3A_177, %sub3A_190 : vector<32x128xf32>
    %integer_pow3A_192 = arith.mulf %sub3A_191, %sub3A_191 : vector<32x128xf32>
    %reduce_sum3A_193 = arith.constant dense<0.000000e+00> : vector<32xf32>
    %reduce_sum3A_194 = vector.multi_reduction <add>, %integer_pow3A_192, %reduce_sum3A_193 [1] : vector<32x128xf32> to vector<32xf32>
    %broadcast_in_dim3A_195 = vector.shape_cast %reduce_sum3A_194 : vector<32xf32> to vector<32x1xf32>
    %div3A_196 = arith.constant 1.280000e+02 : f32
    %div3A_197 = vector.broadcast %div3A_196 : f32 to vector<32x1xf32>
    %div3A_198 = arith.divf %broadcast_in_dim3A_195, %div3A_197 : vector<32x1xf32>
    %sub3A_199 = vector.broadcast %div3A_189 : vector<32x1xf32> to vector<32x128xf32>
    %sub3A_200 = arith.subf %add3A_177, %sub3A_199 : vector<32x128xf32>
    %add3A_201 = arith.constant 9.99999974E-6 : f32
    %add3A_202 = vector.broadcast %add3A_201 : f32 to vector<32x1xf32>
    %add3A_203 = arith.addf %div3A_198, %add3A_202 : vector<32x1xf32>
    %sqrt3A_204 = math.sqrt %add3A_203 : vector<32x1xf32>
    %div3A_205 = vector.broadcast %sqrt3A_204 : vector<32x1xf32> to vector<32x128xf32>
    %div3A_206 = arith.divf %sub3A_200, %div3A_205 : vector<32x128xf32>
    %mul3A_207 = vector.broadcast %get3A_180 : vector<1x128xf32> to vector<32x128xf32>
    %mul3A_208 = arith.mulf %div3A_206, %mul3A_207 : vector<32x128xf32>
    %add3A_209 = vector.broadcast %get3A_183 : vector<1x128xf32> to vector<32x128xf32>
    %add3A_210 = arith.addf %mul3A_208, %add3A_209 : vector<32x128xf32>
    %max3A_211 = arith.constant 0.000000e+00 : f32
    %max3A_212 = vector.broadcast %max3A_211 : f32 to vector<32x128xf32>
    %max3A_213 = arith.maximumf %add3A_210, %max3A_212 : vector<32x128xf32>
    %get3A_214 = arith.constant 0 : index
    %get3A_215 = arith.constant 0 : index
    %get3A_216 = vector.load %arg22[%get3A_214, %get3A_215] : memref<128x128xf32, #tpu.memory_space<vmem>>, vector<128x128xf32>
    %dot_general3A_217 = arith.constant dense<0.000000e+00> : vector<32x128xf32>
    %dot_general3A_218 = tpu.matmul %max3A_213, %get3A_216, %dot_general3A_217 {dimension_numbers = #tpu.dot_dimension_numbers<[1], [0], [0], [1], [0, 0, 1, 1], [], []>, transpose_lhs_hint = false} : vector<32x128xf32>, vector<128x128xf32>, vector<32x128xf32> -> vector<32x128xf32>
    %get3A_219 = arith.constant 0 : index
    %get3A_220 = arith.constant 0 : index
    %get3A_221 = vector.load %arg23[%get3A_219, %get3A_220] : memref<1x128xf32, #tpu.memory_space<vmem>>, vector<1x128xf32>
    %get3A_222 = arith.constant 0 : index
    %get3A_223 = arith.constant 0 : index
    %get3A_224 = vector.load %arg24[%get3A_222, %get3A_223] : memref<1x128xf32, #tpu.memory_space<vmem>>, vector<1x128xf32>
    %reduce_sum3A_225 = arith.constant dense<0.000000e+00> : vector<32xf32>
    %reduce_sum3A_226 = vector.multi_reduction <add>, %dot_general3A_218, %reduce_sum3A_225 [1] : vector<32x128xf32> to vector<32xf32>
    %broadcast_in_dim3A_227 = vector.shape_cast %reduce_sum3A_226 : vector<32xf32> to vector<32x1xf32>
    %div3A_228 = arith.constant 1.280000e+02 : f32
    %div3A_229 = vector.broadcast %div3A_228 : f32 to vector<32x1xf32>
    %div3A_230 = arith.divf %broadcast_in_dim3A_227, %div3A_229 : vector<32x1xf32>
    %sub3A_231 = vector.broadcast %div3A_230 : vector<32x1xf32> to vector<32x128xf32>
    %sub3A_232 = arith.subf %dot_general3A_218, %sub3A_231 : vector<32x128xf32>
    %integer_pow3A_233 = arith.mulf %sub3A_232, %sub3A_232 : vector<32x128xf32>
    %reduce_sum3A_234 = arith.constant dense<0.000000e+00> : vector<32xf32>
    %reduce_sum3A_235 = vector.multi_reduction <add>, %integer_pow3A_233, %reduce_sum3A_234 [1] : vector<32x128xf32> to vector<32xf32>
    %broadcast_in_dim3A_236 = vector.shape_cast %reduce_sum3A_235 : vector<32xf32> to vector<32x1xf32>
    %div3A_237 = arith.constant 1.280000e+02 : f32
    %div3A_238 = vector.broadcast %div3A_237 : f32 to vector<32x1xf32>
    %div3A_239 = arith.divf %broadcast_in_dim3A_236, %div3A_238 : vector<32x1xf32>
    %sub3A_240 = vector.broadcast %div3A_230 : vector<32x1xf32> to vector<32x128xf32>
    %sub3A_241 = arith.subf %dot_general3A_218, %sub3A_240 : vector<32x128xf32>
    %add3A_242 = arith.constant 9.99999974E-6 : f32
    %add3A_243 = vector.broadcast %add3A_242 : f32 to vector<32x1xf32>
    %add3A_244 = arith.addf %div3A_239, %add3A_243 : vector<32x1xf32>
    %sqrt3A_245 = math.sqrt %add3A_244 : vector<32x1xf32>
    %div3A_246 = vector.broadcast %sqrt3A_245 : vector<32x1xf32> to vector<32x128xf32>
    %div3A_247 = arith.divf %sub3A_241, %div3A_246 : vector<32x128xf32>
    %mul3A_248 = vector.broadcast %get3A_221 : vector<1x128xf32> to vector<32x128xf32>
    %mul3A_249 = arith.mulf %div3A_247, %mul3A_248 : vector<32x128xf32>
    %add3A_250 = vector.broadcast %get3A_224 : vector<1x128xf32> to vector<32x128xf32>
    %add3A_251 = arith.addf %mul3A_249, %add3A_250 : vector<32x128xf32>
    %add3A_252 = arith.addf %add3A_251, %get3A_1 : vector<32x128xf32>
    %max3A_253 = arith.constant 0.000000e+00 : f32
    %max3A_254 = vector.broadcast %max3A_253 : f32 to vector<32x128xf32>
    %max3A_255 = arith.maximumf %add3A_252, %max3A_254 : vector<32x128xf32>
    %swap3A = arith.constant 0 : index
    %swap3A_256 = arith.constant 0 : index
    %swap3A_257 = vector.load %arg25[%swap3A, %swap3A_256] : memref<32x128xf32, #tpu.memory_space<vmem>>, vector<32x128xf32>
    tpu.vector_store %arg25[%swap3A, %swap3A_256], %max3A_255 {strides = array<i32>} : memref<32x128xf32, #tpu.memory_space<vmem>>, vector<32x128xf32>,
    return
  }
  func.func @transform_0(%arg0: i32) -> (i32, i32) {
    %c0_i32 = arith.constant 0 : i32
    %c0_i32_0 = arith.constant 0 : i32
    return %arg0, %c0_i32 : i32, i32
  }
  func.func @transform_1(%arg0: i32) -> (i32, i32) {
    %c0_i32 = arith.constant 0 : i32
    %c0_i32_0 = arith.constant 0 : i32
    return %arg0, %c0_i32 : i32, i32
  }
  func.func @transform_2(%arg0: i32) -> (i32, i32) {
    %c0_i32 = arith.constant 0 : i32
    %c0_i32_0 = arith.constant 0 : i32
    return %arg0, %c0_i32 : i32, i32
  }
  func.func @transform_3(%arg0: i32) -> (i32, i32) {
    %c0_i32 = arith.constant 0 : i32
    %c0_i32_0 = arith.constant 0 : i32
    return %arg0, %c0_i32 : i32, i32
  }
  func.func @transform_4(%arg0: i32) -> (i32, i32) {
    %c0_i32 = arith.constant 0 : i32
    %c0_i32_0 = arith.constant 0 : i32
    %c0_i32_1 = arith.constant 0 : i32
    return %c0_i32, %c0_i32_0 : i32, i32
  }
  func.func @transform_5(%arg0: i32) -> (i32, i32) {
    %c0_i32 = arith.constant 0 : i32
    %c0_i32_0 = arith.constant 0 : i32
    %c0_i32_1 = arith.constant 0 : i32
    return %c0_i32, %c0_i32_0 : i32, i32
  }
  func.func @transform_6(%arg0: i32) -> (i32, i32) {
    %c0_i32 = arith.constant 0 : i32
    %c0_i32_0 = arith.constant 0 : i32
    %c0_i32_1 = arith.constant 0 : i32
    return %c0_i32, %c0_i32_0 : i32, i32
  }
  func.func @transform_7(%arg0: i32) -> (i32, i32) {
    %c0_i32 = arith.constant 0 : i32
    %c0_i32_0 = arith.constant 0 : i32
    %c0_i32_1 = arith.constant 0 : i32
    return %c0_i32, %c0_i32_0 : i32, i32
  }
  func.func @transform_8(%arg0: i32) -> (i32, i32) {
    %c0_i32 = arith.constant 0 : i32
    %c0_i32_0 = arith.constant 0 : i32
    %c0_i32_1 = arith.constant 0 : i32
    return %c0_i32, %c0_i32_0 : i32, i32
  }
  func.func @transform_9(%arg0: i32) -> (i32, i32) {
    %c0_i32 = arith.constant 0 : i32
    %c0_i32_0 = arith.constant 0 : i32
    %c0_i32_1 = arith.constant 0 : i32
    return %c0_i32, %c0_i32_0 : i32, i32
  }
  func.func @transform_10(%arg0: i32) -> (i32, i32) {
    %c0_i32 = arith.constant 0 : i32
    %c0_i32_0 = arith.constant 0 : i32
    %c0_i32_1 = arith.constant 0 : i32
    return %c0_i32, %c0_i32_0 : i32, i32
  }
  func.func @transform_11(%arg0: i32) -> (i32, i32) {
    %c0_i32 = arith.constant 0 : i32
    %c0_i32_0 = arith.constant 0 : i32
    %c0_i32_1 = arith.constant 0 : i32
    return %c0_i32, %c0_i32_0 : i32, i32
  }
  func.func @transform_12(%arg0: i32) -> (i32, i32) {
    %c0_i32 = arith.constant 0 : i32
    %c0_i32_0 = arith.constant 0 : i32
    %c0_i32_1 = arith.constant 0 : i32
    return %c0_i32, %c0_i32_0 : i32, i32
  }
  func.func @transform_13(%arg0: i32) -> (i32, i32) {
    %c0_i32 = arith.constant 0 : i32
    %c0_i32_0 = arith.constant 0 : i32
    %c0_i32_1 = arith.constant 0 : i32
    return %c0_i32, %c0_i32_0 : i32, i32
  }
  func.func @transform_14(%arg0: i32) -> (i32, i32) {
    %c0_i32 = arith.constant 0 : i32
    %c0_i32_0 = arith.constant 0 : i32
    %c0_i32_1 = arith.constant 0 : i32
    return %c0_i32, %c0_i32_0 : i32, i32
  }
  func.func @transform_15(%arg0: i32) -> (i32, i32) {
    %c0_i32 = arith.constant 0 : i32
    %c0_i32_0 = arith.constant 0 : i32
    %c0_i32_1 = arith.constant 0 : i32
    return %c0_i32, %c0_i32_0 : i32, i32
  }
  func.func @transform_16(%arg0: i32) -> (i32, i32) {
    %c0_i32 = arith.constant 0 : i32
    %c0_i32_0 = arith.constant 0 : i32
    %c0_i32_1 = arith.constant 0 : i32
    return %c0_i32, %c0_i32_0 : i32, i32
  }
  func.func @transform_17(%arg0: i32) -> (i32, i32) {
    %c0_i32 = arith.constant 0 : i32
    %c0_i32_0 = arith.constant 0 : i32
    %c0_i32_1 = arith.constant 0 : i32
    return %c0_i32, %c0_i32_0 : i32, i32
  }
  func.func @transform_18(%arg0: i32) -> (i32, i32) {
    %c0_i32 = arith.constant 0 : i32
    %c0_i32_0 = arith.constant 0 : i32
    %c0_i32_1 = arith.constant 0 : i32
    return %c0_i32, %c0_i32_0 : i32, i32
  }
  func.func @transform_19(%arg0: i32) -> (i32, i32) {
    %c0_i32 = arith.constant 0 : i32
    %c0_i32_0 = arith.constant 0 : i32
    %c0_i32_1 = arith.constant 0 : i32
    return %c0_i32, %c0_i32_0 : i32, i32
  }
  func.func @transform_20(%arg0: i32) -> (i32, i32) {
    %c0_i32 = arith.constant 0 : i32
    %c0_i32_0 = arith.constant 0 : i32
    %c0_i32_1 = arith.constant 0 : i32
    return %c0_i32, %c0_i32_0 : i32, i32
  }
  func.func @transform_21(%arg0: i32) -> (i32, i32) {
    %c0_i32 = arith.constant 0 : i32
    %c0_i32_0 = arith.constant 0 : i32
    %c0_i32_1 = arith.constant 0 : i32
    return %c0_i32, %c0_i32_0 : i32, i32
  }
  func.func @transform_22(%arg0: i32) -> (i32, i32) {
    %c0_i32 = arith.constant 0 : i32
    %c0_i32_0 = arith.constant 0 : i32
    %c0_i32_1 = arith.constant 0 : i32
    return %c0_i32, %c0_i32_0 : i32, i32
  }
  func.func @transform_23(%arg0: i32) -> (i32, i32) {
    %c0_i32 = arith.constant 0 : i32
    %c0_i32_0 = arith.constant 0 : i32
    %c0_i32_1 = arith.constant 0 : i32
    return %c0_i32, %c0_i32_0 : i32, i32
  }
  func.func @transform_24(%arg0: i32) -> (i32, i32) {
    %c0_i32 = arith.constant 0 : i32
    %c0_i32_0 = arith.constant 0 : i32
    return %arg0, %c0_i32 : i32, i32
  }
}

module attributes {stable_mosaic.version = 14 : i64} {
  func.func @_layer_body(%arg0: i32, %arg1: memref<32x128xf32, #tpu.memory_space<vmem>>, %arg2: memref<4096x1xf32, #tpu.memory_space<vmem>>, %arg3: memref<4096x1xf32, #tpu.memory_space<vmem>>, %arg4: memref<4096x128xf32, #tpu.memory_space<vmem>>, %arg5: memref<1x128xf32, #tpu.memory_space<vmem>>, %arg6: memref<1x128xf32, #tpu.memory_space<vmem>>, %arg7: memref<1x128xf32, #tpu.memory_space<vmem>>, %arg8: memref<128x128xf32, #tpu.memory_space<vmem>>, %arg9: memref<1x128xf32, #tpu.memory_space<vmem>>, %arg10: memref<1x128xf32, #tpu.memory_space<vmem>>, %arg11: memref<128x128xf32, #tpu.memory_space<vmem>>, %arg12: memref<1x128xf32, #tpu.memory_space<vmem>>, %arg13: memref<1x128xf32, #tpu.memory_space<vmem>>, %arg14: memref<128x128xf32, #tpu.memory_space<vmem>>, %arg15: memref<128x128xf32, #tpu.memory_space<vmem>>, %arg16: memref<1x128xf32, #tpu.memory_space<vmem>>, %arg17: memref<1x128xf32, #tpu.memory_space<vmem>>, %arg18: memref<128x128xf32, #tpu.memory_space<vmem>>, %arg19: memref<128x128xf32, #tpu.memory_space<vmem>>, %arg20: memref<1x128xf32, #tpu.memory_space<vmem>>, %arg21: memref<1x128xf32, #tpu.memory_space<vmem>>, %arg22: memref<128x128xf32, #tpu.memory_space<vmem>>, %arg23: memref<1x128xf32, #tpu.memory_space<vmem>>, %arg24: memref<1x128xf32, #tpu.memory_space<vmem>>, %arg25: memref<32x128xf32, #tpu.memory_space<vmem>>) attributes {dimension_semantics = [#tpu.dimension_semantics<arbitrary>], iteration_bounds = array<i64: 64>, scalar_prefetch = 0 : i64, scratch_operands = 0 : i64, tpu.core_type = #tpu.core_type<tc>, window_params = [{transform_indices = @transform_0, window_bounds = array<i64: 32, 128>}, {transform_indices = @transform_1, window_bounds = array<i64: 4096, 1>}, {transform_indices = @transform_2, window_bounds = array<i64: 4096, 1>}, {transform_indices = @transform_3, window_bounds = array<i64: 4096, 128>}, {pipeline_mode = #tpu.pipeline_mode<synchronous>, transform_indices = @transform_4, window_bounds = array<i64: 1, 128>}, {pipeline_mode = #tpu.pipeline_mode<synchronous>, transform_indices = @transform_5, window_bounds = array<i64: 1, 128>}, {pipeline_mode = #tpu.pipeline_mode<synchronous>, transform_indices = @transform_6, window_bounds = array<i64: 1, 128>}, {pipeline_mode = #tpu.pipeline_mode<synchronous>, transform_indices = @transform_7, window_bounds = array<i64: 128, 128>}, {pipeline_mode = #tpu.pipeline_mode<synchronous>, transform_indices = @transform_8, window_bounds = array<i64: 1, 128>}, {pipeline_mode = #tpu.pipeline_mode<synchronous>, transform_indices = @transform_9, window_bounds = array<i64: 1, 128>}, {pipeline_mode = #tpu.pipeline_mode<synchronous>, transform_indices = @transform_10, window_bounds = array<i64: 128, 128>}, {pipeline_mode = #tpu.pipeline_mode<synchronous>, transform_indices = @transform_11, window_bounds = array<i64: 1, 128>}, {pipeline_mode = #tpu.pipeline_mode<synchronous>, transform_indices = @transform_12, window_bounds = array<i64: 1, 128>}, {pipeline_mode = #tpu.pipeline_mode<synchronous>, transform_indices = @transform_13, window_bounds = array<i64: 128, 128>}, {pipeline_mode = #tpu.pipeline_mode<synchronous>, transform_indices = @transform_14, window_bounds = array<i64: 128, 128>}, {pipeline_mode = #tpu.pipeline_mode<synchronous>, transform_indices = @transform_15, window_bounds = array<i64: 1, 128>}, {pipeline_mode = #tpu.pipeline_mode<synchronous>, transform_indices = @transform_16, window_bounds = array<i64: 1, 128>}, {pipeline_mode = #tpu.pipeline_mode<synchronous>, transform_indices = @transform_17, window_bounds = array<i64: 128, 128>}, {pipeline_mode = #tpu.pipeline_mode<synchronous>, transform_indices = @transform_18, window_bounds = array<i64: 128, 128>}, {pipeline_mode = #tpu.pipeline_mode<synchronous>, transform_indices = @transform_19, window_bounds = array<i64: 1, 128>}, {pipeline_mode = #tpu.pipeline_mode<synchronous>, transform_indices = @transform_20, window_bounds = array<i64: 1, 128>}, {pipeline_mode = #tpu.pipeline_mode<synchronous>, transform_indices = @transform_21, window_bounds = array<i64: 128, 128>}, {pipeline_mode = #tpu.pipeline_mode<synchronous>, transform_indices = @transform_22, window_bounds = array<i64: 1, 128>}, {pipeline_mode = #tpu.pipeline_mode<synchronous>, transform_indices = @transform_23, window_bounds = array<i64: 1, 128>}, {transform_indices = @transform_24, window_bounds = array<i64: 32, 128>}]} {
    %get3A = arith.constant 0 : index
    %get3A_0 = arith.constant 0 : index
    %get3A_1 = vector.load %arg1[%get3A, %get3A_0] : memref<32x128xf32, #tpu.memory_space<vmem>>, vector<32x128xf32>
    %get3A_2 = arith.constant 0 : index
    %get3A_3 = arith.constant 0 : index
    %get3A_4 = vector.load %arg11[%get3A_2, %get3A_3] : memref<128x128xf32, #tpu.memory_space<vmem>>, vector<128x128xf32>
    %dot_general3A = arith.constant dense<0.000000e+00> : vector<32x128xf32>
    %dot_general3A_5 = tpu.matmul %get3A_1, %get3A_4, %dot_general3A {dimension_numbers = #tpu.dot_dimension_numbers<[1], [0], [0], [1], [0, 0, 1, 1], [], []>, transpose_lhs_hint = false} : vector<32x128xf32>, vector<128x128xf32>, vector<32x128xf32> -> vector<32x128xf32>
    %get3A_6 = arith.constant 0 : index
    %get3A_7 = arith.constant 0 : index
    %get3A_8 = vector.load %arg12[%get3A_6, %get3A_7] : memref<1x128xf32, #tpu.memory_space<vmem>>, vector<1x128xf32>
    %get3A_9 = arith.constant 0 : index
    %get3A_10 = arith.constant 0 : index
    %get3A_11 = vector.load %arg13[%get3A_9, %get3A_10] : memref<1x128xf32, #tpu.memory_space<vmem>>, vector<1x128xf32>
    %reduce_sum3A = arith.constant dense<0.000000e+00> : vector<32xf32>
    %reduce_sum3A_12 = vector.multi_reduction <add>, %dot_general3A_5, %reduce_sum3A [1] : vector<32x128xf32> to vector<32xf32>
    %broadcast_in_dim3A = vector.shape_cast %reduce_sum3A_12 : vector<32xf32> to vector<32x1xf32>
    %div3A = arith.constant 1.280000e+02 : f32
    %div3A_13 = vector.broadcast %div3A : f32 to vector<32x1xf32>
    %div3A_14 = arith.divf %broadcast_in_dim3A, %div3A_13 : vector<32x1xf32>
    %sub3A = vector.broadcast %div3A_14 : vector<32x1xf32> to vector<32x128xf32>
    %sub3A_15 = arith.subf %dot_general3A_5, %sub3A : vector<32x128xf32>
    %integer_pow3A = arith.mulf %sub3A_15, %sub3A_15 : vector<32x128xf32>
    %reduce_sum3A_16 = arith.constant dense<0.000000e+00> : vector<32xf32>
    %reduce_sum3A_17 = vector.multi_reduction <add>, %integer_pow3A, %reduce_sum3A_16 [1] : vector<32x128xf32> to vector<32xf32>
    %broadcast_in_dim3A_18 = vector.shape_cast %reduce_sum3A_17 : vector<32xf32> to vector<32x1xf32>
    %div3A_19 = arith.constant 1.280000e+02 : f32
    %div3A_20 = vector.broadcast %div3A_19 : f32 to vector<32x1xf32>
    %div3A_21 = arith.divf %broadcast_in_dim3A_18, %div3A_20 : vector<32x1xf32>
    %sub3A_22 = vector.broadcast %div3A_14 : vector<32x1xf32> to vector<32x128xf32>
    %sub3A_23 = arith.subf %dot_general3A_5, %sub3A_22 : vector<32x128xf32>
    %add3A = arith.constant 9.99999974E-6 : f32
    %add3A_24 = vector.broadcast %add3A : f32 to vector<32x1xf32>
    %add3A_25 = arith.addf %div3A_21, %add3A_24 : vector<32x1xf32>
    %sqrt3A = math.sqrt %add3A_25 : vector<32x1xf32>
    %div3A_26 = vector.broadcast %sqrt3A : vector<32x1xf32> to vector<32x128xf32>
    %div3A_27 = arith.divf %sub3A_23, %div3A_26 : vector<32x128xf32>
    %mul3A = vector.broadcast %get3A_8 : vector<1x128xf32> to vector<32x128xf32>
    %mul3A_28 = arith.mulf %div3A_27, %mul3A : vector<32x128xf32>
    %add3A_29 = vector.broadcast %get3A_11 : vector<1x128xf32> to vector<32x128xf32>
    %add3A_30 = arith.addf %mul3A_28, %add3A_29 : vector<32x128xf32>
    %max3A = arith.constant 0.000000e+00 : f32
    %max3A_31 = vector.broadcast %max3A : f32 to vector<32x128xf32>
    %max3A_32 = arith.maximumf %add3A_30, %max3A_31 : vector<32x128xf32>
    %get3A_33 = arith.constant 0 : index
    %get3A_34 = arith.constant 0 : index
    %get3A_35 = vector.load %arg15[%get3A_33, %get3A_34] : memref<128x128xf32, #tpu.memory_space<vmem>>, vector<128x128xf32>
    %dot_general3A_36 = arith.constant dense<0.000000e+00> : vector<32x128xf32>
    %dot_general3A_37 = tpu.matmul %max3A_32, %get3A_35, %dot_general3A_36 {dimension_numbers = #tpu.dot_dimension_numbers<[1], [0], [0], [1], [0, 0, 1, 1], [], []>, transpose_lhs_hint = false} : vector<32x128xf32>, vector<128x128xf32>, vector<32x128xf32> -> vector<32x128xf32>
    %get3A_38 = arith.constant 0 : index
    %get3A_39 = arith.constant 0 : index
    %get3A_40 = vector.load %arg2[%get3A_38, %get3A_39] : memref<4096x1xf32, #tpu.memory_space<vmem>>, vector<4096x1xf32>
    %get3A_41 = arith.constant 0 : index
    %get3A_42 = arith.constant 0 : index
    %get3A_43 = vector.load %arg3[%get3A_41, %get3A_42] : memref<4096x1xf32, #tpu.memory_space<vmem>>, vector<4096x1xf32>
    %mul3A_44 = arith.mulf %get3A_40, %get3A_40 : vector<4096x1xf32>
    %mul3A_45 = arith.mulf %get3A_43, %get3A_43 : vector<4096x1xf32>
    %add3A_46 = arith.addf %mul3A_44, %mul3A_45 : vector<4096x1xf32>
    %sqrt3A_47 = math.sqrt %add3A_46 : vector<4096x1xf32>
    %le3A = arith.constant 3.000000e-02 : f32
    %le3A_48 = vector.broadcast %le3A : f32 to vector<4096x1xf32>
    %le3A_49 = arith.cmpf ole, %sqrt3A_47, %le3A_48 : vector<4096x1xf32>
    %get3A_50 = arith.constant 0 : index
    %get3A_51 = arith.constant 0 : index
    %get3A_52 = vector.load %arg5[%get3A_50, %get3A_51] : memref<1x128xf32, #tpu.memory_space<vmem>>, vector<1x128xf32>
    %mul3A_53 = vector.broadcast %get3A_40 : vector<4096x1xf32> to vector<4096x128xf32>
    %mul3A_54 = vector.broadcast %get3A_52 : vector<1x128xf32> to vector<4096x128xf32>
    %mul3A_55 = arith.mulf %mul3A_53, %mul3A_54 : vector<4096x128xf32>
    %get3A_56 = arith.constant 0 : index
    %get3A_57 = arith.constant 0 : index
    %get3A_58 = vector.load %arg6[%get3A_56, %get3A_57] : memref<1x128xf32, #tpu.memory_space<vmem>>, vector<1x128xf32>
    %mul3A_59 = vector.broadcast %get3A_43 : vector<4096x1xf32> to vector<4096x128xf32>
    %mul3A_60 = vector.broadcast %get3A_58 : vector<1x128xf32> to vector<4096x128xf32>
    %mul3A_61 = arith.mulf %mul3A_59, %mul3A_60 : vector<4096x128xf32>
    %add3A_62 = arith.addf %mul3A_55, %mul3A_61 : vector<4096x128xf32>
    %get3A_63 = arith.constant 0 : index
    %get3A_64 = arith.constant 0 : index
    %get3A_65 = vector.load %arg7[%get3A_63, %get3A_64] : memref<1x128xf32, #tpu.memory_space<vmem>>, vector<1x128xf32>
    %add3A_66 = vector.broadcast %get3A_65 : vector<1x128xf32> to vector<4096x128xf32>
    %add3A_67 = arith.addf %add3A_62, %add3A_66 : vector<4096x128xf32>
    %max3A_68 = arith.constant 0.000000e+00 : f32
    %max3A_69 = vector.broadcast %max3A_68 : f32 to vector<4096x128xf32>
    %max3A_70 = arith.maximumf %add3A_67, %max3A_69 : vector<4096x128xf32>
    %get3A_71 = arith.constant 0 : index
    %get3A_72 = arith.constant 0 : index
    %get3A_73 = vector.load %arg8[%get3A_71, %get3A_72] : memref<128x128xf32, #tpu.memory_space<vmem>>, vector<128x128xf32>
    %dot_general3A_74 = arith.constant dense<0.000000e+00> : vector<4096x128xf32>
    %dot_general3A_75 = tpu.matmul %max3A_70, %get3A_73, %dot_general3A_74 {dimension_numbers = #tpu.dot_dimension_numbers<[1], [0], [0], [1], [0, 0, 1, 1], [], []>, transpose_lhs_hint = false} : vector<4096x128xf32>, vector<128x128xf32>, vector<4096x128xf32> -> vector<4096x128xf32>
    %get3A_76 = arith.constant 0 : index
    %get3A_77 = arith.constant 0 : index
    %get3A_78 = vector.load %arg9[%get3A_76, %get3A_77] : memref<1x128xf32, #tpu.memory_space<vmem>>, vector<1x128xf32>
    %get3A_79 = arith.constant 0 : index
    %get3A_80 = arith.constant 0 : index
    %get3A_81 = vector.load %arg10[%get3A_79, %get3A_80] : memref<1x128xf32, #tpu.memory_space<vmem>>, vector<1x128xf32>
    %reduce_sum3A_82 = arith.constant dense<0.000000e+00> : vector<4096xf32>
    %reduce_sum3A_83 = vector.multi_reduction <add>, %dot_general3A_75, %reduce_sum3A_82 [1] : vector<4096x128xf32> to vector<4096xf32>
    %broadcast_in_dim3A_84 = vector.shape_cast %reduce_sum3A_83 : vector<4096xf32> to vector<4096x1xf32>
    %div3A_85 = arith.constant 1.280000e+02 : f32
    %div3A_86 = vector.broadcast %div3A_85 : f32 to vector<4096x1xf32>
    %div3A_87 = arith.divf %broadcast_in_dim3A_84, %div3A_86 : vector<4096x1xf32>
    %sub3A_88 = vector.broadcast %div3A_87 : vector<4096x1xf32> to vector<4096x128xf32>
    %sub3A_89 = arith.subf %dot_general3A_75, %sub3A_88 : vector<4096x128xf32>
    %integer_pow3A_90 = arith.mulf %sub3A_89, %sub3A_89 : vector<4096x128xf32>
    %reduce_sum3A_91 = arith.constant dense<0.000000e+00> : vector<4096xf32>
    %reduce_sum3A_92 = vector.multi_reduction <add>, %integer_pow3A_90, %reduce_sum3A_91 [1] : vector<4096x128xf32> to vector<4096xf32>
    %broadcast_in_dim3A_93 = vector.shape_cast %reduce_sum3A_92 : vector<4096xf32> to vector<4096x1xf32>
    %div3A_94 = arith.constant 1.280000e+02 : f32
    %div3A_95 = vector.broadcast %div3A_94 : f32 to vector<4096x1xf32>
    %div3A_96 = arith.divf %broadcast_in_dim3A_93, %div3A_95 : vector<4096x1xf32>
    %sub3A_97 = vector.broadcast %div3A_87 : vector<4096x1xf32> to vector<4096x128xf32>
    %sub3A_98 = arith.subf %dot_general3A_75, %sub3A_97 : vector<4096x128xf32>
    %add3A_99 = arith.constant 9.99999974E-6 : f32
    %add3A_100 = vector.broadcast %add3A_99 : f32 to vector<4096x1xf32>
    %add3A_101 = arith.addf %div3A_96, %add3A_100 : vector<4096x1xf32>
    %sqrt3A_102 = math.sqrt %add3A_101 : vector<4096x1xf32>
    %div3A_103 = vector.broadcast %sqrt3A_102 : vector<4096x1xf32> to vector<4096x128xf32>
    %div3A_104 = arith.divf %sub3A_98, %div3A_103 : vector<4096x128xf32>
    %mul3A_105 = vector.broadcast %get3A_78 : vector<1x128xf32> to vector<4096x128xf32>
    %mul3A_106 = arith.mulf %div3A_104, %mul3A_105 : vector<4096x128xf32>
    %add3A_107 = vector.broadcast %get3A_81 : vector<1x128xf32> to vector<4096x128xf32>
    %add3A_108 = arith.addf %mul3A_106, %add3A_107 : vector<4096x128xf32>
    %max3A_109 = arith.constant 0.000000e+00 : f32
    %max3A_110 = vector.broadcast %max3A_109 : f32 to vector<4096x128xf32>
    %max3A_111 = arith.maximumf %add3A_108, %max3A_110 : vector<4096x128xf32>
    %get3A_112 = arith.constant 0 : index
    %get3A_113 = arith.constant 0 : index
    %get3A_114 = vector.load %arg14[%get3A_112, %get3A_113] : memref<128x128xf32, #tpu.memory_space<vmem>>, vector<128x128xf32>
    %dot_general3A_115 = arith.constant dense<0.000000e+00> : vector<4096x128xf32>
    %dot_general3A_116 = tpu.matmul %max3A_111, %get3A_114, %dot_general3A_115 {dimension_numbers = #tpu.dot_dimension_numbers<[1], [0], [0], [1], [0, 0, 1, 1], [], []>, transpose_lhs_hint = false} : vector<4096x128xf32>, vector<128x128xf32>, vector<4096x128xf32> -> vector<4096x128xf32>
    %get3A_117 = arith.constant 0 : index
    %get3A_118 = arith.constant 0 : index
    %get3A_119 = vector.load %arg4[%get3A_117, %get3A_118] : memref<4096x128xf32, #tpu.memory_space<vmem>>, vector<4096x128xf32>
    %add3A_120 = arith.addf %dot_general3A_116, %get3A_119 : vector<4096x128xf32>
    %broadcast_in_dim3A_121 = vector.shape_cast %dot_general3A_37 : vector<32x128xf32> to vector<32x1x128xf32>
    %broadcast_in_dim3A_122 = vector.shape_cast %broadcast_in_dim3A_121 : vector<32x1x128xf32> to vector<32x1x128xf32>
    %broadcast_in_dim3A_123 = vector.broadcast %broadcast_in_dim3A_122 : vector<32x1x128xf32> to vector<32x128x128xf32>
    %reshape3A = vector.shape_cast %broadcast_in_dim3A_123 : vector<32x128x128xf32> to vector<4096x128xf32>
    %add3A_124 = arith.addf %add3A_120, %reshape3A : vector<4096x128xf32>
    %get3A_125 = arith.constant 0 : index
    %get3A_126 = arith.constant 0 : index
    %get3A_127 = vector.load %arg16[%get3A_125, %get3A_126] : memref<1x128xf32, #tpu.memory_space<vmem>>, vector<1x128xf32>
    %get3A_128 = arith.constant 0 : index
    %get3A_129 = arith.constant 0 : index
    %get3A_130 = vector.load %arg17[%get3A_128, %get3A_129] : memref<1x128xf32, #tpu.memory_space<vmem>>, vector<1x128xf32>
    %reduce_sum3A_131 = arith.constant dense<0.000000e+00> : vector<4096xf32>
    %reduce_sum3A_132 = vector.multi_reduction <add>, %add3A_124, %reduce_sum3A_131 [1] : vector<4096x128xf32> to vector<4096xf32>
    %broadcast_in_dim3A_133 = vector.shape_cast %reduce_sum3A_132 : vector<4096xf32> to vector<4096x1xf32>
    %div3A_134 = arith.constant 1.280000e+02 : f32
    %div3A_135 = vector.broadcast %div3A_134 : f32 to vector<4096x1xf32>
    %div3A_136 = arith.divf %broadcast_in_dim3A_133, %div3A_135 : vector<4096x1xf32>
    %sub3A_137 = vector.broadcast %div3A_136 : vector<4096x1xf32> to vector<4096x128xf32>
    %sub3A_138 = arith.subf %add3A_124, %sub3A_137 : vector<4096x128xf32>
    %integer_pow3A_139 = arith.mulf %sub3A_138, %sub3A_138 : vector<4096x128xf32>
    %reduce_sum3A_140 = arith.constant dense<0.000000e+00> : vector<4096xf32>
    %reduce_sum3A_141 = vector.multi_reduction <add>, %integer_pow3A_139, %reduce_sum3A_140 [1] : vector<4096x128xf32> to vector<4096xf32>
    %broadcast_in_dim3A_142 = vector.shape_cast %reduce_sum3A_141 : vector<4096xf32> to vector<4096x1xf32>
    %div3A_143 = arith.constant 1.280000e+02 : f32
    %div3A_144 = vector.broadcast %div3A_143 : f32 to vector<4096x1xf32>
    %div3A_145 = arith.divf %broadcast_in_dim3A_142, %div3A_144 : vector<4096x1xf32>
    %sub3A_146 = vector.broadcast %div3A_136 : vector<4096x1xf32> to vector<4096x128xf32>
    %sub3A_147 = arith.subf %add3A_124, %sub3A_146 : vector<4096x128xf32>
    %add3A_148 = arith.constant 9.99999974E-6 : f32
    %add3A_149 = vector.broadcast %add3A_148 : f32 to vector<4096x1xf32>
    %add3A_150 = arith.addf %div3A_145, %add3A_149 : vector<4096x1xf32>
    %sqrt3A_151 = math.sqrt %add3A_150 : vector<4096x1xf32>
    %div3A_152 = vector.broadcast %sqrt3A_151 : vector<4096x1xf32> to vector<4096x128xf32>
    %div3A_153 = arith.divf %sub3A_147, %div3A_152 : vector<4096x128xf32>
    %mul3A_154 = vector.broadcast %get3A_127 : vector<1x128xf32> to vector<4096x128xf32>
    %mul3A_155 = arith.mulf %div3A_153, %mul3A_154 : vector<4096x128xf32>
    %add3A_156 = vector.broadcast %get3A_130 : vector<1x128xf32> to vector<4096x128xf32>
    %add3A_157 = arith.addf %mul3A_155, %add3A_156 : vector<4096x128xf32>
    %max3A_158 = arith.constant 0.000000e+00 : f32
    %max3A_159 = vector.broadcast %max3A_158 : f32 to vector<4096x128xf32>
    %max3A_160 = arith.maximumf %add3A_157, %max3A_159 : vector<4096x128xf32>
    %get3A_161 = arith.constant 0 : index
    %get3A_162 = arith.constant 0 : index
    %get3A_163 = vector.load %arg18[%get3A_161, %get3A_162] : memref<128x128xf32, #tpu.memory_space<vmem>>, vector<128x128xf32>
    %dot_general3A_164 = arith.constant dense<0.000000e+00> : vector<4096x128xf32>
    %dot_general3A_165 = tpu.matmul %max3A_160, %get3A_163, %dot_general3A_164 {dimension_numbers = #tpu.dot_dimension_numbers<[1], [0], [0], [1], [0, 0, 1, 1], [], []>, transpose_lhs_hint = false} : vector<4096x128xf32>, vector<128x128xf32>, vector<4096x128xf32> -> vector<4096x128xf32>
    %jit3A = arith.constant 0.000000e+00 : f32
    %broadcast_in_dim3A_166 = vector.shape_cast %le3A_49 : vector<4096x1xi1> to vector<4096x1xi1>
    %broadcast_in_dim3A_167 = vector.broadcast %broadcast_in_dim3A_166 : vector<4096x1xi1> to vector<4096x128xi1>
    %broadcast_in_dim3A_168 = vector.broadcast %jit3A : f32 to vector<4096x128xf32>
    %select_n3A = arith.select %broadcast_in_dim3A_167, %dot_general3A_165, %broadcast_in_dim3A_168 : vector<4096x128xi1>, vector<4096x128xf32>
    %reshape3A_169 = vector.shape_cast %select_n3A : vector<4096x128xf32> to vector<32x128x128xf32>
    %reduce_sum3A_170 = arith.constant dense<0.000000e+00> : vector<32x128xf32>
    %reduce_sum3A_171 = vector.multi_reduction <add>, %reshape3A_169, %reduce_sum3A_170 [1] : vector<32x128x128xf32> to vector<32x128xf32>
    %get3A_172 = arith.constant 0 : index
    %get3A_173 = arith.constant 0 : index
    %get3A_174 = vector.load %arg19[%get3A_172, %get3A_173] : memref<128x128xf32, #tpu.memory_space<vmem>>, vector<128x128xf32>
    %dot_general3A_175 = arith.constant dense<0.000000e+00> : vector<32x128xf32>
    %dot_general3A_176 = tpu.matmul %get3A_1, %get3A_174, %dot_general3A_175 {dimension_numbers = #tpu.dot_dimension_numbers<[1], [0], [0], [1], [0, 0, 1, 1], [], []>, transpose_lhs_hint = false} : vector<32x128xf32>, vector<128x128xf32>, vector<32x128xf32> -> vector<32x128xf32>
    %add3A_177 = arith.addf %dot_general3A_176, %reduce_sum3A_171 : vector<32x128xf32>
    %get3A_178 = arith.constant 0 : index
    %get3A_179 = arith.constant 0 : index
    %get3A_180 = vector.load %arg20[%get3A_178, %get3A_179] : memref<1x128xf32, #tpu.memory_space<vmem>>, vector<1x128xf32>
    %get3A_181 = arith.constant 0 : index
    %get3A_182 = arith.constant 0 : index
    %get3A_183 = vector.load %arg21[%get3A_181, %get3A_182] : memref<1x128xf32, #tpu.memory_space<vmem>>, vector<1x128xf32>
    %reduce_sum3A_184 = arith.constant dense<0.000000e+00> : vector<32xf32>
    %reduce_sum3A_185 = vector.multi_reduction <add>, %add3A_177, %reduce_sum3A_184 [1] : vector<32x128xf32> to vector<32xf32>
    %broadcast_in_dim3A_186 = vector.shape_cast %reduce_sum3A_185 : vector<32xf32> to vector<32x1xf32>
    %div3A_187 = arith.constant 1.280000e+02 : f32
    %div3A_188 = vector.broadcast %div3A_187 : f32 to vector<32x1xf32>
    %div3A_189 = arith.divf %broadcast_in_dim3A_186, %div3A_188 : vector<32x1xf32>
    %sub3A_190 = vector.broadcast %div3A_189 : vector<32x1xf32> to vector<32x128xf32>
    %sub3A_191 = arith.subf %add3A_177, %sub3A_190 : vector<32x128xf32>
    %integer_pow3A_192 = arith.mulf %sub3A_191, %sub3A_191 : vector<32x128xf32>
    %reduce_sum3A_193 = arith.constant dense<0.000000e+00> : vector<32xf32>
    %reduce_sum3A_194 = vector.multi_reduction <add>, %integer_pow3A_192, %reduce_sum3A_193 [1] : vector<32x128xf32> to vector<32xf32>
    %broadcast_in_dim3A_195 = vector.shape_cast %reduce_sum3A_194 : vector<32xf32> to vector<32x1xf32>
    %div3A_196 = arith.constant 1.280000e+02 : f32
    %div3A_197 = vector.broadcast %div3A_196 : f32 to vector<32x1xf32>
    %div3A_198 = arith.divf %broadcast_in_dim3A_195, %div3A_197 : vector<32x1xf32>
    %sub3A_199 = vector.broadcast %div3A_189 : vector<32x1xf32> to vector<32x128xf32>
    %sub3A_200 = arith.subf %add3A_177, %sub3A_199 : vector<32x128xf32>
    %add3A_201 = arith.constant 9.99999974E-6 : f32
    %add3A_202 = vector.broadcast %add3A_201 : f32 to vector<32x1xf32>
    %add3A_203 = arith.addf %div3A_198, %add3A_202 : vector<32x1xf32>
    %sqrt3A_204 = math.sqrt %add3A_203 : vector<32x1xf32>
    %div3A_205 = vector.broadcast %sqrt3A_204 : vector<32x1xf32> to vector<32x128xf32>
    %div3A_206 = arith.divf %sub3A_200, %div3A_205 : vector<32x128xf32>
    %mul3A_207 = vector.broadcast %get3A_180 : vector<1x128xf32> to vector<32x128xf32>
    %mul3A_208 = arith.mulf %div3A_206, %mul3A_207 : vector<32x128xf32>
    %add3A_209 = vector.broadcast %get3A_183 : vector<1x128xf32> to vector<32x128xf32>
    %add3A_210 = arith.addf %mul3A_208, %add3A_209 : vector<32x128xf32>
    %max3A_211 = arith.constant 0.000000e+00 : f32
    %max3A_212 = vector.broadcast %max3A_211 : f32 to vector<32x128xf32>
    %max3A_213 = arith.maximumf %add3A_210, %max3A_212 : vector<32x128xf32>
    %get3A_214 = arith.constant 0 : index
    %get3A_215 = arith.constant 0 : index
    %get3A_216 = vector.load %arg22[%get3A_214, %get3A_215] : memref<128x128xf32, #tpu.memory_space<vmem>>, vector<128x128xf32>
    %dot_general3A_217 = arith.constant dense<0.000000e+00> : vector<32x128xf32>
    %dot_general3A_218 = tpu.matmul %max3A_213, %get3A_216, %dot_general3A_217 {dimension_numbers = #tpu.dot_dimension_numbers<[1], [0], [0], [1], [0, 0, 1, 1], [], []>, transpose_lhs_hint = false} : vector<32x128xf32>, vector<128x128xf32>, vector<32x128xf32> -> vector<32x128xf32>
    %get3A_219 = arith.constant 0 : index
    %get3A_220 = arith.constant 0 : index
    %get3A_221 = vector.load %arg23[%get3A_219, %get3A_220] : memref<1x128xf32, #tpu.memory_space<vmem>>, vector<1x128xf32>
    %get3A_222 = arith.constant 0 : index
    %get3A_223 = arith.constant 0 : index
    %get3A_224 = vector.load %arg24[%get3A_222, %get3A_223] : memref<1x128xf32, #tpu.memory_space<vmem>>, vector<1x128xf32>
    %reduce_sum3A_225 = arith.constant dense<0.000000e+00> : vector<32xf32>
    %reduce_sum3A_226 = vector.multi_reduction <add>, %dot_general3A_218, %reduce_sum3A_225 [1] : vector<32x128xf32> to vector<32xf32>
    %broadcast_in_dim3A_227 = vector.shape_cast %reduce_sum3A_226 : vector<32xf32> to vector<32x1xf32>
    %div3A_228 = arith.constant 1.280000e+02 : f32
    %div3A_229 = vector.broadcast %div3A_228 : f32 to vector<32x1xf32>
    %div3A_230 = arith.divf %broadcast_in_dim3A_227, %div3A_229 : vector<32x1xf32>
    %sub3A_231 = vector.broadcast %div3A_230 : vector<32x1xf32> to vector<32x128xf32>
    %sub3A_232 = arith.subf %dot_general3A_218, %sub3A_231 : vector<32x128xf32>
    %integer_pow3A_233 = arith.mulf %sub3A_232, %sub3A_232 : vector<32x128xf32>
    %reduce_sum3A_234 = arith.constant dense<0.000000e+00> : vector<32xf32>
    %reduce_sum3A_235 = vector.multi_reduction <add>, %integer_pow3A_233, %reduce_sum3A_234 [1] : vector<32x128xf32> to vector<32xf32>
    %broadcast_in_dim3A_236 = vector.shape_cast %reduce_sum3A_235 : vector<32xf32> to vector<32x1xf32>
    %div3A_237 = arith.constant 1.280000e+02 : f32
    %div3A_238 = vector.broadcast %div3A_237 : f32 to vector<32x1xf32>
    %div3A_239 = arith.divf %broadcast_in_dim3A_236, %div3A_238 : vector<32x1xf32>
    %sub3A_240 = vector.broadcast %div3A_230 : vector<32x1xf32> to vector<32x128xf32>
    %sub3A_241 = arith.subf %dot_general3A_218, %sub3A_240 : vector<32x128xf32>
    %add3A_242 = arith.constant 9.99999974E-6 : f32
    %add3A_243 = vector.broadcast %add3A_242 : f32 to vector<32x1xf32>
    %add3A_244 = arith.addf %div3A_239, %add3A_243 : vector<32x1xf32>
    %sqrt3A_245 = math.sqrt %add3A_244 : vector<32x1xf32>
    %div3A_246 = vector.broadcast %sqrt3A_245 : vector<32x1xf32> to vector<32x128xf32>
    %div3A_247 = arith.divf %sub3A_241, %div3A_246 : vector<32x128xf32>
    %mul3A_248 = vector.broadcast %get3A_221 : vector<1x128xf32> to vector<32x128xf32>
    %mul3A_249 = arith.mulf %div3A_247, %mul3A_248 : vector<32x128xf32>
    %add3A_250 = vector.broadcast %get3A_224 : vector<1x128xf32> to vector<32x128xf32>
    %add3A_251 = arith.addf %mul3A_249, %add3A_250 : vector<32x128xf32>
    %add3A_252 = arith.addf %add3A_251, %get3A_1 : vector<32x128xf32>
    %max3A_253 = arith.constant 0.000000e+00 : f32
    %max3A_254 = vector.broadcast %max3A_253 : f32 to vector<32x128xf32>
    %max3A_255 = arith.maximumf %add3A_252, %max3A_254 : vector<32x128xf32>
    %swap3A = arith.constant 0 : index
    %swap3A_256 = arith.constant 0 : index
    %swap3A_257 = vector.load %arg25[%swap3A, %swap3A_256] : memref<32x128xf32, #tpu.memory_space<vmem>>, vector<32x128xf32>
    tpu.vector_store %arg25[%swap3A, %swap3A_256], %max3A_255 {strides = array<i32>} : memref<32x128xf32, #tpu.memory_space<vmem>>, vector<32x128xf32>,
    return
  }
  func.func @transform_0(%arg0: i32) -> (i32, i32) {
    %c0_i32 = arith.constant 0 : i32
    %c0_i32_0 = arith.constant 0 : i32
    return %arg0, %c0_i32 : i32, i32
  }
  func.func @transform_1(%arg0: i32) -> (i32, i32) {
    %c0_i32 = arith.constant 0 : i32
    %c0_i32_0 = arith.constant 0 : i32
    return %arg0, %c0_i32 : i32, i32
  }
  func.func @transform_2(%arg0: i32) -> (i32, i32) {
    %c0_i32 = arith.constant 0 : i32
    %c0_i32_0 = arith.constant 0 : i32
    return %arg0, %c0_i32 : i32, i32
  }
  func.func @transform_3(%arg0: i32) -> (i32, i32) {
    %c1_i32 = arith.constant 1 : i32
    %c0_i32 = arith.constant 0 : i32
    return %arg0, %c1_i32 : i32, i32
  }
  func.func @transform_4(%arg0: i32) -> (i32, i32) {
    %c0_i32 = arith.constant 0 : i32
    %c0_i32_0 = arith.constant 0 : i32
    %c0_i32_1 = arith.constant 0 : i32
    return %c0_i32, %c0_i32_0 : i32, i32
  }
  func.func @transform_5(%arg0: i32) -> (i32, i32) {
    %c0_i32 = arith.constant 0 : i32
    %c0_i32_0 = arith.constant 0 : i32
    %c0_i32_1 = arith.constant 0 : i32
    return %c0_i32, %c0_i32_0 : i32, i32
  }
  func.func @transform_6(%arg0: i32) -> (i32, i32) {
    %c0_i32 = arith.constant 0 : i32
    %c0_i32_0 = arith.constant 0 : i32
    %c0_i32_1 = arith.constant 0 : i32
    return %c0_i32, %c0_i32_0 : i32, i32
  }
  func.func @transform_7(%arg0: i32) -> (i32, i32) {
    %c0_i32 = arith.constant 0 : i32
    %c0_i32_0 = arith.constant 0 : i32
    %c0_i32_1 = arith.constant 0 : i32
    return %c0_i32, %c0_i32_0 : i32, i32
  }
  func.func @transform_8(%arg0: i32) -> (i32, i32) {
    %c0_i32 = arith.constant 0 : i32
    %c0_i32_0 = arith.constant 0 : i32
    %c0_i32_1 = arith.constant 0 : i32
    return %c0_i32, %c0_i32_0 : i32, i32
  }
  func.func @transform_9(%arg0: i32) -> (i32, i32) {
    %c0_i32 = arith.constant 0 : i32
    %c0_i32_0 = arith.constant 0 : i32
    %c0_i32_1 = arith.constant 0 : i32
    return %c0_i32, %c0_i32_0 : i32, i32
  }
  func.func @transform_10(%arg0: i32) -> (i32, i32) {
    %c0_i32 = arith.constant 0 : i32
    %c0_i32_0 = arith.constant 0 : i32
    %c0_i32_1 = arith.constant 0 : i32
    return %c0_i32, %c0_i32_0 : i32, i32
  }
  func.func @transform_11(%arg0: i32) -> (i32, i32) {
    %c0_i32 = arith.constant 0 : i32
    %c0_i32_0 = arith.constant 0 : i32
    %c0_i32_1 = arith.constant 0 : i32
    return %c0_i32, %c0_i32_0 : i32, i32
  }
  func.func @transform_12(%arg0: i32) -> (i32, i32) {
    %c0_i32 = arith.constant 0 : i32
    %c0_i32_0 = arith.constant 0 : i32
    %c0_i32_1 = arith.constant 0 : i32
    return %c0_i32, %c0_i32_0 : i32, i32
  }
  func.func @transform_13(%arg0: i32) -> (i32, i32) {
    %c0_i32 = arith.constant 0 : i32
    %c0_i32_0 = arith.constant 0 : i32
    %c0_i32_1 = arith.constant 0 : i32
    return %c0_i32, %c0_i32_0 : i32, i32
  }
  func.func @transform_14(%arg0: i32) -> (i32, i32) {
    %c0_i32 = arith.constant 0 : i32
    %c0_i32_0 = arith.constant 0 : i32
    %c0_i32_1 = arith.constant 0 : i32
    return %c0_i32, %c0_i32_0 : i32, i32
  }
  func.func @transform_15(%arg0: i32) -> (i32, i32) {
    %c0_i32 = arith.constant 0 : i32
    %c0_i32_0 = arith.constant 0 : i32
    %c0_i32_1 = arith.constant 0 : i32
    return %c0_i32, %c0_i32_0 : i32, i32
  }
  func.func @transform_16(%arg0: i32) -> (i32, i32) {
    %c0_i32 = arith.constant 0 : i32
    %c0_i32_0 = arith.constant 0 : i32
    %c0_i32_1 = arith.constant 0 : i32
    return %c0_i32, %c0_i32_0 : i32, i32
  }
  func.func @transform_17(%arg0: i32) -> (i32, i32) {
    %c0_i32 = arith.constant 0 : i32
    %c0_i32_0 = arith.constant 0 : i32
    %c0_i32_1 = arith.constant 0 : i32
    return %c0_i32, %c0_i32_0 : i32, i32
  }
  func.func @transform_18(%arg0: i32) -> (i32, i32) {
    %c0_i32 = arith.constant 0 : i32
    %c0_i32_0 = arith.constant 0 : i32
    %c0_i32_1 = arith.constant 0 : i32
    return %c0_i32, %c0_i32_0 : i32, i32
  }
  func.func @transform_19(%arg0: i32) -> (i32, i32) {
    %c0_i32 = arith.constant 0 : i32
    %c0_i32_0 = arith.constant 0 : i32
    %c0_i32_1 = arith.constant 0 : i32
    return %c0_i32, %c0_i32_0 : i32, i32
  }
  func.func @transform_20(%arg0: i32) -> (i32, i32) {
    %c0_i32 = arith.constant 0 : i32
    %c0_i32_0 = arith.constant 0 : i32
    %c0_i32_1 = arith.constant 0 : i32
    return %c0_i32, %c0_i32_0 : i32, i32
  }
  func.func @transform_21(%arg0: i32) -> (i32, i32) {
    %c0_i32 = arith.constant 0 : i32
    %c0_i32_0 = arith.constant 0 : i32
    %c0_i32_1 = arith.constant 0 : i32
    return %c0_i32, %c0_i32_0 : i32, i32
  }
  func.func @transform_22(%arg0: i32) -> (i32, i32) {
    %c0_i32 = arith.constant 0 : i32
    %c0_i32_0 = arith.constant 0 : i32
    %c0_i32_1 = arith.constant 0 : i32
    return %c0_i32, %c0_i32_0 : i32, i32
  }
  func.func @transform_23(%arg0: i32) -> (i32, i32) {
    %c0_i32 = arith.constant 0 : i32
    %c0_i32_0 = arith.constant 0 : i32
    %c0_i32_1 = arith.constant 0 : i32
    return %c0_i32, %c0_i32_0 : i32, i32
  }
  func.func @transform_24(%arg0: i32) -> (i32, i32) {
    %c0_i32 = arith.constant 0 : i32
    %c0_i32_0 = arith.constant 0 : i32
    return %arg0, %c0_i32 : i32, i32
  }
}

</mosaic_0001>

<sc_bundles>
// kernel: kernel.7.cloned.1.call-start
scs
__scs_entry_jumppad:
0x0: {  	(pc) =	sbr.rel $0x88, $3  }
0x1: {  	(tag) =	ssettag $0x0;
	lr =	simm.s32 $0x1  }
0x2: {  	[smem:$0x3F79] =	sst lr;
	_ =	strace $0xD0000000  }
0x3: {  	_ = 	snop  }
0x4: {  	_ = 	snop  }
0x5: {  	_ = 	snop  }
0x6: {  	_ = 	snop  }
0x7: {  	_ = 	snop  }
__scs_overlays_trampoline_lowered:
0x8: {  	[smem:$0x3F88] =	sst s0  }
0x9: {  	[smem:$0x3F89] =	sst s1  }
0xa: {  	[smem:$0x3F8A] =	sst s2  }
0xb: {  	[smem:$0x3F8B] =	sst s3  }
0xc: {  	[smem:$0x3F8C] =	sst s4  }
0xd: {  	[smem:$0x3F8D] =	sst s5  }
0xe: {  	[smem:$0x3F8E] =	sst s6  }
0xf: {  	[smem:$0x3F8F] =	sst s7  }
0x10: {  	[smem:$0x3F90] =	sst s8  }
0x11: {  	[smem:$0x3F91] =	sst s9;
	s0 =	simm.s32 @!p0 $0x0  }
0x12: {  	s1 =	sld [smem:$0x3F77];
	s0 =	simm.s32 @p0 $0x1  }
0x13: {  	[smem:$0x3F92] =	sst s0;
	s0 =	simm.s32 @!p1 $0x0  }
0x14: {  	s2 =	sld [smem:$0x3F76];
	s0 =	simm.s32 @p1 $0x1  }
0x15: {  	[smem:$0x3F93] =	sst s0;
	s0 =	simm.s32 @!p2 $0x0  }
0x16: {  	s3 =	sld [smem:$0x3FDB];
	s0 =	simm.s32 @p2 $0x1  }
0x17: {  	s4 =	simm.s32 $0x1BF5;
	[smem:$0x3F95] =	sst s0  }
0x18: {  	s0 =	sld [smem:$0x3F78];
	_ =	swait.ge [sflag:s4], $0x0  }
0x19: {  	s7 =	sld [smem:$0x3F79]  }
0x1a: {  	s8 =	sadd.s32 $0xFFFFE003, lr  }
0x1b: {  	s9 =	sadd.s32 $0xFFFFFEF7, lr;
	s5 =	simm.s32 $0xFFFFFFFF;
	p2 =	slt.u32 s8, $0xFFFFF086  }
0x1c: {  	p1 =	slt.u32 s9, $0xF7A;
	s5 =	simm.s32 @!p2 $0x0  }
0x1d: {  	s5 =	simm.s32 @p1 $0x1;
	p0 =	seq.s32 s7, s2  }
0x1e: {  	s7 =	smul.u32 @!p0 $0xF7A, s2;
	p2 =	seq.s32 @!p0 s5, $0x0  }
0x1f: {  	s9 =	smul.u32 $0xF7A, s1;
	s8 =	simm.s32 @!p0 $0x1BF5;
	p2 =	por !p2, p0  }
0x20: {  	[sflag:s8] =	ssyncset.s32 @!p0 $0xFFFFF086;
	s6 =	sadd.s32 @!p0 s3, s7;
	s7 =	simm.s32 @!p0 $0x108  }
0x21: {  	s3 =	sadd.s32 s3, s9;
	s6 =	sadd.s32 @!p0 $0x88, s6;
	s7 =	simm.s32 @p2 $0x1082  }
0x22: {  	[simem:s7], [sflag:s8] =	dma.local @!p0 [hbm:s6], $0xF7A  }
0x23: {  	s9 =	sor.u32 $0xD0000000, s2;
	s6 =	simm.s32 $0x108;
	_ =	swait.ge @!p0 [sflag:s8], $0x0  }
0x24: {  	s3 =	sadd.s32 $0x88, s3;
	s6 =	simm.s32 @!p1 $0x1082;
	[sflag:s4] =	ssyncset.s32 $0xFFFFF086  }
0x25: {  	[simem:s6], [sflag:s4] =	dma.local [hbm:s3], $0xF7A  }
0x26: {  	[smem:$0x3F79] =	sst s1;
	(tag) =	ssettag s2;
	_ =	strace s9  }
0x27: {  	s1 =	sld [smem:$0x3F89]  }
0x28: {  	s2 =	sld [smem:$0x3F8A]  }
0x29: {  	s4 =	sld [smem:$0x3F8C]  }
0x2a: {  	p0 =	seq.s32 s5, $0x0;
	s5 =	sld [smem:$0x3F8D]  }
0x2b: {  	s6 =	sld [smem:$0x3F8E]  }
0x2c: {  	s7 =	sld [smem:$0x3F8F]  }
0x2d: {  	s3 =	simm.s32 $0x108;
	s8 =	sld [smem:$0x3F90]  }
0x2e: {  	s3 =	simm.s32 @!p0 $0x1082;
	s9 =	sld [smem:$0x3F91]  }
0x2f: {  	lr =	sadd.s32 s0, s3;
	s0 =	sld [smem:$0x3F88]  }
0x30: {  	s3 =	sld [smem:$0x3F8B]  }
0x31: {  	[smem:$0x3F94] =	sst s10  }
0x32: {  	s10 =	sld [smem:$0x3F92];
	_ =	sdelay $0x3  }
0x33: {  	p0 =	seq.s32 s10, $0x1;
	s10 =	sld [smem:$0x3F94];
	_ =	sdelay $0x3  }
0x34: {  	[smem:$0x3F94] =	sst s10  }
0x35: {  	s10 =	sld [smem:$0x3F93];
	_ =	sdelay $0x3  }
0x36: {  	p1 =	seq.s32 s10, $0x1;
	s10 =	sld [smem:$0x3F94];
	_ =	sdelay $0x3  }
0x37: {  	[smem:$0x3F94] =	sst s10  }
0x38: {  	s10 =	sld [smem:$0x3F95]  }
0x39: {  	_ = 	snop;
	(pc) =	sbr.ind lr, $3  }
0x3a: {  	_ = 	snop  }
0x3b: {  	_ = 	snop  }
0x3c: {  	p2 =	seq.s32 s10, $0x1;
	s10 =	sld [smem:$0x3F94]  }
0x3d: {  	_ =	shalt  }
0x3e: {  	_ =	shalt  }
0x3f: {  	_ =	shalt  }
0x40: {  	_ =	shalt  }
0x41: {  	_ =	shalt  }
0x42: {  	_ =	shalt  }
0x43: {  	_ =	shalt  }
0x44: {  	_ =	shalt  }
0x45: {  	_ =	shalt  }
0x46: {  	_ =	shalt  }
0x47: {  	_ =	shalt  }
0x48: {  	_ =	shalt  }
0x49: {  	_ =	shalt  }
0x4a: {  	_ =	shalt  }
0x4b: {  	_ =	shalt  }
0x4c: {  	_ =	shalt  }
0x4d: {  	_ =	shalt  }
0x4e: {  	_ =	shalt  }
0x4f: {  	_ =	shalt  }
0x50: {  	_ =	shalt  }
0x51: {  	_ =	shalt  }
0x52: {  	_ =	shalt  }
0x53: {  	_ =	shalt  }
0x54: {  	_ =	shalt  }
0x55: {  	_ =	shalt  }
0x56: {  	_ =	shalt  }
0x57: {  	_ =	shalt  }
0x58: {  	_ =	shalt  }
0x59: {  	_ =	shalt  }
0x5a: {  	_ =	shalt  }
0x5b: {  	_ =	shalt  }
0x5c: {  	_ =	shalt  }
0x5d: {  	_ =	shalt  }
0x5e: {  	_ =	shalt  }
0x5f: {  	_ =	shalt  }
0x60: {  	_ =	shalt  }
0x61: {  	_ =	shalt  }
0x62: {  	_ =	shalt  }
0x63: {  	_ =	shalt  }
0x64: {  	_ =	shalt  }
0x65: {  	_ =	shalt  }
0x66: {  	_ =	shalt  }
0x67: {  	_ =	shalt  }
0x68: {  	_ =	shalt  }
0x69: {  	_ =	shalt  }
0x6a: {  	_ =	shalt  }
0x6b: {  	_ =	shalt  }
0x6c: {  	_ =	shalt  }
0x6d: {  	_ =	shalt  }
0x6e: {  	_ =	shalt  }
0x6f: {  	_ =	shalt  }
0x70: {  	_ =	shalt  }
0x71: {  	_ =	shalt  }
0x72: {  	_ =	shalt  }
0x73: {  	_ =	shalt  }
0x74: {  	_ =	shalt  }
0x75: {  	_ =	shalt  }
0x76: {  	_ =	shalt  }
0x77: {  	_ =	shalt  }
0x78: {  	_ =	shalt  }
0x79: {  	_ =	shalt  }
0x7a: {  	_ =	shalt  }
0x7b: {  	_ =	shalt  }
0x7c: {  	_ =	shalt  }
0x7d: {  	_ =	shalt  }
0x7e: {  	_ =	shalt  }
0x7f: {  	_ =	shalt  }
0x80: {  	_ =	shalt  }
0x81: {  	_ =	shalt  }
0x82: {  	_ =	shalt  }
0x83: {  	_ =	shalt  }
0x84: {  	_ =	shalt  }
0x85: {  	_ =	shalt  }
0x86: {  	_ =	shalt  }
0x87: {  	_ =	shalt  }
.Lfunc_end0:
.L_simem_size_0:
called_computation_lowered:
.L_overlay_start_0:
0x88: {  	s2 =	sld [smem:$0x3FD9]  }
0x89: {  	s3 =	sld [smem:$0x3FFE];
	_ =	sdelay $0x1  }
0x8a: {  	s1 =	srdreg.scid  }
0x8b: {  	s0 =	sand.u32 $0x1, s1  }
0x8c: {  	s17 =	sshll.u32 s0, $0xA;
	s2 =	sadd.s32 s3, s2  }
0x8d: {  	s2 =	sadd.s32 s2, s17  }
0x8e: {  	[smem:$0x3FA0] =	sst s2  }
0x8f: {  	_ = 	snop  }
0x90: {  	s2 =	sld [smem:$0x3FD0];
	(tm) =	ssettm $0x1  }
0x91: {  	s18 =	sld [smem:$0x3FFB];
	_ =	sdelay $0x3  }
0x92: {  	_ =	strace s18  }
0x93: {  	s3 =	sld [smem:$0x3FFC];
	_ =	sdelay $0x3  }
0x94: {  	_ =	strace s3  }
0x95: {  	s3 =	sld [smem:$0x3FFD];
	_ =	sdelay $0x3  }
0x96: {  	_ =	strace s3  }
0x97: {  	_ =	strace $0x8FFFFFFF  }
0x98: {  	s19 =	sld [smem:$0x3FDB];
	_ =	sdelay $0x1  }
0x99: {  	s4 =	simm.s32 $_scs_section_size  }
0x9a: {  	s5 =	simm.s32 $_size__tile_overlayer_lowered;
	s6 =	simm.s32 $_tile_overlayer_lowered  }
0x9b: {  	s22 =	simm.s32 $0x1BFF;
	s21 =	sshll.u32 s6, $0x1;
	s3 =	sadd.s32 s4, s19  }
0x9c: {  	s7 =	simm.s32 $0x0;
	s20 =	sshll.u32 s5, $0x1;
	s5 =	sadd.s32 s21, s3  }
0x9d: {  	[timem:s7], [sflag:s22] =	dma.local [hbm:s5], s20  }
0x9e: {  	_ =	swait.ge [sflag:s22], s20  }
0x9f: {  	s4 =	ssub.s32 $0x0, s20;
	[sflag:s22] =	ssyncset.done $0x0  }
0xa0: {  	[sflag:s22] =	ssyncadd.s32 s4;
	_ =	sdelay $0x1  }
0xa1: {  	s23 =	simm.s32 $0x1B8B  }
0xa2: {  	_ =	swait.ge [sflag:s23], $0x1  }
0xa3: {  	[sflag:s23] =	ssyncset.done $0x0  }
0xa4: {  	s25 =	simm.s32 $0x1B8E;
	s24 =	sld [smem:$0x3FFE];
	[sflag:s23] =	ssyncadd.s32 $0xFFFFFFFF  }
0xa5: {  	s26 =	simm.s32 $execute0_lowered;
	[smem:$0x3FD2] =	sst s25  }
0xa6: {  	s5 =	sshll.u32 s26, $0x1;
	_ =	strace $0x80000046;
	[dreg:$0x1] =	wrdreg $0xFFFFFFFF  }
0xa7: {  	s28 =	simm.s32 $_size_execute0_lowered;
	s3 =	sadd.s32 s3, s5;
	[dreg:$0x0] =	wrdreg $0x0  }
0xa8: {  	s5 =	sshll.u32 s28, $0x1;
	[dreg:$0x2] =	wrdreg s3  }
0xa9: {  	[dreg:$0x3] =	wrdreg s5  }
0xaa: {  	[dreg:$0x4] =	wrdreg $0xC0  }
0xab: {  	_ =	task [dreg:s7], $0x5FFFF  }
0xac: {  	[dreg:$0x1] =	wrdreg $0xFFFFFFFF  }
0xad: {  	[dreg:$0x0] =	wrdreg $0x60  }
0xae: {  	[dreg:$0x2] =	wrdreg s24  }
0xaf: {  	[dreg:$0x3] =	wrdreg s2  }
0xb0: {  	[dreg:$0x4] =	wrdreg $0x9  }
0xb1: {  	_ =	task.clear_ibuf [dreg:s7], $0x5FFFF;
	_ =	strace $0x90000046  }
0xb2: {  	s29 =	simm.s32 $0x9;
	_ =	strace $0x80000048  }
0xb3: {  	_ =	swait.ge [sflag:s29], $0x1  }
0xb4: {  	[sflag:s29] =	ssyncadd.s32 $0xFFFFFFFF  }
0xb5: {  	_ =	strace $0x90000048  }
0xb6: {  	_ =	sfence  }
0xb7: {  	s30 =	sld [smem:$0x0];
	_ =	sdelay $0x2  }
0xb8: {  	s31 =	sshll.u32 s1, $0xD;
	s1 =	sshrl.u32 s1, $0x2  }
0xb9: {  	s3 =	sand.u32 $0x4000, s31;
	s1 =	sadd.s32 s1, s30  }
0xba: {  	s0 =	sor.u32 s3, s0;
	s1 =	sshll.u32 s1, $0x11  }
0xbb: {  	s0 =	sor.u32 s1, s0  }
0xbc: {  	s0 =	sadd.s32 $0x8F2B, s0  }
0xbd: {  	[sflag:s0] =	ssyncadd.remote.s32 $0x1  }
0xbe: {  	_ =	sfence.sel $0xFFFF  }
0xbf: {  	[dreg:$0x0] =	wrdreg $0xFFFFFFFF;
	(pc) =	sbr.abs _section_cstart, $3  }
0xc0: {  	[dreg:$0x1] =	wrdreg $0xFFFFFFFF  }
0xc1: {  	_ =	task.clear_ibuf [dreg:s7], $0x2FFFF;
	_ =	strace $0x9FFFFFFF  }
0xc2: {  	(tm) =	ssettm $0x7FFFFFFF  }
0xc3: {  	_ =	shalt  }
tec
execute0_lowered:
.L_overlay_start_1:
0x0: {  	(tag) =	ssettag $0x1  }
0x1: {  	s0 =	srdreg.scid  }
0x2: {  	s1 =	rddreg [dreg:$0x0];
	s9 =	stileid.u32  }
0x3: {  	s4 =	rddreg [dreg:$0x1];
	s2 =	simm.s32 $0x0;
	s15 =	simm.s32 $0x6  }
0x4: {  	s19 =	simm.s32 $0x80;
	s20 =	simm.s32 $0x400;
	s28 =	simm.s32 $0x8400  }
0x5: {  	s29 =	simm.s32 $0x5;
	s16 =	simm.s32 $0x17580;
	s31 =	simm.s32 $0x11D80  }
0x6: {  	s12 =	simm.s32 $0x0;
	s0 =	sand.u32 $0x1, s0;
	s3 =	sshll.u32 s9, $0x7  }
0x7: {  	[smem:$0x7FF] =	sst s2;
	s6 =	sadd.s32 $0x6A00, s1;
	s21 =	sadd.s32 $0x6200, s1  }
0x8: {  	s7 =	sadd.s32 $0x87200, s1;
	_ =	strace $0x80000047;
	[dreg:$0x3] =	wrdreg s6  }
0x9: {  	s9 =	sshll.u32 s9, $0x13;
	s5 =	sshll.u32 s0, $0x6;
	[dreg:$0x4] =	wrdreg s21  }
0xa: {  	s6 =	sadd.s32 $0x7200, s1;
	s10 =	ssub.s32 $0x2, s0;
	s0 =	sshll.u32 s0, $0x12  }
0xb: {  	s21 =	simm.s32 $0xE900;
	s3 =	sor.u32 s5, s3;
	s22 =	sshrl.u32 s10, $0x1  }
0xc: {  	s5 =	sshrl.u32 s3, $0x3;
	s8 =	sshll.u32 s3, $0x4;
	s24 =	sshll.u32 s3, $0x7  }
0xd: {  	s5 =	sadd.s32 s5, s1;
	s11 =	sadd.s32 s8, s1;
	s1 =	sadd.s32 s9, s1  }
0xe: {  	s9 =	ssub.s32 s10, s22;
	s25 =	sadd.s32 s7, s24;
	s4 =	sadd.s32 s4, s8  }
0xf: {  	s22 =	simm.s32 $0x4;
	s24 =	simm.s32 $0xF100;
	s8 =	simm.s32 $0x13580  }
0x10: {  	s23 =	sadd.s32 $0x5E00, s5;
	s5 =	sadd.s32 $0x6000, s5;
	[dreg:$0x7] =	wrdreg s25  }
0x11: {  	[dreg:$0x8] =	wrdreg s4;
	s26 =	sadd.s32 $0xC7200, s11;
	s0 =	sadd.s32 s0, s1  }
.Ltmp0:
0x12: {  	s30 =	smax.u32 s9, $0x1;
	[dreg:$0x5] =	wrdreg s23;
	(pc) =	sbr.rel .LBB2_1-.Ltmp0, $4  }
0x13: {  	s25 =	simm.s32 $0x8200;
	s1 =	simm.s32 $0x1;
	[dreg:$0x6] =	wrdreg s5  }
0x14: {  	s4 =	simm.s32 $0x12580;
	s9 =	simm.s32 $0x13D80;
	[dreg:$0x9] =	wrdreg s26  }
0x15: {  	[dreg:$0xa] =	wrdreg s30;
	s14 =	sadd.s32 $0xCF200, s0;
	s23 =	simm.s32 $0xED00  }
0x16: {  	v0 =	vimm.f32 $1.000000000e+00;
	v1 =	vimm.s32 $0x0;
	v2 =	vlaneseq.u32;
	s26 =	simm.s32 $0x8300;
	s0 =	simm.s32 $0xF580;
	s5 =	simm.s32 $0x12D80  }
.LBB2_44:
0x17: {  	s10 =	simm.s32 $0x2  }
0x18: {  	_ =	swait.ge [sflag:s10], $0x8000  }
0x19: {  	[sflag:s10] =	ssyncset.done $0x0  }
0x1a: {  	s11 =	simm.s32 $0x3;
	[sflag:s10] =	ssyncadd.s32 $0xFFFF8000  }
0x1b: {  	_ =	swait.ge [sflag:s11], $0x8000  }
0x1c: {  	s12 =	rddreg [dreg:$0xb]  }
0x1d: {  	s30 =	rddreg [dreg:$0xa];
	s12 =	sadd.s32 $0x1, s12  }
0x1e: {  	p0 =	sne.s32 s12, s30  }
.Ltmp1:
0x1f: {  	_ = 	snop;
	(pc) =	sbr.rel @!p0 .LBB2_45-.Ltmp1, $3  }
0x20: {  	_ =	sdelay $0x1  }
0x21: {  	[sflag:s11] =	ssyncset.done $0x0  }
0x22: {  	[sflag:s11] =	ssyncadd.s32 $0xFFFF8000  }
.LBB2_1:
0x23: {  	[dreg:$0xb] =	wrdreg s12  }
0x24: {  	s10 =	rddreg [dreg:$0x3]  }
0x25: {  	[tilespmem:s2], [sflag:$0x6] =	stream.linear.gather [hbm4b:s10+s2], $0x4000, $0x38;
	[tilespmem:$0x1F580] =	vst v63  }
0x26: {  	_ =	swait.ge [sflag:s15], $0x4000  }
0x27: {  	[sflag:s15] =	ssyncset.done $0x0  }
0x28: {  	s11 =	simm.s32 $0x4000;
	s30 =	rddreg [dreg:$0x4];
	[sflag:s15] =	ssyncadd.s32 $0xFFFFC000  }
0x29: {  	[tilespmem:s11], [sflag:$0x6] =	stream.linear.gather [hbm4b:s30+s2], $0x4000, $0x38;
	[tilespmem:$0x1F580] =	vst v63  }
0x2a: {  	_ =	swait.ge [sflag:s15], $0x4000  }
0x2b: {  	[sflag:s15] =	ssyncset.done $0x0  }
0x2c: {  	s13 =	simm.s32 $0x8000;
	s12 =	rddreg [dreg:$0x5];
	[sflag:s15] =	ssyncadd.s32 $0xFFFFC000  }
0x2d: {  	[tilespmem:s13], [sflag:$0x6] =	stream.linear.gather [hbm4b:s12+s2], $0x40, $0x38;
	[tilespmem:$0x1F580] =	vst v63  }
0x2e: {  	_ =	swait.ge [sflag:s15], $0x40  }
0x2f: {  	[sflag:s15] =	ssyncset.done $0x0  }
0x30: {  	s18 =	simm.s32 $0x8100;
	s17 =	rddreg [dreg:$0x6];
	[sflag:s15] =	ssyncadd.s32 $0xFFFFFFC0  }
0x31: {  	[tilespmem:s18], [sflag:$0x6] =	stream.linear.gather [hbm4b:s17+s2], $0x40, $0x38;
	[tilespmem:$0x1F580] =	vst v63  }
.Ltmp2:
0x32: {  	_ = 	snop;
	(pc) =	sbr.rel .LBB2_2-.Ltmp2, $4  }
0x33: {  	_ =	swait.ge [sflag:s15], $0x40  }
0x34: {  	[sflag:s15] =	ssyncset.done $0x0  }
0x35: {  	s10 =	simm.s32 $0x0;
	s30 =	rddreg [dreg:$0x7];
	[sflag:s15] =	ssyncadd.s32 $0xFFFFFFC0  }
0x36: {  	[tilespmem:s21], [sflag:$0x4] =	stream.strided.gather [hbm4b:s30+s19], $0x400, s20, s19, $0x38;
	[tilespmem:$0x1F580] =	vst v63  }
.LBB2_11:
0x37: {  	v3 =	vimm.s32 $0x0  }
.LBB2_15:
0x38: {  	s11 =	sshll.u32 s12, $0x4  }
0x39: {  	s11 =	sand.u32 $0x3FFFFFF0, s11  }
0x3a: {  	[tilespmem:s11+$0xE500] =	vst v3  }
0x3b: {  	v3 =	vld [tilespmem:$0x8200];
	_ =	sdelay $0x3  }
0x3c: {  	s30 =	sshll.u32 s12, $0x7  }
0x3d: {  	[tilespmem:s30+$0x8500] =	vst v3  }
0x3e: {  	v3 =	vld [tilespmem:$0x8300];
	_ =	sdelay $0x4  }
0x3f: {  	[tilespmem:s30+$0xA500] =	vst v3  }
0x40: {  	v3 =	vld [tilespmem:$0x8400];
	_ =	sdelay $0x4  }
0x41: {  	[tilespmem:s30+$0xC500] =	vst v3  }
0x42: {  	v3 =	vld [tilespmem:$0x8210];
	_ =	sdelay $0x4  }
0x43: {  	[tilespmem:s30+$0x8510] =	vst v3  }
0x44: {  	v3 =	vld [tilespmem:$0x8310];
	_ =	sdelay $0x4  }
0x45: {  	[tilespmem:s30+$0xA510] =	vst v3  }
0x46: {  	v3 =	vld [tilespmem:$0x8410];
	_ =	sdelay $0x4  }
0x47: {  	[tilespmem:s30+$0xC510] =	vst v3  }
0x48: {  	v3 =	vld [tilespmem:$0x8220];
	_ =	sdelay $0x4  }
0x49: {  	[tilespmem:s30+$0x8520] =	vst v3  }
0x4a: {  	v3 =	vld [tilespmem:$0x8320];
	_ =	sdelay $0x4  }
0x4b: {  	[tilespmem:s30+$0xA520] =	vst v3  }
0x4c: {  	v3 =	vld [tilespmem:$0x8420];
	_ =	sdelay $0x4  }
0x4d: {  	[tilespmem:s30+$0xC520] =	vst v3  }
0x4e: {  	v3 =	vld [tilespmem:$0x8230];
	_ =	sdelay $0x4  }
0x4f: {  	[tilespmem:s30+$0x8530] =	vst v3  }
0x50: {  	v3 =	vld [tilespmem:$0x8330];
	_ =	sdelay $0x4  }
0x51: {  	[tilespmem:s30+$0xA530] =	vst v3  }
0x52: {  	v3 =	vld [tilespmem:$0x8430];
	_ =	sdelay $0x4  }
0x53: {  	[tilespmem:s30+$0xC530] =	vst v3  }
0x54: {  	v3 =	vld [tilespmem:$0x8240];
	_ =	sdelay $0x4  }
0x55: {  	[tilespmem:s30+$0x8540] =	vst v3  }
0x56: {  	v3 =	vld [tilespmem:$0x8340];
	_ =	sdelay $0x4  }
0x57: {  	[tilespmem:s30+$0xA540] =	vst v3  }
0x58: {  	v3 =	vld [tilespmem:$0x8440];
	_ =	sdelay $0x4  }
0x59: {  	[tilespmem:s30+$0xC540] =	vst v3  }
0x5a: {  	v3 =	vld [tilespmem:$0x8250];
	_ =	sdelay $0x4  }
0x5b: {  	[tilespmem:s30+$0x8550] =	vst v3  }
0x5c: {  	v3 =	vld [tilespmem:$0x8350];
	_ =	sdelay $0x4  }
0x5d: {  	[tilespmem:s30+$0xA550] =	vst v3  }
0x5e: {  	v3 =	vld [tilespmem:$0x8450];
	_ =	sdelay $0x4  }
0x5f: {  	[tilespmem:s30+$0xC550] =	vst v3  }
0x60: {  	v3 =	vld [tilespmem:$0x8260];
	_ =	sdelay $0x4  }
0x61: {  	[tilespmem:s30+$0x8560] =	vst v3  }
0x62: {  	v3 =	vld [tilespmem:$0x8360];
	_ =	sdelay $0x4  }
0x63: {  	[tilespmem:s30+$0xA560] =	vst v3  }
0x64: {  	v3 =	vld [tilespmem:$0x8460];
	_ =	sdelay $0x4  }
0x65: {  	[tilespmem:s30+$0xC560] =	vst v3  }
0x66: {  	v3 =	vld [tilespmem:$0x8270];
	_ =	sdelay $0x4  }
0x67: {  	[tilespmem:s30+$0x8570] =	vst v3  }
0x68: {  	v3 =	vld [tilespmem:$0x8370];
	_ =	sdelay $0x4  }
0x69: {  	s10 =	sadd.s32 $0x1, s10;
	[tilespmem:s30+$0xA570] =	vst v3  }
0x6a: {  	p0 =	sne.s32 s10, $0x20;
	v3 =	vld [tilespmem:$0x8470]  }
.Ltmp3:
0x6b: {  	_ = 	snop;
	(pc) =	sbr.rel @!p0 .LBB2_16-.Ltmp3, $2  }
0x6c: {  	_ =	sdelay $0x2  }
0x6d: {  	[tilespmem:s30+$0xC570] =	vst v3  }
.LBB2_2:
0x6e: {  	[tilespmem:$0x8300] =	vst v0  }
0x6f: {  	[tilespmem:$0x8400] =	vst v0  }
0x70: {  	[tilespmem:$0x8310] =	vst v0  }
0x71: {  	[tilespmem:$0x8410] =	vst v0  }
0x72: {  	[tilespmem:$0x8320] =	vst v0  }
0x73: {  	[tilespmem:$0x8420] =	vst v0  }
0x74: {  	[tilespmem:$0x8330] =	vst v0  }
0x75: {  	[tilespmem:$0x8430] =	vst v0  }
0x76: {  	[tilespmem:$0x8340] =	vst v0  }
0x77: {  	[tilespmem:$0x8440] =	vst v0  }
0x78: {  	[tilespmem:$0x8350] =	vst v0  }
0x79: {  	[tilespmem:$0x8450] =	vst v0  }
0x7a: {  	[tilespmem:$0x8360] =	vst v0  }
0x7b: {  	[tilespmem:$0x8460] =	vst v0  }
0x7c: {  	[tilespmem:$0x8370] =	vst v0  }
0x7d: {  	[tilespmem:$0x8470] =	vst v0  }
0x7e: {  	[tilespmem:$0x8380] =	vst v0  }
0x7f: {  	[tilespmem:$0x8480] =	vst v0  }
0x80: {  	[tilespmem:$0x8390] =	vst v0  }
0x81: {  	v3 =	vimm.s32 $0x0;
	[tilespmem:$0x8490] =	vst v0  }
0x82: {  	[tilespmem:$0x8200] =	vst v3  }
0x83: {  	[tilespmem:$0x8210] =	vst v3  }
0x84: {  	[tilespmem:$0x8220] =	vst v3  }
0x85: {  	[tilespmem:$0x8230] =	vst v3  }
0x86: {  	[tilespmem:$0x8240] =	vst v3  }
0x87: {  	[tilespmem:$0x8250] =	vst v3  }
0x88: {  	[tilespmem:$0x8260] =	vst v3  }
0x89: {  	s11 =	sshll.u32 s10, $0x1;
	[tilespmem:$0x8270] =	vst v3  }
0x8a: {  	s12 =	sshll.u32 s10, $0x5;
	[tilespmem:$0x8280] =	vst v3;
	s13 =	sadd.s32 s3, s11  }
0x8b: {  	[tilespmem:$0x8290] =	vst v3;
	s18 =	sand.u32 $0x60, s12;
	s13 =	sshll.u32 s13, $0x7  }
0x8c: {  	_ =	swait.ge [sflag:s22], $0x400;
	s18 =	sadd.s32 s18, s7;
	s13 =	sand.u32 $0x3FC00, s13  }
0x8d: {  	[sflag:s22] =	ssyncset.done $0x0;
	s13 =	sadd.s32 s13, s18  }
0x8e: {  	[sflag:s22] =	ssyncadd.s32 $0xFFFFFC00;
	s13 =	sadd.s32 $0x10, s13  }
0x8f: {  	[tilespmem:s23], [sflag:$0x5] =	stream.strided.gather [hbm4b:s13+s19], $0x400, s20, s19, $0x38;
	[tilespmem:$0x1F580] =	vst v63  }
0x90: {  	v5 =	vld [tilespmem:s11+$0x8000]  }
0x91: {  	s18 =	simm.s32 $0xE920;
	s13 =	simm.s32 $0x0;
	v4 =	vld [tilespmem:s11+$0x8100]  }
.LBB2_3:
0x92: {  	v6 =	vld [tilespmem:s18+$0xFFFFFFE0];
	_ =	sdelay $0x4  }
0x93: {  	vm0 =	vgt.f32 v6, $0.0e+00  }
0x94: {  	v6 =	vsel vm0, $0x1, v1  }
0x95: {  	(xrf0) =	vadd.scan.msk.s32 $0xffff, v6;
	_ =	sdelay $0x5  }
0x96: {  	v6, _, _ =	vpop (xrf0)  }
0x97: {  	v6 =	vadd.s32 v6, v3  }
0x98: {  	v6 =	vadd.s32 $0xFFFFFFFF, v6  }
0x99: {  	vm1 =	vgt.s32 v6, $0x0  }
0x9a: {  	v6 =	vnsel vm1, $0x0, v6  }
0x9b: {  	v6 =	vmin.u32 v6, $0x3FF;
	_ =	sdelay $0x3  }
0x9c: {  	v7 =	vor.u32 s13, v2  }
0x9d: {  	[tilespmem:v6+s24+$0x0] =	vst.idx.msk vm0, v7  }
0x9e: {  	v6 =	vld [tilespmem:s18+$0xFFFFFFF0];
	_ =	sdelay $0x4  }
0x9f: {  	vm10 =	vgt.f32 v6, $0.0e+00  }
0xa0: {  	v6 =	vsel vm10, $0x1, v1  }
0xa1: {  	(xrf0) =	vadd.scan.msk.s32 $0xffff, v6;
	_ =	sdelay $0x1  }
0xa2: {  	v6 =	vmpcnt.ones.xlane vm0;
	_ =	sdelay $0x3  }
0xa3: {  	v3 =	vadd.s32 v3, v6;
	v6, _, _ =	vpop (xrf0)  }
0xa4: {  	v6 =	vadd.s32 v6, v3  }
0xa5: {  	v6 =	vadd.s32 $0xFFFFFFFF, v6  }
0xa6: {  	vm11 =	vgt.s32 v6, $0x0  }
0xa7: {  	v6 =	vnsel vm11, $0x0, v6  }
0xa8: {  	v6 =	vmin.u32 v6, $0x3FF;
	_ =	sdelay $0x2  }
0xa9: {  	s17 =	sadd.s32 $0x10, s13  }
0xaa: {  	v7 =	vor.u32 s17, v2  }
0xab: {  	[tilespmem:v6+s24+$0x0] =	vst.idx.msk vm10, v7  }
0xac: {  	v6 =	vld [tilespmem:s18+$0x0];
	_ =	sdelay $0x4  }
0xad: {  	vm12 =	vgt.f32 v6, $0.0e+00  }
0xae: {  	v6 =	vsel vm12, $0x1, v1  }
0xaf: {  	(xrf0) =	vadd.scan.msk.s32 $0xffff, v6;
	_ =	sdelay $0x1  }
0xb0: {  	v6 =	vmpcnt.ones.xlane vm10;
	_ =	sdelay $0x3  }
0xb1: {  	v3 =	vadd.s32 v3, v6;
	v6, _, _ =	vpop (xrf0)  }
0xb2: {  	v6 =	vadd.s32 v6, v3  }
0xb3: {  	v6 =	vadd.s32 $0xFFFFFFFF, v6  }
0xb4: {  	vm13 =	vgt.s32 v6, $0x0  }
0xb5: {  	v6 =	vnsel vm13, $0x0, v6  }
0xb6: {  	v6 =	vmin.u32 v6, $0x3FF;
	_ =	sdelay $0x2  }
0xb7: {  	s30 =	sadd.s32 $0x20, s13  }
0xb8: {  	v7 =	vor.u32 s30, v2  }
0xb9: {  	[tilespmem:v6+s24+$0x0] =	vst.idx.msk vm12, v7  }
0xba: {  	v6 =	vld [tilespmem:s18+$0x10];
	_ =	sdelay $0x4  }
0xbb: {  	vm14 =	vgt.f32 v6, $0.0e+00  }
0xbc: {  	v6 =	vsel vm14, $0x1, v1  }
0xbd: {  	(xrf0) =	vadd.scan.msk.s32 $0xffff, v6;
	_ =	sdelay $0x1  }
0xbe: {  	v6 =	vmpcnt.ones.xlane vm12;
	_ =	sdelay $0x3  }
0xbf: {  	v3 =	vadd.s32 v3, v6;
	v6, _, _ =	vpop (xrf0)  }
0xc0: {  	v6 =	vadd.s32 v6, v3  }
0xc1: {  	v6 =	vadd.s32 $0xFFFFFFFF, v6  }
0xc2: {  	vm15 =	vgt.s32 v6, $0x0  }
0xc3: {  	v6 =	vnsel vm15, $0x0, v6  }
0xc4: {  	p0 =	sne.s32 s13, $0x3C0;
	v6 =	vmin.u32 v6, $0x3FF  }
.Ltmp4:
0xc5: {  	_ = 	snop;
	(pc) =	sbr.rel @p0 .LBB2_3-.Ltmp4, $4  }
0xc6: {  	_ = 	snop  }
0xc7: {  	s30 =	sadd.s32 $0x30, s13;
	v7 =	vmpcnt.ones.xlane vm14  }
0xc8: {  	v8 =	vor.u32 s30, v2  }
0xc9: {  	s13 =	sadd.s32 $0x40, s13;
	s18 =	sadd.s32 $0x40, s18;
	v3 =	vadd.s32 v3, v7;
	[tilespmem:v6+s24+$0x0] =	vst.idx.msk vm14, v8  }
0xca: {  	(v2sf) =	vpush v3, $0x0;
	_ =	sdelay $0xe  }
0xcb: {  	s18 =	spop (v2sf)  }
0xcc: {  	p0 =	slt.s32 s18, $0x1  }
.Ltmp5:
0xcd: {  	_ = 	snop;
	(pc) =	sbr.rel @p0 .LBB2_8-.Ltmp5, $2  }
0xce: {  	_ =	sdelay $0x2  }
0xcf: {  	v3 =	vimm.s32 $0x0;
	v6 =	vimm.s32 $0x0  }
0xd0: {  	p0 =	sne.s32 s18, $0x1  }
.Ltmp6:
0xd1: {  	s13 =	simm.s32 $0xF100;
	(pc) =	sbr.rel @!p0 .LBB2_7-.Ltmp6, $3  }
0xd2: {  	v8 =	vld [tilespmem:s13+$0x0];
	_ =	sdelay $0x1  }
0xd3: {  	v6 =	vbroadcast v5, $0x0  }
0xd4: {  	v7 =	vbroadcast v4, $0x0;
	v4 =	vimm.s32 $0x0;
	s18 =	sadd.s32 $0xFFFFFFFF, s18;
	v5 =	vimm.s32 $0x0  }
.LBB2_6:
0xd5: {  	p0 =	sne.s32 s18, $0x1  }
0xd6: {  	(v2sf) =	vpush v8, $0x0;
	_ =	sdelay $0xe  }
0xd7: {  	s17 =	spop (v2sf)  }
0xd8: {  	s17 =	sshll.u32 s17, $0x4  }
0xd9: {  	v8 =	vld [tilespmem:s17+$0x0]  }
0xda: {  	v9 =	vld [tilespmem:s17+$0x4000];
	_ =	sdelay $0x4  }
0xdb: {  	v8 =	vsub.f32 v6, v8;
	v9 =	vsub.f32 v7, v9;
	_ =	sdelay $0x1  }
0xdc: {  	v10 =	vmul.f32 v8, v8;
	v11 =	vmul.f32 v9, v9;
	_ =	sdelay $0x1  }
0xdd: {  	v10 =	vadd.f32 v11, v10;
	_ =	sdelay $0x1  }
0xde: {  	vm0 =	vle.f32 v10, $9.000090070e-04  }
0xdf: {  	v10 =	vsel vm0, $0x1, v1;
	v11 =	vmpcnt.ones.xlane vm0  }
0xe0: {  	(xrf0) =	vadd.scan.msk.s32 $0xffff, v10  }
0xe1: {  	v4 =	vadd.s32 v4, v11;
	_ =	sdelay $0x4  }
0xe2: {  	v10, _, _ =	vpop (xrf0)  }
0xe3: {  	v10 =	vadd.s32 v10, v5;
	v5 =	vmov v4  }
0xe4: {  	v10 =	vadd.s32 $0xFFFFFFFF, v10  }
0xe5: {  	vm1 =	vgt.s32 v10, $0x0  }
0xe6: {  	v10 =	vnsel vm1, $0x0, v10  }
0xe7: {  	v10 =	vmin.u32 v10, $0x9F;
	_ =	sdelay $0x3  }
0xe8: {  	v11 =	vor.u32 s17, v2  }
0xe9: {  	[tilespmem:v10+s25+$0x0] =	vst.idx.msk vm0, v11  }
0xea: {  	[tilespmem:v10+s26+$0x0] =	vst.idx.msk vm0, v8  }
.Ltmp7:
0xeb: {  	s13 =	sadd.s32 $0x1, s13;
	[tilespmem:v10+s28+$0x0] =	vst.idx.msk vm0, v9;
	(pc) =	sbr.rel @p0 .LBB2_6-.Ltmp7, $2  }
0xec: {  	v8 =	vld [tilespmem:s13+$0x0];
	_ =	sdelay $0x2  }
0xed: {  	s18 =	sadd.s32 $0xFFFFFFFF, s18  }
.LBB2_7:
0xee: {  	_ = 	snop  }
0xef: {  	(v2sf) =	vpush v8, $0x0;
	_ =	sdelay $0xe  }
0xf0: {  	s13 =	spop (v2sf)  }
0xf1: {  	s13 =	sshll.u32 s13, $0x4  }
0xf2: {  	v8 =	vld [tilespmem:s13+$0x0]  }
0xf3: {  	v9 =	vld [tilespmem:s13+$0x4000];
	_ =	sdelay $0x4  }
0xf4: {  	v6 =	vsub.f32 v6, v8;
	v7 =	vsub.f32 v7, v9;
	_ =	sdelay $0x1  }
0xf5: {  	v8 =	vmul.f32 v6, v6;
	v9 =	vmul.f32 v7, v7;
	_ =	sdelay $0x1  }
0xf6: {  	v8 =	vadd.f32 v9, v8;
	_ =	sdelay $0x1  }
0xf7: {  	vm0 =	vle.f32 v8, $9.000090070e-04  }
0xf8: {  	v8 =	vsel vm0, $0x1, v1  }
0xf9: {  	(xrf0) =	vadd.scan.msk.s32 $0xffff, v8;
	_ =	sdelay $0x5  }
0xfa: {  	v8, _, _ =	vpop (xrf0)  }
0xfb: {  	v5 =	vadd.s32 v8, v5  }
0xfc: {  	v5 =	vadd.s32 $0xFFFFFFFF, v5  }
0xfd: {  	vm1 =	vgt.s32 v5, $0x0  }
0xfe: {  	v5 =	vnsel vm1, $0x0, v5  }
0xff: {  	v5 =	vmin.u32 v5, $0x9F;
	_ =	sdelay $0x3  }
0x100: {  	v8 =	vor.u32 s13, v2  }
0x101: {  	v63 =	vmpcnt.ones.xlane vm0;
	[tilespmem:v5+s25+$0x0] =	vst.idx.msk vm0, v8  }
0x102: {  	[tilespmem:v5+s26+$0x0] =	vst.idx.msk vm0, v6  }
0x103: {  	v6 =	vadd.s32 v4, v63;
	[tilespmem:v5+s28+$0x0] =	vst.idx.msk vm0, v7  }
.LBB2_8:
0x104: {  	s12 =	sand.u32 $0x3FFFFFE0, s12  }
0x105: {  	[tilespmem:s12+$0xE500] =	vst v6  }
0x106: {  	v4 =	vld [tilespmem:$0x8200];
	_ =	sdelay $0x3  }
0x107: {  	s30 =	sshll.u32 s10, $0x8  }
0x108: {  	[tilespmem:s30+$0x8500] =	vst v4  }
0x109: {  	v4 =	vld [tilespmem:$0x8300];
	_ =	sdelay $0x4  }
0x10a: {  	[tilespmem:s30+$0xA500] =	vst v4  }
0x10b: {  	v4 =	vld [tilespmem:$0x8400];
	_ =	sdelay $0x4  }
0x10c: {  	[tilespmem:s30+$0xC500] =	vst v4  }
0x10d: {  	v4 =	vld [tilespmem:$0x8210];
	_ =	sdelay $0x4  }
0x10e: {  	[tilespmem:s30+$0x8510] =	vst v4  }
0x10f: {  	v4 =	vld [tilespmem:$0x8310];
	_ =	sdelay $0x4  }
0x110: {  	[tilespmem:s30+$0xA510] =	vst v4  }
0x111: {  	v4 =	vld [tilespmem:$0x8410];
	_ =	sdelay $0x4  }
0x112: {  	[tilespmem:s30+$0xC510] =	vst v4  }
0x113: {  	v4 =	vld [tilespmem:$0x8220];
	_ =	sdelay $0x4  }
0x114: {  	[tilespmem:s30+$0x8520] =	vst v4  }
0x115: {  	v4 =	vld [tilespmem:$0x8320];
	_ =	sdelay $0x4  }
0x116: {  	[tilespmem:s30+$0xA520] =	vst v4  }
0x117: {  	v4 =	vld [tilespmem:$0x8420];
	_ =	sdelay $0x4  }
0x118: {  	[tilespmem:s30+$0xC520] =	vst v4  }
0x119: {  	v4 =	vld [tilespmem:$0x8230];
	_ =	sdelay $0x4  }
0x11a: {  	[tilespmem:s30+$0x8530] =	vst v4  }
0x11b: {  	v4 =	vld [tilespmem:$0x8330];
	_ =	sdelay $0x4  }
0x11c: {  	[tilespmem:s30+$0xA530] =	vst v4  }
0x11d: {  	v4 =	vld [tilespmem:$0x8430];
	_ =	sdelay $0x4  }
0x11e: {  	[tilespmem:s30+$0xC530] =	vst v4  }
0x11f: {  	v4 =	vld [tilespmem:$0x8240];
	_ =	sdelay $0x4  }
0x120: {  	[tilespmem:s30+$0x8540] =	vst v4  }
0x121: {  	v4 =	vld [tilespmem:$0x8340];
	_ =	sdelay $0x4  }
0x122: {  	[tilespmem:s30+$0xA540] =	vst v4  }
0x123: {  	v4 =	vld [tilespmem:$0x8440];
	_ =	sdelay $0x4  }
0x124: {  	[tilespmem:s30+$0xC540] =	vst v4  }
0x125: {  	v4 =	vld [tilespmem:$0x8250];
	_ =	sdelay $0x4  }
0x126: {  	[tilespmem:s30+$0x8550] =	vst v4  }
0x127: {  	v4 =	vld [tilespmem:$0x8350];
	_ =	sdelay $0x4  }
0x128: {  	[tilespmem:s30+$0xA550] =	vst v4  }
0x129: {  	v4 =	vld [tilespmem:$0x8450];
	_ =	sdelay $0x4  }
0x12a: {  	[tilespmem:s30+$0xC550] =	vst v4  }
0x12b: {  	v4 =	vld [tilespmem:$0x8260];
	_ =	sdelay $0x4  }
0x12c: {  	[tilespmem:s30+$0x8560] =	vst v4  }
0x12d: {  	v4 =	vld [tilespmem:$0x8360];
	_ =	sdelay $0x4  }
0x12e: {  	[tilespmem:s30+$0xA560] =	vst v4  }
0x12f: {  	v4 =	vld [tilespmem:$0x8460];
	_ =	sdelay $0x4  }
0x130: {  	[tilespmem:s30+$0xC560] =	vst v4  }
0x131: {  	v4 =	vld [tilespmem:$0x8270];
	_ =	sdelay $0x4  }
0x132: {  	[tilespmem:s30+$0x8570] =	vst v4  }
0x133: {  	v4 =	vld [tilespmem:$0x8370];
	_ =	sdelay $0x4  }
0x134: {  	[tilespmem:s30+$0xA570] =	vst v4  }
0x135: {  	v4 =	vld [tilespmem:$0x8470];
	_ =	sdelay $0x4  }
0x136: {  	[tilespmem:s30+$0xC570] =	vst v4  }
0x137: {  	[tilespmem:$0x8200] =	vst v3  }
0x138: {  	[tilespmem:$0x8300] =	vst v0  }
0x139: {  	[tilespmem:$0x8400] =	vst v0  }
0x13a: {  	[tilespmem:$0x8210] =	vst v3  }
0x13b: {  	[tilespmem:$0x8310] =	vst v0  }
0x13c: {  	[tilespmem:$0x8410] =	vst v0  }
0x13d: {  	[tilespmem:$0x8220] =	vst v3  }
0x13e: {  	[tilespmem:$0x8320] =	vst v0  }
0x13f: {  	[tilespmem:$0x8420] =	vst v0  }
0x140: {  	[tilespmem:$0x8230] =	vst v3  }
0x141: {  	[tilespmem:$0x8330] =	vst v0  }
0x142: {  	[tilespmem:$0x8430] =	vst v0  }
0x143: {  	[tilespmem:$0x8240] =	vst v3  }
0x144: {  	[tilespmem:$0x8340] =	vst v0  }
0x145: {  	[tilespmem:$0x8440] =	vst v0  }
0x146: {  	[tilespmem:$0x8250] =	vst v3  }
0x147: {  	[tilespmem:$0x8350] =	vst v0  }
0x148: {  	[tilespmem:$0x8450] =	vst v0  }
0x149: {  	[tilespmem:$0x8260] =	vst v3  }
0x14a: {  	[tilespmem:$0x8360] =	vst v0  }
0x14b: {  	[tilespmem:$0x8460] =	vst v0  }
0x14c: {  	[tilespmem:$0x8270] =	vst v3  }
0x14d: {  	[tilespmem:$0x8370] =	vst v0  }
0x14e: {  	[tilespmem:$0x8470] =	vst v0  }
0x14f: {  	[tilespmem:$0x8280] =	vst v3  }
0x150: {  	s12 =	sor.u32 $0x1, s11;
	[tilespmem:$0x8380] =	vst v0  }
0x151: {  	s13 =	sor.u32 s3, s12;
	[tilespmem:$0x8480] =	vst v0  }
0x152: {  	s13 =	smin.u32 s13, $0x7FE;
	[tilespmem:$0x8290] =	vst v3  }
0x153: {  	s13 =	sadd.s32 $0x1, s13;
	[tilespmem:$0x8390] =	vst v0  }
0x154: {  	s17 =	sshll.u32 s13, $0x4;
	[tilespmem:$0x8490] =	vst v0  }
0x155: {  	s13 =	sshll.u32 s13, $0x7;
	s17 =	sand.u32 $0x70, s17;
	_ =	swait.ge [sflag:s29], $0x400  }
0x156: {  	s13 =	sand.u32 $0x7FC00, s13;
	s17 =	sadd.s32 s7, s17;
	[sflag:s29] =	ssyncset.done $0x0  }
0x157: {  	s13 =	sadd.s32 s13, s17;
	[sflag:s29] =	ssyncadd.s32 $0xFFFFFC00  }
0x158: {  	[tilespmem:s21], [sflag:$0x4] =	stream.strided.gather [hbm4b:s13+s19], $0x400, s20, s19, $0x38;
	[tilespmem:$0x1F580] =	vst v63  }
0x159: {  	v5 =	vld [tilespmem:s11+$0x8001]  }
0x15a: {  	s13 =	simm.s32 $0xED20;
	v4 =	vld [tilespmem:s11+$0x8101];
	s11 =	simm.s32 $0x0  }
.LBB2_9:
0x15b: {  	v6 =	vld [tilespmem:s13+$0xFFFFFFE0];
	_ =	sdelay $0x4  }
0x15c: {  	vm0 =	vgt.f32 v6, $0.0e+00  }
0x15d: {  	v6 =	vsel vm0, $0x1, v1  }
0x15e: {  	(xrf0) =	vadd.scan.msk.s32 $0xffff, v6;
	_ =	sdelay $0x5  }
0x15f: {  	v6, _, _ =	vpop (xrf0)  }
0x160: {  	v6 =	vadd.s32 v6, v3  }
0x161: {  	v6 =	vadd.s32 $0xFFFFFFFF, v6  }
0x162: {  	vm1 =	vgt.s32 v6, $0x0  }
0x163: {  	v6 =	vnsel vm1, $0x0, v6  }
0x164: {  	v6 =	vmin.u32 v6, $0x3FF;
	_ =	sdelay $0x3  }
0x165: {  	v7 =	vor.u32 s11, v2  }
0x166: {  	[tilespmem:v6+s24+$0x0] =	vst.idx.msk vm0, v7  }
0x167: {  	v6 =	vld [tilespmem:s13+$0xFFFFFFF0];
	_ =	sdelay $0x4  }
0x168: {  	vm10 =	vgt.f32 v6, $0.0e+00  }
0x169: {  	v6 =	vsel vm10, $0x1, v1  }
0x16a: {  	(xrf0) =	vadd.scan.msk.s32 $0xffff, v6;
	_ =	sdelay $0x1  }
0x16b: {  	v6 =	vmpcnt.ones.xlane vm0;
	_ =	sdelay $0x3  }
0x16c: {  	v3 =	vadd.s32 v3, v6;
	v6, _, _ =	vpop (xrf0)  }
0x16d: {  	v6 =	vadd.s32 v6, v3  }
0x16e: {  	v6 =	vadd.s32 $0xFFFFFFFF, v6  }
0x16f: {  	vm11 =	vgt.s32 v6, $0x0  }
0x170: {  	v6 =	vnsel vm11, $0x0, v6  }
0x171: {  	v6 =	vmin.u32 v6, $0x3FF;
	_ =	sdelay $0x2  }
0x172: {  	s17 =	sadd.s32 $0x10, s11  }
0x173: {  	v7 =	vor.u32 s17, v2  }
0x174: {  	[tilespmem:v6+s24+$0x0] =	vst.idx.msk vm10, v7  }
0x175: {  	v6 =	vld [tilespmem:s13+$0x0];
	_ =	sdelay $0x4  }
0x176: {  	vm12 =	vgt.f32 v6, $0.0e+00  }
0x177: {  	v6 =	vsel vm12, $0x1, v1  }
0x178: {  	(xrf0) =	vadd.scan.msk.s32 $0xffff, v6;
	_ =	sdelay $0x1  }
0x179: {  	v6 =	vmpcnt.ones.xlane vm10;
	_ =	sdelay $0x3  }
0x17a: {  	v3 =	vadd.s32 v3, v6;
	v6, _, _ =	vpop (xrf0)  }
0x17b: {  	v6 =	vadd.s32 v6, v3  }
0x17c: {  	v6 =	vadd.s32 $0xFFFFFFFF, v6  }
0x17d: {  	vm13 =	vgt.s32 v6, $0x0  }
0x17e: {  	v6 =	vnsel vm13, $0x0, v6  }
0x17f: {  	v6 =	vmin.u32 v6, $0x3FF;
	_ =	sdelay $0x2  }
0x180: {  	s18 =	sadd.s32 $0x20, s11  }
0x181: {  	v7 =	vor.u32 s18, v2  }
0x182: {  	[tilespmem:v6+s24+$0x0] =	vst.idx.msk vm12, v7  }
0x183: {  	v6 =	vld [tilespmem:s13+$0x10];
	_ =	sdelay $0x4  }
0x184: {  	vm14 =	vgt.f32 v6, $0.0e+00  }
0x185: {  	v6 =	vsel vm14, $0x1, v1  }
0x186: {  	(xrf0) =	vadd.scan.msk.s32 $0xffff, v6;
	_ =	sdelay $0x1  }
0x187: {  	v6 =	vmpcnt.ones.xlane vm12;
	_ =	sdelay $0x3  }
0x188: {  	v3 =	vadd.s32 v3, v6;
	v6, _, _ =	vpop (xrf0)  }
0x189: {  	v6 =	vadd.s32 v6, v3  }
0x18a: {  	v6 =	vadd.s32 $0xFFFFFFFF, v6  }
0x18b: {  	vm15 =	vgt.s32 v6, $0x0  }
0x18c: {  	v6 =	vnsel vm15, $0x0, v6  }
0x18d: {  	p0 =	sne.s32 s11, $0x3C0;
	v6 =	vmin.u32 v6, $0x3FF  }
.Ltmp8:
0x18e: {  	_ = 	snop;
	(pc) =	sbr.rel @p0 .LBB2_9-.Ltmp8, $4  }
0x18f: {  	_ = 	snop  }
0x190: {  	s30 =	sadd.s32 $0x30, s11;
	v7 =	vmpcnt.ones.xlane vm14  }
0x191: {  	v8 =	vor.u32 s30, v2  }
0x192: {  	s11 =	sadd.s32 $0x40, s11;
	s13 =	sadd.s32 $0x40, s13;
	v3 =	vadd.s32 v3, v7;
	[tilespmem:v6+s24+$0x0] =	vst.idx.msk vm14, v8  }
0x193: {  	(v2sf) =	vpush v3, $0x0;
	_ =	sdelay $0xe  }
0x194: {  	s13 =	spop (v2sf)  }
0x195: {  	p0 =	slt.s32 s13, $0x1  }
.Ltmp9:
0x196: {  	_ = 	snop;
	(pc) =	sbr.rel @p0 .LBB2_11-.Ltmp9, $1  }
0x197: {  	_ =	sdelay $0x3  }
0x198: {  	p0 =	sne.s32 s13, $0x1  }
.Ltmp10:
0x199: {  	s11 =	simm.s32 $0xF100;
	(pc) =	sbr.rel @!p0 .LBB2_14-.Ltmp10, $3  }
0x19a: {  	v7 =	vld [tilespmem:s11+$0x0];
	_ =	sdelay $0x1  }
0x19b: {  	v5 =	vbroadcast v5, $0x0  }
0x19c: {  	v6 =	vbroadcast v4, $0x0;
	v3 =	vimm.s32 $0x0;
	s13 =	sadd.s32 $0xFFFFFFFF, s13;
	v4 =	vimm.s32 $0x0  }
.LBB2_13:
0x19d: {  	p0 =	sne.s32 s13, $0x1  }
0x19e: {  	(v2sf) =	vpush v7, $0x0;
	_ =	sdelay $0xe  }
0x19f: {  	s17 =	spop (v2sf)  }
0x1a0: {  	s17 =	sshll.u32 s17, $0x4  }
0x1a1: {  	v7 =	vld [tilespmem:s17+$0x0]  }
0x1a2: {  	v8 =	vld [tilespmem:s17+$0x4000];
	_ =	sdelay $0x4  }
0x1a3: {  	v7 =	vsub.f32 v5, v7;
	v8 =	vsub.f32 v6, v8;
	_ =	sdelay $0x1  }
0x1a4: {  	v9 =	vmul.f32 v7, v7;
	v10 =	vmul.f32 v8, v8;
	_ =	sdelay $0x1  }
0x1a5: {  	v9 =	vadd.f32 v10, v9;
	_ =	sdelay $0x1  }
0x1a6: {  	vm0 =	vle.f32 v9, $9.000090070e-04  }
0x1a7: {  	v9 =	vsel vm0, $0x1, v1;
	v10 =	vmpcnt.ones.xlane vm0  }
0x1a8: {  	(xrf0) =	vadd.scan.msk.s32 $0xffff, v9  }
0x1a9: {  	v3 =	vadd.s32 v3, v10;
	_ =	sdelay $0x4  }
0x1aa: {  	v9, _, _ =	vpop (xrf0)  }
0x1ab: {  	v9 =	vadd.s32 v9, v4;
	v4 =	vmov v3  }
0x1ac: {  	v9 =	vadd.s32 $0xFFFFFFFF, v9  }
0x1ad: {  	vm1 =	vgt.s32 v9, $0x0  }
0x1ae: {  	v9 =	vnsel vm1, $0x0, v9  }
0x1af: {  	v9 =	vmin.u32 v9, $0x9F;
	_ =	sdelay $0x3  }
0x1b0: {  	v10 =	vor.u32 s17, v2  }
0x1b1: {  	[tilespmem:v9+s25+$0x0] =	vst.idx.msk vm0, v10  }
0x1b2: {  	[tilespmem:v9+s26+$0x0] =	vst.idx.msk vm0, v7  }
.Ltmp11:
0x1b3: {  	s11 =	sadd.s32 $0x1, s11;
	[tilespmem:v9+s28+$0x0] =	vst.idx.msk vm0, v8;
	(pc) =	sbr.rel @p0 .LBB2_13-.Ltmp11, $2  }
0x1b4: {  	v7 =	vld [tilespmem:s11+$0x0];
	_ =	sdelay $0x2  }
0x1b5: {  	s13 =	sadd.s32 $0xFFFFFFFF, s13  }
.LBB2_14:
0x1b6: {  	_ = 	snop  }
0x1b7: {  	(v2sf) =	vpush v7, $0x0;
	_ =	sdelay $0xe  }
0x1b8: {  	s11 =	spop (v2sf)  }
0x1b9: {  	s11 =	sshll.u32 s11, $0x4  }
0x1ba: {  	v61 =	vld [tilespmem:s11+$0x0]  }
0x1bb: {  	v8 =	vld [tilespmem:s11+$0x4000];
	_ =	sdelay $0x4  }
0x1bc: {  	v5 =	vsub.f32 v5, v61;
	v6 =	vsub.f32 v6, v8;
	_ =	sdelay $0x1  }
0x1bd: {  	v7 =	vmul.f32 v5, v5;
	v8 =	vmul.f32 v6, v6;
	_ =	sdelay $0x1  }
0x1be: {  	v7 =	vadd.f32 v8, v7;
	_ =	sdelay $0x1  }
0x1bf: {  	vm0 =	vle.f32 v7, $9.000090070e-04  }
0x1c0: {  	v7 =	vsel vm0, $0x1, v1  }
0x1c1: {  	(xrf0) =	vadd.scan.msk.s32 $0xffff, v7;
	_ =	sdelay $0x5  }
0x1c2: {  	v7, _, _ =	vpop (xrf0)  }
0x1c3: {  	v4 =	vadd.s32 v7, v4  }
0x1c4: {  	v4 =	vadd.s32 $0xFFFFFFFF, v4  }
0x1c5: {  	vm1 =	vgt.s32 v4, $0x0  }
0x1c6: {  	v4 =	vnsel vm1, $0x0, v4  }
0x1c7: {  	v4 =	vmin.u32 v4, $0x9F;
	_ =	sdelay $0x2  }
.Ltmp12:
0x1c8: {  	_ = 	snop;
	(pc) =	sbr.rel .LBB2_15-.Ltmp12, $4  }
0x1c9: {  	v62 =	vor.u32 s11, v2  }
0x1ca: {  	v63 =	vmpcnt.ones.xlane vm0;
	[tilespmem:v4+s25+$0x0] =	vst.idx.msk vm0, v62  }
0x1cb: {  	[tilespmem:v4+s26+$0x0] =	vst.idx.msk vm0, v5  }
0x1cc: {  	v3 =	vadd.s32 v3, v63;
	[tilespmem:v4+s28+$0x0] =	vst.idx.msk vm0, v6  }
.LBB2_16:
0x1cd: {  	_ =	swait.ge [sflag:s22], $0x400  }
0x1ce: {  	s11 =	simm.s32 $0x0;
	[sflag:s22] =	ssyncset.done $0x0  }
0x1cf: {  	s12 =	simm.s32 $0xA500;
	s10 =	rddreg [dreg:$0x8];
	[sflag:s22] =	ssyncadd.s32 $0xFFFFFC00  }
0x1d0: {  	[hbm4b:s10+s11] =	stream.linear.scatter [tilespmem:s12], [sflag:$0x6], $0x2000, $0x38;
	[tilespmem:$0x1F580] =	vst v63  }
0x1d1: {  	_ =	swait.ge [sflag:s15], $0x2000  }
0x1d2: {  	s30 =	simm.s32 $0xC500;
	[sflag:s15] =	ssyncset.done $0x0  }
.Ltmp13:
0x1d3: {  	s18 =	rddreg [dreg:$0x9];
	[sflag:s15] =	ssyncadd.s32 $0xFFFFE000;
	(pc) =	sbr.rel .LBB2_17-.Ltmp13, $4  }
0x1d4: {  	[hbm4b:s18+s11] =	stream.linear.scatter [tilespmem:s30], [sflag:$0x6], $0x2000, $0x38;
	[tilespmem:$0x1F580] =	vst v63  }
0x1d5: {  	_ =	swait.ge [sflag:s15], $0x2000  }
0x1d6: {  	[sflag:s15] =	ssyncset.done $0x0  }
0x1d7: {  	s12 =	simm.s32 $0xE510;
	s10 =	simm.s32 $0x8580;
	[sflag:s15] =	ssyncadd.s32 $0xFFFFE000  }
.LBB2_32:
0x1d8: {  	p0 =	seq.s32 s13, $0x1  }
0x1d9: {  	v3 =	vld @p0 [tilespmem:s10+$0x0];
	_ =	sdelay $0x4  }
0x1da: {  	v4 =	vshll.u32 @p0 v3, $0x1  }
0x1db: {  	v5 =	vlaneseq.u32 @p0;
	v3 =	vand.u32 @p0 $0x7, v3;
	v4 =	vand.u32 @p0 $0xFFFFFFF0, v4  }
0x1dc: {  	v6 =	vshrl.u32 @p0 v5, $0x3;
	v3 =	vor.u32 @p0 v3, v4;
	v4 =	vand.u32 @p0 $0x7, v5  }
0x1dd: {  	v6 =	vmul.u32 @p0 $0x8, v6;
	v4 =	vperm.xlane @p0 v3, v4  }
0x1de: {  	v5 =	vor.u32 @p0 $0x8, v5  }
0x1df: {  	v3 =	vperm.xlane @p0 v3, v5;
	v4 =	vadd.s32 @p0 v6, v4;
	_ =	sdelay $0x1  }
0x1e0: {  	v3 =	vadd.s32 @p0 v6, v3;
	_ =	sdelay $0x1  }
0x1e1: {  	vm0 =	vmmov @p0 $0xffff;
	s17 =	simm.s32 @p0 $0x0;
	s30 =	simm.s32 @p0 $0x17580  }
0x1e2: {  	[tilespmem:s30], [sflag:$0x1] =	stream.indirect_vreg.gather @p0 [hbm4b:s6+s17], $0x80, v4, vm0, $0xb8;
	[tilespmem:$0x1F580] =	vst v63  }
0x1e3: {  	s30 =	simm.s32 @p0 $0x17D80  }
0x1e4: {  	[tilespmem:s30], [sflag:$0x1] =	stream.indirect_vreg.gather @p0 [hbm4b:s6+s17], $0x80, v3, vm0, $0xb8;
	[tilespmem:$0x1F580] =	vst v63  }
0x1e5: {  	s17 =	simm.s32 @p0 $0x1  }
0x1e6: {  	_ =	swait.ge @p0 [sflag:s17], $0x1000  }
0x1e7: {  	p1 =	seq.s32 @!p0 s13, $0x2;
	[sflag:s17] =	ssyncset.done @p0 $0x0  }
0x1e8: {  	[sflag:s17] =	ssyncadd.s32 @p0 $0xFFFFF000;
	p0 =	por !p1, p0  }
0x1e9: {  	v3 =	vld @!p0 [tilespmem:s10+$0x0];
	_ =	sdelay $0x4  }
0x1ea: {  	v4 =	vshll.u32 @!p0 v3, $0x1  }
0x1eb: {  	v5 =	vlaneseq.u32 @!p0;
	v3 =	vand.u32 @!p0 $0x7, v3;
	v4 =	vand.u32 @!p0 $0xFFFFFFF0, v4  }
0x1ec: {  	v6 =	vshrl.u32 @!p0 v5, $0x3;
	v3 =	vor.u32 @!p0 v3, v4;
	v4 =	vand.u32 @!p0 $0x7, v5  }
0x1ed: {  	v6 =	vmul.u32 @!p0 $0x8, v6;
	v7 =	vperm.xlane @!p0 v3, v4  }
0x1ee: {  	v5 =	vor.u32 @!p0 $0x8, v5  }
0x1ef: {  	v3 =	vperm.xlane @!p0 v3, v5;
	v7 =	vadd.s32 @!p0 v6, v7;
	_ =	sdelay $0x1  }
0x1f0: {  	v3 =	vadd.s32 @!p0 v6, v3;
	_ =	sdelay $0x1  }
0x1f1: {  	vm0 =	vmmov @!p0 $0xffff;
	s13 =	simm.s32 @!p0 $0x0;
	s17 =	simm.s32 @!p0 $0x17580  }
0x1f2: {  	[tilespmem:s17], [sflag:$0x1] =	stream.indirect_vreg.gather @!p0 [hbm4b:s6+s13], $0x80, v7, vm0, $0xb8;
	[tilespmem:$0x1F580] =	vst v63  }
0x1f3: {  	s17 =	simm.s32 @!p0 $0x17D80  }
0x1f4: {  	[tilespmem:s17], [sflag:$0x1] =	stream.indirect_vreg.gather @!p0 [hbm4b:s6+s13], $0x80, v3, vm0, $0xb8;
	[tilespmem:$0x1F580] =	vst v63  }
0x1f5: {  	v3 =	vld @!p0 [tilespmem:s10+$0x10];
	_ =	sdelay $0x4  }
0x1f6: {  	v7 =	vshll.u32 @!p0 v3, $0x1  }
0x1f7: {  	v3 =	vand.u32 @!p0 $0x7, v3;
	v7 =	vand.u32 @!p0 $0xFFFFFFF0, v7  }
0x1f8: {  	v3 =	vor.u32 @!p0 v3, v7  }
0x1f9: {  	v4 =	vperm.xlane @!p0 v3, v4;
	_ =	sdelay $0x1  }
0x1fa: {  	v3 =	vperm.xlane @!p0 v3, v5;
	v4 =	vadd.s32 @!p0 v6, v4;
	_ =	sdelay $0x1  }
0x1fb: {  	v3 =	vadd.s32 @!p0 v6, v3;
	_ =	sdelay $0x1  }
0x1fc: {  	s17 =	simm.s32 @!p0 $0x18580  }
0x1fd: {  	[tilespmem:s17], [sflag:$0x1] =	stream.indirect_vreg.gather @!p0 [hbm4b:s6+s13], $0x80, v4, vm0, $0xb8;
	[tilespmem:$0x1F580] =	vst v63  }
0x1fe: {  	s17 =	simm.s32 @!p0 $0x18D80  }
0x1ff: {  	[tilespmem:s17], [sflag:$0x1] =	stream.indirect_vreg.gather @!p0 [hbm4b:s6+s13], $0x80, v3, vm0, $0xb8;
	[tilespmem:$0x1F580] =	vst v63  }
0x200: {  	s13 =	simm.s32 @!p0 $0x1  }
0x201: {  	_ =	swait.ge @!p0 [sflag:s13], $0x2000  }
0x202: {  	[sflag:s13] =	ssyncset.done @!p0 $0x0  }
0x203: {  	[sflag:s13] =	ssyncadd.s32 @!p0 $0xFFFFE000  }
.LBB2_43:
0x204: {  	s11 =	sadd.s32 $0x2000, s11  }
0x205: {  	p0 =	sne.s32 s11, $0x40000  }
.Ltmp14:
0x206: {  	_ = 	snop;
	(pc) =	sbr.rel @!p0 .LBB2_44-.Ltmp14, $3  }
0x207: {  	_ =	sdelay $0x1  }
0x208: {  	s13 =	sadd.s32 $0x1000, s18;
	s12 =	sadd.s32 $0x20, s12;
	s10 =	sadd.s32 $0x100, s10  }
0x209: {  	[hbm4b:s13+s2] =	stream.linear.scatter [tilespmem:s16], [sflag:$0x3], $0x8000, $0x38;
	[tilespmem:$0x1F580] =	vst v63  }
.LBB2_17:
0x20a: {  	p0 =	seq.s32 s11, $0x0  }
0x20b: {  	s13 =	simm.s32 @!p0 $0x2  }
0x20c: {  	_ =	swait.ge @!p0 [sflag:s13], $0x8000  }
0x20d: {  	[sflag:s13] =	ssyncset.done @!p0 $0x0  }
0x20e: {  	[sflag:s13] =	ssyncadd.s32 @!p0 $0xFFFF8000  }
0x20f: {  	v3 =	vld [tilespmem:s12+$0xFFFFFFF0];
	_ =	sdelay $0x4  }
0x210: {  	(v2sf) =	vpush v3, $0x0;
	_ =	sdelay $0xe  }
0x211: {  	s18 =	spop (v2sf)  }
0x212: {  	s13 =	sadd.s32 $0xF, s18  }
0x213: {  	s17 =	sand.u32 $0xF, s13  }
0x214: {  	s30 =	sshra.s32 s13, $0x1F;
	p2 =	slt.s32 s13, $0x1;
	p1 =	sne.s32 s17, $0x0  }
0x215: {  	s17 =	sshrl.u32 s30, $0x1C;
	p1 =	por !p2, !p1  }
0x216: {  	s13 =	sadd.s32 s17, s13;
	s17 =	simm.s32 $0x1;
	p1 =	por !p1, !p1  }
0x217: {  	s13 =	sshra.s32 s13, $0x4;
	s17 =	simm.s32 @!p1 $0x0  }
0x218: {  	s18 =	ssub.s32 s13, s17  }
0x219: {  	p1 =	slt.s32 s18, $0x8  }
0x21a: {  	s18 =	simm.s32 @!p1 $0x8  }
0x21b: {  	p1 =	sgt.s32 s18, $0x4  }
.Ltmp15:
0x21c: {  	_ = 	snop;
	(pc) =	sbr.rel @p1 .LBB2_21-.Ltmp15, $1  }
0x21d: {  	_ =	sdelay $0x3  }
0x21e: {  	p1 =	sgt.s32 s18, $0x2  }
.Ltmp16:
0x21f: {  	_ = 	snop;
	(pc) =	sbr.rel @p1 .LBB2_20-.Ltmp16, $1  }
0x220: {  	_ =	sdelay $0x3  }
0x221: {  	p1 =	seq.s32 s18, $0x1  }
0x222: {  	v3 =	vld @p1 [tilespmem:s10+$0xFFFFFF80];
	_ =	sdelay $0x4  }
0x223: {  	v4 =	vshll.u32 @p1 v3, $0x1  }
0x224: {  	v5 =	vlaneseq.u32 @p1;
	v3 =	vand.u32 @p1 $0x7, v3;
	v4 =	vand.u32 @p1 $0xFFFFFFF0, v4  }
0x225: {  	v6 =	vshrl.u32 @p1 v5, $0x3;
	v3 =	vor.u32 @p1 v3, v4;
	v4 =	vand.u32 @p1 $0x7, v5  }
0x226: {  	v6 =	vmul.u32 @p1 $0x8, v6;
	v4 =	vperm.xlane @p1 v3, v4  }
0x227: {  	v5 =	vor.u32 @p1 $0x8, v5  }
0x228: {  	v3 =	vperm.xlane @p1 v3, v5;
	v4 =	vadd.s32 @p1 v6, v4;
	_ =	sdelay $0x1  }
0x229: {  	v3 =	vadd.s32 @p1 v6, v3;
	_ =	sdelay $0x1  }
0x22a: {  	vm0 =	vmmov @p1 $0xffff;
	s13 =	simm.s32 @p1 $0x0;
	s17 =	simm.s32 @p1 $0xF580  }
0x22b: {  	[tilespmem:s17], [sflag:$0x1] =	stream.indirect_vreg.gather @p1 [hbm4b:s6+s13], $0x80, v4, vm0, $0xb8;
	[tilespmem:$0x1F580] =	vst v63  }
0x22c: {  	s17 =	simm.s32 @p1 $0xFD80  }
0x22d: {  	[tilespmem:s17], [sflag:$0x1] =	stream.indirect_vreg.gather @p1 [hbm4b:s6+s13], $0x80, v3, vm0, $0xb8;
	[tilespmem:$0x1F580] =	vst v63  }
0x22e: {  	s13 =	simm.s32 @p1 $0x1  }
0x22f: {  	_ =	swait.ge @p1 [sflag:s13], $0x1000  }
0x230: {  	p2 =	seq.s32 @!p1 s18, $0x2;
	[sflag:s13] =	ssyncset.done @p1 $0x0  }
0x231: {  	[sflag:s13] =	ssyncadd.s32 @p1 $0xFFFFF000;
	p1 =	por !p2, p1  }
0x232: {  	v3 =	vld @!p1 [tilespmem:s10+$0xFFFFFF80];
	_ =	sdelay $0x4  }
0x233: {  	v4 =	vshll.u32 @!p1 v3, $0x1  }
0x234: {  	v5 =	vlaneseq.u32 @!p1;
	v3 =	vand.u32 @!p1 $0x7, v3;
	v4 =	vand.u32 @!p1 $0xFFFFFFF0, v4  }
0x235: {  	v6 =	vshrl.u32 @!p1 v5, $0x3;
	v3 =	vor.u32 @!p1 v3, v4;
	v4 =	vand.u32 @!p1 $0x7, v5  }
0x236: {  	v6 =	vmul.u32 @!p1 $0x8, v6;
	v7 =	vperm.xlane @!p1 v3, v4  }
0x237: {  	v5 =	vor.u32 @!p1 $0x8, v5  }
0x238: {  	v3 =	vperm.xlane @!p1 v3, v5;
	v7 =	vadd.s32 @!p1 v6, v7;
	_ =	sdelay $0x1  }
0x239: {  	v3 =	vadd.s32 @!p1 v6, v3;
	_ =	sdelay $0x1  }
0x23a: {  	vm0 =	vmmov @!p1 $0xffff;
	s13 =	simm.s32 @!p1 $0x0;
	s17 =	simm.s32 @!p1 $0xF580  }
0x23b: {  	[tilespmem:s17], [sflag:$0x1] =	stream.indirect_vreg.gather @!p1 [hbm4b:s6+s13], $0x80, v7, vm0, $0xb8;
	[tilespmem:$0x1F580] =	vst v63  }
0x23c: {  	s17 =	simm.s32 @!p1 $0xFD80  }
0x23d: {  	[tilespmem:s17], [sflag:$0x1] =	stream.indirect_vreg.gather @!p1 [hbm4b:s6+s13], $0x80, v3, vm0, $0xb8;
	[tilespmem:$0x1F580] =	vst v63  }
0x23e: {  	v3 =	vld @!p1 [tilespmem:s10+$0xFFFFFF90];
	_ =	sdelay $0x4  }
0x23f: {  	v7 =	vshll.u32 @!p1 v3, $0x1  }
0x240: {  	v3 =	vand.u32 @!p1 $0x7, v3;
	v7 =	vand.u32 @!p1 $0xFFFFFFF0, v7  }
0x241: {  	v3 =	vor.u32 @!p1 v3, v7  }
0x242: {  	v4 =	vperm.xlane @!p1 v3, v4;
	_ =	sdelay $0x1  }
0x243: {  	v3 =	vperm.xlane @!p1 v3, v5;
	v4 =	vadd.s32 @!p1 v6, v4;
	_ =	sdelay $0x1  }
0x244: {  	v3 =	vadd.s32 @!p1 v6, v3;
	_ =	sdelay $0x1  }
0x245: {  	s17 =	simm.s32 @!p1 $0x10580  }
0x246: {  	[tilespmem:s17], [sflag:$0x1] =	stream.indirect_vreg.gather @!p1 [hbm4b:s6+s13], $0x80, v4, vm0, $0xb8;
	[tilespmem:$0x1F580] =	vst v63  }
0x247: {  	s17 =	simm.s32 @!p1 $0x10D80  }
0x248: {  	[tilespmem:s17], [sflag:$0x1] =	stream.indirect_vreg.gather @!p1 [hbm4b:s6+s13], $0x80, v3, vm0, $0xb8;
	[tilespmem:$0x1F580] =	vst v63  }
.Ltmp17:
0x249: {  	_ = 	snop;
	(pc) =	sbr.rel .LBB2_30-.Ltmp17, $4  }
0x24a: {  	s13 =	simm.s32 @!p1 $0x1  }
0x24b: {  	_ =	swait.ge @!p1 [sflag:s13], $0x2000  }
0x24c: {  	[sflag:s13] =	ssyncset.done @!p1 $0x0  }
0x24d: {  	[sflag:s13] =	ssyncadd.s32 @!p1 $0xFFFFE000  }
.LBB2_21:
0x24e: {  	p1 =	sgt.s32 s18, $0x6  }
.Ltmp18:
0x24f: {  	_ = 	snop;
	(pc) =	sbr.rel @p1 .LBB2_25-.Ltmp18, $1  }
0x250: {  	_ =	sdelay $0x3  }
0x251: {  	p1 =	seq.s32 s18, $0x5  }
.Ltmp19:
0x252: {  	_ = 	snop;
	(pc) =	sbr.rel @p1 .LBB2_28-.Ltmp19, $1  }
0x253: {  	_ =	sdelay $0x3  }
0x254: {  	p1 =	seq.s32 s18, $0x6  }
.Ltmp20:
0x255: {  	_ = 	snop;
	(pc) =	sbr.rel @!p1 .LBB2_30-.Ltmp20, $1  }
0x256: {  	_ =	sdelay $0x3  }
0x257: {  	v3 =	vld [tilespmem:s10+$0xFFFFFF80];
	_ =	sdelay $0x4  }
0x258: {  	v4 =	vshll.u32 v3, $0x1  }
0x259: {  	v3 =	vand.u32 $0x7, v3;
	v4 =	vand.u32 $0xFFFFFFF0, v4  }
0x25a: {  	v58 =	vand.u32 $0x7, v2;
	v5 =	vshrl.u32 v2, $0x3;
	v3 =	vor.u32 v3, v4  }
0x25b: {  	v5 =	vmul.u32 $0x8, v5;
	v6 =	vperm.xlane v3, v58  }
0x25c: {  	v7 =	vor.u32 $0x8, v2  }
0x25d: {  	v3 =	vperm.xlane v3, v7;
	v6 =	vadd.s32 v5, v6;
	_ =	sdelay $0x1  }
0x25e: {  	v3 =	vadd.s32 v5, v3;
	_ =	sdelay $0x1  }
0x25f: {  	vm0 =	vmmov $0xffff  }
0x260: {  	[tilespmem:s0], [sflag:$0x1] =	stream.indirect_vreg.gather [hbm4b:s6+s2], $0x80, v6, vm0, $0xb8;
	[tilespmem:$0x1F580] =	vst v63  }
0x261: {  	s13 =	simm.s32 $0xFD80  }
0x262: {  	[tilespmem:s13], [sflag:$0x1] =	stream.indirect_vreg.gather [hbm4b:s6+s2], $0x80, v3, vm0, $0xb8;
	[tilespmem:$0x1F580] =	vst v63  }
0x263: {  	v3 =	vld [tilespmem:s10+$0xFFFFFF90];
	_ =	sdelay $0x4  }
0x264: {  	v59 =	vshll.u32 v3, $0x1  }
0x265: {  	v3 =	vand.u32 $0x7, v3;
	v6 =	vand.u32 $0xFFFFFFF0, v59  }
0x266: {  	v3 =	vor.u32 v3, v6  }
0x267: {  	v6 =	vperm.xlane v3, v58;
	_ =	sdelay $0x1  }
0x268: {  	v3 =	vperm.xlane v3, v7;
	v6 =	vadd.s32 v5, v6;
	_ =	sdelay $0x1  }
0x269: {  	v3 =	vadd.s32 v5, v3;
	_ =	sdelay $0x1  }
0x26a: {  	s18 =	simm.s32 $0x10580  }
0x26b: {  	[tilespmem:s18], [sflag:$0x1] =	stream.indirect_vreg.gather [hbm4b:s6+s2], $0x80, v6, vm0, $0xb8;
	[tilespmem:$0x1F580] =	vst v63  }
0x26c: {  	s30 =	simm.s32 $0x10D80  }
0x26d: {  	[tilespmem:s30], [sflag:$0x1] =	stream.indirect_vreg.gather [hbm4b:s6+s2], $0x80, v3, vm0, $0xb8;
	[tilespmem:$0x1F580] =	vst v63  }
0x26e: {  	v3 =	vld [tilespmem:s10+$0xFFFFFFA0];
	_ =	sdelay $0x4  }
0x26f: {  	v60 =	vshll.u32 v3, $0x1  }
0x270: {  	v3 =	vand.u32 $0x7, v3;
	v6 =	vand.u32 $0xFFFFFFF0, v60  }
0x271: {  	v3 =	vor.u32 v3, v6  }
0x272: {  	v6 =	vperm.xlane v3, v58;
	_ =	sdelay $0x1  }
0x273: {  	v3 =	vperm.xlane v3, v7;
	v6 =	vadd.s32 v5, v6;
	_ =	sdelay $0x1  }
0x274: {  	v3 =	vadd.s32 v5, v3;
	_ =	sdelay $0x1  }
0x275: {  	s17 =	simm.s32 $0x11580  }
0x276: {  	[tilespmem:s17], [sflag:$0x1] =	stream.indirect_vreg.gather [hbm4b:s6+s2], $0x80, v6, vm0, $0xb8;
	[tilespmem:$0x1F580] =	vst v63  }
0x277: {  	_ = 	snop  }
0x278: {  	[tilespmem:s31], [sflag:$0x1] =	stream.indirect_vreg.gather [hbm4b:s6+s2], $0x80, v3, vm0, $0xb8;
	[tilespmem:$0x1F580] =	vst v63  }
0x279: {  	v3 =	vld [tilespmem:s10+$0xFFFFFFB0];
	_ =	sdelay $0x4  }
0x27a: {  	v61 =	vshll.u32 v3, $0x1  }
0x27b: {  	v3 =	vand.u32 $0x7, v3;
	v6 =	vand.u32 $0xFFFFFFF0, v61  }
0x27c: {  	v3 =	vor.u32 v3, v6  }
0x27d: {  	v6 =	vperm.xlane v3, v58;
	_ =	sdelay $0x1  }
0x27e: {  	v3 =	vperm.xlane v3, v7;
	v6 =	vadd.s32 v5, v6;
	_ =	sdelay $0x1  }
0x27f: {  	v3 =	vadd.s32 v5, v3;
	_ =	sdelay $0x2  }
0x280: {  	[tilespmem:s4], [sflag:$0x1] =	stream.indirect_vreg.gather [hbm4b:s6+s2], $0x80, v6, vm0, $0xb8;
	[tilespmem:$0x1F580] =	vst v63  }
0x281: {  	_ = 	snop  }
0x282: {  	[tilespmem:s5], [sflag:$0x1] =	stream.indirect_vreg.gather [hbm4b:s6+s2], $0x80, v3, vm0, $0xb8;
	[tilespmem:$0x1F580] =	vst v63  }
0x283: {  	v3 =	vld [tilespmem:s10+$0xFFFFFFC0];
	_ =	sdelay $0x4  }
0x284: {  	v62 =	vshll.u32 v3, $0x1  }
0x285: {  	v3 =	vand.u32 $0x7, v3;
	v6 =	vand.u32 $0xFFFFFFF0, v62  }
0x286: {  	v3 =	vor.u32 v3, v6  }
0x287: {  	v6 =	vperm.xlane v3, v58;
	_ =	sdelay $0x1  }
0x288: {  	v3 =	vperm.xlane v3, v7;
	v6 =	vadd.s32 v5, v6;
	_ =	sdelay $0x1  }
0x289: {  	v3 =	vadd.s32 v5, v3;
	_ =	sdelay $0x2  }
0x28a: {  	[tilespmem:s8], [sflag:$0x1] =	stream.indirect_vreg.gather [hbm4b:s6+s2], $0x80, v6, vm0, $0xb8;
	[tilespmem:$0x1F580] =	vst v63  }
0x28b: {  	_ = 	snop  }
0x28c: {  	[tilespmem:s9], [sflag:$0x1] =	stream.indirect_vreg.gather [hbm4b:s6+s2], $0x80, v3, vm0, $0xb8;
	[tilespmem:$0x1F580] =	vst v63  }
0x28d: {  	v3 =	vld [tilespmem:s10+$0xFFFFFFD0];
	_ =	sdelay $0x4  }
0x28e: {  	v63 =	vshll.u32 v3, $0x1  }
0x28f: {  	v3 =	vand.u32 $0x7, v3;
	v6 =	vand.u32 $0xFFFFFFF0, v63  }
0x290: {  	v3 =	vor.u32 v3, v6  }
0x291: {  	v4 =	vperm.xlane v3, v58;
	_ =	sdelay $0x1  }
0x292: {  	v3 =	vperm.xlane v3, v7;
	v4 =	vadd.s32 v5, v4;
	_ =	sdelay $0x1  }
0x293: {  	v3 =	vadd.s32 v5, v3;
	_ =	sdelay $0x1  }
0x294: {  	s18 =	simm.s32 $0x14580  }
0x295: {  	[tilespmem:s18], [sflag:$0x1] =	stream.indirect_vreg.gather [hbm4b:s6+s2], $0x80, v4, vm0, $0xb8;
	[tilespmem:$0x1F580] =	vst v63  }
.Ltmp21:
0x296: {  	s30 =	simm.s32 $0x14D80;
	(pc) =	sbr.rel .LBB2_30-.Ltmp21, $4  }
0x297: {  	[tilespmem:s30], [sflag:$0x1] =	stream.indirect_vreg.gather [hbm4b:s6+s2], $0x80, v3, vm0, $0xb8;
	[tilespmem:$0x1F580] =	vst v63  }
0x298: {  	_ =	swait.ge [sflag:s1], $0x6000  }
0x299: {  	[sflag:s1] =	ssyncset.done $0x0  }
0x29a: {  	[sflag:s1] =	ssyncadd.s32 $0xFFFFA000  }
.LBB2_20:
0x29b: {  	p1 =	seq.s32 s18, $0x3  }
0x29c: {  	v3 =	vld @p1 [tilespmem:s10+$0xFFFFFF80];
	_ =	sdelay $0x4  }
0x29d: {  	v4 =	vshll.u32 @p1 v3, $0x1  }
0x29e: {  	v5 =	vlaneseq.u32 @p1;
	v3 =	vand.u32 @p1 $0x7, v3;
	v4 =	vand.u32 @p1 $0xFFFFFFF0, v4  }
0x29f: {  	v6 =	vshrl.u32 @p1 v5, $0x3;
	v3 =	vor.u32 @p1 v3, v4;
	v4 =	vand.u32 @p1 $0x7, v5  }
0x2a0: {  	v6 =	vmul.u32 @p1 $0x8, v6;
	v7 =	vperm.xlane @p1 v3, v4  }
0x2a1: {  	v5 =	vor.u32 @p1 $0x8, v5  }
0x2a2: {  	v3 =	vperm.xlane @p1 v3, v5;
	v7 =	vadd.s32 @p1 v6, v7;
	_ =	sdelay $0x1  }
0x2a3: {  	v3 =	vadd.s32 @p1 v6, v3;
	_ =	sdelay $0x1  }
0x2a4: {  	vm0 =	vmmov @p1 $0xffff;
	s13 =	simm.s32 @p1 $0x0;
	s17 =	simm.s32 @p1 $0xF580  }
0x2a5: {  	[tilespmem:s17], [sflag:$0x1] =	stream.indirect_vreg.gather @p1 [hbm4b:s6+s13], $0x80, v7, vm0, $0xb8;
	[tilespmem:$0x1F580] =	vst v63  }
0x2a6: {  	s17 =	simm.s32 @p1 $0xFD80  }
0x2a7: {  	[tilespmem:s17], [sflag:$0x1] =	stream.indirect_vreg.gather @p1 [hbm4b:s6+s13], $0x80, v3, vm0, $0xb8;
	[tilespmem:$0x1F580] =	vst v63  }
0x2a8: {  	v3 =	vld @p1 [tilespmem:s10+$0xFFFFFF90];
	_ =	sdelay $0x4  }
0x2a9: {  	v7 =	vshll.u32 @p1 v3, $0x1  }
0x2aa: {  	v3 =	vand.u32 @p1 $0x7, v3;
	v7 =	vand.u32 @p1 $0xFFFFFFF0, v7  }
0x2ab: {  	v3 =	vor.u32 @p1 v3, v7  }
0x2ac: {  	v7 =	vperm.xlane @p1 v3, v4;
	_ =	sdelay $0x1  }
0x2ad: {  	v3 =	vperm.xlane @p1 v3, v5;
	v7 =	vadd.s32 @p1 v6, v7;
	_ =	sdelay $0x1  }
0x2ae: {  	v3 =	vadd.s32 @p1 v6, v3;
	_ =	sdelay $0x1  }
0x2af: {  	s17 =	simm.s32 @p1 $0x10580  }
0x2b0: {  	[tilespmem:s17], [sflag:$0x1] =	stream.indirect_vreg.gather @p1 [hbm4b:s6+s13], $0x80, v7, vm0, $0xb8;
	[tilespmem:$0x1F580] =	vst v63  }
0x2b1: {  	s17 =	simm.s32 @p1 $0x10D80  }
0x2b2: {  	[tilespmem:s17], [sflag:$0x1] =	stream.indirect_vreg.gather @p1 [hbm4b:s6+s13], $0x80, v3, vm0, $0xb8;
	[tilespmem:$0x1F580] =	vst v63  }
0x2b3: {  	v3 =	vld @p1 [tilespmem:s10+$0xFFFFFFA0];
	_ =	sdelay $0x4  }
0x2b4: {  	v7 =	vshll.u32 @p1 v3, $0x1  }
0x2b5: {  	v3 =	vand.u32 @p1 $0x7, v3;
	v7 =	vand.u32 @p1 $0xFFFFFFF0, v7  }
0x2b6: {  	v3 =	vor.u32 @p1 v3, v7  }
0x2b7: {  	v4 =	vperm.xlane @p1 v3, v4;
	_ =	sdelay $0x1  }
0x2b8: {  	v3 =	vperm.xlane @p1 v3, v5;
	v4 =	vadd.s32 @p1 v6, v4;
	_ =	sdelay $0x1  }
0x2b9: {  	v3 =	vadd.s32 @p1 v6, v3;
	_ =	sdelay $0x1  }
0x2ba: {  	s17 =	simm.s32 @p1 $0x11580  }
0x2bb: {  	[tilespmem:s17], [sflag:$0x1] =	stream.indirect_vreg.gather @p1 [hbm4b:s6+s13], $0x80, v4, vm0, $0xb8;
	[tilespmem:$0x1F580] =	vst v63  }
0x2bc: {  	s17 =	simm.s32 @p1 $0x11D80  }
0x2bd: {  	[tilespmem:s17], [sflag:$0x1] =	stream.indirect_vreg.gather @p1 [hbm4b:s6+s13], $0x80, v3, vm0, $0xb8;
	[tilespmem:$0x1F580] =	vst v63  }
0x2be: {  	s13 =	simm.s32 @p1 $0x1  }
0x2bf: {  	_ =	swait.ge @p1 [sflag:s13], $0x3000  }
0x2c0: {  	p2 =	seq.s32 @!p1 s18, $0x4;
	[sflag:s13] =	ssyncset.done @p1 $0x0  }
0x2c1: {  	[sflag:s13] =	ssyncadd.s32 @p1 $0xFFFFD000;
	p1 =	por !p2, p1  }
0x2c2: {  	v3 =	vld @!p1 [tilespmem:s10+$0xFFFFFF80];
	_ =	sdelay $0x4  }
0x2c3: {  	v4 =	vshll.u32 @!p1 v3, $0x1  }
0x2c4: {  	v5 =	vlaneseq.u32 @!p1;
	v3 =	vand.u32 @!p1 $0x7, v3;
	v4 =	vand.u32 @!p1 $0xFFFFFFF0, v4  }
0x2c5: {  	v6 =	vshrl.u32 @!p1 v5, $0x3;
	v3 =	vor.u32 @!p1 v3, v4;
	v4 =	vand.u32 @!p1 $0x7, v5  }
0x2c6: {  	v6 =	vmul.u32 @!p1 $0x8, v6;
	v7 =	vperm.xlane @!p1 v3, v4  }
0x2c7: {  	v5 =	vor.u32 @!p1 $0x8, v5  }
0x2c8: {  	v3 =	vperm.xlane @!p1 v3, v5;
	v7 =	vadd.s32 @!p1 v6, v7;
	_ =	sdelay $0x1  }
0x2c9: {  	v3 =	vadd.s32 @!p1 v6, v3;
	_ =	sdelay $0x1  }
0x2ca: {  	vm0 =	vmmov @!p1 $0xffff;
	s13 =	simm.s32 @!p1 $0x0;
	s17 =	simm.s32 @!p1 $0xF580  }
0x2cb: {  	[tilespmem:s17], [sflag:$0x1] =	stream.indirect_vreg.gather @!p1 [hbm4b:s6+s13], $0x80, v7, vm0, $0xb8;
	[tilespmem:$0x1F580] =	vst v63  }
0x2cc: {  	s17 =	simm.s32 @!p1 $0xFD80  }
0x2cd: {  	[tilespmem:s17], [sflag:$0x1] =	stream.indirect_vreg.gather @!p1 [hbm4b:s6+s13], $0x80, v3, vm0, $0xb8;
	[tilespmem:$0x1F580] =	vst v63  }
0x2ce: {  	v3 =	vld @!p1 [tilespmem:s10+$0xFFFFFF90];
	_ =	sdelay $0x4  }
0x2cf: {  	v7 =	vshll.u32 @!p1 v3, $0x1  }
0x2d0: {  	v3 =	vand.u32 @!p1 $0x7, v3;
	v7 =	vand.u32 @!p1 $0xFFFFFFF0, v7  }
0x2d1: {  	v3 =	vor.u32 @!p1 v3, v7  }
0x2d2: {  	v7 =	vperm.xlane @!p1 v3, v4;
	_ =	sdelay $0x1  }
0x2d3: {  	v3 =	vperm.xlane @!p1 v3, v5;
	v7 =	vadd.s32 @!p1 v6, v7;
	_ =	sdelay $0x1  }
0x2d4: {  	v3 =	vadd.s32 @!p1 v6, v3;
	_ =	sdelay $0x1  }
0x2d5: {  	s17 =	simm.s32 @!p1 $0x10580  }
0x2d6: {  	[tilespmem:s17], [sflag:$0x1] =	stream.indirect_vreg.gather @!p1 [hbm4b:s6+s13], $0x80, v7, vm0, $0xb8;
	[tilespmem:$0x1F580] =	vst v63  }
0x2d7: {  	s17 =	simm.s32 @!p1 $0x10D80  }
0x2d8: {  	[tilespmem:s17], [sflag:$0x1] =	stream.indirect_vreg.gather @!p1 [hbm4b:s6+s13], $0x80, v3, vm0, $0xb8;
	[tilespmem:$0x1F580] =	vst v63  }
0x2d9: {  	v3 =	vld @!p1 [tilespmem:s10+$0xFFFFFFA0];
	_ =	sdelay $0x4  }
0x2da: {  	v7 =	vshll.u32 @!p1 v3, $0x1  }
0x2db: {  	v3 =	vand.u32 @!p1 $0x7, v3;
	v7 =	vand.u32 @!p1 $0xFFFFFFF0, v7  }
0x2dc: {  	v3 =	vor.u32 @!p1 v3, v7  }
0x2dd: {  	v7 =	vperm.xlane @!p1 v3, v4;
	_ =	sdelay $0x1  }
0x2de: {  	v3 =	vperm.xlane @!p1 v3, v5;
	v7 =	vadd.s32 @!p1 v6, v7;
	_ =	sdelay $0x1  }
0x2df: {  	v3 =	vadd.s32 @!p1 v6, v3;
	_ =	sdelay $0x1  }
0x2e0: {  	s17 =	simm.s32 @!p1 $0x11580  }
0x2e1: {  	[tilespmem:s17], [sflag:$0x1] =	stream.indirect_vreg.gather @!p1 [hbm4b:s6+s13], $0x80, v7, vm0, $0xb8;
	[tilespmem:$0x1F580] =	vst v63  }
0x2e2: {  	s17 =	simm.s32 @!p1 $0x11D80  }
0x2e3: {  	[tilespmem:s17], [sflag:$0x1] =	stream.indirect_vreg.gather @!p1 [hbm4b:s6+s13], $0x80, v3, vm0, $0xb8;
	[tilespmem:$0x1F580] =	vst v63  }
0x2e4: {  	v3 =	vld @!p1 [tilespmem:s10+$0xFFFFFFB0];
	_ =	sdelay $0x4  }
0x2e5: {  	v7 =	vshll.u32 @!p1 v3, $0x1  }
0x2e6: {  	v3 =	vand.u32 @!p1 $0x7, v3;
	v7 =	vand.u32 @!p1 $0xFFFFFFF0, v7  }
0x2e7: {  	v3 =	vor.u32 @!p1 v3, v7  }
0x2e8: {  	v4 =	vperm.xlane @!p1 v3, v4;
	_ =	sdelay $0x1  }
0x2e9: {  	v3 =	vperm.xlane @!p1 v3, v5;
	v4 =	vadd.s32 @!p1 v6, v4;
	_ =	sdelay $0x1  }
0x2ea: {  	v3 =	vadd.s32 @!p1 v6, v3;
	_ =	sdelay $0x1  }
0x2eb: {  	s17 =	simm.s32 @!p1 $0x12580  }
0x2ec: {  	[tilespmem:s17], [sflag:$0x1] =	stream.indirect_vreg.gather @!p1 [hbm4b:s6+s13], $0x80, v4, vm0, $0xb8;
	[tilespmem:$0x1F580] =	vst v63  }
0x2ed: {  	s17 =	simm.s32 @!p1 $0x12D80  }
0x2ee: {  	[tilespmem:s17], [sflag:$0x1] =	stream.indirect_vreg.gather @!p1 [hbm4b:s6+s13], $0x80, v3, vm0, $0xb8;
	[tilespmem:$0x1F580] =	vst v63  }
.Ltmp22:
0x2ef: {  	_ = 	snop;
	(pc) =	sbr.rel .LBB2_30-.Ltmp22, $4  }
0x2f0: {  	s13 =	simm.s32 @!p1 $0x1  }
0x2f1: {  	_ =	swait.ge @!p1 [sflag:s13], $0x4000  }
0x2f2: {  	[sflag:s13] =	ssyncset.done @!p1 $0x0  }
0x2f3: {  	[sflag:s13] =	ssyncadd.s32 @!p1 $0xFFFFC000  }
.LBB2_25:
0x2f4: {  	p1 =	seq.s32 s18, $0x7  }
.Ltmp23:
0x2f5: {  	_ = 	snop;
	(pc) =	sbr.rel @p1 .LBB2_29-.Ltmp23, $1  }
0x2f6: {  	_ =	sdelay $0x3  }
0x2f7: {  	p1 =	seq.s32 s18, $0x8  }
.Ltmp24:
0x2f8: {  	_ = 	snop;
	(pc) =	sbr.rel @!p1 .LBB2_30-.Ltmp24, $1  }
0x2f9: {  	_ =	sdelay $0x3  }
0x2fa: {  	v3 =	vld [tilespmem:s10+$0xFFFFFF80];
	_ =	sdelay $0x4  }
0x2fb: {  	v4 =	vshll.u32 v3, $0x1  }
0x2fc: {  	v3 =	vand.u32 $0x7, v3;
	v4 =	vand.u32 $0xFFFFFFF0, v4  }
0x2fd: {  	v56 =	vand.u32 $0x7, v2;
	v5 =	vshrl.u32 v2, $0x3;
	v3 =	vor.u32 v3, v4  }
0x2fe: {  	v5 =	vmul.u32 $0x8, v5;
	v6 =	vperm.xlane v3, v56  }
0x2ff: {  	v7 =	vor.u32 $0x8, v2  }
0x300: {  	v3 =	vperm.xlane v3, v7;
	v6 =	vadd.s32 v5, v6;
	_ =	sdelay $0x1  }
0x301: {  	v3 =	vadd.s32 v5, v3;
	_ =	sdelay $0x1  }
0x302: {  	vm0 =	vmmov $0xffff  }
0x303: {  	[tilespmem:s0], [sflag:$0x1] =	stream.indirect_vreg.gather [hbm4b:s6+s2], $0x80, v6, vm0, $0xb8;
	[tilespmem:$0x1F580] =	vst v63  }
0x304: {  	s13 =	simm.s32 $0xFD80  }
0x305: {  	[tilespmem:s13], [sflag:$0x1] =	stream.indirect_vreg.gather [hbm4b:s6+s2], $0x80, v3, vm0, $0xb8;
	[tilespmem:$0x1F580] =	vst v63  }
0x306: {  	v3 =	vld [tilespmem:s10+$0xFFFFFF90];
	_ =	sdelay $0x4  }
0x307: {  	v57 =	vshll.u32 v3, $0x1  }
0x308: {  	v3 =	vand.u32 $0x7, v3;
	v6 =	vand.u32 $0xFFFFFFF0, v57  }
0x309: {  	v3 =	vor.u32 v3, v6  }
0x30a: {  	v6 =	vperm.xlane v3, v56;
	_ =	sdelay $0x1  }
0x30b: {  	v3 =	vperm.xlane v3, v7;
	v6 =	vadd.s32 v5, v6;
	_ =	sdelay $0x1  }
0x30c: {  	v3 =	vadd.s32 v5, v3;
	_ =	sdelay $0x1  }
0x30d: {  	s17 =	simm.s32 $0x10580  }
0x30e: {  	[tilespmem:s17], [sflag:$0x1] =	stream.indirect_vreg.gather [hbm4b:s6+s2], $0x80, v6, vm0, $0xb8;
	[tilespmem:$0x1F580] =	vst v63  }
0x30f: {  	s18 =	simm.s32 $0x10D80  }
0x310: {  	[tilespmem:s18], [sflag:$0x1] =	stream.indirect_vreg.gather [hbm4b:s6+s2], $0x80, v3, vm0, $0xb8;
	[tilespmem:$0x1F580] =	vst v63  }
0x311: {  	v3 =	vld [tilespmem:s10+$0xFFFFFFA0];
	_ =	sdelay $0x4  }
0x312: {  	v58 =	vshll.u32 v3, $0x1  }
0x313: {  	v3 =	vand.u32 $0x7, v3;
	v6 =	vand.u32 $0xFFFFFFF0, v58  }
0x314: {  	v3 =	vor.u32 v3, v6  }
0x315: {  	v6 =	vperm.xlane v3, v56;
	_ =	sdelay $0x1  }
0x316: {  	v3 =	vperm.xlane v3, v7;
	v6 =	vadd.s32 v5, v6;
	_ =	sdelay $0x1  }
0x317: {  	v3 =	vadd.s32 v5, v3;
	_ =	sdelay $0x1  }
0x318: {  	s30 =	simm.s32 $0x11580  }
0x319: {  	[tilespmem:s30], [sflag:$0x1] =	stream.indirect_vreg.gather [hbm4b:s6+s2], $0x80, v6, vm0, $0xb8;
	[tilespmem:$0x1F580] =	vst v63  }
0x31a: {  	_ = 	snop  }
0x31b: {  	[tilespmem:s31], [sflag:$0x1] =	stream.indirect_vreg.gather [hbm4b:s6+s2], $0x80, v3, vm0, $0xb8;
	[tilespmem:$0x1F580] =	vst v63  }
0x31c: {  	v3 =	vld [tilespmem:s10+$0xFFFFFFB0];
	_ =	sdelay $0x4  }
0x31d: {  	v59 =	vshll.u32 v3, $0x1  }
0x31e: {  	v3 =	vand.u32 $0x7, v3;
	v6 =	vand.u32 $0xFFFFFFF0, v59  }
0x31f: {  	v3 =	vor.u32 v3, v6  }
0x320: {  	v6 =	vperm.xlane v3, v56;
	_ =	sdelay $0x1  }
0x321: {  	v3 =	vperm.xlane v3, v7;
	v6 =	vadd.s32 v5, v6;
	_ =	sdelay $0x1  }
0x322: {  	v3 =	vadd.s32 v5, v3;
	_ =	sdelay $0x2  }
0x323: {  	[tilespmem:s4], [sflag:$0x1] =	stream.indirect_vreg.gather [hbm4b:s6+s2], $0x80, v6, vm0, $0xb8;
	[tilespmem:$0x1F580] =	vst v63  }
0x324: {  	_ = 	snop  }
0x325: {  	[tilespmem:s5], [sflag:$0x1] =	stream.indirect_vreg.gather [hbm4b:s6+s2], $0x80, v3, vm0, $0xb8;
	[tilespmem:$0x1F580] =	vst v63  }
0x326: {  	v3 =	vld [tilespmem:s10+$0xFFFFFFC0];
	_ =	sdelay $0x4  }
0x327: {  	v60 =	vshll.u32 v3, $0x1  }
0x328: {  	v3 =	vand.u32 $0x7, v3;
	v6 =	vand.u32 $0xFFFFFFF0, v60  }
0x329: {  	v3 =	vor.u32 v3, v6  }
0x32a: {  	v6 =	vperm.xlane v3, v56;
	_ =	sdelay $0x1  }
0x32b: {  	v3 =	vperm.xlane v3, v7;
	v6 =	vadd.s32 v5, v6;
	_ =	sdelay $0x1  }
0x32c: {  	v3 =	vadd.s32 v5, v3;
	_ =	sdelay $0x2  }
0x32d: {  	[tilespmem:s8], [sflag:$0x1] =	stream.indirect_vreg.gather [hbm4b:s6+s2], $0x80, v6, vm0, $0xb8;
	[tilespmem:$0x1F580] =	vst v63  }
0x32e: {  	_ = 	snop  }
0x32f: {  	[tilespmem:s9], [sflag:$0x1] =	stream.indirect_vreg.gather [hbm4b:s6+s2], $0x80, v3, vm0, $0xb8;
	[tilespmem:$0x1F580] =	vst v63  }
0x330: {  	v3 =	vld [tilespmem:s10+$0xFFFFFFD0];
	_ =	sdelay $0x4  }
0x331: {  	v61 =	vshll.u32 v3, $0x1  }
0x332: {  	v3 =	vand.u32 $0x7, v3;
	v6 =	vand.u32 $0xFFFFFFF0, v61  }
0x333: {  	v3 =	vor.u32 v3, v6  }
0x334: {  	v6 =	vperm.xlane v3, v56;
	_ =	sdelay $0x1  }
0x335: {  	v3 =	vperm.xlane v3, v7;
	v6 =	vadd.s32 v5, v6;
	_ =	sdelay $0x1  }
0x336: {  	v3 =	vadd.s32 v5, v3;
	_ =	sdelay $0x1  }
0x337: {  	s17 =	simm.s32 $0x14580  }
0x338: {  	[tilespmem:s17], [sflag:$0x1] =	stream.indirect_vreg.gather [hbm4b:s6+s2], $0x80, v6, vm0, $0xb8;
	[tilespmem:$0x1F580] =	vst v63  }
0x339: {  	s18 =	simm.s32 $0x14D80  }
0x33a: {  	[tilespmem:s18], [sflag:$0x1] =	stream.indirect_vreg.gather [hbm4b:s6+s2], $0x80, v3, vm0, $0xb8;
	[tilespmem:$0x1F580] =	vst v63  }
0x33b: {  	v3 =	vld [tilespmem:s10+$0xFFFFFFE0];
	_ =	sdelay $0x4  }
0x33c: {  	v62 =	vshll.u32 v3, $0x1  }
0x33d: {  	v3 =	vand.u32 $0x7, v3;
	v6 =	vand.u32 $0xFFFFFFF0, v62  }
0x33e: {  	v3 =	vor.u32 v3, v6  }
0x33f: {  	v6 =	vperm.xlane v3, v56;
	_ =	sdelay $0x1  }
0x340: {  	v3 =	vperm.xlane v3, v7;
	v6 =	vadd.s32 v5, v6;
	_ =	sdelay $0x1  }
0x341: {  	v3 =	vadd.s32 v5, v3;
	_ =	sdelay $0x1  }
0x342: {  	s30 =	simm.s32 $0x15580  }
0x343: {  	[tilespmem:s30], [sflag:$0x1] =	stream.indirect_vreg.gather [hbm4b:s6+s2], $0x80, v6, vm0, $0xb8;
	[tilespmem:$0x1F580] =	vst v63  }
0x344: {  	s17 =	simm.s32 $0x15D80  }
0x345: {  	[tilespmem:s17], [sflag:$0x1] =	stream.indirect_vreg.gather [hbm4b:s6+s2], $0x80, v3, vm0, $0xb8;
	[tilespmem:$0x1F580] =	vst v63  }
0x346: {  	v3 =	vld [tilespmem:s10+$0xFFFFFFF0];
	_ =	sdelay $0x4  }
0x347: {  	v63 =	vshll.u32 v3, $0x1  }
0x348: {  	v3 =	vand.u32 $0x7, v3;
	v6 =	vand.u32 $0xFFFFFFF0, v63  }
0x349: {  	v3 =	vor.u32 v3, v6  }
0x34a: {  	v4 =	vperm.xlane v3, v56;
	_ =	sdelay $0x1  }
0x34b: {  	v3 =	vperm.xlane v3, v7;
	v4 =	vadd.s32 v5, v4;
	_ =	sdelay $0x1  }
0x34c: {  	v3 =	vadd.s32 v5, v3;
	_ =	sdelay $0x1  }
0x34d: {  	s18 =	simm.s32 $0x16580  }
0x34e: {  	[tilespmem:s18], [sflag:$0x1] =	stream.indirect_vreg.gather [hbm4b:s6+s2], $0x80, v4, vm0, $0xb8;
	[tilespmem:$0x1F580] =	vst v63  }
.Ltmp25:
0x34f: {  	s30 =	simm.s32 $0x16D80;
	(pc) =	sbr.rel .LBB2_30-.Ltmp25, $4  }
0x350: {  	[tilespmem:s30], [sflag:$0x1] =	stream.indirect_vreg.gather [hbm4b:s6+s2], $0x80, v3, vm0, $0xb8;
	[tilespmem:$0x1F580] =	vst v63  }
0x351: {  	_ =	swait.ge [sflag:s1], $0x8000  }
0x352: {  	[sflag:s1] =	ssyncset.done $0x0  }
0x353: {  	[sflag:s1] =	ssyncadd.s32 $0xFFFF8000  }
.LBB2_28:
0x354: {  	v3 =	vld [tilespmem:s10+$0xFFFFFF80];
	_ =	sdelay $0x4  }
0x355: {  	v4 =	vshll.u32 v3, $0x1  }
0x356: {  	v3 =	vand.u32 $0x7, v3;
	v4 =	vand.u32 $0xFFFFFFF0, v4  }
0x357: {  	v59 =	vand.u32 $0x7, v2;
	v5 =	vshrl.u32 v2, $0x3;
	v3 =	vor.u32 v3, v4  }
0x358: {  	v5 =	vmul.u32 $0x8, v5;
	v6 =	vperm.xlane v3, v59  }
0x359: {  	v7 =	vor.u32 $0x8, v2  }
0x35a: {  	v3 =	vperm.xlane v3, v7;
	v6 =	vadd.s32 v5, v6;
	_ =	sdelay $0x1  }
0x35b: {  	v3 =	vadd.s32 v5, v3;
	_ =	sdelay $0x1  }
0x35c: {  	vm0 =	vmmov $0xffff  }
0x35d: {  	[tilespmem:s0], [sflag:$0x1] =	stream.indirect_vreg.gather [hbm4b:s6+s2], $0x80, v6, vm0, $0xb8;
	[tilespmem:$0x1F580] =	vst v63  }
0x35e: {  	s13 =	simm.s32 $0xFD80  }
0x35f: {  	[tilespmem:s13], [sflag:$0x1] =	stream.indirect_vreg.gather [hbm4b:s6+s2], $0x80, v3, vm0, $0xb8;
	[tilespmem:$0x1F580] =	vst v63  }
0x360: {  	v3 =	vld [tilespmem:s10+$0xFFFFFF90];
	_ =	sdelay $0x4  }
0x361: {  	v60 =	vshll.u32 v3, $0x1  }
0x362: {  	v3 =	vand.u32 $0x7, v3;
	v6 =	vand.u32 $0xFFFFFFF0, v60  }
0x363: {  	v3 =	vor.u32 v3, v6  }
0x364: {  	v6 =	vperm.xlane v3, v59;
	_ =	sdelay $0x1  }
0x365: {  	v3 =	vperm.xlane v3, v7;
	v6 =	vadd.s32 v5, v6;
	_ =	sdelay $0x1  }
0x366: {  	v3 =	vadd.s32 v5, v3;
	_ =	sdelay $0x1  }
0x367: {  	s17 =	simm.s32 $0x10580  }
0x368: {  	[tilespmem:s17], [sflag:$0x1] =	stream.indirect_vreg.gather [hbm4b:s6+s2], $0x80, v6, vm0, $0xb8;
	[tilespmem:$0x1F580] =	vst v63  }
0x369: {  	s18 =	simm.s32 $0x10D80  }
0x36a: {  	[tilespmem:s18], [sflag:$0x1] =	stream.indirect_vreg.gather [hbm4b:s6+s2], $0x80, v3, vm0, $0xb8;
	[tilespmem:$0x1F580] =	vst v63  }
0x36b: {  	v3 =	vld [tilespmem:s10+$0xFFFFFFA0];
	_ =	sdelay $0x4  }
0x36c: {  	v61 =	vshll.u32 v3, $0x1  }
0x36d: {  	v3 =	vand.u32 $0x7, v3;
	v6 =	vand.u32 $0xFFFFFFF0, v61  }
0x36e: {  	v3 =	vor.u32 v3, v6  }
0x36f: {  	v6 =	vperm.xlane v3, v59;
	_ =	sdelay $0x1  }
0x370: {  	v3 =	vperm.xlane v3, v7;
	v6 =	vadd.s32 v5, v6;
	_ =	sdelay $0x1  }
0x371: {  	v3 =	vadd.s32 v5, v3;
	_ =	sdelay $0x1  }
0x372: {  	s30 =	simm.s32 $0x11580  }
0x373: {  	[tilespmem:s30], [sflag:$0x1] =	stream.indirect_vreg.gather [hbm4b:s6+s2], $0x80, v6, vm0, $0xb8;
	[tilespmem:$0x1F580] =	vst v63  }
0x374: {  	_ = 	snop  }
0x375: {  	[tilespmem:s31], [sflag:$0x1] =	stream.indirect_vreg.gather [hbm4b:s6+s2], $0x80, v3, vm0, $0xb8;
	[tilespmem:$0x1F580] =	vst v63  }
0x376: {  	v3 =	vld [tilespmem:s10+$0xFFFFFFB0];
	_ =	sdelay $0x4  }
0x377: {  	v62 =	vshll.u32 v3, $0x1  }
0x378: {  	v3 =	vand.u32 $0x7, v3;
	v6 =	vand.u32 $0xFFFFFFF0, v62  }
0x379: {  	v3 =	vor.u32 v3, v6  }
0x37a: {  	v6 =	vperm.xlane v3, v59;
	_ =	sdelay $0x1  }
0x37b: {  	v3 =	vperm.xlane v3, v7;
	v6 =	vadd.s32 v5, v6;
	_ =	sdelay $0x1  }
0x37c: {  	v3 =	vadd.s32 v5, v3;
	_ =	sdelay $0x2  }
0x37d: {  	[tilespmem:s4], [sflag:$0x1] =	stream.indirect_vreg.gather [hbm4b:s6+s2], $0x80, v6, vm0, $0xb8;
	[tilespmem:$0x1F580] =	vst v63  }
0x37e: {  	_ = 	snop  }
0x37f: {  	[tilespmem:s5], [sflag:$0x1] =	stream.indirect_vreg.gather [hbm4b:s6+s2], $0x80, v3, vm0, $0xb8;
	[tilespmem:$0x1F580] =	vst v63  }
0x380: {  	v3 =	vld [tilespmem:s10+$0xFFFFFFC0];
	_ =	sdelay $0x4  }
0x381: {  	v63 =	vshll.u32 v3, $0x1  }
0x382: {  	v3 =	vand.u32 $0x7, v3;
	v6 =	vand.u32 $0xFFFFFFF0, v63  }
0x383: {  	v3 =	vor.u32 v3, v6  }
0x384: {  	v4 =	vperm.xlane v3, v59;
	_ =	sdelay $0x1  }
0x385: {  	v3 =	vperm.xlane v3, v7;
	v4 =	vadd.s32 v5, v4;
	_ =	sdelay $0x1  }
0x386: {  	v3 =	vadd.s32 v5, v3;
	_ =	sdelay $0x2  }
0x387: {  	[tilespmem:s8], [sflag:$0x1] =	stream.indirect_vreg.gather [hbm4b:s6+s2], $0x80, v4, vm0, $0xb8;
	[tilespmem:$0x1F580] =	vst v63  }
.Ltmp26:
0x388: {  	_ = 	snop;
	(pc) =	sbr.rel .LBB2_30-.Ltmp26, $4  }
0x389: {  	[tilespmem:s9], [sflag:$0x1] =	stream.indirect_vreg.gather [hbm4b:s6+s2], $0x80, v3, vm0, $0xb8;
	[tilespmem:$0x1F580] =	vst v63  }
0x38a: {  	_ =	swait.ge [sflag:s1], $0x5000  }
0x38b: {  	[sflag:s1] =	ssyncset.done $0x0  }
0x38c: {  	[sflag:s1] =	ssyncadd.s32 $0xFFFFB000  }
.LBB2_29:
0x38d: {  	v3 =	vld [tilespmem:s10+$0xFFFFFF80];
	_ =	sdelay $0x4  }
0x38e: {  	v4 =	vshll.u32 v3, $0x1  }
0x38f: {  	v3 =	vand.u32 $0x7, v3;
	v4 =	vand.u32 $0xFFFFFFF0, v4  }
0x390: {  	v57 =	vand.u32 $0x7, v2;
	v5 =	vshrl.u32 v2, $0x3;
	v3 =	vor.u32 v3, v4  }
0x391: {  	v5 =	vmul.u32 $0x8, v5;
	v6 =	vperm.xlane v3, v57  }
0x392: {  	v7 =	vor.u32 $0x8, v2  }
0x393: {  	v3 =	vperm.xlane v3, v7;
	v6 =	vadd.s32 v5, v6;
	_ =	sdelay $0x1  }
0x394: {  	v3 =	vadd.s32 v5, v3;
	_ =	sdelay $0x1  }
0x395: {  	vm0 =	vmmov $0xffff  }
0x396: {  	[tilespmem:s0], [sflag:$0x1] =	stream.indirect_vreg.gather [hbm4b:s6+s2], $0x80, v6, vm0, $0xb8;
	[tilespmem:$0x1F580] =	vst v63  }
0x397: {  	s13 =	simm.s32 $0xFD80  }
0x398: {  	[tilespmem:s13], [sflag:$0x1] =	stream.indirect_vreg.gather [hbm4b:s6+s2], $0x80, v3, vm0, $0xb8;
	[tilespmem:$0x1F580] =	vst v63  }
0x399: {  	v3 =	vld [tilespmem:s10+$0xFFFFFF90];
	_ =	sdelay $0x4  }
0x39a: {  	v58 =	vshll.u32 v3, $0x1  }
0x39b: {  	v3 =	vand.u32 $0x7, v3;
	v6 =	vand.u32 $0xFFFFFFF0, v58  }
0x39c: {  	v3 =	vor.u32 v3, v6  }
0x39d: {  	v6 =	vperm.xlane v3, v57;
	_ =	sdelay $0x1  }
0x39e: {  	v3 =	vperm.xlane v3, v7;
	v6 =	vadd.s32 v5, v6;
	_ =	sdelay $0x1  }
0x39f: {  	v3 =	vadd.s32 v5, v3;
	_ =	sdelay $0x1  }
0x3a0: {  	s30 =	simm.s32 $0x10580  }
0x3a1: {  	[tilespmem:s30], [sflag:$0x1] =	stream.indirect_vreg.gather [hbm4b:s6+s2], $0x80, v6, vm0, $0xb8;
	[tilespmem:$0x1F580] =	vst v63  }
0x3a2: {  	s17 =	simm.s32 $0x10D80  }
0x3a3: {  	[tilespmem:s17], [sflag:$0x1] =	stream.indirect_vreg.gather [hbm4b:s6+s2], $0x80, v3, vm0, $0xb8;
	[tilespmem:$0x1F580] =	vst v63  }
0x3a4: {  	v3 =	vld [tilespmem:s10+$0xFFFFFFA0];
	_ =	sdelay $0x4  }
0x3a5: {  	v59 =	vshll.u32 v3, $0x1  }
0x3a6: {  	v3 =	vand.u32 $0x7, v3;
	v6 =	vand.u32 $0xFFFFFFF0, v59  }
0x3a7: {  	v3 =	vor.u32 v3, v6  }
0x3a8: {  	v6 =	vperm.xlane v3, v57;
	_ =	sdelay $0x1  }
0x3a9: {  	v3 =	vperm.xlane v3, v7;
	v6 =	vadd.s32 v5, v6;
	_ =	sdelay $0x1  }
0x3aa: {  	v3 =	vadd.s32 v5, v3;
	_ =	sdelay $0x1  }
0x3ab: {  	s18 =	simm.s32 $0x11580  }
0x3ac: {  	[tilespmem:s18], [sflag:$0x1] =	stream.indirect_vreg.gather [hbm4b:s6+s2], $0x80, v6, vm0, $0xb8;
	[tilespmem:$0x1F580] =	vst v63  }
0x3ad: {  	_ = 	snop  }
0x3ae: {  	[tilespmem:s31], [sflag:$0x1] =	stream.indirect_vreg.gather [hbm4b:s6+s2], $0x80, v3, vm0, $0xb8;
	[tilespmem:$0x1F580] =	vst v63  }
0x3af: {  	v3 =	vld [tilespmem:s10+$0xFFFFFFB0];
	_ =	sdelay $0x4  }
0x3b0: {  	v60 =	vshll.u32 v3, $0x1  }
0x3b1: {  	v3 =	vand.u32 $0x7, v3;
	v6 =	vand.u32 $0xFFFFFFF0, v60  }
0x3b2: {  	v3 =	vor.u32 v3, v6  }
0x3b3: {  	v6 =	vperm.xlane v3, v57;
	_ =	sdelay $0x1  }
0x3b4: {  	v3 =	vperm.xlane v3, v7;
	v6 =	vadd.s32 v5, v6;
	_ =	sdelay $0x1  }
0x3b5: {  	v3 =	vadd.s32 v5, v3;
	_ =	sdelay $0x2  }
0x3b6: {  	[tilespmem:s4], [sflag:$0x1] =	stream.indirect_vreg.gather [hbm4b:s6+s2], $0x80, v6, vm0, $0xb8;
	[tilespmem:$0x1F580] =	vst v63  }
0x3b7: {  	_ = 	snop  }
0x3b8: {  	[tilespmem:s5], [sflag:$0x1] =	stream.indirect_vreg.gather [hbm4b:s6+s2], $0x80, v3, vm0, $0xb8;
	[tilespmem:$0x1F580] =	vst v63  }
0x3b9: {  	v3 =	vld [tilespmem:s10+$0xFFFFFFC0];
	_ =	sdelay $0x4  }
0x3ba: {  	v61 =	vshll.u32 v3, $0x1  }
0x3bb: {  	v3 =	vand.u32 $0x7, v3;
	v6 =	vand.u32 $0xFFFFFFF0, v61  }
0x3bc: {  	v3 =	vor.u32 v3, v6  }
0x3bd: {  	v6 =	vperm.xlane v3, v57;
	_ =	sdelay $0x1  }
0x3be: {  	v3 =	vperm.xlane v3, v7;
	v6 =	vadd.s32 v5, v6;
	_ =	sdelay $0x1  }
0x3bf: {  	v3 =	vadd.s32 v5, v3;
	_ =	sdelay $0x2  }
0x3c0: {  	[tilespmem:s8], [sflag:$0x1] =	stream.indirect_vreg.gather [hbm4b:s6+s2], $0x80, v6, vm0, $0xb8;
	[tilespmem:$0x1F580] =	vst v63  }
0x3c1: {  	_ = 	snop  }
0x3c2: {  	[tilespmem:s9], [sflag:$0x1] =	stream.indirect_vreg.gather [hbm4b:s6+s2], $0x80, v3, vm0, $0xb8;
	[tilespmem:$0x1F580] =	vst v63  }
0x3c3: {  	v3 =	vld [tilespmem:s10+$0xFFFFFFD0];
	_ =	sdelay $0x4  }
0x3c4: {  	v62 =	vshll.u32 v3, $0x1  }
0x3c5: {  	v3 =	vand.u32 $0x7, v3;
	v6 =	vand.u32 $0xFFFFFFF0, v62  }
0x3c6: {  	v3 =	vor.u32 v3, v6  }
0x3c7: {  	v6 =	vperm.xlane v3, v57;
	_ =	sdelay $0x1  }
0x3c8: {  	v3 =	vperm.xlane v3, v7;
	v6 =	vadd.s32 v5, v6;
	_ =	sdelay $0x1  }
0x3c9: {  	v3 =	vadd.s32 v5, v3;
	_ =	sdelay $0x1  }
0x3ca: {  	s30 =	simm.s32 $0x14580  }
0x3cb: {  	[tilespmem:s30], [sflag:$0x1] =	stream.indirect_vreg.gather [hbm4b:s6+s2], $0x80, v6, vm0, $0xb8;
	[tilespmem:$0x1F580] =	vst v63  }
0x3cc: {  	s17 =	simm.s32 $0x14D80  }
0x3cd: {  	[tilespmem:s17], [sflag:$0x1] =	stream.indirect_vreg.gather [hbm4b:s6+s2], $0x80, v3, vm0, $0xb8;
	[tilespmem:$0x1F580] =	vst v63  }
0x3ce: {  	v3 =	vld [tilespmem:s10+$0xFFFFFFE0];
	_ =	sdelay $0x4  }
0x3cf: {  	v63 =	vshll.u32 v3, $0x1  }
0x3d0: {  	v3 =	vand.u32 $0x7, v3;
	v6 =	vand.u32 $0xFFFFFFF0, v63  }
0x3d1: {  	v3 =	vor.u32 v3, v6  }
0x3d2: {  	v4 =	vperm.xlane v3, v57;
	_ =	sdelay $0x1  }
0x3d3: {  	v3 =	vperm.xlane v3, v7;
	v4 =	vadd.s32 v5, v4;
	_ =	sdelay $0x1  }
0x3d4: {  	v3 =	vadd.s32 v5, v3;
	_ =	sdelay $0x1  }
0x3d5: {  	s18 =	simm.s32 $0x15580  }
0x3d6: {  	[tilespmem:s18], [sflag:$0x1] =	stream.indirect_vreg.gather [hbm4b:s6+s2], $0x80, v4, vm0, $0xb8;
	[tilespmem:$0x1F580] =	vst v63  }
0x3d7: {  	s30 =	simm.s32 $0x15D80  }
0x3d8: {  	[tilespmem:s30], [sflag:$0x1] =	stream.indirect_vreg.gather [hbm4b:s6+s2], $0x80, v3, vm0, $0xb8;
	[tilespmem:$0x1F580] =	vst v63  }
0x3d9: {  	_ =	swait.ge [sflag:s1], $0x7000  }
0x3da: {  	[sflag:s1] =	ssyncset.done $0x0  }
0x3db: {  	[sflag:s1] =	ssyncadd.s32 $0xFFFF9000  }
.LBB2_30:
0x3dc: {  	s18 =	sadd.s32 s11, s14;
	s13 =	simm.s32 @!p0 $0x3  }
0x3dd: {  	[hbm4b:s18+s2] =	stream.linear.scatter [tilespmem:s0], [sflag:$0x2], $0x8000, $0x38;
	[tilespmem:$0x1F580] =	vst v63  }
0x3de: {  	_ =	swait.ge @!p0 [sflag:s13], $0x8000  }
0x3df: {  	[sflag:s13] =	ssyncset.done @!p0 $0x0  }
0x3e0: {  	[sflag:s13] =	ssyncadd.s32 @!p0 $0xFFFF8000  }
0x3e1: {  	v3 =	vld [tilespmem:s12+$0x0];
	_ =	sdelay $0x4  }
0x3e2: {  	(v2sf) =	vpush v3, $0x0;
	_ =	sdelay $0xe  }
0x3e3: {  	s17 =	spop (v2sf)  }
0x3e4: {  	s13 =	sadd.s32 $0xF, s17  }
0x3e5: {  	s17 =	sand.u32 $0xF, s13  }
0x3e6: {  	s30 =	sshra.s32 s13, $0x1F;
	p1 =	slt.s32 s13, $0x1;
	p6 =	sne.s32 s17, $0x0  }
0x3e7: {  	s17 =	sshrl.u32 s30, $0x1C;
	p0 =	por !p1, !p6  }
0x3e8: {  	s13 =	sadd.s32 s17, s13;
	s17 =	simm.s32 $0x1;
	p0 =	por !p0, !p0  }
0x3e9: {  	s13 =	sshra.s32 s13, $0x4;
	s17 =	simm.s32 @!p0 $0x0  }
0x3ea: {  	s13 =	ssub.s32 s13, s17  }
0x3eb: {  	p0 =	slt.s32 s13, $0x8  }
0x3ec: {  	s13 =	simm.s32 @!p0 $0x8  }
0x3ed: {  	p0 =	sgt.s32 s13, $0x4  }
.Ltmp27:
0x3ee: {  	_ = 	snop;
	(pc) =	sbr.rel @p0 .LBB2_34-.Ltmp27, $1  }
0x3ef: {  	_ =	sdelay $0x3  }
0x3f0: {  	p0 =	sgt.s32 s13, $0x2  }
.Ltmp28:
0x3f1: {  	_ = 	snop;
	(pc) =	sbr.rel @!p0 .LBB2_32-.Ltmp28, $1  }
0x3f2: {  	_ =	sdelay $0x3  }
0x3f3: {  	p0 =	seq.s32 s13, $0x3  }
0x3f4: {  	v3 =	vld @p0 [tilespmem:s10+$0x0];
	_ =	sdelay $0x4  }
0x3f5: {  	v4 =	vshll.u32 @p0 v3, $0x1  }
0x3f6: {  	v5 =	vlaneseq.u32 @p0;
	v3 =	vand.u32 @p0 $0x7, v3;
	v4 =	vand.u32 @p0 $0xFFFFFFF0, v4  }
0x3f7: {  	v6 =	vshrl.u32 @p0 v5, $0x3;
	v3 =	vor.u32 @p0 v3, v4;
	v4 =	vand.u32 @p0 $0x7, v5  }
0x3f8: {  	v6 =	vmul.u32 @p0 $0x8, v6;
	v7 =	vperm.xlane @p0 v3, v4  }
0x3f9: {  	v5 =	vor.u32 @p0 $0x8, v5  }
0x3fa: {  	v3 =	vperm.xlane @p0 v3, v5;
	v7 =	vadd.s32 @p0 v6, v7;
	_ =	sdelay $0x1  }
0x3fb: {  	v3 =	vadd.s32 @p0 v6, v3;
	_ =	sdelay $0x1  }
0x3fc: {  	vm0 =	vmmov @p0 $0xffff;
	s17 =	simm.s32 @p0 $0x0;
	s30 =	simm.s32 @p0 $0x17580  }
0x3fd: {  	[tilespmem:s30], [sflag:$0x1] =	stream.indirect_vreg.gather @p0 [hbm4b:s6+s17], $0x80, v7, vm0, $0xb8;
	[tilespmem:$0x1F580] =	vst v63  }
0x3fe: {  	s30 =	simm.s32 @p0 $0x17D80  }
0x3ff: {  	[tilespmem:s30], [sflag:$0x1] =	stream.indirect_vreg.gather @p0 [hbm4b:s6+s17], $0x80, v3, vm0, $0xb8;
	[tilespmem:$0x1F580] =	vst v63  }
0x400: {  	v3 =	vld @p0 [tilespmem:s10+$0x10];
	_ =	sdelay $0x4  }
0x401: {  	v7 =	vshll.u32 @p0 v3, $0x1  }
0x402: {  	v3 =	vand.u32 @p0 $0x7, v3;
	v7 =	vand.u32 @p0 $0xFFFFFFF0, v7  }
0x403: {  	v3 =	vor.u32 @p0 v3, v7  }
0x404: {  	v7 =	vperm.xlane @p0 v3, v4;
	_ =	sdelay $0x1  }
0x405: {  	v3 =	vperm.xlane @p0 v3, v5;
	v7 =	vadd.s32 @p0 v6, v7;
	_ =	sdelay $0x1  }
0x406: {  	v3 =	vadd.s32 @p0 v6, v3;
	_ =	sdelay $0x1  }
0x407: {  	s30 =	simm.s32 @p0 $0x18580  }
0x408: {  	[tilespmem:s30], [sflag:$0x1] =	stream.indirect_vreg.gather @p0 [hbm4b:s6+s17], $0x80, v7, vm0, $0xb8;
	[tilespmem:$0x1F580] =	vst v63  }
0x409: {  	s30 =	simm.s32 @p0 $0x18D80  }
0x40a: {  	[tilespmem:s30], [sflag:$0x1] =	stream.indirect_vreg.gather @p0 [hbm4b:s6+s17], $0x80, v3, vm0, $0xb8;
	[tilespmem:$0x1F580] =	vst v63  }
0x40b: {  	v3 =	vld @p0 [tilespmem:s10+$0x20];
	_ =	sdelay $0x4  }
0x40c: {  	v7 =	vshll.u32 @p0 v3, $0x1  }
0x40d: {  	v3 =	vand.u32 @p0 $0x7, v3;
	v7 =	vand.u32 @p0 $0xFFFFFFF0, v7  }
0x40e: {  	v3 =	vor.u32 @p0 v3, v7  }
0x40f: {  	v4 =	vperm.xlane @p0 v3, v4;
	_ =	sdelay $0x1  }
0x410: {  	v3 =	vperm.xlane @p0 v3, v5;
	v4 =	vadd.s32 @p0 v6, v4;
	_ =	sdelay $0x1  }
0x411: {  	v3 =	vadd.s32 @p0 v6, v3;
	_ =	sdelay $0x1  }
0x412: {  	s30 =	simm.s32 @p0 $0x19580  }
0x413: {  	[tilespmem:s30], [sflag:$0x1] =	stream.indirect_vreg.gather @p0 [hbm4b:s6+s17], $0x80, v4, vm0, $0xb8;
	[tilespmem:$0x1F580] =	vst v63  }
0x414: {  	s30 =	simm.s32 @p0 $0x19D80  }
0x415: {  	[tilespmem:s30], [sflag:$0x1] =	stream.indirect_vreg.gather @p0 [hbm4b:s6+s17], $0x80, v3, vm0, $0xb8;
	[tilespmem:$0x1F580] =	vst v63  }
0x416: {  	s17 =	simm.s32 @p0 $0x1  }
0x417: {  	_ =	swait.ge @p0 [sflag:s17], $0x3000  }
0x418: {  	p1 =	seq.s32 @!p0 s13, $0x4;
	[sflag:s17] =	ssyncset.done @p0 $0x0  }
0x419: {  	[sflag:s17] =	ssyncadd.s32 @p0 $0xFFFFD000;
	p0 =	por !p1, p0  }
0x41a: {  	v3 =	vld @!p0 [tilespmem:s10+$0x0];
	_ =	sdelay $0x4  }
0x41b: {  	v4 =	vshll.u32 @!p0 v3, $0x1  }
0x41c: {  	v5 =	vlaneseq.u32 @!p0;
	v3 =	vand.u32 @!p0 $0x7, v3;
	v4 =	vand.u32 @!p0 $0xFFFFFFF0, v4  }
0x41d: {  	v6 =	vshrl.u32 @!p0 v5, $0x3;
	v3 =	vor.u32 @!p0 v3, v4;
	v4 =	vand.u32 @!p0 $0x7, v5  }
0x41e: {  	v6 =	vmul.u32 @!p0 $0x8, v6;
	v7 =	vperm.xlane @!p0 v3, v4  }
0x41f: {  	v5 =	vor.u32 @!p0 $0x8, v5  }
0x420: {  	v3 =	vperm.xlane @!p0 v3, v5;
	v7 =	vadd.s32 @!p0 v6, v7;
	_ =	sdelay $0x1  }
0x421: {  	v3 =	vadd.s32 @!p0 v6, v3;
	_ =	sdelay $0x1  }
0x422: {  	vm0 =	vmmov @!p0 $0xffff;
	s13 =	simm.s32 @!p0 $0x0;
	s17 =	simm.s32 @!p0 $0x17580  }
0x423: {  	[tilespmem:s17], [sflag:$0x1] =	stream.indirect_vreg.gather @!p0 [hbm4b:s6+s13], $0x80, v7, vm0, $0xb8;
	[tilespmem:$0x1F580] =	vst v63  }
0x424: {  	s17 =	simm.s32 @!p0 $0x17D80  }
0x425: {  	[tilespmem:s17], [sflag:$0x1] =	stream.indirect_vreg.gather @!p0 [hbm4b:s6+s13], $0x80, v3, vm0, $0xb8;
	[tilespmem:$0x1F580] =	vst v63  }
0x426: {  	v3 =	vld @!p0 [tilespmem:s10+$0x10];
	_ =	sdelay $0x4  }
0x427: {  	v7 =	vshll.u32 @!p0 v3, $0x1  }
0x428: {  	v3 =	vand.u32 @!p0 $0x7, v3;
	v7 =	vand.u32 @!p0 $0xFFFFFFF0, v7  }
0x429: {  	v3 =	vor.u32 @!p0 v3, v7  }
0x42a: {  	v7 =	vperm.xlane @!p0 v3, v4;
	_ =	sdelay $0x1  }
0x42b: {  	v3 =	vperm.xlane @!p0 v3, v5;
	v7 =	vadd.s32 @!p0 v6, v7;
	_ =	sdelay $0x1  }
0x42c: {  	v3 =	vadd.s32 @!p0 v6, v3;
	_ =	sdelay $0x1  }
0x42d: {  	s17 =	simm.s32 @!p0 $0x18580  }
0x42e: {  	[tilespmem:s17], [sflag:$0x1] =	stream.indirect_vreg.gather @!p0 [hbm4b:s6+s13], $0x80, v7, vm0, $0xb8;
	[tilespmem:$0x1F580] =	vst v63  }
0x42f: {  	s17 =	simm.s32 @!p0 $0x18D80  }
0x430: {  	[tilespmem:s17], [sflag:$0x1] =	stream.indirect_vreg.gather @!p0 [hbm4b:s6+s13], $0x80, v3, vm0, $0xb8;
	[tilespmem:$0x1F580] =	vst v63  }
0x431: {  	v3 =	vld @!p0 [tilespmem:s10+$0x20];
	_ =	sdelay $0x4  }
0x432: {  	v7 =	vshll.u32 @!p0 v3, $0x1  }
0x433: {  	v3 =	vand.u32 @!p0 $0x7, v3;
	v7 =	vand.u32 @!p0 $0xFFFFFFF0, v7  }
0x434: {  	v3 =	vor.u32 @!p0 v3, v7  }
0x435: {  	v7 =	vperm.xlane @!p0 v3, v4;
	_ =	sdelay $0x1  }
0x436: {  	v3 =	vperm.xlane @!p0 v3, v5;
	v7 =	vadd.s32 @!p0 v6, v7;
	_ =	sdelay $0x1  }
0x437: {  	v3 =	vadd.s32 @!p0 v6, v3;
	_ =	sdelay $0x1  }
0x438: {  	s17 =	simm.s32 @!p0 $0x19580  }
0x439: {  	[tilespmem:s17], [sflag:$0x1] =	stream.indirect_vreg.gather @!p0 [hbm4b:s6+s13], $0x80, v7, vm0, $0xb8;
	[tilespmem:$0x1F580] =	vst v63  }
0x43a: {  	s17 =	simm.s32 @!p0 $0x19D80  }
0x43b: {  	[tilespmem:s17], [sflag:$0x1] =	stream.indirect_vreg.gather @!p0 [hbm4b:s6+s13], $0x80, v3, vm0, $0xb8;
	[tilespmem:$0x1F580] =	vst v63  }
0x43c: {  	v3 =	vld @!p0 [tilespmem:s10+$0x30];
	_ =	sdelay $0x4  }
0x43d: {  	v7 =	vshll.u32 @!p0 v3, $0x1  }
0x43e: {  	v3 =	vand.u32 @!p0 $0x7, v3;
	v7 =	vand.u32 @!p0 $0xFFFFFFF0, v7  }
0x43f: {  	v3 =	vor.u32 @!p0 v3, v7  }
0x440: {  	v4 =	vperm.xlane @!p0 v3, v4;
	_ =	sdelay $0x1  }
0x441: {  	v3 =	vperm.xlane @!p0 v3, v5;
	v4 =	vadd.s32 @!p0 v6, v4;
	_ =	sdelay $0x1  }
0x442: {  	v3 =	vadd.s32 @!p0 v6, v3;
	_ =	sdelay $0x1  }
0x443: {  	s17 =	simm.s32 @!p0 $0x1A580  }
0x444: {  	[tilespmem:s17], [sflag:$0x1] =	stream.indirect_vreg.gather @!p0 [hbm4b:s6+s13], $0x80, v4, vm0, $0xb8;
	[tilespmem:$0x1F580] =	vst v63  }
0x445: {  	s17 =	simm.s32 @!p0 $0x1AD80  }
0x446: {  	[tilespmem:s17], [sflag:$0x1] =	stream.indirect_vreg.gather @!p0 [hbm4b:s6+s13], $0x80, v3, vm0, $0xb8;
	[tilespmem:$0x1F580] =	vst v63  }
.Ltmp29:
0x447: {  	_ = 	snop;
	(pc) =	sbr.rel .LBB2_43-.Ltmp29, $4  }
0x448: {  	s13 =	simm.s32 @!p0 $0x1  }
0x449: {  	_ =	swait.ge @!p0 [sflag:s13], $0x4000  }
0x44a: {  	[sflag:s13] =	ssyncset.done @!p0 $0x0  }
0x44b: {  	[sflag:s13] =	ssyncadd.s32 @!p0 $0xFFFFC000  }
.LBB2_34:
0x44c: {  	p0 =	sgt.s32 s13, $0x6  }
.Ltmp30:
0x44d: {  	_ = 	snop;
	(pc) =	sbr.rel @p0 .LBB2_38-.Ltmp30, $1  }
0x44e: {  	_ =	sdelay $0x3  }
0x44f: {  	p0 =	seq.s32 s13, $0x5  }
.Ltmp31:
0x450: {  	_ = 	snop;
	(pc) =	sbr.rel @p0 .LBB2_41-.Ltmp31, $1  }
0x451: {  	_ =	sdelay $0x3  }
0x452: {  	p0 =	seq.s32 s13, $0x6  }
.Ltmp32:
0x453: {  	_ = 	snop;
	(pc) =	sbr.rel @!p0 .LBB2_43-.Ltmp32, $1  }
0x454: {  	_ =	sdelay $0x3  }
0x455: {  	v3 =	vld [tilespmem:s10+$0x0];
	_ =	sdelay $0x4  }
0x456: {  	v4 =	vshll.u32 v3, $0x1  }
0x457: {  	v3 =	vand.u32 $0x7, v3;
	v4 =	vand.u32 $0xFFFFFFF0, v4  }
0x458: {  	v58 =	vand.u32 $0x7, v2;
	v5 =	vshrl.u32 v2, $0x3;
	v3 =	vor.u32 v3, v4  }
0x459: {  	v5 =	vmul.u32 $0x8, v5;
	v6 =	vperm.xlane v3, v58  }
0x45a: {  	v7 =	vor.u32 $0x8, v2  }
0x45b: {  	v3 =	vperm.xlane v3, v7;
	v6 =	vadd.s32 v5, v6;
	_ =	sdelay $0x1  }
0x45c: {  	v3 =	vadd.s32 v5, v3;
	_ =	sdelay $0x1  }
0x45d: {  	vm0 =	vmmov $0xffff  }
0x45e: {  	[tilespmem:s16], [sflag:$0x1] =	stream.indirect_vreg.gather [hbm4b:s6+s2], $0x80, v6, vm0, $0xb8;
	[tilespmem:$0x1F580] =	vst v63  }
0x45f: {  	s13 =	simm.s32 $0x17D80  }
0x460: {  	[tilespmem:s13], [sflag:$0x1] =	stream.indirect_vreg.gather [hbm4b:s6+s2], $0x80, v3, vm0, $0xb8;
	[tilespmem:$0x1F580] =	vst v63  }
0x461: {  	v3 =	vld [tilespmem:s10+$0x10];
	_ =	sdelay $0x4  }
0x462: {  	v59 =	vshll.u32 v3, $0x1  }
0x463: {  	v3 =	vand.u32 $0x7, v3;
	v6 =	vand.u32 $0xFFFFFFF0, v59  }
0x464: {  	v3 =	vor.u32 v3, v6  }
0x465: {  	v6 =	vperm.xlane v3, v58;
	_ =	sdelay $0x1  }
0x466: {  	v3 =	vperm.xlane v3, v7;
	v6 =	vadd.s32 v5, v6;
	_ =	sdelay $0x1  }
0x467: {  	v3 =	vadd.s32 v5, v3;
	_ =	sdelay $0x1  }
0x468: {  	s17 =	simm.s32 $0x18580  }
0x469: {  	[tilespmem:s17], [sflag:$0x1] =	stream.indirect_vreg.gather [hbm4b:s6+s2], $0x80, v6, vm0, $0xb8;
	[tilespmem:$0x1F580] =	vst v63  }
0x46a: {  	s30 =	simm.s32 $0x18D80  }
0x46b: {  	[tilespmem:s30], [sflag:$0x1] =	stream.indirect_vreg.gather [hbm4b:s6+s2], $0x80, v3, vm0, $0xb8;
	[tilespmem:$0x1F580] =	vst v63  }
0x46c: {  	v3 =	vld [tilespmem:s10+$0x20];
	_ =	sdelay $0x4  }
0x46d: {  	v60 =	vshll.u32 v3, $0x1  }
0x46e: {  	v3 =	vand.u32 $0x7, v3;
	v6 =	vand.u32 $0xFFFFFFF0, v60  }
0x46f: {  	v3 =	vor.u32 v3, v6  }
0x470: {  	v6 =	vperm.xlane v3, v58;
	_ =	sdelay $0x1  }
0x471: {  	v3 =	vperm.xlane v3, v7;
	v6 =	vadd.s32 v5, v6;
	_ =	sdelay $0x1  }
0x472: {  	v3 =	vadd.s32 v5, v3;
	_ =	sdelay $0x1  }
0x473: {  	s17 =	simm.s32 $0x19580  }
0x474: {  	[tilespmem:s17], [sflag:$0x1] =	stream.indirect_vreg.gather [hbm4b:s6+s2], $0x80, v6, vm0, $0xb8;
	[tilespmem:$0x1F580] =	vst v63  }
0x475: {  	s30 =	simm.s32 $0x19D80  }
0x476: {  	[tilespmem:s30], [sflag:$0x1] =	stream.indirect_vreg.gather [hbm4b:s6+s2], $0x80, v3, vm0, $0xb8;
	[tilespmem:$0x1F580] =	vst v63  }
0x477: {  	v3 =	vld [tilespmem:s10+$0x30];
	_ =	sdelay $0x4  }
0x478: {  	v61 =	vshll.u32 v3, $0x1  }
0x479: {  	v3 =	vand.u32 $0x7, v3;
	v6 =	vand.u32 $0xFFFFFFF0, v61  }
0x47a: {  	v3 =	vor.u32 v3, v6  }
0x47b: {  	v6 =	vperm.xlane v3, v58;
	_ =	sdelay $0x1  }
0x47c: {  	v3 =	vperm.xlane v3, v7;
	v6 =	vadd.s32 v5, v6;
	_ =	sdelay $0x1  }
0x47d: {  	v3 =	vadd.s32 v5, v3;
	_ =	sdelay $0x1  }
0x47e: {  	s17 =	simm.s32 $0x1A580  }
0x47f: {  	[tilespmem:s17], [sflag:$0x1] =	stream.indirect_vreg.gather [hbm4b:s6+s2], $0x80, v6, vm0, $0xb8;
	[tilespmem:$0x1F580] =	vst v63  }
0x480: {  	s30 =	simm.s32 $0x1AD80  }
0x481: {  	[tilespmem:s30], [sflag:$0x1] =	stream.indirect_vreg.gather [hbm4b:s6+s2], $0x80, v3, vm0, $0xb8;
	[tilespmem:$0x1F580] =	vst v63  }
0x482: {  	v3 =	vld [tilespmem:s10+$0x40];
	_ =	sdelay $0x4  }
0x483: {  	v62 =	vshll.u32 v3, $0x1  }
0x484: {  	v3 =	vand.u32 $0x7, v3;
	v6 =	vand.u32 $0xFFFFFFF0, v62  }
0x485: {  	v3 =	vor.u32 v3, v6  }
0x486: {  	v6 =	vperm.xlane v3, v58;
	_ =	sdelay $0x1  }
0x487: {  	v3 =	vperm.xlane v3, v7;
	v6 =	vadd.s32 v5, v6;
	_ =	sdelay $0x1  }
0x488: {  	v3 =	vadd.s32 v5, v3;
	_ =	sdelay $0x1  }
0x489: {  	s17 =	simm.s32 $0x1B580  }
0x48a: {  	[tilespmem:s17], [sflag:$0x1] =	stream.indirect_vreg.gather [hbm4b:s6+s2], $0x80, v6, vm0, $0xb8;
	[tilespmem:$0x1F580] =	vst v63  }
0x48b: {  	s30 =	simm.s32 $0x1BD80  }
0x48c: {  	[tilespmem:s30], [sflag:$0x1] =	stream.indirect_vreg.gather [hbm4b:s6+s2], $0x80, v3, vm0, $0xb8;
	[tilespmem:$0x1F580] =	vst v63  }
0x48d: {  	v3 =	vld [tilespmem:s10+$0x50];
	_ =	sdelay $0x4  }
0x48e: {  	v63 =	vshll.u32 v3, $0x1  }
0x48f: {  	v3 =	vand.u32 $0x7, v3;
	v6 =	vand.u32 $0xFFFFFFF0, v63  }
0x490: {  	v3 =	vor.u32 v3, v6  }
0x491: {  	v4 =	vperm.xlane v3, v58;
	_ =	sdelay $0x1  }
0x492: {  	v3 =	vperm.xlane v3, v7;
	v4 =	vadd.s32 v5, v4;
	_ =	sdelay $0x1  }
0x493: {  	v3 =	vadd.s32 v5, v3;
	_ =	sdelay $0x1  }
0x494: {  	s17 =	simm.s32 $0x1C580  }
0x495: {  	[tilespmem:s17], [sflag:$0x1] =	stream.indirect_vreg.gather [hbm4b:s6+s2], $0x80, v4, vm0, $0xb8;
	[tilespmem:$0x1F580] =	vst v63  }
.Ltmp33:
0x496: {  	s30 =	simm.s32 $0x1CD80;
	(pc) =	sbr.rel .LBB2_43-.Ltmp33, $4  }
0x497: {  	[tilespmem:s30], [sflag:$0x1] =	stream.indirect_vreg.gather [hbm4b:s6+s2], $0x80, v3, vm0, $0xb8;
	[tilespmem:$0x1F580] =	vst v63  }
0x498: {  	_ =	swait.ge [sflag:s1], $0x6000  }
0x499: {  	[sflag:s1] =	ssyncset.done $0x0  }
0x49a: {  	[sflag:s1] =	ssyncadd.s32 $0xFFFFA000  }
.LBB2_38:
0x49b: {  	p0 =	seq.s32 s13, $0x7  }
.Ltmp34:
0x49c: {  	_ = 	snop;
	(pc) =	sbr.rel @p0 .LBB2_42-.Ltmp34, $1  }
0x49d: {  	_ =	sdelay $0x3  }
0x49e: {  	p0 =	seq.s32 s13, $0x8  }
.Ltmp35:
0x49f: {  	_ = 	snop;
	(pc) =	sbr.rel @!p0 .LBB2_43-.Ltmp35, $1  }
0x4a0: {  	_ =	sdelay $0x3  }
0x4a1: {  	v3 =	vld [tilespmem:s10+$0x0];
	_ =	sdelay $0x4  }
0x4a2: {  	v4 =	vshll.u32 v3, $0x1  }
0x4a3: {  	v3 =	vand.u32 $0x7, v3;
	v4 =	vand.u32 $0xFFFFFFF0, v4  }
0x4a4: {  	v56 =	vand.u32 $0x7, v2;
	v5 =	vshrl.u32 v2, $0x3;
	v3 =	vor.u32 v3, v4  }
0x4a5: {  	v5 =	vmul.u32 $0x8, v5;
	v6 =	vperm.xlane v3, v56  }
0x4a6: {  	v7 =	vor.u32 $0x8, v2  }
0x4a7: {  	v3 =	vperm.xlane v3, v7;
	v6 =	vadd.s32 v5, v6;
	_ =	sdelay $0x1  }
0x4a8: {  	v3 =	vadd.s32 v5, v3;
	_ =	sdelay $0x1  }
0x4a9: {  	vm0 =	vmmov $0xffff  }
0x4aa: {  	[tilespmem:s16], [sflag:$0x1] =	stream.indirect_vreg.gather [hbm4b:s6+s2], $0x80, v6, vm0, $0xb8;
	[tilespmem:$0x1F580] =	vst v63  }
0x4ab: {  	s13 =	simm.s32 $0x17D80  }
0x4ac: {  	[tilespmem:s13], [sflag:$0x1] =	stream.indirect_vreg.gather [hbm4b:s6+s2], $0x80, v3, vm0, $0xb8;
	[tilespmem:$0x1F580] =	vst v63  }
0x4ad: {  	v3 =	vld [tilespmem:s10+$0x10];
	_ =	sdelay $0x4  }
0x4ae: {  	v57 =	vshll.u32 v3, $0x1  }
0x4af: {  	v3 =	vand.u32 $0x7, v3;
	v6 =	vand.u32 $0xFFFFFFF0, v57  }
0x4b0: {  	v3 =	vor.u32 v3, v6  }
0x4b1: {  	v6 =	vperm.xlane v3, v56;
	_ =	sdelay $0x1  }
0x4b2: {  	v3 =	vperm.xlane v3, v7;
	v6 =	vadd.s32 v5, v6;
	_ =	sdelay $0x1  }
0x4b3: {  	v3 =	vadd.s32 v5, v3;
	_ =	sdelay $0x1  }
0x4b4: {  	s17 =	simm.s32 $0x18580  }
0x4b5: {  	[tilespmem:s17], [sflag:$0x1] =	stream.indirect_vreg.gather [hbm4b:s6+s2], $0x80, v6, vm0, $0xb8;
	[tilespmem:$0x1F580] =	vst v63  }
0x4b6: {  	s30 =	simm.s32 $0x18D80  }
0x4b7: {  	[tilespmem:s30], [sflag:$0x1] =	stream.indirect_vreg.gather [hbm4b:s6+s2], $0x80, v3, vm0, $0xb8;
	[tilespmem:$0x1F580] =	vst v63  }
0x4b8: {  	v3 =	vld [tilespmem:s10+$0x20];
	_ =	sdelay $0x4  }
0x4b9: {  	v58 =	vshll.u32 v3, $0x1  }
0x4ba: {  	v3 =	vand.u32 $0x7, v3;
	v6 =	vand.u32 $0xFFFFFFF0, v58  }
0x4bb: {  	v3 =	vor.u32 v3, v6  }
0x4bc: {  	v6 =	vperm.xlane v3, v56;
	_ =	sdelay $0x1  }
0x4bd: {  	v3 =	vperm.xlane v3, v7;
	v6 =	vadd.s32 v5, v6;
	_ =	sdelay $0x1  }
0x4be: {  	v3 =	vadd.s32 v5, v3;
	_ =	sdelay $0x1  }
0x4bf: {  	s17 =	simm.s32 $0x19580  }
0x4c0: {  	[tilespmem:s17], [sflag:$0x1] =	stream.indirect_vreg.gather [hbm4b:s6+s2], $0x80, v6, vm0, $0xb8;
	[tilespmem:$0x1F580] =	vst v63  }
0x4c1: {  	s30 =	simm.s32 $0x19D80  }
0x4c2: {  	[tilespmem:s30], [sflag:$0x1] =	stream.indirect_vreg.gather [hbm4b:s6+s2], $0x80, v3, vm0, $0xb8;
	[tilespmem:$0x1F580] =	vst v63  }
0x4c3: {  	v3 =	vld [tilespmem:s10+$0x30];
	_ =	sdelay $0x4  }
0x4c4: {  	v59 =	vshll.u32 v3, $0x1  }
0x4c5: {  	v3 =	vand.u32 $0x7, v3;
	v6 =	vand.u32 $0xFFFFFFF0, v59  }
0x4c6: {  	v3 =	vor.u32 v3, v6  }
0x4c7: {  	v6 =	vperm.xlane v3, v56;
	_ =	sdelay $0x1  }
0x4c8: {  	v3 =	vperm.xlane v3, v7;
	v6 =	vadd.s32 v5, v6;
	_ =	sdelay $0x1  }
0x4c9: {  	v3 =	vadd.s32 v5, v3;
	_ =	sdelay $0x1  }
0x4ca: {  	s17 =	simm.s32 $0x1A580  }
0x4cb: {  	[tilespmem:s17], [sflag:$0x1] =	stream.indirect_vreg.gather [hbm4b:s6+s2], $0x80, v6, vm0, $0xb8;
	[tilespmem:$0x1F580] =	vst v63  }
0x4cc: {  	s30 =	simm.s32 $0x1AD80  }
0x4cd: {  	[tilespmem:s30], [sflag:$0x1] =	stream.indirect_vreg.gather [hbm4b:s6+s2], $0x80, v3, vm0, $0xb8;
	[tilespmem:$0x1F580] =	vst v63  }
0x4ce: {  	v3 =	vld [tilespmem:s10+$0x40];
	_ =	sdelay $0x4  }
0x4cf: {  	v60 =	vshll.u32 v3, $0x1  }
0x4d0: {  	v3 =	vand.u32 $0x7, v3;
	v6 =	vand.u32 $0xFFFFFFF0, v60  }
0x4d1: {  	v3 =	vor.u32 v3, v6  }
0x4d2: {  	v6 =	vperm.xlane v3, v56;
	_ =	sdelay $0x1  }
0x4d3: {  	v3 =	vperm.xlane v3, v7;
	v6 =	vadd.s32 v5, v6;
	_ =	sdelay $0x1  }
0x4d4: {  	v3 =	vadd.s32 v5, v3;
	_ =	sdelay $0x1  }
0x4d5: {  	s17 =	simm.s32 $0x1B580  }
0x4d6: {  	[tilespmem:s17], [sflag:$0x1] =	stream.indirect_vreg.gather [hbm4b:s6+s2], $0x80, v6, vm0, $0xb8;
	[tilespmem:$0x1F580] =	vst v63  }
0x4d7: {  	s30 =	simm.s32 $0x1BD80  }
0x4d8: {  	[tilespmem:s30], [sflag:$0x1] =	stream.indirect_vreg.gather [hbm4b:s6+s2], $0x80, v3, vm0, $0xb8;
	[tilespmem:$0x1F580] =	vst v63  }
0x4d9: {  	v3 =	vld [tilespmem:s10+$0x50];
	_ =	sdelay $0x4  }
0x4da: {  	v61 =	vshll.u32 v3, $0x1  }
0x4db: {  	v3 =	vand.u32 $0x7, v3;
	v6 =	vand.u32 $0xFFFFFFF0, v61  }
0x4dc: {  	v3 =	vor.u32 v3, v6  }
0x4dd: {  	v6 =	vperm.xlane v3, v56;
	_ =	sdelay $0x1  }
0x4de: {  	v3 =	vperm.xlane v3, v7;
	v6 =	vadd.s32 v5, v6;
	_ =	sdelay $0x1  }
0x4df: {  	v3 =	vadd.s32 v5, v3;
	_ =	sdelay $0x1  }
0x4e0: {  	s17 =	simm.s32 $0x1C580  }
0x4e1: {  	[tilespmem:s17], [sflag:$0x1] =	stream.indirect_vreg.gather [hbm4b:s6+s2], $0x80, v6, vm0, $0xb8;
	[tilespmem:$0x1F580] =	vst v63  }
0x4e2: {  	s30 =	simm.s32 $0x1CD80  }
0x4e3: {  	[tilespmem:s30], [sflag:$0x1] =	stream.indirect_vreg.gather [hbm4b:s6+s2], $0x80, v3, vm0, $0xb8;
	[tilespmem:$0x1F580] =	vst v63  }
0x4e4: {  	v3 =	vld [tilespmem:s10+$0x60];
	_ =	sdelay $0x4  }
0x4e5: {  	v62 =	vshll.u32 v3, $0x1  }
0x4e6: {  	v3 =	vand.u32 $0x7, v3;
	v6 =	vand.u32 $0xFFFFFFF0, v62  }
0x4e7: {  	v3 =	vor.u32 v3, v6  }
0x4e8: {  	v6 =	vperm.xlane v3, v56;
	_ =	sdelay $0x1  }
0x4e9: {  	v3 =	vperm.xlane v3, v7;
	v6 =	vadd.s32 v5, v6;
	_ =	sdelay $0x1  }
0x4ea: {  	v3 =	vadd.s32 v5, v3;
	_ =	sdelay $0x1  }
0x4eb: {  	s17 =	simm.s32 $0x1D580  }
0x4ec: {  	[tilespmem:s17], [sflag:$0x1] =	stream.indirect_vreg.gather [hbm4b:s6+s2], $0x80, v6, vm0, $0xb8;
	[tilespmem:$0x1F580] =	vst v63  }
0x4ed: {  	s30 =	simm.s32 $0x1DD80  }
0x4ee: {  	[tilespmem:s30], [sflag:$0x1] =	stream.indirect_vreg.gather [hbm4b:s6+s2], $0x80, v3, vm0, $0xb8;
	[tilespmem:$0x1F580] =	vst v63  }
0x4ef: {  	v3 =	vld [tilespmem:s10+$0x70];
	_ =	sdelay $0x4  }
0x4f0: {  	v63 =	vshll.u32 v3, $0x1  }
0x4f1: {  	v3 =	vand.u32 $0x7, v3;
	v6 =	vand.u32 $0xFFFFFFF0, v63  }
0x4f2: {  	v3 =	vor.u32 v3, v6  }
0x4f3: {  	v4 =	vperm.xlane v3, v56;
	_ =	sdelay $0x1  }
0x4f4: {  	v3 =	vperm.xlane v3, v7;
	v4 =	vadd.s32 v5, v4;
	_ =	sdelay $0x1  }
0x4f5: {  	v3 =	vadd.s32 v5, v3;
	_ =	sdelay $0x1  }
0x4f6: {  	s17 =	simm.s32 $0x1E580  }
0x4f7: {  	[tilespmem:s17], [sflag:$0x1] =	stream.indirect_vreg.gather [hbm4b:s6+s2], $0x80, v4, vm0, $0xb8;
	[tilespmem:$0x1F580] =	vst v63  }
.Ltmp36:
0x4f8: {  	s30 =	simm.s32 $0x1ED80;
	(pc) =	sbr.rel .LBB2_43-.Ltmp36, $4  }
0x4f9: {  	[tilespmem:s30], [sflag:$0x1] =	stream.indirect_vreg.gather [hbm4b:s6+s2], $0x80, v3, vm0, $0xb8;
	[tilespmem:$0x1F580] =	vst v63  }
0x4fa: {  	_ =	swait.ge [sflag:s1], $0x8000  }
0x4fb: {  	[sflag:s1] =	ssyncset.done $0x0  }
0x4fc: {  	[sflag:s1] =	ssyncadd.s32 $0xFFFF8000  }
.LBB2_41:
0x4fd: {  	v3 =	vld [tilespmem:s10+$0x0];
	_ =	sdelay $0x4  }
0x4fe: {  	v4 =	vshll.u32 v3, $0x1  }
0x4ff: {  	v3 =	vand.u32 $0x7, v3;
	v4 =	vand.u32 $0xFFFFFFF0, v4  }
0x500: {  	v59 =	vand.u32 $0x7, v2;
	v5 =	vshrl.u32 v2, $0x3;
	v3 =	vor.u32 v3, v4  }
0x501: {  	v5 =	vmul.u32 $0x8, v5;
	v6 =	vperm.xlane v3, v59  }
0x502: {  	v7 =	vor.u32 $0x8, v2  }
0x503: {  	v3 =	vperm.xlane v3, v7;
	v6 =	vadd.s32 v5, v6;
	_ =	sdelay $0x1  }
0x504: {  	v3 =	vadd.s32 v5, v3;
	_ =	sdelay $0x1  }
0x505: {  	vm0 =	vmmov $0xffff  }
0x506: {  	[tilespmem:s16], [sflag:$0x1] =	stream.indirect_vreg.gather [hbm4b:s6+s2], $0x80, v6, vm0, $0xb8;
	[tilespmem:$0x1F580] =	vst v63  }
0x507: {  	s13 =	simm.s32 $0x17D80  }
0x508: {  	[tilespmem:s13], [sflag:$0x1] =	stream.indirect_vreg.gather [hbm4b:s6+s2], $0x80, v3, vm0, $0xb8;
	[tilespmem:$0x1F580] =	vst v63  }
0x509: {  	v3 =	vld [tilespmem:s10+$0x10];
	_ =	sdelay $0x4  }
0x50a: {  	v60 =	vshll.u32 v3, $0x1  }
0x50b: {  	v3 =	vand.u32 $0x7, v3;
	v6 =	vand.u32 $0xFFFFFFF0, v60  }
0x50c: {  	v3 =	vor.u32 v3, v6  }
0x50d: {  	v6 =	vperm.xlane v3, v59;
	_ =	sdelay $0x1  }
0x50e: {  	v3 =	vperm.xlane v3, v7;
	v6 =	vadd.s32 v5, v6;
	_ =	sdelay $0x1  }
0x50f: {  	v3 =	vadd.s32 v5, v3;
	_ =	sdelay $0x1  }
0x510: {  	s17 =	simm.s32 $0x18580  }
0x511: {  	[tilespmem:s17], [sflag:$0x1] =	stream.indirect_vreg.gather [hbm4b:s6+s2], $0x80, v6, vm0, $0xb8;
	[tilespmem:$0x1F580] =	vst v63  }
0x512: {  	s30 =	simm.s32 $0x18D80  }
0x513: {  	[tilespmem:s30], [sflag:$0x1] =	stream.indirect_vreg.gather [hbm4b:s6+s2], $0x80, v3, vm0, $0xb8;
	[tilespmem:$0x1F580] =	vst v63  }
0x514: {  	v3 =	vld [tilespmem:s10+$0x20];
	_ =	sdelay $0x4  }
0x515: {  	v61 =	vshll.u32 v3, $0x1  }
0x516: {  	v3 =	vand.u32 $0x7, v3;
	v6 =	vand.u32 $0xFFFFFFF0, v61  }
0x517: {  	v3 =	vor.u32 v3, v6  }
0x518: {  	v6 =	vperm.xlane v3, v59;
	_ =	sdelay $0x1  }
0x519: {  	v3 =	vperm.xlane v3, v7;
	v6 =	vadd.s32 v5, v6;
	_ =	sdelay $0x1  }
0x51a: {  	v3 =	vadd.s32 v5, v3;
	_ =	sdelay $0x1  }
0x51b: {  	s17 =	simm.s32 $0x19580  }
0x51c: {  	[tilespmem:s17], [sflag:$0x1] =	stream.indirect_vreg.gather [hbm4b:s6+s2], $0x80, v6, vm0, $0xb8;
	[tilespmem:$0x1F580] =	vst v63  }
0x51d: {  	s30 =	simm.s32 $0x19D80  }
0x51e: {  	[tilespmem:s30], [sflag:$0x1] =	stream.indirect_vreg.gather [hbm4b:s6+s2], $0x80, v3, vm0, $0xb8;
	[tilespmem:$0x1F580] =	vst v63  }
0x51f: {  	v3 =	vld [tilespmem:s10+$0x30];
	_ =	sdelay $0x4  }
0x520: {  	v62 =	vshll.u32 v3, $0x1  }
0x521: {  	v3 =	vand.u32 $0x7, v3;
	v6 =	vand.u32 $0xFFFFFFF0, v62  }
0x522: {  	v3 =	vor.u32 v3, v6  }
0x523: {  	v6 =	vperm.xlane v3, v59;
	_ =	sdelay $0x1  }
0x524: {  	v3 =	vperm.xlane v3, v7;
	v6 =	vadd.s32 v5, v6;
	_ =	sdelay $0x1  }
0x525: {  	v3 =	vadd.s32 v5, v3;
	_ =	sdelay $0x1  }
0x526: {  	s17 =	simm.s32 $0x1A580  }
0x527: {  	[tilespmem:s17], [sflag:$0x1] =	stream.indirect_vreg.gather [hbm4b:s6+s2], $0x80, v6, vm0, $0xb8;
	[tilespmem:$0x1F580] =	vst v63  }
0x528: {  	s30 =	simm.s32 $0x1AD80  }
0x529: {  	[tilespmem:s30], [sflag:$0x1] =	stream.indirect_vreg.gather [hbm4b:s6+s2], $0x80, v3, vm0, $0xb8;
	[tilespmem:$0x1F580] =	vst v63  }
0x52a: {  	v3 =	vld [tilespmem:s10+$0x40];
	_ =	sdelay $0x4  }
0x52b: {  	v63 =	vshll.u32 v3, $0x1  }
0x52c: {  	v3 =	vand.u32 $0x7, v3;
	v6 =	vand.u32 $0xFFFFFFF0, v63  }
0x52d: {  	v3 =	vor.u32 v3, v6  }
0x52e: {  	v4 =	vperm.xlane v3, v59;
	_ =	sdelay $0x1  }
0x52f: {  	v3 =	vperm.xlane v3, v7;
	v4 =	vadd.s32 v5, v4;
	_ =	sdelay $0x1  }
0x530: {  	v3 =	vadd.s32 v5, v3;
	_ =	sdelay $0x1  }
0x531: {  	s17 =	simm.s32 $0x1B580  }
0x532: {  	[tilespmem:s17], [sflag:$0x1] =	stream.indirect_vreg.gather [hbm4b:s6+s2], $0x80, v4, vm0, $0xb8;
	[tilespmem:$0x1F580] =	vst v63  }
.Ltmp37:
0x533: {  	s30 =	simm.s32 $0x1BD80;
	(pc) =	sbr.rel .LBB2_43-.Ltmp37, $4  }
0x534: {  	[tilespmem:s30], [sflag:$0x1] =	stream.indirect_vreg.gather [hbm4b:s6+s2], $0x80, v3, vm0, $0xb8;
	[tilespmem:$0x1F580] =	vst v63  }
0x535: {  	_ =	swait.ge [sflag:s1], $0x5000  }
0x536: {  	[sflag:s1] =	ssyncset.done $0x0  }
0x537: {  	[sflag:s1] =	ssyncadd.s32 $0xFFFFB000  }
.LBB2_42:
0x538: {  	v3 =	vld [tilespmem:s10+$0x0];
	_ =	sdelay $0x4  }
0x539: {  	v4 =	vshll.u32 v3, $0x1  }
0x53a: {  	v3 =	vand.u32 $0x7, v3;
	v4 =	vand.u32 $0xFFFFFFF0, v4  }
0x53b: {  	v57 =	vand.u32 $0x7, v2;
	v5 =	vshrl.u32 v2, $0x3;
	v3 =	vor.u32 v3, v4  }
0x53c: {  	v5 =	vmul.u32 $0x8, v5;
	v6 =	vperm.xlane v3, v57  }
0x53d: {  	v7 =	vor.u32 $0x8, v2  }
0x53e: {  	v3 =	vperm.xlane v3, v7;
	v6 =	vadd.s32 v5, v6;
	_ =	sdelay $0x1  }
0x53f: {  	v3 =	vadd.s32 v5, v3;
	_ =	sdelay $0x1  }
0x540: {  	vm0 =	vmmov $0xffff  }
0x541: {  	[tilespmem:s16], [sflag:$0x1] =	stream.indirect_vreg.gather [hbm4b:s6+s2], $0x80, v6, vm0, $0xb8;
	[tilespmem:$0x1F580] =	vst v63  }
0x542: {  	s13 =	simm.s32 $0x17D80  }
0x543: {  	[tilespmem:s13], [sflag:$0x1] =	stream.indirect_vreg.gather [hbm4b:s6+s2], $0x80, v3, vm0, $0xb8;
	[tilespmem:$0x1F580] =	vst v63  }
0x544: {  	v3 =	vld [tilespmem:s10+$0x10];
	_ =	sdelay $0x4  }
0x545: {  	v58 =	vshll.u32 v3, $0x1  }
0x546: {  	v3 =	vand.u32 $0x7, v3;
	v6 =	vand.u32 $0xFFFFFFF0, v58  }
0x547: {  	v3 =	vor.u32 v3, v6  }
0x548: {  	v6 =	vperm.xlane v3, v57;
	_ =	sdelay $0x1  }
0x549: {  	v3 =	vperm.xlane v3, v7;
	v6 =	vadd.s32 v5, v6;
	_ =	sdelay $0x1  }
0x54a: {  	v3 =	vadd.s32 v5, v3;
	_ =	sdelay $0x1  }
0x54b: {  	s17 =	simm.s32 $0x18580  }
0x54c: {  	[tilespmem:s17], [sflag:$0x1] =	stream.indirect_vreg.gather [hbm4b:s6+s2], $0x80, v6, vm0, $0xb8;
	[tilespmem:$0x1F580] =	vst v63  }
0x54d: {  	s30 =	simm.s32 $0x18D80  }
0x54e: {  	[tilespmem:s30], [sflag:$0x1] =	stream.indirect_vreg.gather [hbm4b:s6+s2], $0x80, v3, vm0, $0xb8;
	[tilespmem:$0x1F580] =	vst v63  }
0x54f: {  	v3 =	vld [tilespmem:s10+$0x20];
	_ =	sdelay $0x4  }
0x550: {  	v59 =	vshll.u32 v3, $0x1  }
0x551: {  	v3 =	vand.u32 $0x7, v3;
	v6 =	vand.u32 $0xFFFFFFF0, v59  }
0x552: {  	v3 =	vor.u32 v3, v6  }
0x553: {  	v6 =	vperm.xlane v3, v57;
	_ =	sdelay $0x1  }
0x554: {  	v3 =	vperm.xlane v3, v7;
	v6 =	vadd.s32 v5, v6;
	_ =	sdelay $0x1  }
0x555: {  	v3 =	vadd.s32 v5, v3;
	_ =	sdelay $0x1  }
0x556: {  	s17 =	simm.s32 $0x19580  }
0x557: {  	[tilespmem:s17], [sflag:$0x1] =	stream.indirect_vreg.gather [hbm4b:s6+s2], $0x80, v6, vm0, $0xb8;
	[tilespmem:$0x1F580] =	vst v63  }
0x558: {  	s30 =	simm.s32 $0x19D80  }
0x559: {  	[tilespmem:s30], [sflag:$0x1] =	stream.indirect_vreg.gather [hbm4b:s6+s2], $0x80, v3, vm0, $0xb8;
	[tilespmem:$0x1F580] =	vst v63  }
0x55a: {  	v3 =	vld [tilespmem:s10+$0x30];
	_ =	sdelay $0x4  }
0x55b: {  	v60 =	vshll.u32 v3, $0x1  }
0x55c: {  	v3 =	vand.u32 $0x7, v3;
	v6 =	vand.u32 $0xFFFFFFF0, v60  }
0x55d: {  	v3 =	vor.u32 v3, v6  }
0x55e: {  	v6 =	vperm.xlane v3, v57;
	_ =	sdelay $0x1  }
0x55f: {  	v3 =	vperm.xlane v3, v7;
	v6 =	vadd.s32 v5, v6;
	_ =	sdelay $0x1  }
0x560: {  	v3 =	vadd.s32 v5, v3;
	_ =	sdelay $0x1  }
0x561: {  	s17 =	simm.s32 $0x1A580  }
0x562: {  	[tilespmem:s17], [sflag:$0x1] =	stream.indirect_vreg.gather [hbm4b:s6+s2], $0x80, v6, vm0, $0xb8;
	[tilespmem:$0x1F580] =	vst v63  }
0x563: {  	s30 =	simm.s32 $0x1AD80  }
0x564: {  	[tilespmem:s30], [sflag:$0x1] =	stream.indirect_vreg.gather [hbm4b:s6+s2], $0x80, v3, vm0, $0xb8;
	[tilespmem:$0x1F580] =	vst v63  }
0x565: {  	v3 =	vld [tilespmem:s10+$0x40];
	_ =	sdelay $0x4  }
0x566: {  	v61 =	vshll.u32 v3, $0x1  }
0x567: {  	v3 =	vand.u32 $0x7, v3;
	v6 =	vand.u32 $0xFFFFFFF0, v61  }
0x568: {  	v3 =	vor.u32 v3, v6  }
0x569: {  	v6 =	vperm.xlane v3, v57;
	_ =	sdelay $0x1  }
0x56a: {  	v3 =	vperm.xlane v3, v7;
	v6 =	vadd.s32 v5, v6;
	_ =	sdelay $0x1  }
0x56b: {  	v3 =	vadd.s32 v5, v3;
	_ =	sdelay $0x1  }
0x56c: {  	s17 =	simm.s32 $0x1B580  }
0x56d: {  	[tilespmem:s17], [sflag:$0x1] =	stream.indirect_vreg.gather [hbm4b:s6+s2], $0x80, v6, vm0, $0xb8;
	[tilespmem:$0x1F580] =	vst v63  }
0x56e: {  	s30 =	simm.s32 $0x1BD80  }
0x56f: {  	[tilespmem:s30], [sflag:$0x1] =	stream.indirect_vreg.gather [hbm4b:s6+s2], $0x80, v3, vm0, $0xb8;
	[tilespmem:$0x1F580] =	vst v63  }
0x570: {  	v3 =	vld [tilespmem:s10+$0x50];
	_ =	sdelay $0x4  }
0x571: {  	v62 =	vshll.u32 v3, $0x1  }
0x572: {  	v3 =	vand.u32 $0x7, v3;
	v6 =	vand.u32 $0xFFFFFFF0, v62  }
0x573: {  	v3 =	vor.u32 v3, v6  }
0x574: {  	v6 =	vperm.xlane v3, v57;
	_ =	sdelay $0x1  }
0x575: {  	v3 =	vperm.xlane v3, v7;
	v6 =	vadd.s32 v5, v6;
	_ =	sdelay $0x1  }
0x576: {  	v3 =	vadd.s32 v5, v3;
	_ =	sdelay $0x1  }
0x577: {  	s17 =	simm.s32 $0x1C580  }
0x578: {  	[tilespmem:s17], [sflag:$0x1] =	stream.indirect_vreg.gather [hbm4b:s6+s2], $0x80, v6, vm0, $0xb8;
	[tilespmem:$0x1F580] =	vst v63  }
0x579: {  	s30 =	simm.s32 $0x1CD80  }
0x57a: {  	[tilespmem:s30], [sflag:$0x1] =	stream.indirect_vreg.gather [hbm4b:s6+s2], $0x80, v3, vm0, $0xb8;
	[tilespmem:$0x1F580] =	vst v63  }
0x57b: {  	v3 =	vld [tilespmem:s10+$0x60];
	_ =	sdelay $0x4  }
0x57c: {  	v63 =	vshll.u32 v3, $0x1  }
0x57d: {  	v3 =	vand.u32 $0x7, v3;
	v6 =	vand.u32 $0xFFFFFFF0, v63  }
0x57e: {  	v3 =	vor.u32 v3, v6  }
0x57f: {  	v4 =	vperm.xlane v3, v57;
	_ =	sdelay $0x1  }
0x580: {  	v3 =	vperm.xlane v3, v7;
	v4 =	vadd.s32 v5, v4;
	_ =	sdelay $0x1  }
0x581: {  	v3 =	vadd.s32 v5, v3;
	_ =	sdelay $0x1  }
0x582: {  	s17 =	simm.s32 $0x1D580  }
0x583: {  	[tilespmem:s17], [sflag:$0x1] =	stream.indirect_vreg.gather [hbm4b:s6+s2], $0x80, v4, vm0, $0xb8;
	[tilespmem:$0x1F580] =	vst v63  }
.Ltmp38:
0x584: {  	s30 =	simm.s32 $0x1DD80;
	(pc) =	sbr.rel .LBB2_43-.Ltmp38, $4  }
0x585: {  	[tilespmem:s30], [sflag:$0x1] =	stream.indirect_vreg.gather [hbm4b:s6+s2], $0x80, v3, vm0, $0xb8;
	[tilespmem:$0x1F580] =	vst v63  }
0x586: {  	_ =	swait.ge [sflag:s1], $0x7000  }
0x587: {  	[sflag:s1] =	ssyncset.done $0x0  }
0x588: {  	[sflag:s1] =	ssyncadd.s32 $0xFFFF9000  }
.LBB2_45:
0x589: {  	_ =	sfence.sel $0x180000  }
0x58a: {  	[bflag:$0x0] =	sbarrier.arrive $0xFFFF  }
0x58b: {  	_ =	strace $0x90000047  }
0x58c: {  	s0 =	stileid.u32;
	[bflag:$0x2] =	sbarrier.arrive $0xFFFF  }
0x58d: {  	p0 =	sne.s32 s0, $0x0;
	s0 =	rddreg [dreg:$0x2]  }
0x58e: {  	s0 =	sadd.s32 @!p0 $0x100000, s0  }
0x58f: {  	[sflag:s0] =	ssyncadd.tile.s32 @!p0 $0x1;
	_ =	shalt  }
.Lfunc_end2:
_tile_overlayer_lowered:
.L_overlay_start_2:
0x590: {  	(tag) =	ssettag $0x2  }
0x591: {  	s0 =	rddreg [dreg:$0x0];
	s2 =	stileid.u32  }
0x592: {  	s1 =	rddreg [dreg:$0x1];
	p0 =	sne.s32 s2, $0x0  }
0x593: {  	s3 =	rddreg [dreg:$0x2];
	[bflag:$0x3] =	sbarrier.arrive $0xFFFF;
	s2 =	simm.s32 @!p0 $0x1C06  }
0x594: {  	[timem:s3], [sflag:s2] =	dma.local @!p0 [hbm:s0], s1  }
0x595: {  	s0 =	simm.s32 @!p0 $0x6  }
0x596: {  	_ =	swait.ge @!p0 [sflag:s0], s1  }
0x597: {  	s1 =	ssub.s32 @!p0 $0x0, s1;
	[sflag:s0] =	ssyncset.done @!p0 $0x0  }
0x598: {  	[sflag:s0] =	ssyncadd.s32 @!p0 s1  }
0x599: {  	[bflag:$0x3] =	sbarrier.arrive $0xFFFF  }
0x59a: {  	_ =	shalt  }

</sc_bundles>
